<compile_context>
chip_gen: v7x
topology: tpu7x:2x2x1
jax: 0.10.2.dev20260603
libtpu: 0.0.44.dev20260713+nightly
codegen_flags: <defaults>
</compile_context>

<pallas_src>
import functools

import jax
import jax.numpy as jnp
from jax import lax
from jax.experimental import pallas as pl
from jax.experimental.pallas import tpu as pltpu
from jax.experimental.pallas import tpu_sc as plsc

_E = 320000
_N = 10000
_D = 128
_NC = 2
_NS = 16
_NW = _NC * _NS
_EPW = _E // _NW
_C = 80
_NCH = _EPW // _C
_FB = _D // 16


_PP = 81


def _body(edge_hbm, pos_hbm, sig_hbm, out_hbm,
          idx_a, idx_b, rows_a, rows_b, acc, psum, sig_v, pos_sh,
          sem_a0, sem_b0, sem_a1, sem_b1, sem_a2, sem_b2, sem_a3, sem_b3):
    sid = lax.axis_index("s")
    wid = sid * _NC + lax.axis_index("c")
    seg = _N // _NS
    cp_t = pltpu.make_async_copy(pos_hbm.at[pl.ds(sid * seg, seg)],
                                 pos_sh.at[pl.ds(sid * seg, seg)], sem_a0)
    cp_t.start()
    cp_ia = pltpu.make_async_copy(edge_hbm.at[0, wid], idx_a, sem_b0)
    cp_ia.start()
    cp_ib = pltpu.make_async_copy(edge_hbm.at[1, wid], idx_b, sem_a1)
    cp_ib.start()
    pltpu.sync_copy(sig_hbm, sig_v)
    cp_t.wait()
    cp_ia.wait()
    cp_ib.wait()
    plsc.subcore_barrier()

    sems = ((sem_a0, sem_b0), (sem_a1, sem_b1),
            (sem_a2, sem_b2), (sem_a3, sem_b3))

    def start(chunk, slot):
        sa, sb = sems[slot]
        pltpu.make_async_copy(
            pos_sh.at[idx_a.at[chunk]], rows_a.at[slot], sa).start()
        pltpu.make_async_copy(
            pos_sh.at[idx_b.at[chunk]], rows_b.at[slot], sb).start()

    def wait(chunk, slot):
        sa, sb = sems[slot]
        pltpu.make_async_copy(
            pos_sh.at[idx_a.at[chunk]], rows_a.at[slot], sa).wait()
        pltpu.make_async_copy(
            pos_sh.at[idx_b.at[chunk]], rows_b.at[slot], sb).wait()

    neg_sig = sig_v[...]
    colv = lax.iota(jnp.int32, 16) * _PP

    def compute(chunk, slot):
        ra = rows_a.at[slot]
        rb = rows_b.at[slot]

        @plsc.parallel_loop(0, _C, unroll=8)
        def edge_body(e):
            sq = []
            for f in range(_D // 32):
                a = plsc.bitcast(ra[e, pl.ds(16 * f, 16)], jnp.bfloat16)
                b = plsc.bitcast(rb[e, pl.ds(16 * f, 16)], jnp.bfloat16)
                d = a - b
                sq.append(d * d)
            s0 = (sq[0] + sq[1]) + (sq[2] + sq[3])
            s0l, s0u = plsc.unpack(s0, format=plsc.PackFormat.INTERLEAVED)
            plsc.store_scatter(psum, [colv + e], s0l + s0u)

        @plsc.parallel_loop(0, _C // 16, unroll=5)
        def red_body(g):
            t = [psum[pl.ds(k * _PP + 16 * g, 16)] for k in range(16)]
            while len(t) > 1:
                t = [t[2 * i] + t[2 * i + 1] for i in range(len(t) // 2)]
            acc[pl.ds(chunk * _C + 16 * g, 16)] = t[0]

    for p in range(4):
        start(p, p)

    def loop_body(j, carry):
        i = 4 * j
        for p in range(4):
            wait(i + p, p)
            compute(i + p, p)

            @pl.when(i + p + 4 < _NCH)
            def _():
                start(i + p + 4, p)

        return carry

    lax.fori_loop(0, (_NCH - 1) // 4, loop_body, 0)
    wait(_NCH - 1, 0)
    compute(_NCH - 1, 0)

    @plsc.parallel_loop(0, _EPW // 16, unroll=4)
    def exp_pass(m):
        v = acc[pl.ds(16 * m, 16)]
        acc[pl.ds(16 * m, 16)] = jnp.exp(neg_sig * v)

    pltpu.sync_copy(acc, out_hbm.at[wid])


@functools.partial(jax.jit, static_argnames=())
def kernel(edge_idxs, pos, inv_sigma):
    edge_r = edge_idxs.reshape(2, _NW, _NCH, _C)
    pos = lax.bitcast_convert_type(
        pos.astype(jnp.bfloat16).reshape(_N, _D // 2, 2), jnp.int32)
    sig = jnp.broadcast_to(-inv_sigma.astype(jnp.float32), (16,))
    mesh = plsc.VectorSubcoreMesh(
        core_axis_name="c", subcore_axis_name="s",
        num_cores=_NC, num_subcores=_NS)
    out = pl.kernel(
        _body,
        out_type=jax.ShapeDtypeStruct((_NW, _EPW), jnp.float32),
        mesh=mesh,
        compiler_params=pltpu.CompilerParams(
            needs_layout_passes=False, use_tc_tiling_on_sc=False),
        scratch_types=[
            pltpu.VMEM((_NCH, _C), jnp.int32),
            pltpu.VMEM((_NCH, _C), jnp.int32),
            pltpu.VMEM((4, _C, _D // 2), jnp.int32),
            pltpu.VMEM((4, _C, _D // 2), jnp.int32),
            pltpu.VMEM((_EPW,), jnp.float32),
            pltpu.VMEM((16 * _PP,), jnp.float32),
            pltpu.VMEM((16,), jnp.float32),
            pltpu.VMEM_SHARED((_N, _D // 2), jnp.int32),
            pltpu.SemaphoreType.DMA,
            pltpu.SemaphoreType.DMA,
            pltpu.SemaphoreType.DMA,
            pltpu.SemaphoreType.DMA,
            pltpu.SemaphoreType.DMA,
            pltpu.SemaphoreType.DMA,
            pltpu.SemaphoreType.DMA,
            pltpu.SemaphoreType.DMA,
        ],
    )(edge_r, pos, sig)
    return out.reshape(_E)

# --- scband reference (transcript-rebuilt; emitter-appended) ---
"""Pipeline reference for scband-gaussian-kernel-distance-75505525064551 (READ-ONLY COPY).

The authoritative reference and input builder live on the scoring server;
editing this copy changes nothing except your own understanding.
"""

import jax, jax.numpy as jnp
import numpy as np

N_NODES = 10000
N_EDGES = 320000
D_FEAT = 128

def setup_inputs(seed: int = 0) -> dict:
    key = jax.random.key(seed)
    k1, k2, k3 = jax.random.split(key, 3)
    edge_idxs = jax.random.randint(k1, (2, N_EDGES), 0, N_NODES, dtype=jnp.int64 if jax.config.jax_enable_x64 else jnp.int32).astype(jnp.int32)
    pos = jax.random.normal(k2, (N_NODES, D_FEAT), dtype=jnp.float32)
    # learned parameter: inverse_sigma ~ rand(1)*0.02 + 0.99
    inv_sigma = jax.random.uniform(k3, (1,), dtype=jnp.float32) * 0.02 + 0.99
    return {"edge_idxs": edge_idxs, "pos": pos, "inv_sigma": inv_sigma}

def reference(edge_idxs, pos, inv_sigma):
    # gather positions for both endpoints of every edge: [2, E, D]
    edge_positions = jnp.take(pos, edge_idxs, axis=0)
    diff = edge_positions[0] - edge_positions[1]
    distances = jnp.linalg.norm(diff, ord=2, axis=-1)  # [E]
    edge_weights = jnp.exp(-(inv_sigma * distances ** 2))  # [E]
    return edge_weights

if __name__ == "__main__":
    import jax
    _d = setup_inputs()
    print(jax.jit(kernel)(*tuple(_d.values())))

</pallas_src>

<mosaic_0001>
#map = affine_map<(d0, d1) -> (0, 0, 0, 0)>
#map1 = affine_map<(d0, d1) -> (0, 0)>
#map2 = affine_map<(d0, d1) -> (0)>
module attributes {stable_mosaic.version = 14 : i64} {
  func.func @_body(%arg0: i32, %arg1: i32, %arg2: memref<2x32x125x80xi32, #tpu.memory_space<hbm>>, %arg3: memref<10000x64xi32, #tpu.memory_space<hbm>>, %arg4: memref<16xf32, #tpu.memory_space<hbm>>, %arg5: memref<32x10000xf32, #tpu.memory_space<hbm>>, %arg6: memref<125x80xi32, #tpu.memory_space<vmem>>, %arg7: memref<125x80xi32, #tpu.memory_space<vmem>>, %arg8: memref<4x80x64xi32, #tpu.memory_space<vmem>>, %arg9: memref<4x80x64xi32, #tpu.memory_space<vmem>>, %arg10: memref<10000xf32, #tpu.memory_space<vmem>>, %arg11: memref<1296xf32, #tpu.memory_space<vmem>>, %arg12: memref<16xf32, #tpu.memory_space<vmem>>, %arg13: memref<10000x64xi32, #tpu.memory_space<vmem_shared>>, %arg14: memref<!tpu.dma_semaphore, #tpu.memory_space<semaphore_mem>>, %arg15: memref<!tpu.dma_semaphore, #tpu.memory_space<semaphore_mem>>, %arg16: memref<!tpu.dma_semaphore, #tpu.memory_space<semaphore_mem>>, %arg17: memref<!tpu.dma_semaphore, #tpu.memory_space<semaphore_mem>>, %arg18: memref<!tpu.dma_semaphore, #tpu.memory_space<semaphore_mem>>, %arg19: memref<!tpu.dma_semaphore, #tpu.memory_space<semaphore_mem>>, %arg20: memref<!tpu.dma_semaphore, #tpu.memory_space<semaphore_mem>>, %arg21: memref<!tpu.dma_semaphore, #tpu.memory_space<semaphore_mem>>) attributes {dimension_semantics = [#tpu.dimension_semantics<core_parallel>, #tpu.dimension_semantics<subcore_parallel>], iteration_bounds = array<i64: 2, 16>, scalar_prefetch = 0 : i64, scratch_operands = 16 : i64, tpu.core_type = #tpu.core_type<sc_vector_subcore>, window_params = [{transform_indices = #map}, {transform_indices = #map1}, {transform_indices = #map2}, {transform_indices = #map1}]} {
    %mul3A = arith.constant 2 : i32
    %mul3A_0 = arith.muli %arg1, %mul3A : i32
    %add3A = arith.addi %mul3A_0, %arg0 : i32
    %mul3A_1 = arith.constant 625 : i32
    %mul3A_2 = arith.muli %arg1, %mul3A_1 : i32
    %mul3A_3 = arith.constant 625 : i32
    %mul3A_4 = arith.muli %arg1, %mul3A_3 : i32
    %dma_start3A = arith.constant 0 : i32
    %dma_start3A_5 = tpu.memref_slice %arg13[%mul3A_4, %dma_start3A] : memref<10000x64xi32, #tpu.memory_space<vmem_shared>> -> memref<625x64xi32, #tpu.memory_space<vmem_shared>>
    %dma_start3A_6 = arith.constant 0 : i32
    %dma_start3A_7 = tpu.memref_slice %arg3[%mul3A_2, %dma_start3A_6] : memref<10000x64xi32, #tpu.memory_space<hbm>> -> memref<625x64xi32, #tpu.memory_space<hbm>>
    tpu.enqueue_dma source(%dma_start3A_7 : memref<625x64xi32, #tpu.memory_space<hbm>>) target(%dma_start3A_5 : memref<625x64xi32, #tpu.memory_space<vmem_shared>>) target_semaphore(%arg14 : memref<!tpu.dma_semaphore, #tpu.memory_space<semaphore_mem>>)
    %dma_start3A_8 = arith.constant 0 : i32
    %dma_start3A_9 = arith.constant 0 : i32
    %dma_start3A_10 = arith.constant 0 : i32
    %dma_start3A_11 = tpu.memref_slice %arg2[%dma_start3A_8, %add3A, %dma_start3A_9, %dma_start3A_10] : memref<2x32x125x80xi32, #tpu.memory_space<hbm>> -> memref<1x1x125x80xi32, #tpu.memory_space<hbm>>
    %dma_start3A_12 = tpu.memref_squeeze %dma_start3A_11 : memref<1x1x125x80xi32, #tpu.memory_space<hbm>> -> memref<125x80xi32, #tpu.memory_space<hbm>>
    %dma_start3A_13 = arith.constant 0 : i32
    %dma_start3A_14 = arith.constant 0 : i32
    %dma_start3A_15 = tpu.memref_slice %arg2[%dma_start3A_8, %add3A, %dma_start3A_13, %dma_start3A_14] : memref<2x32x125x80xi32, #tpu.memory_space<hbm>> -> memref<1x1x125x80xi32, #tpu.memory_space<hbm>>
    %dma_start3A_16 = tpu.memref_squeeze %dma_start3A_15 : memref<1x1x125x80xi32, #tpu.memory_space<hbm>> -> memref<125x80xi32, #tpu.memory_space<hbm>>
    tpu.enqueue_dma source(%dma_start3A_16 : memref<125x80xi32, #tpu.memory_space<hbm>>) target(%arg6 : memref<125x80xi32, #tpu.memory_space<vmem>>) target_semaphore(%arg15 : memref<!tpu.dma_semaphore, #tpu.memory_space<semaphore_mem>>)
    %dma_start3A_17 = arith.constant 1 : i32
    %dma_start3A_18 = arith.constant 0 : i32
    %dma_start3A_19 = arith.constant 0 : i32
    %dma_start3A_20 = tpu.memref_slice %arg2[%dma_start3A_17, %add3A, %dma_start3A_18, %dma_start3A_19] : memref<2x32x125x80xi32, #tpu.memory_space<hbm>> -> memref<1x1x125x80xi32, #tpu.memory_space<hbm>>
    %dma_start3A_21 = tpu.memref_squeeze %dma_start3A_20 : memref<1x1x125x80xi32, #tpu.memory_space<hbm>> -> memref<125x80xi32, #tpu.memory_space<hbm>>
    %dma_start3A_22 = arith.constant 0 : i32
    %dma_start3A_23 = arith.constant 0 : i32
    %dma_start3A_24 = tpu.memref_slice %arg2[%dma_start3A_17, %add3A, %dma_start3A_22, %dma_start3A_23] : memref<2x32x125x80xi32, #tpu.memory_space<hbm>> -> memref<1x1x125x80xi32, #tpu.memory_space<hbm>>
    %dma_start3A_25 = tpu.memref_squeeze %dma_start3A_24 : memref<1x1x125x80xi32, #tpu.memory_space<hbm>> -> memref<125x80xi32, #tpu.memory_space<hbm>>
    tpu.enqueue_dma source(%dma_start3A_25 : memref<125x80xi32, #tpu.memory_space<hbm>>) target(%arg7 : memref<125x80xi32, #tpu.memory_space<vmem>>) target_semaphore(%arg16 : memref<!tpu.dma_semaphore, #tpu.memory_space<semaphore_mem>>)
    "tpu.region"() ({
      %run_scoped3A = tpu.sem_alloc : memref<!tpu.dma_semaphore, #tpu.memory_space<semaphore_mem>>
      tpu.enqueue_dma source(%arg4 : memref<16xf32, #tpu.memory_space<hbm>>) target(%arg12 : memref<16xf32, #tpu.memory_space<vmem>>) target_semaphore(%run_scoped3A : memref<!tpu.dma_semaphore, #tpu.memory_space<semaphore_mem>>)
      tpu.wait_dma2 semaphore(%run_scoped3A : memref<!tpu.dma_semaphore, #tpu.memory_space<semaphore_mem>>) src(%arg4 : memref<16xf32, #tpu.memory_space<hbm>>) dst(%arg12 : memref<16xf32, #tpu.memory_space<vmem>>)
      tpu.yield
    }) : () -> ()
    %dma_wait3A = arith.constant 0 : i32
    %dma_wait3A_26 = tpu.memref_slice %arg13[%mul3A_4, %dma_wait3A] : memref<10000x64xi32, #tpu.memory_space<vmem_shared>> -> memref<625x64xi32, #tpu.memory_space<vmem_shared>>
    %dma_wait3A_27 = arith.constant 0 : i32
    %dma_wait3A_28 = tpu.memref_slice %arg3[%mul3A_2, %dma_wait3A_27] : memref<10000x64xi32, #tpu.memory_space<hbm>> -> memref<625x64xi32, #tpu.memory_space<hbm>>
    tpu.wait_dma2 semaphore(%arg14 : memref<!tpu.dma_semaphore, #tpu.memory_space<semaphore_mem>>) src(%dma_wait3A_28 : memref<625x64xi32, #tpu.memory_space<hbm>>) dst(%dma_wait3A_26 : memref<625x64xi32, #tpu.memory_space<vmem_shared>>)
    %dma_wait3A_29 = arith.constant 0 : i32
    %dma_wait3A_30 = arith.constant 0 : i32
    %dma_wait3A_31 = arith.constant 0 : i32
    %dma_wait3A_32 = tpu.memref_slice %arg2[%dma_wait3A_29, %add3A, %dma_wait3A_30, %dma_wait3A_31] : memref<2x32x125x80xi32, #tpu.memory_space<hbm>> -> memref<1x1x125x80xi32, #tpu.memory_space<hbm>>
    %dma_wait3A_33 = tpu.memref_squeeze %dma_wait3A_32 : memref<1x1x125x80xi32, #tpu.memory_space<hbm>> -> memref<125x80xi32, #tpu.memory_space<hbm>>
    %dma_wait3A_34 = arith.constant 0 : i32
    %dma_wait3A_35 = arith.constant 0 : i32
    %dma_wait3A_36 = tpu.memref_slice %arg2[%dma_wait3A_29, %add3A, %dma_wait3A_34, %dma_wait3A_35] : memref<2x32x125x80xi32, #tpu.memory_space<hbm>> -> memref<1x1x125x80xi32, #tpu.memory_space<hbm>>
    %dma_wait3A_37 = tpu.memref_squeeze %dma_wait3A_36 : memref<1x1x125x80xi32, #tpu.memory_space<hbm>> -> memref<125x80xi32, #tpu.memory_space<hbm>>
    tpu.wait_dma2 semaphore(%arg15 : memref<!tpu.dma_semaphore, #tpu.memory_space<semaphore_mem>>) src(%dma_wait3A_37 : memref<125x80xi32, #tpu.memory_space<hbm>>) dst(%arg6 : memref<125x80xi32, #tpu.memory_space<vmem>>)
    %dma_wait3A_38 = arith.constant 1 : i32
    %dma_wait3A_39 = arith.constant 0 : i32
    %dma_wait3A_40 = arith.constant 0 : i32
    %dma_wait3A_41 = tpu.memref_slice %arg2[%dma_wait3A_38, %add3A, %dma_wait3A_39, %dma_wait3A_40] : memref<2x32x125x80xi32, #tpu.memory_space<hbm>> -> memref<1x1x125x80xi32, #tpu.memory_space<hbm>>
    %dma_wait3A_42 = tpu.memref_squeeze %dma_wait3A_41 : memref<1x1x125x80xi32, #tpu.memory_space<hbm>> -> memref<125x80xi32, #tpu.memory_space<hbm>>
    %dma_wait3A_43 = arith.constant 0 : i32
    %dma_wait3A_44 = arith.constant 0 : i32
    %dma_wait3A_45 = tpu.memref_slice %arg2[%dma_wait3A_38, %add3A, %dma_wait3A_43, %dma_wait3A_44] : memref<2x32x125x80xi32, #tpu.memory_space<hbm>> -> memref<1x1x125x80xi32, #tpu.memory_space<hbm>>
    %dma_wait3A_46 = tpu.memref_squeeze %dma_wait3A_45 : memref<1x1x125x80xi32, #tpu.memory_space<hbm>> -> memref<125x80xi32, #tpu.memory_space<hbm>>
    tpu.wait_dma2 semaphore(%arg16 : memref<!tpu.dma_semaphore, #tpu.memory_space<semaphore_mem>>) src(%dma_wait3A_46 : memref<125x80xi32, #tpu.memory_space<hbm>>) dst(%arg7 : memref<125x80xi32, #tpu.memory_space<vmem>>)
    %barrier3A = arith.constant 0 : index
    tpu.barrier barrier_id(%barrier3A)
    %get3A = arith.constant 0 : index
    %get3A_47 = tpu.vector_load %arg12[%get3A] {strides = array<i32>} : memref<16xf32, #tpu.memory_space<vmem>>, vector<16xf32>,
    %iota3A = tpu.iota {dimensions = array<i32: 0>} : vector<16xi32>
    %mul3A_48 = arith.constant 81 : i32
    %mul3A_49 = vector.broadcast %mul3A_48 : i32 to vector<16xi32>
    %mul3A_50 = arith.muli %iota3A, %mul3A_49 : vector<16xi32>
    %dma_start3A_51 = arith.constant 0 : i32
    %dma_start3A_52 = arith.constant 0 : i32
    %dma_start3A_53 = arith.constant 0 : i32
    %dma_start3A_54 = arith.constant 0 : i32
    %dma_start3A_55 = tpu.memref_slice %arg8[%dma_start3A_52, %dma_start3A_53, %dma_start3A_54] : memref<4x80x64xi32, #tpu.memory_space<vmem>> -> memref<1x80x64xi32, #tpu.memory_space<vmem>>
    %dma_start3A_56 = tpu.memref_squeeze %dma_start3A_55 : memref<1x80x64xi32, #tpu.memory_space<vmem>> -> memref<80x64xi32, #tpu.memory_space<vmem>>
    %dma_start3A_57 = arith.constant 0 : i32
    %dma_start3A_58 = tpu.memref_slice %arg6[%dma_start3A_51, %dma_start3A_57] : memref<125x80xi32, #tpu.memory_space<vmem>> -> memref<1x80xi32, #tpu.memory_space<vmem>>
    %dma_start3A_59 = tpu.memref_squeeze %dma_start3A_58 : memref<1x80xi32, #tpu.memory_space<vmem>> -> memref<80xi32, #tpu.memory_space<vmem>>
    %dma_start3A_60 = arith.constant 0 : i32
    %dma_start3A_61 = arith.constant 0 : i32
    %dma_start3A_62 = tpu.memref_slice %arg13[%dma_start3A_60, %dma_start3A_61] : memref<10000x64xi32, #tpu.memory_space<vmem_shared>> -> memref<10000x64xi32, #tpu.memory_space<vmem_shared>>
    tpu.enqueue_indirect_dma source(%dma_start3A_62 : memref<10000x64xi32, #tpu.memory_space<vmem_shared>>) target(%dma_start3A_56 : memref<80x64xi32, #tpu.memory_space<vmem>>) offsets(%dma_start3A_59 : memref<80xi32, #tpu.memory_space<vmem>>) semaphore(%arg14 : memref<!tpu.dma_semaphore, #tpu.memory_space<semaphore_mem>>)
    %dma_start3A_63 = arith.constant 0 : i32
    %dma_start3A_64 = arith.constant 0 : i32
    %dma_start3A_65 = arith.constant 0 : i32
    %dma_start3A_66 = arith.constant 0 : i32
    %dma_start3A_67 = tpu.memref_slice %arg9[%dma_start3A_64, %dma_start3A_65, %dma_start3A_66] : memref<4x80x64xi32, #tpu.memory_space<vmem>> -> memref<1x80x64xi32, #tpu.memory_space<vmem>>
    %dma_start3A_68 = tpu.memref_squeeze %dma_start3A_67 : memref<1x80x64xi32, #tpu.memory_space<vmem>> -> memref<80x64xi32, #tpu.memory_space<vmem>>
    %dma_start3A_69 = arith.constant 0 : i32
    %dma_start3A_70 = tpu.memref_slice %arg7[%dma_start3A_63, %dma_start3A_69] : memref<125x80xi32, #tpu.memory_space<vmem>> -> memref<1x80xi32, #tpu.memory_space<vmem>>
    %dma_start3A_71 = tpu.memref_squeeze %dma_start3A_70 : memref<1x80xi32, #tpu.memory_space<vmem>> -> memref<80xi32, #tpu.memory_space<vmem>>
    %dma_start3A_72 = arith.constant 0 : i32
    %dma_start3A_73 = arith.constant 0 : i32
    %dma_start3A_74 = tpu.memref_slice %arg13[%dma_start3A_72, %dma_start3A_73] : memref<10000x64xi32, #tpu.memory_space<vmem_shared>> -> memref<10000x64xi32, #tpu.memory_space<vmem_shared>>
    tpu.enqueue_indirect_dma source(%dma_start3A_74 : memref<10000x64xi32, #tpu.memory_space<vmem_shared>>) target(%dma_start3A_68 : memref<80x64xi32, #tpu.memory_space<vmem>>) offsets(%dma_start3A_71 : memref<80xi32, #tpu.memory_space<vmem>>) semaphore(%arg15 : memref<!tpu.dma_semaphore, #tpu.memory_space<semaphore_mem>>)
    %dma_start3A_75 = arith.constant 1 : i32
    %dma_start3A_76 = arith.constant 1 : i32
    %dma_start3A_77 = arith.constant 0 : i32
    %dma_start3A_78 = arith.constant 0 : i32
    %dma_start3A_79 = tpu.memref_slice %arg8[%dma_start3A_76, %dma_start3A_77, %dma_start3A_78] : memref<4x80x64xi32, #tpu.memory_space<vmem>> -> memref<1x80x64xi32, #tpu.memory_space<vmem>>
    %dma_start3A_80 = tpu.memref_squeeze %dma_start3A_79 : memref<1x80x64xi32, #tpu.memory_space<vmem>> -> memref<80x64xi32, #tpu.memory_space<vmem>>
    %dma_start3A_81 = arith.constant 0 : i32
    %dma_start3A_82 = tpu.memref_slice %arg6[%dma_start3A_75, %dma_start3A_81] : memref<125x80xi32, #tpu.memory_space<vmem>> -> memref<1x80xi32, #tpu.memory_space<vmem>>
    %dma_start3A_83 = tpu.memref_squeeze %dma_start3A_82 : memref<1x80xi32, #tpu.memory_space<vmem>> -> memref<80xi32, #tpu.memory_space<vmem>>
    %dma_start3A_84 = arith.constant 0 : i32
    %dma_start3A_85 = arith.constant 0 : i32
    %dma_start3A_86 = tpu.memref_slice %arg13[%dma_start3A_84, %dma_start3A_85] : memref<10000x64xi32, #tpu.memory_space<vmem_shared>> -> memref<10000x64xi32, #tpu.memory_space<vmem_shared>>
    tpu.enqueue_indirect_dma source(%dma_start3A_86 : memref<10000x64xi32, #tpu.memory_space<vmem_shared>>) target(%dma_start3A_80 : memref<80x64xi32, #tpu.memory_space<vmem>>) offsets(%dma_start3A_83 : memref<80xi32, #tpu.memory_space<vmem>>) semaphore(%arg16 : memref<!tpu.dma_semaphore, #tpu.memory_space<semaphore_mem>>)
    %dma_start3A_87 = arith.constant 1 : i32
    %dma_start3A_88 = arith.constant 1 : i32
    %dma_start3A_89 = arith.constant 0 : i32
    %dma_start3A_90 = arith.constant 0 : i32
    %dma_start3A_91 = tpu.memref_slice %arg9[%dma_start3A_88, %dma_start3A_89, %dma_start3A_90] : memref<4x80x64xi32, #tpu.memory_space<vmem>> -> memref<1x80x64xi32, #tpu.memory_space<vmem>>
    %dma_start3A_92 = tpu.memref_squeeze %dma_start3A_91 : memref<1x80x64xi32, #tpu.memory_space<vmem>> -> memref<80x64xi32, #tpu.memory_space<vmem>>
    %dma_start3A_93 = arith.constant 0 : i32
    %dma_start3A_94 = tpu.memref_slice %arg7[%dma_start3A_87, %dma_start3A_93] : memref<125x80xi32, #tpu.memory_space<vmem>> -> memref<1x80xi32, #tpu.memory_space<vmem>>
    %dma_start3A_95 = tpu.memref_squeeze %dma_start3A_94 : memref<1x80xi32, #tpu.memory_space<vmem>> -> memref<80xi32, #tpu.memory_space<vmem>>
    %dma_start3A_96 = arith.constant 0 : i32
    %dma_start3A_97 = arith.constant 0 : i32
    %dma_start3A_98 = tpu.memref_slice %arg13[%dma_start3A_96, %dma_start3A_97] : memref<10000x64xi32, #tpu.memory_space<vmem_shared>> -> memref<10000x64xi32, #tpu.memory_space<vmem_shared>>
    tpu.enqueue_indirect_dma source(%dma_start3A_98 : memref<10000x64xi32, #tpu.memory_space<vmem_shared>>) target(%dma_start3A_92 : memref<80x64xi32, #tpu.memory_space<vmem>>) offsets(%dma_start3A_95 : memref<80xi32, #tpu.memory_space<vmem>>) semaphore(%arg17 : memref<!tpu.dma_semaphore, #tpu.memory_space<semaphore_mem>>)
    %dma_start3A_99 = arith.constant 2 : i32
    %dma_start3A_100 = arith.constant 2 : i32
    %dma_start3A_101 = arith.constant 0 : i32
    %dma_start3A_102 = arith.constant 0 : i32
    %dma_start3A_103 = tpu.memref_slice %arg8[%dma_start3A_100, %dma_start3A_101, %dma_start3A_102] : memref<4x80x64xi32, #tpu.memory_space<vmem>> -> memref<1x80x64xi32, #tpu.memory_space<vmem>>
    %dma_start3A_104 = tpu.memref_squeeze %dma_start3A_103 : memref<1x80x64xi32, #tpu.memory_space<vmem>> -> memref<80x64xi32, #tpu.memory_space<vmem>>
    %dma_start3A_105 = arith.constant 0 : i32
    %dma_start3A_106 = tpu.memref_slice %arg6[%dma_start3A_99, %dma_start3A_105] : memref<125x80xi32, #tpu.memory_space<vmem>> -> memref<1x80xi32, #tpu.memory_space<vmem>>
    %dma_start3A_107 = tpu.memref_squeeze %dma_start3A_106 : memref<1x80xi32, #tpu.memory_space<vmem>> -> memref<80xi32, #tpu.memory_space<vmem>>
    %dma_start3A_108 = arith.constant 0 : i32
    %dma_start3A_109 = arith.constant 0 : i32
    %dma_start3A_110 = tpu.memref_slice %arg13[%dma_start3A_108, %dma_start3A_109] : memref<10000x64xi32, #tpu.memory_space<vmem_shared>> -> memref<10000x64xi32, #tpu.memory_space<vmem_shared>>
    tpu.enqueue_indirect_dma source(%dma_start3A_110 : memref<10000x64xi32, #tpu.memory_space<vmem_shared>>) target(%dma_start3A_104 : memref<80x64xi32, #tpu.memory_space<vmem>>) offsets(%dma_start3A_107 : memref<80xi32, #tpu.memory_space<vmem>>) semaphore(%arg18 : memref<!tpu.dma_semaphore, #tpu.memory_space<semaphore_mem>>)
    %dma_start3A_111 = arith.constant 2 : i32
    %dma_start3A_112 = arith.constant 2 : i32
    %dma_start3A_113 = arith.constant 0 : i32
    %dma_start3A_114 = arith.constant 0 : i32
    %dma_start3A_115 = tpu.memref_slice %arg9[%dma_start3A_112, %dma_start3A_113, %dma_start3A_114] : memref<4x80x64xi32, #tpu.memory_space<vmem>> -> memref<1x80x64xi32, #tpu.memory_space<vmem>>
    %dma_start3A_116 = tpu.memref_squeeze %dma_start3A_115 : memref<1x80x64xi32, #tpu.memory_space<vmem>> -> memref<80x64xi32, #tpu.memory_space<vmem>>
    %dma_start3A_117 = arith.constant 0 : i32
    %dma_start3A_118 = tpu.memref_slice %arg7[%dma_start3A_111, %dma_start3A_117] : memref<125x80xi32, #tpu.memory_space<vmem>> -> memref<1x80xi32, #tpu.memory_space<vmem>>
    %dma_start3A_119 = tpu.memref_squeeze %dma_start3A_118 : memref<1x80xi32, #tpu.memory_space<vmem>> -> memref<80xi32, #tpu.memory_space<vmem>>
    %dma_start3A_120 = arith.constant 0 : i32
    %dma_start3A_121 = arith.constant 0 : i32
    %dma_start3A_122 = tpu.memref_slice %arg13[%dma_start3A_120, %dma_start3A_121] : memref<10000x64xi32, #tpu.memory_space<vmem_shared>> -> memref<10000x64xi32, #tpu.memory_space<vmem_shared>>
    tpu.enqueue_indirect_dma source(%dma_start3A_122 : memref<10000x64xi32, #tpu.memory_space<vmem_shared>>) target(%dma_start3A_116 : memref<80x64xi32, #tpu.memory_space<vmem>>) offsets(%dma_start3A_119 : memref<80xi32, #tpu.memory_space<vmem>>) semaphore(%arg19 : memref<!tpu.dma_semaphore, #tpu.memory_space<semaphore_mem>>)
    %dma_start3A_123 = arith.constant 3 : i32
    %dma_start3A_124 = arith.constant 3 : i32
    %dma_start3A_125 = arith.constant 0 : i32
    %dma_start3A_126 = arith.constant 0 : i32
    %dma_start3A_127 = tpu.memref_slice %arg8[%dma_start3A_124, %dma_start3A_125, %dma_start3A_126] : memref<4x80x64xi32, #tpu.memory_space<vmem>> -> memref<1x80x64xi32, #tpu.memory_space<vmem>>
    %dma_start3A_128 = tpu.memref_squeeze %dma_start3A_127 : memref<1x80x64xi32, #tpu.memory_space<vmem>> -> memref<80x64xi32, #tpu.memory_space<vmem>>
    %dma_start3A_129 = arith.constant 0 : i32
    %dma_start3A_130 = tpu.memref_slice %arg6[%dma_start3A_123, %dma_start3A_129] : memref<125x80xi32, #tpu.memory_space<vmem>> -> memref<1x80xi32, #tpu.memory_space<vmem>>
    %dma_start3A_131 = tpu.memref_squeeze %dma_start3A_130 : memref<1x80xi32, #tpu.memory_space<vmem>> -> memref<80xi32, #tpu.memory_space<vmem>>
    %dma_start3A_132 = arith.constant 0 : i32
    %dma_start3A_133 = arith.constant 0 : i32
    %dma_start3A_134 = tpu.memref_slice %arg13[%dma_start3A_132, %dma_start3A_133] : memref<10000x64xi32, #tpu.memory_space<vmem_shared>> -> memref<10000x64xi32, #tpu.memory_space<vmem_shared>>
    tpu.enqueue_indirect_dma source(%dma_start3A_134 : memref<10000x64xi32, #tpu.memory_space<vmem_shared>>) target(%dma_start3A_128 : memref<80x64xi32, #tpu.memory_space<vmem>>) offsets(%dma_start3A_131 : memref<80xi32, #tpu.memory_space<vmem>>) semaphore(%arg20 : memref<!tpu.dma_semaphore, #tpu.memory_space<semaphore_mem>>)
    %dma_start3A_135 = arith.constant 3 : i32
    %dma_start3A_136 = arith.constant 3 : i32
    %dma_start3A_137 = arith.constant 0 : i32
    %dma_start3A_138 = arith.constant 0 : i32
    %dma_start3A_139 = tpu.memref_slice %arg9[%dma_start3A_136, %dma_start3A_137, %dma_start3A_138] : memref<4x80x64xi32, #tpu.memory_space<vmem>> -> memref<1x80x64xi32, #tpu.memory_space<vmem>>
    %dma_start3A_140 = tpu.memref_squeeze %dma_start3A_139 : memref<1x80x64xi32, #tpu.memory_space<vmem>> -> memref<80x64xi32, #tpu.memory_space<vmem>>
    %dma_start3A_141 = arith.constant 0 : i32
    %dma_start3A_142 = tpu.memref_slice %arg7[%dma_start3A_135, %dma_start3A_141] : memref<125x80xi32, #tpu.memory_space<vmem>> -> memref<1x80xi32, #tpu.memory_space<vmem>>
    %dma_start3A_143 = tpu.memref_squeeze %dma_start3A_142 : memref<1x80xi32, #tpu.memory_space<vmem>> -> memref<80xi32, #tpu.memory_space<vmem>>
    %dma_start3A_144 = arith.constant 0 : i32
    %dma_start3A_145 = arith.constant 0 : i32
    %dma_start3A_146 = tpu.memref_slice %arg13[%dma_start3A_144, %dma_start3A_145] : memref<10000x64xi32, #tpu.memory_space<vmem_shared>> -> memref<10000x64xi32, #tpu.memory_space<vmem_shared>>
    tpu.enqueue_indirect_dma source(%dma_start3A_146 : memref<10000x64xi32, #tpu.memory_space<vmem_shared>>) target(%dma_start3A_140 : memref<80x64xi32, #tpu.memory_space<vmem>>) offsets(%dma_start3A_143 : memref<80xi32, #tpu.memory_space<vmem>>) semaphore(%arg21 : memref<!tpu.dma_semaphore, #tpu.memory_space<semaphore_mem>>)
    %scan3A = arith.constant 0 : i32
    %scan3A_147 = arith.constant 0 : i32
    %scan3A_148 = arith.constant 31 : i32
    %scan3A_149 = arith.addi %scan3A_147, %scan3A_148 : i32
    %scan3A_150 = arith.constant 1 : i32
    scf.for %scan3A_186 = %scan3A_147 to %scan3A_149 step %scan3A_150  : i32 {
      %mul3A_187 = arith.constant 4 : i32
      %mul3A_188 = arith.muli %mul3A_187, %scan3A_186 : i32
      %add3A_189 = arith.constant 0 : i32
      %add3A_190 = arith.addi %mul3A_188, %add3A_189 : i32
      %dma_wait3A_191 = arith.constant 0 : i32
      %dma_wait3A_192 = arith.constant 0 : i32
      %dma_wait3A_193 = arith.constant 0 : i32
      %dma_wait3A_194 = tpu.memref_slice %arg8[%dma_wait3A_191, %dma_wait3A_192, %dma_wait3A_193] : memref<4x80x64xi32, #tpu.memory_space<vmem>> -> memref<1x80x64xi32, #tpu.memory_space<vmem>>
      %dma_wait3A_195 = tpu.memref_squeeze %dma_wait3A_194 : memref<1x80x64xi32, #tpu.memory_space<vmem>> -> memref<80x64xi32, #tpu.memory_space<vmem>>
      %dma_wait3A_196 = arith.constant 0 : i32
      %dma_wait3A_197 = tpu.memref_slice %arg6[%add3A_190, %dma_wait3A_196] : memref<125x80xi32, #tpu.memory_space<vmem>> -> memref<1x80xi32, #tpu.memory_space<vmem>>
      %dma_wait3A_198 = tpu.memref_squeeze %dma_wait3A_197 : memref<1x80xi32, #tpu.memory_space<vmem>> -> memref<80xi32, #tpu.memory_space<vmem>>
      %dma_wait3A_199 = arith.constant 0 : i32
      %dma_wait3A_200 = arith.constant 0 : i32
      %dma_wait3A_201 = tpu.memref_slice %arg13[%dma_wait3A_199, %dma_wait3A_200] : memref<10000x64xi32, #tpu.memory_space<vmem_shared>> -> memref<10000x64xi32, #tpu.memory_space<vmem_shared>>
      tpu.wait_indirect_dma semaphore(%arg14 : memref<!tpu.dma_semaphore, #tpu.memory_space<semaphore_mem>>) src(%dma_wait3A_201 : memref<10000x64xi32, #tpu.memory_space<vmem_shared>>) dst(%dma_wait3A_195 : memref<80x64xi32, #tpu.memory_space<vmem>>)
      %dma_wait3A_202 = arith.constant 0 : i32
      %dma_wait3A_203 = arith.constant 0 : i32
      %dma_wait3A_204 = arith.constant 0 : i32
      %dma_wait3A_205 = tpu.memref_slice %arg9[%dma_wait3A_202, %dma_wait3A_203, %dma_wait3A_204] : memref<4x80x64xi32, #tpu.memory_space<vmem>> -> memref<1x80x64xi32, #tpu.memory_space<vmem>>
      %dma_wait3A_206 = tpu.memref_squeeze %dma_wait3A_205 : memref<1x80x64xi32, #tpu.memory_space<vmem>> -> memref<80x64xi32, #tpu.memory_space<vmem>>
      %dma_wait3A_207 = arith.constant 0 : i32
      %dma_wait3A_208 = tpu.memref_slice %arg7[%add3A_190, %dma_wait3A_207] : memref<125x80xi32, #tpu.memory_space<vmem>> -> memref<1x80xi32, #tpu.memory_space<vmem>>
      %dma_wait3A_209 = tpu.memref_squeeze %dma_wait3A_208 : memref<1x80xi32, #tpu.memory_space<vmem>> -> memref<80xi32, #tpu.memory_space<vmem>>
      %dma_wait3A_210 = arith.constant 0 : i32
      %dma_wait3A_211 = arith.constant 0 : i32
      %dma_wait3A_212 = tpu.memref_slice %arg13[%dma_wait3A_210, %dma_wait3A_211] : memref<10000x64xi32, #tpu.memory_space<vmem_shared>> -> memref<10000x64xi32, #tpu.memory_space<vmem_shared>>
      tpu.wait_indirect_dma semaphore(%arg15 : memref<!tpu.dma_semaphore, #tpu.memory_space<semaphore_mem>>) src(%dma_wait3A_212 : memref<10000x64xi32, #tpu.memory_space<vmem_shared>>) dst(%dma_wait3A_206 : memref<80x64xi32, #tpu.memory_space<vmem>>)
      %add3A_213 = arith.constant 0 : i32
      %add3A_214 = arith.addi %mul3A_188, %add3A_213 : i32
      %parallel_loop3A_215 = arith.constant 0 : i32
      %parallel_loop3A_216 = arith.constant 80 : i32
      %parallel_loop3A_217 = arith.constant 1 : i32
      %parallel_loop3A_218 = arith.constant 0 : i32
      %parallel_loop3A_219 = arith.constant 0 : i32
      scf.for %parallel_loop3A_358 = %parallel_loop3A_215 to %parallel_loop3A_216 step %parallel_loop3A_217  : i32 {
        %parallel_loop3A_359 = arith.constant 0 : i32
        %parallel_loop3A_360 = arith.constant 0 : i32
        %parallel_loop3A_361 = tpu.memref_slice %arg8[%parallel_loop3A_218, %parallel_loop3A_359, %parallel_loop3A_360] : memref<4x80x64xi32, #tpu.memory_space<vmem>> -> memref<1x80x64xi32, #tpu.memory_space<vmem>>
        %parallel_loop3A_362 = tpu.memref_squeeze %parallel_loop3A_361 : memref<1x80x64xi32, #tpu.memory_space<vmem>> -> memref<80x64xi32, #tpu.memory_space<vmem>>
        %parallel_loop3A_363 = arith.index_cast %parallel_loop3A_358 : i32 to index
        %parallel_loop3A_364 = arith.constant 0 : index
        %parallel_loop3A_365 = tpu.vector_load %parallel_loop3A_362[%parallel_loop3A_363, %parallel_loop3A_364] {strides = array<i32>} : memref<80x64xi32, #tpu.memory_space<vmem>>, vector<16xi32>,
        %parallel_loop3A_366 = vector.bitcast %parallel_loop3A_365 : vector<16xi32> to vector<32xbf16>
        %parallel_loop3A_367 = arith.constant 0 : i32
        %parallel_loop3A_368 = arith.constant 0 : i32
        %parallel_loop3A_369 = tpu.memref_slice %arg9[%parallel_loop3A_219, %parallel_loop3A_367, %parallel_loop3A_368] : memref<4x80x64xi32, #tpu.memory_space<vmem>> -> memref<1x80x64xi32, #tpu.memory_space<vmem>>
        %parallel_loop3A_370 = tpu.memref_squeeze %parallel_loop3A_369 : memref<1x80x64xi32, #tpu.memory_space<vmem>> -> memref<80x64xi32, #tpu.memory_space<vmem>>
        %parallel_loop3A_371 = arith.index_cast %parallel_loop3A_358 : i32 to index
        %parallel_loop3A_372 = arith.constant 0 : index
        %parallel_loop3A_373 = tpu.vector_load %parallel_loop3A_370[%parallel_loop3A_371, %parallel_loop3A_372] {strides = array<i32>} : memref<80x64xi32, #tpu.memory_space<vmem>>, vector<16xi32>,
        %parallel_loop3A_374 = vector.bitcast %parallel_loop3A_373 : vector<16xi32> to vector<32xbf16>
        %parallel_loop3A_375 = arith.subf %parallel_loop3A_366, %parallel_loop3A_374 : vector<32xbf16>
        %parallel_loop3A_376 = arith.mulf %parallel_loop3A_375, %parallel_loop3A_375 : vector<32xbf16>
        %parallel_loop3A_377 = arith.constant 0 : i32
        %parallel_loop3A_378 = arith.constant 0 : i32
        %parallel_loop3A_379 = tpu.memref_slice %arg8[%parallel_loop3A_218, %parallel_loop3A_377, %parallel_loop3A_378] : memref<4x80x64xi32, #tpu.memory_space<vmem>> -> memref<1x80x64xi32, #tpu.memory_space<vmem>>
        %parallel_loop3A_380 = tpu.memref_squeeze %parallel_loop3A_379 : memref<1x80x64xi32, #tpu.memory_space<vmem>> -> memref<80x64xi32, #tpu.memory_space<vmem>>
        %parallel_loop3A_381 = arith.index_cast %parallel_loop3A_358 : i32 to index
        %parallel_loop3A_382 = arith.constant 16 : index
        %parallel_loop3A_383 = tpu.vector_load %parallel_loop3A_380[%parallel_loop3A_381, %parallel_loop3A_382] {strides = array<i32>} : memref<80x64xi32, #tpu.memory_space<vmem>>, vector<16xi32>,
        %parallel_loop3A_384 = vector.bitcast %parallel_loop3A_383 : vector<16xi32> to vector<32xbf16>
        %parallel_loop3A_385 = arith.constant 0 : i32
        %parallel_loop3A_386 = arith.constant 0 : i32
        %parallel_loop3A_387 = tpu.memref_slice %arg9[%parallel_loop3A_219, %parallel_loop3A_385, %parallel_loop3A_386] : memref<4x80x64xi32, #tpu.memory_space<vmem>> -> memref<1x80x64xi32, #tpu.memory_space<vmem>>
        %parallel_loop3A_388 = tpu.memref_squeeze %parallel_loop3A_387 : memref<1x80x64xi32, #tpu.memory_space<vmem>> -> memref<80x64xi32, #tpu.memory_space<vmem>>
        %parallel_loop3A_389 = arith.index_cast %parallel_loop3A_358 : i32 to index
        %parallel_loop3A_390 = arith.constant 16 : index
        %parallel_loop3A_391 = tpu.vector_load %parallel_loop3A_388[%parallel_loop3A_389, %parallel_loop3A_390] {strides = array<i32>} : memref<80x64xi32, #tpu.memory_space<vmem>>, vector<16xi32>,
        %parallel_loop3A_392 = vector.bitcast %parallel_loop3A_391 : vector<16xi32> to vector<32xbf16>
        %parallel_loop3A_393 = arith.subf %parallel_loop3A_384, %parallel_loop3A_392 : vector<32xbf16>
        %parallel_loop3A_394 = arith.mulf %parallel_loop3A_393, %parallel_loop3A_393 : vector<32xbf16>
        %parallel_loop3A_395 = arith.constant 0 : i32
        %parallel_loop3A_396 = arith.constant 0 : i32
        %parallel_loop3A_397 = tpu.memref_slice %arg8[%parallel_loop3A_218, %parallel_loop3A_395, %parallel_loop3A_396] : memref<4x80x64xi32, #tpu.memory_space<vmem>> -> memref<1x80x64xi32, #tpu.memory_space<vmem>>
        %parallel_loop3A_398 = tpu.memref_squeeze %parallel_loop3A_397 : memref<1x80x64xi32, #tpu.memory_space<vmem>> -> memref<80x64xi32, #tpu.memory_space<vmem>>
        %parallel_loop3A_399 = arith.index_cast %parallel_loop3A_358 : i32 to index
        %parallel_loop3A_400 = arith.constant 32 : index
        %parallel_loop3A_401 = tpu.vector_load %parallel_loop3A_398[%parallel_loop3A_399, %parallel_loop3A_400] {strides = array<i32>} : memref<80x64xi32, #tpu.memory_space<vmem>>, vector<16xi32>,
        %parallel_loop3A_402 = vector.bitcast %parallel_loop3A_401 : vector<16xi32> to vector<32xbf16>
        %parallel_loop3A_403 = arith.constant 0 : i32
        %parallel_loop3A_404 = arith.constant 0 : i32
        %parallel_loop3A_405 = tpu.memref_slice %arg9[%parallel_loop3A_219, %parallel_loop3A_403, %parallel_loop3A_404] : memref<4x80x64xi32, #tpu.memory_space<vmem>> -> memref<1x80x64xi32, #tpu.memory_space<vmem>>
        %parallel_loop3A_406 = tpu.memref_squeeze %parallel_loop3A_405 : memref<1x80x64xi32, #tpu.memory_space<vmem>> -> memref<80x64xi32, #tpu.memory_space<vmem>>
        %parallel_loop3A_407 = arith.index_cast %parallel_loop3A_358 : i32 to index
        %parallel_loop3A_408 = arith.constant 32 : index
        %parallel_loop3A_409 = tpu.vector_load %parallel_loop3A_406[%parallel_loop3A_407, %parallel_loop3A_408] {strides = array<i32>} : memref<80x64xi32, #tpu.memory_space<vmem>>, vector<16xi32>,
        %parallel_loop3A_410 = vector.bitcast %parallel_loop3A_409 : vector<16xi32> to vector<32xbf16>
        %parallel_loop3A_411 = arith.subf %parallel_loop3A_402, %parallel_loop3A_410 : vector<32xbf16>
        %parallel_loop3A_412 = arith.mulf %parallel_loop3A_411, %parallel_loop3A_411 : vector<32xbf16>
        %parallel_loop3A_413 = arith.constant 0 : i32
        %parallel_loop3A_414 = arith.constant 0 : i32
        %parallel_loop3A_415 = tpu.memref_slice %arg8[%parallel_loop3A_218, %parallel_loop3A_413, %parallel_loop3A_414] : memref<4x80x64xi32, #tpu.memory_space<vmem>> -> memref<1x80x64xi32, #tpu.memory_space<vmem>>
        %parallel_loop3A_416 = tpu.memref_squeeze %parallel_loop3A_415 : memref<1x80x64xi32, #tpu.memory_space<vmem>> -> memref<80x64xi32, #tpu.memory_space<vmem>>
        %parallel_loop3A_417 = arith.index_cast %parallel_loop3A_358 : i32 to index
        %parallel_loop3A_418 = arith.constant 48 : index
        %parallel_loop3A_419 = tpu.vector_load %parallel_loop3A_416[%parallel_loop3A_417, %parallel_loop3A_418] {strides = array<i32>} : memref<80x64xi32, #tpu.memory_space<vmem>>, vector<16xi32>,
        %parallel_loop3A_420 = vector.bitcast %parallel_loop3A_419 : vector<16xi32> to vector<32xbf16>
        %parallel_loop3A_421 = arith.constant 0 : i32
        %parallel_loop3A_422 = arith.constant 0 : i32
        %parallel_loop3A_423 = tpu.memref_slice %arg9[%parallel_loop3A_219, %parallel_loop3A_421, %parallel_loop3A_422] : memref<4x80x64xi32, #tpu.memory_space<vmem>> -> memref<1x80x64xi32, #tpu.memory_space<vmem>>
        %parallel_loop3A_424 = tpu.memref_squeeze %parallel_loop3A_423 : memref<1x80x64xi32, #tpu.memory_space<vmem>> -> memref<80x64xi32, #tpu.memory_space<vmem>>
        %parallel_loop3A_425 = arith.index_cast %parallel_loop3A_358 : i32 to index
        %parallel_loop3A_426 = arith.constant 48 : index
        %parallel_loop3A_427 = tpu.vector_load %parallel_loop3A_424[%parallel_loop3A_425, %parallel_loop3A_426] {strides = array<i32>} : memref<80x64xi32, #tpu.memory_space<vmem>>, vector<16xi32>,
        %parallel_loop3A_428 = vector.bitcast %parallel_loop3A_427 : vector<16xi32> to vector<32xbf16>
        %parallel_loop3A_429 = arith.subf %parallel_loop3A_420, %parallel_loop3A_428 : vector<32xbf16>
        %parallel_loop3A_430 = arith.mulf %parallel_loop3A_429, %parallel_loop3A_429 : vector<32xbf16>
        %parallel_loop3A_431 = arith.addf %parallel_loop3A_376, %parallel_loop3A_394 : vector<32xbf16>
        %parallel_loop3A_432 = arith.addf %parallel_loop3A_412, %parallel_loop3A_430 : vector<32xbf16>
        %parallel_loop3A_433 = arith.addf %parallel_loop3A_431, %parallel_loop3A_432 : vector<32xbf16>
        %parallel_loop3A_434 = tpu.unpack_subelements %parallel_loop3A_433, 0 {pack_format = #tpu.pack_format<interleaved>} : vector<32xbf16> -> vector<16xf32>
        %parallel_loop3A_435 = tpu.unpack_subelements %parallel_loop3A_433, 1 {pack_format = #tpu.pack_format<interleaved>} : vector<32xbf16> -> vector<16xf32>
        %parallel_loop3A_436 = vector.broadcast %parallel_loop3A_358 : i32 to vector<16xi32>
        %parallel_loop3A_437 = arith.addi %mul3A_50, %parallel_loop3A_436 : vector<16xi32>
        %parallel_loop3A_438 = arith.addf %parallel_loop3A_434, %parallel_loop3A_435 : vector<16xf32>
        tpu.vector_store_idx %arg11[%parallel_loop3A_437], %parallel_loop3A_438 : memref<1296xf32, #tpu.memory_space<vmem>>[vector<16xi32>], vector<16xf32>,
      } {sc.loop_unroll_factor = 8 : i64, sc.parallel_access}
      %parallel_loop3A_220 = arith.constant 0 : i32
      %parallel_loop3A_221 = arith.constant 5 : i32
      %parallel_loop3A_222 = arith.constant 1 : i32
      scf.for %parallel_loop3A_358 = %parallel_loop3A_220 to %parallel_loop3A_221 step %parallel_loop3A_222  : i32 {
        %parallel_loop3A_359 = arith.constant 16 : i32
        %parallel_loop3A_360 = arith.muli %parallel_loop3A_359, %parallel_loop3A_358 : i32
        %parallel_loop3A_361 = arith.constant 0 : i32
        %parallel_loop3A_362 = arith.addi %parallel_loop3A_361, %parallel_loop3A_360 : i32
        %parallel_loop3A_363 = arith.index_cast %parallel_loop3A_362 : i32 to index
        %parallel_loop3A_364 = tpu.vector_load %arg11[%parallel_loop3A_363] {strides = array<i32>} : memref<1296xf32, #tpu.memory_space<vmem>>, vector<16xf32>,
        %parallel_loop3A_365 = arith.constant 16 : i32
        %parallel_loop3A_366 = arith.muli %parallel_loop3A_365, %parallel_loop3A_358 : i32
        %parallel_loop3A_367 = arith.constant 81 : i32
        %parallel_loop3A_368 = arith.addi %parallel_loop3A_367, %parallel_loop3A_366 : i32
        %parallel_loop3A_369 = arith.index_cast %parallel_loop3A_368 : i32 to index
        %parallel_loop3A_370 = tpu.vector_load %arg11[%parallel_loop3A_369] {strides = array<i32>} : memref<1296xf32, #tpu.memory_space<vmem>>, vector<16xf32>,
        %parallel_loop3A_371 = arith.constant 16 : i32
        %parallel_loop3A_372 = arith.muli %parallel_loop3A_371, %parallel_loop3A_358 : i32
        %parallel_loop3A_373 = arith.constant 162 : i32
        %parallel_loop3A_374 = arith.addi %parallel_loop3A_373, %parallel_loop3A_372 : i32
        %parallel_loop3A_375 = arith.index_cast %parallel_loop3A_374 : i32 to index
        %parallel_loop3A_376 = tpu.vector_load %arg11[%parallel_loop3A_375] {strides = array<i32>} : memref<1296xf32, #tpu.memory_space<vmem>>, vector<16xf32>,
        %parallel_loop3A_377 = arith.constant 16 : i32
        %parallel_loop3A_378 = arith.muli %parallel_loop3A_377, %parallel_loop3A_358 : i32
        %parallel_loop3A_379 = arith.constant 243 : i32
        %parallel_loop3A_380 = arith.addi %parallel_loop3A_379, %parallel_loop3A_378 : i32
        %parallel_loop3A_381 = arith.index_cast %parallel_loop3A_380 : i32 to index
        %parallel_loop3A_382 = tpu.vector_load %arg11[%parallel_loop3A_381] {strides = array<i32>} : memref<1296xf32, #tpu.memory_space<vmem>>, vector<16xf32>,
        %parallel_loop3A_383 = arith.constant 16 : i32
        %parallel_loop3A_384 = arith.muli %parallel_loop3A_383, %parallel_loop3A_358 : i32
        %parallel_loop3A_385 = arith.constant 324 : i32
        %parallel_loop3A_386 = arith.addi %parallel_loop3A_385, %parallel_loop3A_384 : i32
        %parallel_loop3A_387 = arith.index_cast %parallel_loop3A_386 : i32 to index
        %parallel_loop3A_388 = tpu.vector_load %arg11[%parallel_loop3A_387] {strides = array<i32>} : memref<1296xf32, #tpu.memory_space<vmem>>, vector<16xf32>,
        %parallel_loop3A_389 = arith.constant 16 : i32
        %parallel_loop3A_390 = arith.muli %parallel_loop3A_389, %parallel_loop3A_358 : i32
        %parallel_loop3A_391 = arith.constant 405 : i32
        %parallel_loop3A_392 = arith.addi %parallel_loop3A_391, %parallel_loop3A_390 : i32
        %parallel_loop3A_393 = arith.index_cast %parallel_loop3A_392 : i32 to index
        %parallel_loop3A_394 = tpu.vector_load %arg11[%parallel_loop3A_393] {strides = array<i32>} : memref<1296xf32, #tpu.memory_space<vmem>>, vector<16xf32>,
        %parallel_loop3A_395 = arith.constant 16 : i32
        %parallel_loop3A_396 = arith.muli %parallel_loop3A_395, %parallel_loop3A_358 : i32
        %parallel_loop3A_397 = arith.constant 486 : i32
        %parallel_loop3A_398 = arith.addi %parallel_loop3A_397, %parallel_loop3A_396 : i32
        %parallel_loop3A_399 = arith.index_cast %parallel_loop3A_398 : i32 to index
        %parallel_loop3A_400 = tpu.vector_load %arg11[%parallel_loop3A_399] {strides = array<i32>} : memref<1296xf32, #tpu.memory_space<vmem>>, vector<16xf32>,
        %parallel_loop3A_401 = arith.constant 16 : i32
        %parallel_loop3A_402 = arith.muli %parallel_loop3A_401, %parallel_loop3A_358 : i32
        %parallel_loop3A_403 = arith.constant 567 : i32
        %parallel_loop3A_404 = arith.addi %parallel_loop3A_403, %parallel_loop3A_402 : i32
        %parallel_loop3A_405 = arith.index_cast %parallel_loop3A_404 : i32 to index
        %parallel_loop3A_406 = tpu.vector_load %arg11[%parallel_loop3A_405] {strides = array<i32>} : memref<1296xf32, #tpu.memory_space<vmem>>, vector<16xf32>,
        %parallel_loop3A_407 = arith.constant 16 : i32
        %parallel_loop3A_408 = arith.muli %parallel_loop3A_407, %parallel_loop3A_358 : i32
        %parallel_loop3A_409 = arith.constant 648 : i32
        %parallel_loop3A_410 = arith.addi %parallel_loop3A_409, %parallel_loop3A_408 : i32
        %parallel_loop3A_411 = arith.index_cast %parallel_loop3A_410 : i32 to index
        %parallel_loop3A_412 = tpu.vector_load %arg11[%parallel_loop3A_411] {strides = array<i32>} : memref<1296xf32, #tpu.memory_space<vmem>>, vector<16xf32>,
        %parallel_loop3A_413 = arith.constant 16 : i32
        %parallel_loop3A_414 = arith.muli %parallel_loop3A_413, %parallel_loop3A_358 : i32
        %parallel_loop3A_415 = arith.constant 729 : i32
        %parallel_loop3A_416 = arith.addi %parallel_loop3A_415, %parallel_loop3A_414 : i32
        %parallel_loop3A_417 = arith.index_cast %parallel_loop3A_416 : i32 to index
        %parallel_loop3A_418 = tpu.vector_load %arg11[%parallel_loop3A_417] {strides = array<i32>} : memref<1296xf32, #tpu.memory_space<vmem>>, vector<16xf32>,
        %parallel_loop3A_419 = arith.constant 16 : i32
        %parallel_loop3A_420 = arith.muli %parallel_loop3A_419, %parallel_loop3A_358 : i32
        %parallel_loop3A_421 = arith.constant 810 : i32
        %parallel_loop3A_422 = arith.addi %parallel_loop3A_421, %parallel_loop3A_420 : i32
        %parallel_loop3A_423 = arith.index_cast %parallel_loop3A_422 : i32 to index
        %parallel_loop3A_424 = tpu.vector_load %arg11[%parallel_loop3A_423] {strides = array<i32>} : memref<1296xf32, #tpu.memory_space<vmem>>, vector<16xf32>,
        %parallel_loop3A_425 = arith.constant 16 : i32
        %parallel_loop3A_426 = arith.muli %parallel_loop3A_425, %parallel_loop3A_358 : i32
        %parallel_loop3A_427 = arith.constant 891 : i32
        %parallel_loop3A_428 = arith.addi %parallel_loop3A_427, %parallel_loop3A_426 : i32
        %parallel_loop3A_429 = arith.index_cast %parallel_loop3A_428 : i32 to index
        %parallel_loop3A_430 = tpu.vector_load %arg11[%parallel_loop3A_429] {strides = array<i32>} : memref<1296xf32, #tpu.memory_space<vmem>>, vector<16xf32>,
        %parallel_loop3A_431 = arith.constant 16 : i32
        %parallel_loop3A_432 = arith.muli %parallel_loop3A_431, %parallel_loop3A_358 : i32
        %parallel_loop3A_433 = arith.constant 972 : i32
        %parallel_loop3A_434 = arith.addi %parallel_loop3A_433, %parallel_loop3A_432 : i32
        %parallel_loop3A_435 = arith.index_cast %parallel_loop3A_434 : i32 to index
        %parallel_loop3A_436 = tpu.vector_load %arg11[%parallel_loop3A_435] {strides = array<i32>} : memref<1296xf32, #tpu.memory_space<vmem>>, vector<16xf32>,
        %parallel_loop3A_437 = arith.constant 16 : i32
        %parallel_loop3A_438 = arith.muli %parallel_loop3A_437, %parallel_loop3A_358 : i32
        %parallel_loop3A_439 = arith.constant 1053 : i32
        %parallel_loop3A_440 = arith.addi %parallel_loop3A_439, %parallel_loop3A_438 : i32
        %parallel_loop3A_441 = arith.index_cast %parallel_loop3A_440 : i32 to index
        %parallel_loop3A_442 = tpu.vector_load %arg11[%parallel_loop3A_441] {strides = array<i32>} : memref<1296xf32, #tpu.memory_space<vmem>>, vector<16xf32>,
        %parallel_loop3A_443 = arith.constant 16 : i32
        %parallel_loop3A_444 = arith.muli %parallel_loop3A_443, %parallel_loop3A_358 : i32
        %parallel_loop3A_445 = arith.constant 1134 : i32
        %parallel_loop3A_446 = arith.addi %parallel_loop3A_445, %parallel_loop3A_444 : i32
        %parallel_loop3A_447 = arith.index_cast %parallel_loop3A_446 : i32 to index
        %parallel_loop3A_448 = tpu.vector_load %arg11[%parallel_loop3A_447] {strides = array<i32>} : memref<1296xf32, #tpu.memory_space<vmem>>, vector<16xf32>,
        %parallel_loop3A_449 = arith.constant 16 : i32
        %parallel_loop3A_450 = arith.muli %parallel_loop3A_449, %parallel_loop3A_358 : i32
        %parallel_loop3A_451 = arith.constant 1215 : i32
        %parallel_loop3A_452 = arith.addi %parallel_loop3A_451, %parallel_loop3A_450 : i32
        %parallel_loop3A_453 = arith.index_cast %parallel_loop3A_452 : i32 to index
        %parallel_loop3A_454 = tpu.vector_load %arg11[%parallel_loop3A_453] {strides = array<i32>} : memref<1296xf32, #tpu.memory_space<vmem>>, vector<16xf32>,
        %parallel_loop3A_455 = arith.addf %parallel_loop3A_364, %parallel_loop3A_370 : vector<16xf32>
        %parallel_loop3A_456 = arith.addf %parallel_loop3A_376, %parallel_loop3A_382 : vector<16xf32>
        %parallel_loop3A_457 = arith.addf %parallel_loop3A_388, %parallel_loop3A_394 : vector<16xf32>
        %parallel_loop3A_458 = arith.addf %parallel_loop3A_400, %parallel_loop3A_406 : vector<16xf32>
        %parallel_loop3A_459 = arith.addf %parallel_loop3A_412, %parallel_loop3A_418 : vector<16xf32>
        %parallel_loop3A_460 = arith.addf %parallel_loop3A_424, %parallel_loop3A_430 : vector<16xf32>
        %parallel_loop3A_461 = arith.addf %parallel_loop3A_436, %parallel_loop3A_442 : vector<16xf32>
        %parallel_loop3A_462 = arith.addf %parallel_loop3A_448, %parallel_loop3A_454 : vector<16xf32>
        %parallel_loop3A_463 = arith.addf %parallel_loop3A_455, %parallel_loop3A_456 : vector<16xf32>
        %parallel_loop3A_464 = arith.addf %parallel_loop3A_457, %parallel_loop3A_458 : vector<16xf32>
        %parallel_loop3A_465 = arith.addf %parallel_loop3A_459, %parallel_loop3A_460 : vector<16xf32>
        %parallel_loop3A_466 = arith.addf %parallel_loop3A_461, %parallel_loop3A_462 : vector<16xf32>
        %parallel_loop3A_467 = arith.addf %parallel_loop3A_463, %parallel_loop3A_464 : vector<16xf32>
        %parallel_loop3A_468 = arith.addf %parallel_loop3A_465, %parallel_loop3A_466 : vector<16xf32>
        %parallel_loop3A_469 = arith.addf %parallel_loop3A_467, %parallel_loop3A_468 : vector<16xf32>
        %parallel_loop3A_470 = arith.constant 80 : i32
        %parallel_loop3A_471 = arith.muli %add3A_214, %parallel_loop3A_470 : i32
        %parallel_loop3A_472 = arith.constant 16 : i32
        %parallel_loop3A_473 = arith.muli %parallel_loop3A_472, %parallel_loop3A_358 : i32
        %parallel_loop3A_474 = arith.addi %parallel_loop3A_471, %parallel_loop3A_473 : i32
        %parallel_loop3A_475 = arith.index_cast %parallel_loop3A_474 : i32 to index
        %parallel_loop3A_476 = tpu.vector_load %arg10[%parallel_loop3A_475] {strides = array<i32>} : memref<10000xf32, #tpu.memory_space<vmem>>, vector<16xf32>,
        tpu.vector_store %arg10[%parallel_loop3A_475], %parallel_loop3A_469 {strides = array<i32>} : memref<10000xf32, #tpu.memory_space<vmem>>, vector<16xf32>,
      } {sc.loop_unroll_factor = 5 : i64, sc.parallel_access}
      %add3A_223 = arith.constant 0 : i32
      %add3A_224 = arith.addi %mul3A_188, %add3A_223 : i32
      %add3A_225 = arith.constant 4 : i32
      %add3A_226 = arith.addi %add3A_224, %add3A_225 : i32
      %lt3A = arith.constant 125 : i32
      %lt3A_227 = arith.cmpi slt, %add3A_226, %lt3A : i32
      %convert_element_type3A = arith.extui %lt3A_227 : i1 to i32
      %cond3A = arith.constant 0 : i32
      %cond3A_228 = arith.cmpi ne, %convert_element_type3A, %cond3A : i32
      scf.if %cond3A_228 {
        %add3A_358 = arith.constant 0 : i32
        %add3A_359 = arith.addi %mul3A_188, %add3A_358 : i32
        %add3A_360 = arith.constant 4 : i32
        %add3A_361 = arith.addi %add3A_359, %add3A_360 : i32
        %dma_start3A_362 = arith.constant 0 : i32
        %dma_start3A_363 = arith.constant 0 : i32
        %dma_start3A_364 = arith.constant 0 : i32
        %dma_start3A_365 = tpu.memref_slice %arg8[%dma_start3A_362, %dma_start3A_363, %dma_start3A_364] : memref<4x80x64xi32, #tpu.memory_space<vmem>> -> memref<1x80x64xi32, #tpu.memory_space<vmem>>
        %dma_start3A_366 = tpu.memref_squeeze %dma_start3A_365 : memref<1x80x64xi32, #tpu.memory_space<vmem>> -> memref<80x64xi32, #tpu.memory_space<vmem>>
        %dma_start3A_367 = arith.constant 0 : i32
        %dma_start3A_368 = tpu.memref_slice %arg6[%add3A_361, %dma_start3A_367] : memref<125x80xi32, #tpu.memory_space<vmem>> -> memref<1x80xi32, #tpu.memory_space<vmem>>
        %dma_start3A_369 = tpu.memref_squeeze %dma_start3A_368 : memref<1x80xi32, #tpu.memory_space<vmem>> -> memref<80xi32, #tpu.memory_space<vmem>>
        %dma_start3A_370 = arith.constant 0 : i32
        %dma_start3A_371 = arith.constant 0 : i32
        %dma_start3A_372 = tpu.memref_slice %arg13[%dma_start3A_370, %dma_start3A_371] : memref<10000x64xi32, #tpu.memory_space<vmem_shared>> -> memref<10000x64xi32, #tpu.memory_space<vmem_shared>>
        tpu.enqueue_indirect_dma source(%dma_start3A_372 : memref<10000x64xi32, #tpu.memory_space<vmem_shared>>) target(%dma_start3A_366 : memref<80x64xi32, #tpu.memory_space<vmem>>) offsets(%dma_start3A_369 : memref<80xi32, #tpu.memory_space<vmem>>) semaphore(%arg14 : memref<!tpu.dma_semaphore, #tpu.memory_space<semaphore_mem>>)
        %dma_start3A_373 = arith.constant 0 : i32
        %dma_start3A_374 = arith.constant 0 : i32
        %dma_start3A_375 = arith.constant 0 : i32
        %dma_start3A_376 = tpu.memref_slice %arg9[%dma_start3A_373, %dma_start3A_374, %dma_start3A_375] : memref<4x80x64xi32, #tpu.memory_space<vmem>> -> memref<1x80x64xi32, #tpu.memory_space<vmem>>
        %dma_start3A_377 = tpu.memref_squeeze %dma_start3A_376 : memref<1x80x64xi32, #tpu.memory_space<vmem>> -> memref<80x64xi32, #tpu.memory_space<vmem>>
        %dma_start3A_378 = arith.constant 0 : i32
        %dma_start3A_379 = tpu.memref_slice %arg7[%add3A_361, %dma_start3A_378] : memref<125x80xi32, #tpu.memory_space<vmem>> -> memref<1x80xi32, #tpu.memory_space<vmem>>
        %dma_start3A_380 = tpu.memref_squeeze %dma_start3A_379 : memref<1x80xi32, #tpu.memory_space<vmem>> -> memref<80xi32, #tpu.memory_space<vmem>>
        %dma_start3A_381 = arith.constant 0 : i32
        %dma_start3A_382 = arith.constant 0 : i32
        %dma_start3A_383 = tpu.memref_slice %arg13[%dma_start3A_381, %dma_start3A_382] : memref<10000x64xi32, #tpu.memory_space<vmem_shared>> -> memref<10000x64xi32, #tpu.memory_space<vmem_shared>>
        tpu.enqueue_indirect_dma source(%dma_start3A_383 : memref<10000x64xi32, #tpu.memory_space<vmem_shared>>) target(%dma_start3A_377 : memref<80x64xi32, #tpu.memory_space<vmem>>) offsets(%dma_start3A_380 : memref<80xi32, #tpu.memory_space<vmem>>) semaphore(%arg15 : memref<!tpu.dma_semaphore, #tpu.memory_space<semaphore_mem>>)
      } else {
      }
      %add3A_229 = arith.constant 1 : i32
      %add3A_230 = arith.addi %mul3A_188, %add3A_229 : i32
      %dma_wait3A_231 = arith.constant 1 : i32
      %dma_wait3A_232 = arith.constant 0 : i32
      %dma_wait3A_233 = arith.constant 0 : i32
      %dma_wait3A_234 = tpu.memref_slice %arg8[%dma_wait3A_231, %dma_wait3A_232, %dma_wait3A_233] : memref<4x80x64xi32, #tpu.memory_space<vmem>> -> memref<1x80x64xi32, #tpu.memory_space<vmem>>
      %dma_wait3A_235 = tpu.memref_squeeze %dma_wait3A_234 : memref<1x80x64xi32, #tpu.memory_space<vmem>> -> memref<80x64xi32, #tpu.memory_space<vmem>>
      %dma_wait3A_236 = arith.constant 0 : i32
      %dma_wait3A_237 = tpu.memref_slice %arg6[%add3A_230, %dma_wait3A_236] : memref<125x80xi32, #tpu.memory_space<vmem>> -> memref<1x80xi32, #tpu.memory_space<vmem>>
      %dma_wait3A_238 = tpu.memref_squeeze %dma_wait3A_237 : memref<1x80xi32, #tpu.memory_space<vmem>> -> memref<80xi32, #tpu.memory_space<vmem>>
      %dma_wait3A_239 = arith.constant 0 : i32
      %dma_wait3A_240 = arith.constant 0 : i32
      %dma_wait3A_241 = tpu.memref_slice %arg13[%dma_wait3A_239, %dma_wait3A_240] : memref<10000x64xi32, #tpu.memory_space<vmem_shared>> -> memref<10000x64xi32, #tpu.memory_space<vmem_shared>>
      tpu.wait_indirect_dma semaphore(%arg16 : memref<!tpu.dma_semaphore, #tpu.memory_space<semaphore_mem>>) src(%dma_wait3A_241 : memref<10000x64xi32, #tpu.memory_space<vmem_shared>>) dst(%dma_wait3A_235 : memref<80x64xi32, #tpu.memory_space<vmem>>)
      %dma_wait3A_242 = arith.constant 1 : i32
      %dma_wait3A_243 = arith.constant 0 : i32
      %dma_wait3A_244 = arith.constant 0 : i32
      %dma_wait3A_245 = tpu.memref_slice %arg9[%dma_wait3A_242, %dma_wait3A_243, %dma_wait3A_244] : memref<4x80x64xi32, #tpu.memory_space<vmem>> -> memref<1x80x64xi32, #tpu.memory_space<vmem>>
      %dma_wait3A_246 = tpu.memref_squeeze %dma_wait3A_245 : memref<1x80x64xi32, #tpu.memory_space<vmem>> -> memref<80x64xi32, #tpu.memory_space<vmem>>
      %dma_wait3A_247 = arith.constant 0 : i32
      %dma_wait3A_248 = tpu.memref_slice %arg7[%add3A_230, %dma_wait3A_247] : memref<125x80xi32, #tpu.memory_space<vmem>> -> memref<1x80xi32, #tpu.memory_space<vmem>>
      %dma_wait3A_249 = tpu.memref_squeeze %dma_wait3A_248 : memref<1x80xi32, #tpu.memory_space<vmem>> -> memref<80xi32, #tpu.memory_space<vmem>>
      %dma_wait3A_250 = arith.constant 0 : i32
      %dma_wait3A_251 = arith.constant 0 : i32
      %dma_wait3A_252 = tpu.memref_slice %arg13[%dma_wait3A_250, %dma_wait3A_251] : memref<10000x64xi32, #tpu.memory_space<vmem_shared>> -> memref<10000x64xi32, #tpu.memory_space<vmem_shared>>
      tpu.wait_indirect_dma semaphore(%arg17 : memref<!tpu.dma_semaphore, #tpu.memory_space<semaphore_mem>>) src(%dma_wait3A_252 : memref<10000x64xi32, #tpu.memory_space<vmem_shared>>) dst(%dma_wait3A_246 : memref<80x64xi32, #tpu.memory_space<vmem>>)
      %add3A_253 = arith.constant 1 : i32
      %add3A_254 = arith.addi %mul3A_188, %add3A_253 : i32
      %parallel_loop3A_255 = arith.constant 0 : i32
      %parallel_loop3A_256 = arith.constant 80 : i32
      %parallel_loop3A_257 = arith.constant 1 : i32
      %parallel_loop3A_258 = arith.constant 1 : i32
      %parallel_loop3A_259 = arith.constant 1 : i32
      scf.for %parallel_loop3A_358 = %parallel_loop3A_255 to %parallel_loop3A_256 step %parallel_loop3A_257  : i32 {
        %parallel_loop3A_359 = arith.constant 0 : i32
        %parallel_loop3A_360 = arith.constant 0 : i32
        %parallel_loop3A_361 = tpu.memref_slice %arg8[%parallel_loop3A_258, %parallel_loop3A_359, %parallel_loop3A_360] : memref<4x80x64xi32, #tpu.memory_space<vmem>> -> memref<1x80x64xi32, #tpu.memory_space<vmem>>
        %parallel_loop3A_362 = tpu.memref_squeeze %parallel_loop3A_361 : memref<1x80x64xi32, #tpu.memory_space<vmem>> -> memref<80x64xi32, #tpu.memory_space<vmem>>
        %parallel_loop3A_363 = arith.index_cast %parallel_loop3A_358 : i32 to index
        %parallel_loop3A_364 = arith.constant 0 : index
        %parallel_loop3A_365 = tpu.vector_load %parallel_loop3A_362[%parallel_loop3A_363, %parallel_loop3A_364] {strides = array<i32>} : memref<80x64xi32, #tpu.memory_space<vmem>>, vector<16xi32>,
        %parallel_loop3A_366 = vector.bitcast %parallel_loop3A_365 : vector<16xi32> to vector<32xbf16>
        %parallel_loop3A_367 = arith.constant 0 : i32
        %parallel_loop3A_368 = arith.constant 0 : i32
        %parallel_loop3A_369 = tpu.memref_slice %arg9[%parallel_loop3A_259, %parallel_loop3A_367, %parallel_loop3A_368] : memref<4x80x64xi32, #tpu.memory_space<vmem>> -> memref<1x80x64xi32, #tpu.memory_space<vmem>>
        %parallel_loop3A_370 = tpu.memref_squeeze %parallel_loop3A_369 : memref<1x80x64xi32, #tpu.memory_space<vmem>> -> memref<80x64xi32, #tpu.memory_space<vmem>>
        %parallel_loop3A_371 = arith.index_cast %parallel_loop3A_358 : i32 to index
        %parallel_loop3A_372 = arith.constant 0 : index
        %parallel_loop3A_373 = tpu.vector_load %parallel_loop3A_370[%parallel_loop3A_371, %parallel_loop3A_372] {strides = array<i32>} : memref<80x64xi32, #tpu.memory_space<vmem>>, vector<16xi32>,
        %parallel_loop3A_374 = vector.bitcast %parallel_loop3A_373 : vector<16xi32> to vector<32xbf16>
        %parallel_loop3A_375 = arith.subf %parallel_loop3A_366, %parallel_loop3A_374 : vector<32xbf16>
        %parallel_loop3A_376 = arith.mulf %parallel_loop3A_375, %parallel_loop3A_375 : vector<32xbf16>
        %parallel_loop3A_377 = arith.constant 0 : i32
        %parallel_loop3A_378 = arith.constant 0 : i32
        %parallel_loop3A_379 = tpu.memref_slice %arg8[%parallel_loop3A_258, %parallel_loop3A_377, %parallel_loop3A_378] : memref<4x80x64xi32, #tpu.memory_space<vmem>> -> memref<1x80x64xi32, #tpu.memory_space<vmem>>
        %parallel_loop3A_380 = tpu.memref_squeeze %parallel_loop3A_379 : memref<1x80x64xi32, #tpu.memory_space<vmem>> -> memref<80x64xi32, #tpu.memory_space<vmem>>
        %parallel_loop3A_381 = arith.index_cast %parallel_loop3A_358 : i32 to index
        %parallel_loop3A_382 = arith.constant 16 : index
        %parallel_loop3A_383 = tpu.vector_load %parallel_loop3A_380[%parallel_loop3A_381, %parallel_loop3A_382] {strides = array<i32>} : memref<80x64xi32, #tpu.memory_space<vmem>>, vector<16xi32>,
        %parallel_loop3A_384 = vector.bitcast %parallel_loop3A_383 : vector<16xi32> to vector<32xbf16>
        %parallel_loop3A_385 = arith.constant 0 : i32
        %parallel_loop3A_386 = arith.constant 0 : i32
        %parallel_loop3A_387 = tpu.memref_slice %arg9[%parallel_loop3A_259, %parallel_loop3A_385, %parallel_loop3A_386] : memref<4x80x64xi32, #tpu.memory_space<vmem>> -> memref<1x80x64xi32, #tpu.memory_space<vmem>>
        %parallel_loop3A_388 = tpu.memref_squeeze %parallel_loop3A_387 : memref<1x80x64xi32, #tpu.memory_space<vmem>> -> memref<80x64xi32, #tpu.memory_space<vmem>>
        %parallel_loop3A_389 = arith.index_cast %parallel_loop3A_358 : i32 to index
        %parallel_loop3A_390 = arith.constant 16 : index
        %parallel_loop3A_391 = tpu.vector_load %parallel_loop3A_388[%parallel_loop3A_389, %parallel_loop3A_390] {strides = array<i32>} : memref<80x64xi32, #tpu.memory_space<vmem>>, vector<16xi32>,
        %parallel_loop3A_392 = vector.bitcast %parallel_loop3A_391 : vector<16xi32> to vector<32xbf16>
        %parallel_loop3A_393 = arith.subf %parallel_loop3A_384, %parallel_loop3A_392 : vector<32xbf16>
        %parallel_loop3A_394 = arith.mulf %parallel_loop3A_393, %parallel_loop3A_393 : vector<32xbf16>
        %parallel_loop3A_395 = arith.constant 0 : i32
        %parallel_loop3A_396 = arith.constant 0 : i32
        %parallel_loop3A_397 = tpu.memref_slice %arg8[%parallel_loop3A_258, %parallel_loop3A_395, %parallel_loop3A_396] : memref<4x80x64xi32, #tpu.memory_space<vmem>> -> memref<1x80x64xi32, #tpu.memory_space<vmem>>
        %parallel_loop3A_398 = tpu.memref_squeeze %parallel_loop3A_397 : memref<1x80x64xi32, #tpu.memory_space<vmem>> -> memref<80x64xi32, #tpu.memory_space<vmem>>
        %parallel_loop3A_399 = arith.index_cast %parallel_loop3A_358 : i32 to index
        %parallel_loop3A_400 = arith.constant 32 : index
        %parallel_loop3A_401 = tpu.vector_load %parallel_loop3A_398[%parallel_loop3A_399, %parallel_loop3A_400] {strides = array<i32>} : memref<80x64xi32, #tpu.memory_space<vmem>>, vector<16xi32>,
        %parallel_loop3A_402 = vector.bitcast %parallel_loop3A_401 : vector<16xi32> to vector<32xbf16>
        %parallel_loop3A_403 = arith.constant 0 : i32
        %parallel_loop3A_404 = arith.constant 0 : i32
        %parallel_loop3A_405 = tpu.memref_slice %arg9[%parallel_loop3A_259, %parallel_loop3A_403, %parallel_loop3A_404] : memref<4x80x64xi32, #tpu.memory_space<vmem>> -> memref<1x80x64xi32, #tpu.memory_space<vmem>>
        %parallel_loop3A_406 = tpu.memref_squeeze %parallel_loop3A_405 : memref<1x80x64xi32, #tpu.memory_space<vmem>> -> memref<80x64xi32, #tpu.memory_space<vmem>>
        %parallel_loop3A_407 = arith.index_cast %parallel_loop3A_358 : i32 to index
        %parallel_loop3A_408 = arith.constant 32 : index
        %parallel_loop3A_409 = tpu.vector_load %parallel_loop3A_406[%parallel_loop3A_407, %parallel_loop3A_408] {strides = array<i32>} : memref<80x64xi32, #tpu.memory_space<vmem>>, vector<16xi32>,
        %parallel_loop3A_410 = vector.bitcast %parallel_loop3A_409 : vector<16xi32> to vector<32xbf16>
        %parallel_loop3A_411 = arith.subf %parallel_loop3A_402, %parallel_loop3A_410 : vector<32xbf16>
        %parallel_loop3A_412 = arith.mulf %parallel_loop3A_411, %parallel_loop3A_411 : vector<32xbf16>
        %parallel_loop3A_413 = arith.constant 0 : i32
        %parallel_loop3A_414 = arith.constant 0 : i32
        %parallel_loop3A_415 = tpu.memref_slice %arg8[%parallel_loop3A_258, %parallel_loop3A_413, %parallel_loop3A_414] : memref<4x80x64xi32, #tpu.memory_space<vmem>> -> memref<1x80x64xi32, #tpu.memory_space<vmem>>
        %parallel_loop3A_416 = tpu.memref_squeeze %parallel_loop3A_415 : memref<1x80x64xi32, #tpu.memory_space<vmem>> -> memref<80x64xi32, #tpu.memory_space<vmem>>
        %parallel_loop3A_417 = arith.index_cast %parallel_loop3A_358 : i32 to index
        %parallel_loop3A_418 = arith.constant 48 : index
        %parallel_loop3A_419 = tpu.vector_load %parallel_loop3A_416[%parallel_loop3A_417, %parallel_loop3A_418] {strides = array<i32>} : memref<80x64xi32, #tpu.memory_space<vmem>>, vector<16xi32>,
        %parallel_loop3A_420 = vector.bitcast %parallel_loop3A_419 : vector<16xi32> to vector<32xbf16>
        %parallel_loop3A_421 = arith.constant 0 : i32
        %parallel_loop3A_422 = arith.constant 0 : i32
        %parallel_loop3A_423 = tpu.memref_slice %arg9[%parallel_loop3A_259, %parallel_loop3A_421, %parallel_loop3A_422] : memref<4x80x64xi32, #tpu.memory_space<vmem>> -> memref<1x80x64xi32, #tpu.memory_space<vmem>>
        %parallel_loop3A_424 = tpu.memref_squeeze %parallel_loop3A_423 : memref<1x80x64xi32, #tpu.memory_space<vmem>> -> memref<80x64xi32, #tpu.memory_space<vmem>>
        %parallel_loop3A_425 = arith.index_cast %parallel_loop3A_358 : i32 to index
        %parallel_loop3A_426 = arith.constant 48 : index
        %parallel_loop3A_427 = tpu.vector_load %parallel_loop3A_424[%parallel_loop3A_425, %parallel_loop3A_426] {strides = array<i32>} : memref<80x64xi32, #tpu.memory_space<vmem>>, vector<16xi32>,
        %parallel_loop3A_428 = vector.bitcast %parallel_loop3A_427 : vector<16xi32> to vector<32xbf16>
        %parallel_loop3A_429 = arith.subf %parallel_loop3A_420, %parallel_loop3A_428 : vector<32xbf16>
        %parallel_loop3A_430 = arith.mulf %parallel_loop3A_429, %parallel_loop3A_429 : vector<32xbf16>
        %parallel_loop3A_431 = arith.addf %parallel_loop3A_376, %parallel_loop3A_394 : vector<32xbf16>
        %parallel_loop3A_432 = arith.addf %parallel_loop3A_412, %parallel_loop3A_430 : vector<32xbf16>
        %parallel_loop3A_433 = arith.addf %parallel_loop3A_431, %parallel_loop3A_432 : vector<32xbf16>
        %parallel_loop3A_434 = tpu.unpack_subelements %parallel_loop3A_433, 0 {pack_format = #tpu.pack_format<interleaved>} : vector<32xbf16> -> vector<16xf32>
        %parallel_loop3A_435 = tpu.unpack_subelements %parallel_loop3A_433, 1 {pack_format = #tpu.pack_format<interleaved>} : vector<32xbf16> -> vector<16xf32>
        %parallel_loop3A_436 = vector.broadcast %parallel_loop3A_358 : i32 to vector<16xi32>
        %parallel_loop3A_437 = arith.addi %mul3A_50, %parallel_loop3A_436 : vector<16xi32>
        %parallel_loop3A_438 = arith.addf %parallel_loop3A_434, %parallel_loop3A_435 : vector<16xf32>
        tpu.vector_store_idx %arg11[%parallel_loop3A_437], %parallel_loop3A_438 : memref<1296xf32, #tpu.memory_space<vmem>>[vector<16xi32>], vector<16xf32>,
      } {sc.loop_unroll_factor = 8 : i64, sc.parallel_access}
      %parallel_loop3A_260 = arith.constant 0 : i32
      %parallel_loop3A_261 = arith.constant 5 : i32
      %parallel_loop3A_262 = arith.constant 1 : i32
      scf.for %parallel_loop3A_358 = %parallel_loop3A_260 to %parallel_loop3A_261 step %parallel_loop3A_262  : i32 {
        %parallel_loop3A_359 = arith.constant 16 : i32
        %parallel_loop3A_360 = arith.muli %parallel_loop3A_359, %parallel_loop3A_358 : i32
        %parallel_loop3A_361 = arith.constant 0 : i32
        %parallel_loop3A_362 = arith.addi %parallel_loop3A_361, %parallel_loop3A_360 : i32
        %parallel_loop3A_363 = arith.index_cast %parallel_loop3A_362 : i32 to index
        %parallel_loop3A_364 = tpu.vector_load %arg11[%parallel_loop3A_363] {strides = array<i32>} : memref<1296xf32, #tpu.memory_space<vmem>>, vector<16xf32>,
        %parallel_loop3A_365 = arith.constant 16 : i32
        %parallel_loop3A_366 = arith.muli %parallel_loop3A_365, %parallel_loop3A_358 : i32
        %parallel_loop3A_367 = arith.constant 81 : i32
        %parallel_loop3A_368 = arith.addi %parallel_loop3A_367, %parallel_loop3A_366 : i32
        %parallel_loop3A_369 = arith.index_cast %parallel_loop3A_368 : i32 to index
        %parallel_loop3A_370 = tpu.vector_load %arg11[%parallel_loop3A_369] {strides = array<i32>} : memref<1296xf32, #tpu.memory_space<vmem>>, vector<16xf32>,
        %parallel_loop3A_371 = arith.constant 16 : i32
        %parallel_loop3A_372 = arith.muli %parallel_loop3A_371, %parallel_loop3A_358 : i32
        %parallel_loop3A_373 = arith.constant 162 : i32
        %parallel_loop3A_374 = arith.addi %parallel_loop3A_373, %parallel_loop3A_372 : i32
        %parallel_loop3A_375 = arith.index_cast %parallel_loop3A_374 : i32 to index
        %parallel_loop3A_376 = tpu.vector_load %arg11[%parallel_loop3A_375] {strides = array<i32>} : memref<1296xf32, #tpu.memory_space<vmem>>, vector<16xf32>,
        %parallel_loop3A_377 = arith.constant 16 : i32
        %parallel_loop3A_378 = arith.muli %parallel_loop3A_377, %parallel_loop3A_358 : i32
        %parallel_loop3A_379 = arith.constant 243 : i32
        %parallel_loop3A_380 = arith.addi %parallel_loop3A_379, %parallel_loop3A_378 : i32
        %parallel_loop3A_381 = arith.index_cast %parallel_loop3A_380 : i32 to index
        %parallel_loop3A_382 = tpu.vector_load %arg11[%parallel_loop3A_381] {strides = array<i32>} : memref<1296xf32, #tpu.memory_space<vmem>>, vector<16xf32>,
        %parallel_loop3A_383 = arith.constant 16 : i32
        %parallel_loop3A_384 = arith.muli %parallel_loop3A_383, %parallel_loop3A_358 : i32
        %parallel_loop3A_385 = arith.constant 324 : i32
        %parallel_loop3A_386 = arith.addi %parallel_loop3A_385, %parallel_loop3A_384 : i32
        %parallel_loop3A_387 = arith.index_cast %parallel_loop3A_386 : i32 to index
        %parallel_loop3A_388 = tpu.vector_load %arg11[%parallel_loop3A_387] {strides = array<i32>} : memref<1296xf32, #tpu.memory_space<vmem>>, vector<16xf32>,
        %parallel_loop3A_389 = arith.constant 16 : i32
        %parallel_loop3A_390 = arith.muli %parallel_loop3A_389, %parallel_loop3A_358 : i32
        %parallel_loop3A_391 = arith.constant 405 : i32
        %parallel_loop3A_392 = arith.addi %parallel_loop3A_391, %parallel_loop3A_390 : i32
        %parallel_loop3A_393 = arith.index_cast %parallel_loop3A_392 : i32 to index
        %parallel_loop3A_394 = tpu.vector_load %arg11[%parallel_loop3A_393] {strides = array<i32>} : memref<1296xf32, #tpu.memory_space<vmem>>, vector<16xf32>,
        %parallel_loop3A_395 = arith.constant 16 : i32
        %parallel_loop3A_396 = arith.muli %parallel_loop3A_395, %parallel_loop3A_358 : i32
        %parallel_loop3A_397 = arith.constant 486 : i32
        %parallel_loop3A_398 = arith.addi %parallel_loop3A_397, %parallel_loop3A_396 : i32
        %parallel_loop3A_399 = arith.index_cast %parallel_loop3A_398 : i32 to index
        %parallel_loop3A_400 = tpu.vector_load %arg11[%parallel_loop3A_399] {strides = array<i32>} : memref<1296xf32, #tpu.memory_space<vmem>>, vector<16xf32>,
        %parallel_loop3A_401 = arith.constant 16 : i32
        %parallel_loop3A_402 = arith.muli %parallel_loop3A_401, %parallel_loop3A_358 : i32
        %parallel_loop3A_403 = arith.constant 567 : i32
        %parallel_loop3A_404 = arith.addi %parallel_loop3A_403, %parallel_loop3A_402 : i32
        %parallel_loop3A_405 = arith.index_cast %parallel_loop3A_404 : i32 to index
        %parallel_loop3A_406 = tpu.vector_load %arg11[%parallel_loop3A_405] {strides = array<i32>} : memref<1296xf32, #tpu.memory_space<vmem>>, vector<16xf32>,
        %parallel_loop3A_407 = arith.constant 16 : i32
        %parallel_loop3A_408 = arith.muli %parallel_loop3A_407, %parallel_loop3A_358 : i32
        %parallel_loop3A_409 = arith.constant 648 : i32
        %parallel_loop3A_410 = arith.addi %parallel_loop3A_409, %parallel_loop3A_408 : i32
        %parallel_loop3A_411 = arith.index_cast %parallel_loop3A_410 : i32 to index
        %parallel_loop3A_412 = tpu.vector_load %arg11[%parallel_loop3A_411] {strides = array<i32>} : memref<1296xf32, #tpu.memory_space<vmem>>, vector<16xf32>,
        %parallel_loop3A_413 = arith.constant 16 : i32
        %parallel_loop3A_414 = arith.muli %parallel_loop3A_413, %parallel_loop3A_358 : i32
        %parallel_loop3A_415 = arith.constant 729 : i32
        %parallel_loop3A_416 = arith.addi %parallel_loop3A_415, %parallel_loop3A_414 : i32
        %parallel_loop3A_417 = arith.index_cast %parallel_loop3A_416 : i32 to index
        %parallel_loop3A_418 = tpu.vector_load %arg11[%parallel_loop3A_417] {strides = array<i32>} : memref<1296xf32, #tpu.memory_space<vmem>>, vector<16xf32>,
        %parallel_loop3A_419 = arith.constant 16 : i32
        %parallel_loop3A_420 = arith.muli %parallel_loop3A_419, %parallel_loop3A_358 : i32
        %parallel_loop3A_421 = arith.constant 810 : i32
        %parallel_loop3A_422 = arith.addi %parallel_loop3A_421, %parallel_loop3A_420 : i32
        %parallel_loop3A_423 = arith.index_cast %parallel_loop3A_422 : i32 to index
        %parallel_loop3A_424 = tpu.vector_load %arg11[%parallel_loop3A_423] {strides = array<i32>} : memref<1296xf32, #tpu.memory_space<vmem>>, vector<16xf32>,
        %parallel_loop3A_425 = arith.constant 16 : i32
        %parallel_loop3A_426 = arith.muli %parallel_loop3A_425, %parallel_loop3A_358 : i32
        %parallel_loop3A_427 = arith.constant 891 : i32
        %parallel_loop3A_428 = arith.addi %parallel_loop3A_427, %parallel_loop3A_426 : i32
        %parallel_loop3A_429 = arith.index_cast %parallel_loop3A_428 : i32 to index
        %parallel_loop3A_430 = tpu.vector_load %arg11[%parallel_loop3A_429] {strides = array<i32>} : memref<1296xf32, #tpu.memory_space<vmem>>, vector<16xf32>,
        %parallel_loop3A_431 = arith.constant 16 : i32
        %parallel_loop3A_432 = arith.muli %parallel_loop3A_431, %parallel_loop3A_358 : i32
        %parallel_loop3A_433 = arith.constant 972 : i32
        %parallel_loop3A_434 = arith.addi %parallel_loop3A_433, %parallel_loop3A_432 : i32
        %parallel_loop3A_435 = arith.index_cast %parallel_loop3A_434 : i32 to index
        %parallel_loop3A_436 = tpu.vector_load %arg11[%parallel_loop3A_435] {strides = array<i32>} : memref<1296xf32, #tpu.memory_space<vmem>>, vector<16xf32>,
        %parallel_loop3A_437 = arith.constant 16 : i32
        %parallel_loop3A_438 = arith.muli %parallel_loop3A_437, %parallel_loop3A_358 : i32
        %parallel_loop3A_439 = arith.constant 1053 : i32
        %parallel_loop3A_440 = arith.addi %parallel_loop3A_439, %parallel_loop3A_438 : i32
        %parallel_loop3A_441 = arith.index_cast %parallel_loop3A_440 : i32 to index
        %parallel_loop3A_442 = tpu.vector_load %arg11[%parallel_loop3A_441] {strides = array<i32>} : memref<1296xf32, #tpu.memory_space<vmem>>, vector<16xf32>,
        %parallel_loop3A_443 = arith.constant 16 : i32
        %parallel_loop3A_444 = arith.muli %parallel_loop3A_443, %parallel_loop3A_358 : i32
        %parallel_loop3A_445 = arith.constant 1134 : i32
        %parallel_loop3A_446 = arith.addi %parallel_loop3A_445, %parallel_loop3A_444 : i32
        %parallel_loop3A_447 = arith.index_cast %parallel_loop3A_446 : i32 to index
        %parallel_loop3A_448 = tpu.vector_load %arg11[%parallel_loop3A_447] {strides = array<i32>} : memref<1296xf32, #tpu.memory_space<vmem>>, vector<16xf32>,
        %parallel_loop3A_449 = arith.constant 16 : i32
        %parallel_loop3A_450 = arith.muli %parallel_loop3A_449, %parallel_loop3A_358 : i32
        %parallel_loop3A_451 = arith.constant 1215 : i32
        %parallel_loop3A_452 = arith.addi %parallel_loop3A_451, %parallel_loop3A_450 : i32
        %parallel_loop3A_453 = arith.index_cast %parallel_loop3A_452 : i32 to index
        %parallel_loop3A_454 = tpu.vector_load %arg11[%parallel_loop3A_453] {strides = array<i32>} : memref<1296xf32, #tpu.memory_space<vmem>>, vector<16xf32>,
        %parallel_loop3A_455 = arith.addf %parallel_loop3A_364, %parallel_loop3A_370 : vector<16xf32>
        %parallel_loop3A_456 = arith.addf %parallel_loop3A_376, %parallel_loop3A_382 : vector<16xf32>
        %parallel_loop3A_457 = arith.addf %parallel_loop3A_388, %parallel_loop3A_394 : vector<16xf32>
        %parallel_loop3A_458 = arith.addf %parallel_loop3A_400, %parallel_loop3A_406 : vector<16xf32>
        %parallel_loop3A_459 = arith.addf %parallel_loop3A_412, %parallel_loop3A_418 : vector<16xf32>
        %parallel_loop3A_460 = arith.addf %parallel_loop3A_424, %parallel_loop3A_430 : vector<16xf32>
        %parallel_loop3A_461 = arith.addf %parallel_loop3A_436, %parallel_loop3A_442 : vector<16xf32>
        %parallel_loop3A_462 = arith.addf %parallel_loop3A_448, %parallel_loop3A_454 : vector<16xf32>
        %parallel_loop3A_463 = arith.addf %parallel_loop3A_455, %parallel_loop3A_456 : vector<16xf32>
        %parallel_loop3A_464 = arith.addf %parallel_loop3A_457, %parallel_loop3A_458 : vector<16xf32>
        %parallel_loop3A_465 = arith.addf %parallel_loop3A_459, %parallel_loop3A_460 : vector<16xf32>
        %parallel_loop3A_466 = arith.addf %parallel_loop3A_461, %parallel_loop3A_462 : vector<16xf32>
        %parallel_loop3A_467 = arith.addf %parallel_loop3A_463, %parallel_loop3A_464 : vector<16xf32>
        %parallel_loop3A_468 = arith.addf %parallel_loop3A_465, %parallel_loop3A_466 : vector<16xf32>
        %parallel_loop3A_469 = arith.addf %parallel_loop3A_467, %parallel_loop3A_468 : vector<16xf32>
        %parallel_loop3A_470 = arith.constant 80 : i32
        %parallel_loop3A_471 = arith.muli %add3A_254, %parallel_loop3A_470 : i32
        %parallel_loop3A_472 = arith.constant 16 : i32
        %parallel_loop3A_473 = arith.muli %parallel_loop3A_472, %parallel_loop3A_358 : i32
        %parallel_loop3A_474 = arith.addi %parallel_loop3A_471, %parallel_loop3A_473 : i32
        %parallel_loop3A_475 = arith.index_cast %parallel_loop3A_474 : i32 to index
        %parallel_loop3A_476 = tpu.vector_load %arg10[%parallel_loop3A_475] {strides = array<i32>} : memref<10000xf32, #tpu.memory_space<vmem>>, vector<16xf32>,
        tpu.vector_store %arg10[%parallel_loop3A_475], %parallel_loop3A_469 {strides = array<i32>} : memref<10000xf32, #tpu.memory_space<vmem>>, vector<16xf32>,
      } {sc.loop_unroll_factor = 5 : i64, sc.parallel_access}
      %add3A_263 = arith.constant 1 : i32
      %add3A_264 = arith.addi %mul3A_188, %add3A_263 : i32
      %add3A_265 = arith.constant 4 : i32
      %add3A_266 = arith.addi %add3A_264, %add3A_265 : i32
      %lt3A_267 = arith.constant 125 : i32
      %lt3A_268 = arith.cmpi slt, %add3A_266, %lt3A_267 : i32
      %convert_element_type3A_269 = arith.extui %lt3A_268 : i1 to i32
      %cond3A_270 = arith.constant 0 : i32
      %cond3A_271 = arith.cmpi ne, %convert_element_type3A_269, %cond3A_270 : i32
      scf.if %cond3A_271 {
        %add3A_358 = arith.constant 1 : i32
        %add3A_359 = arith.addi %mul3A_188, %add3A_358 : i32
        %add3A_360 = arith.constant 4 : i32
        %add3A_361 = arith.addi %add3A_359, %add3A_360 : i32
        %dma_start3A_362 = arith.constant 1 : i32
        %dma_start3A_363 = arith.constant 0 : i32
        %dma_start3A_364 = arith.constant 0 : i32
        %dma_start3A_365 = tpu.memref_slice %arg8[%dma_start3A_362, %dma_start3A_363, %dma_start3A_364] : memref<4x80x64xi32, #tpu.memory_space<vmem>> -> memref<1x80x64xi32, #tpu.memory_space<vmem>>
        %dma_start3A_366 = tpu.memref_squeeze %dma_start3A_365 : memref<1x80x64xi32, #tpu.memory_space<vmem>> -> memref<80x64xi32, #tpu.memory_space<vmem>>
        %dma_start3A_367 = arith.constant 0 : i32
        %dma_start3A_368 = tpu.memref_slice %arg6[%add3A_361, %dma_start3A_367] : memref<125x80xi32, #tpu.memory_space<vmem>> -> memref<1x80xi32, #tpu.memory_space<vmem>>
        %dma_start3A_369 = tpu.memref_squeeze %dma_start3A_368 : memref<1x80xi32, #tpu.memory_space<vmem>> -> memref<80xi32, #tpu.memory_space<vmem>>
        %dma_start3A_370 = arith.constant 0 : i32
        %dma_start3A_371 = arith.constant 0 : i32
        %dma_start3A_372 = tpu.memref_slice %arg13[%dma_start3A_370, %dma_start3A_371] : memref<10000x64xi32, #tpu.memory_space<vmem_shared>> -> memref<10000x64xi32, #tpu.memory_space<vmem_shared>>
        tpu.enqueue_indirect_dma source(%dma_start3A_372 : memref<10000x64xi32, #tpu.memory_space<vmem_shared>>) target(%dma_start3A_366 : memref<80x64xi32, #tpu.memory_space<vmem>>) offsets(%dma_start3A_369 : memref<80xi32, #tpu.memory_space<vmem>>) semaphore(%arg16 : memref<!tpu.dma_semaphore, #tpu.memory_space<semaphore_mem>>)
        %dma_start3A_373 = arith.constant 1 : i32
        %dma_start3A_374 = arith.constant 0 : i32
        %dma_start3A_375 = arith.constant 0 : i32
        %dma_start3A_376 = tpu.memref_slice %arg9[%dma_start3A_373, %dma_start3A_374, %dma_start3A_375] : memref<4x80x64xi32, #tpu.memory_space<vmem>> -> memref<1x80x64xi32, #tpu.memory_space<vmem>>
        %dma_start3A_377 = tpu.memref_squeeze %dma_start3A_376 : memref<1x80x64xi32, #tpu.memory_space<vmem>> -> memref<80x64xi32, #tpu.memory_space<vmem>>
        %dma_start3A_378 = arith.constant 0 : i32
        %dma_start3A_379 = tpu.memref_slice %arg7[%add3A_361, %dma_start3A_378] : memref<125x80xi32, #tpu.memory_space<vmem>> -> memref<1x80xi32, #tpu.memory_space<vmem>>
        %dma_start3A_380 = tpu.memref_squeeze %dma_start3A_379 : memref<1x80xi32, #tpu.memory_space<vmem>> -> memref<80xi32, #tpu.memory_space<vmem>>
        %dma_start3A_381 = arith.constant 0 : i32
        %dma_start3A_382 = arith.constant 0 : i32
        %dma_start3A_383 = tpu.memref_slice %arg13[%dma_start3A_381, %dma_start3A_382] : memref<10000x64xi32, #tpu.memory_space<vmem_shared>> -> memref<10000x64xi32, #tpu.memory_space<vmem_shared>>
        tpu.enqueue_indirect_dma source(%dma_start3A_383 : memref<10000x64xi32, #tpu.memory_space<vmem_shared>>) target(%dma_start3A_377 : memref<80x64xi32, #tpu.memory_space<vmem>>) offsets(%dma_start3A_380 : memref<80xi32, #tpu.memory_space<vmem>>) semaphore(%arg17 : memref<!tpu.dma_semaphore, #tpu.memory_space<semaphore_mem>>)
      } else {
      }
      %add3A_272 = arith.constant 2 : i32
      %add3A_273 = arith.addi %mul3A_188, %add3A_272 : i32
      %dma_wait3A_274 = arith.constant 2 : i32
      %dma_wait3A_275 = arith.constant 0 : i32
      %dma_wait3A_276 = arith.constant 0 : i32
      %dma_wait3A_277 = tpu.memref_slice %arg8[%dma_wait3A_274, %dma_wait3A_275, %dma_wait3A_276] : memref<4x80x64xi32, #tpu.memory_space<vmem>> -> memref<1x80x64xi32, #tpu.memory_space<vmem>>
      %dma_wait3A_278 = tpu.memref_squeeze %dma_wait3A_277 : memref<1x80x64xi32, #tpu.memory_space<vmem>> -> memref<80x64xi32, #tpu.memory_space<vmem>>
      %dma_wait3A_279 = arith.constant 0 : i32
      %dma_wait3A_280 = tpu.memref_slice %arg6[%add3A_273, %dma_wait3A_279] : memref<125x80xi32, #tpu.memory_space<vmem>> -> memref<1x80xi32, #tpu.memory_space<vmem>>
      %dma_wait3A_281 = tpu.memref_squeeze %dma_wait3A_280 : memref<1x80xi32, #tpu.memory_space<vmem>> -> memref<80xi32, #tpu.memory_space<vmem>>
      %dma_wait3A_282 = arith.constant 0 : i32
      %dma_wait3A_283 = arith.constant 0 : i32
      %dma_wait3A_284 = tpu.memref_slice %arg13[%dma_wait3A_282, %dma_wait3A_283] : memref<10000x64xi32, #tpu.memory_space<vmem_shared>> -> memref<10000x64xi32, #tpu.memory_space<vmem_shared>>
      tpu.wait_indirect_dma semaphore(%arg18 : memref<!tpu.dma_semaphore, #tpu.memory_space<semaphore_mem>>) src(%dma_wait3A_284 : memref<10000x64xi32, #tpu.memory_space<vmem_shared>>) dst(%dma_wait3A_278 : memref<80x64xi32, #tpu.memory_space<vmem>>)
      %dma_wait3A_285 = arith.constant 2 : i32
      %dma_wait3A_286 = arith.constant 0 : i32
      %dma_wait3A_287 = arith.constant 0 : i32
      %dma_wait3A_288 = tpu.memref_slice %arg9[%dma_wait3A_285, %dma_wait3A_286, %dma_wait3A_287] : memref<4x80x64xi32, #tpu.memory_space<vmem>> -> memref<1x80x64xi32, #tpu.memory_space<vmem>>
      %dma_wait3A_289 = tpu.memref_squeeze %dma_wait3A_288 : memref<1x80x64xi32, #tpu.memory_space<vmem>> -> memref<80x64xi32, #tpu.memory_space<vmem>>
      %dma_wait3A_290 = arith.constant 0 : i32
      %dma_wait3A_291 = tpu.memref_slice %arg7[%add3A_273, %dma_wait3A_290] : memref<125x80xi32, #tpu.memory_space<vmem>> -> memref<1x80xi32, #tpu.memory_space<vmem>>
      %dma_wait3A_292 = tpu.memref_squeeze %dma_wait3A_291 : memref<1x80xi32, #tpu.memory_space<vmem>> -> memref<80xi32, #tpu.memory_space<vmem>>
      %dma_wait3A_293 = arith.constant 0 : i32
      %dma_wait3A_294 = arith.constant 0 : i32
      %dma_wait3A_295 = tpu.memref_slice %arg13[%dma_wait3A_293, %dma_wait3A_294] : memref<10000x64xi32, #tpu.memory_space<vmem_shared>> -> memref<10000x64xi32, #tpu.memory_space<vmem_shared>>
      tpu.wait_indirect_dma semaphore(%arg19 : memref<!tpu.dma_semaphore, #tpu.memory_space<semaphore_mem>>) src(%dma_wait3A_295 : memref<10000x64xi32, #tpu.memory_space<vmem_shared>>) dst(%dma_wait3A_289 : memref<80x64xi32, #tpu.memory_space<vmem>>)
      %add3A_296 = arith.constant 2 : i32
      %add3A_297 = arith.addi %mul3A_188, %add3A_296 : i32
      %parallel_loop3A_298 = arith.constant 0 : i32
      %parallel_loop3A_299 = arith.constant 80 : i32
      %parallel_loop3A_300 = arith.constant 1 : i32
      %parallel_loop3A_301 = arith.constant 2 : i32
      %parallel_loop3A_302 = arith.constant 2 : i32
      scf.for %parallel_loop3A_358 = %parallel_loop3A_298 to %parallel_loop3A_299 step %parallel_loop3A_300  : i32 {
        %parallel_loop3A_359 = arith.constant 0 : i32
        %parallel_loop3A_360 = arith.constant 0 : i32
        %parallel_loop3A_361 = tpu.memref_slice %arg8[%parallel_loop3A_301, %parallel_loop3A_359, %parallel_loop3A_360] : memref<4x80x64xi32, #tpu.memory_space<vmem>> -> memref<1x80x64xi32, #tpu.memory_space<vmem>>
        %parallel_loop3A_362 = tpu.memref_squeeze %parallel_loop3A_361 : memref<1x80x64xi32, #tpu.memory_space<vmem>> -> memref<80x64xi32, #tpu.memory_space<vmem>>
        %parallel_loop3A_363 = arith.index_cast %parallel_loop3A_358 : i32 to index
        %parallel_loop3A_364 = arith.constant 0 : index
        %parallel_loop3A_365 = tpu.vector_load %parallel_loop3A_362[%parallel_loop3A_363, %parallel_loop3A_364] {strides = array<i32>} : memref<80x64xi32, #tpu.memory_space<vmem>>, vector<16xi32>,
        %parallel_loop3A_366 = vector.bitcast %parallel_loop3A_365 : vector<16xi32> to vector<32xbf16>
        %parallel_loop3A_367 = arith.constant 0 : i32
        %parallel_loop3A_368 = arith.constant 0 : i32
        %parallel_loop3A_369 = tpu.memref_slice %arg9[%parallel_loop3A_302, %parallel_loop3A_367, %parallel_loop3A_368] : memref<4x80x64xi32, #tpu.memory_space<vmem>> -> memref<1x80x64xi32, #tpu.memory_space<vmem>>
        %parallel_loop3A_370 = tpu.memref_squeeze %parallel_loop3A_369 : memref<1x80x64xi32, #tpu.memory_space<vmem>> -> memref<80x64xi32, #tpu.memory_space<vmem>>
        %parallel_loop3A_371 = arith.index_cast %parallel_loop3A_358 : i32 to index
        %parallel_loop3A_372 = arith.constant 0 : index
        %parallel_loop3A_373 = tpu.vector_load %parallel_loop3A_370[%parallel_loop3A_371, %parallel_loop3A_372] {strides = array<i32>} : memref<80x64xi32, #tpu.memory_space<vmem>>, vector<16xi32>,
        %parallel_loop3A_374 = vector.bitcast %parallel_loop3A_373 : vector<16xi32> to vector<32xbf16>
        %parallel_loop3A_375 = arith.subf %parallel_loop3A_366, %parallel_loop3A_374 : vector<32xbf16>
        %parallel_loop3A_376 = arith.mulf %parallel_loop3A_375, %parallel_loop3A_375 : vector<32xbf16>
        %parallel_loop3A_377 = arith.constant 0 : i32
        %parallel_loop3A_378 = arith.constant 0 : i32
        %parallel_loop3A_379 = tpu.memref_slice %arg8[%parallel_loop3A_301, %parallel_loop3A_377, %parallel_loop3A_378] : memref<4x80x64xi32, #tpu.memory_space<vmem>> -> memref<1x80x64xi32, #tpu.memory_space<vmem>>
        %parallel_loop3A_380 = tpu.memref_squeeze %parallel_loop3A_379 : memref<1x80x64xi32, #tpu.memory_space<vmem>> -> memref<80x64xi32, #tpu.memory_space<vmem>>
        %parallel_loop3A_381 = arith.index_cast %parallel_loop3A_358 : i32 to index
        %parallel_loop3A_382 = arith.constant 16 : index
        %parallel_loop3A_383 = tpu.vector_load %parallel_loop3A_380[%parallel_loop3A_381, %parallel_loop3A_382] {strides = array<i32>} : memref<80x64xi32, #tpu.memory_space<vmem>>, vector<16xi32>,
        %parallel_loop3A_384 = vector.bitcast %parallel_loop3A_383 : vector<16xi32> to vector<32xbf16>
        %parallel_loop3A_385 = arith.constant 0 : i32
        %parallel_loop3A_386 = arith.constant 0 : i32
        %parallel_loop3A_387 = tpu.memref_slice %arg9[%parallel_loop3A_302, %parallel_loop3A_385, %parallel_loop3A_386] : memref<4x80x64xi32, #tpu.memory_space<vmem>> -> memref<1x80x64xi32, #tpu.memory_space<vmem>>
        %parallel_loop3A_388 = tpu.memref_squeeze %parallel_loop3A_387 : memref<1x80x64xi32, #tpu.memory_space<vmem>> -> memref<80x64xi32, #tpu.memory_space<vmem>>
        %parallel_loop3A_389 = arith.index_cast %parallel_loop3A_358 : i32 to index
        %parallel_loop3A_390 = arith.constant 16 : index
        %parallel_loop3A_391 = tpu.vector_load %parallel_loop3A_388[%parallel_loop3A_389, %parallel_loop3A_390] {strides = array<i32>} : memref<80x64xi32, #tpu.memory_space<vmem>>, vector<16xi32>,
        %parallel_loop3A_392 = vector.bitcast %parallel_loop3A_391 : vector<16xi32> to vector<32xbf16>
        %parallel_loop3A_393 = arith.subf %parallel_loop3A_384, %parallel_loop3A_392 : vector<32xbf16>
        %parallel_loop3A_394 = arith.mulf %parallel_loop3A_393, %parallel_loop3A_393 : vector<32xbf16>
        %parallel_loop3A_395 = arith.constant 0 : i32
        %parallel_loop3A_396 = arith.constant 0 : i32
        %parallel_loop3A_397 = tpu.memref_slice %arg8[%parallel_loop3A_301, %parallel_loop3A_395, %parallel_loop3A_396] : memref<4x80x64xi32, #tpu.memory_space<vmem>> -> memref<1x80x64xi32, #tpu.memory_space<vmem>>
        %parallel_loop3A_398 = tpu.memref_squeeze %parallel_loop3A_397 : memref<1x80x64xi32, #tpu.memory_space<vmem>> -> memref<80x64xi32, #tpu.memory_space<vmem>>
        %parallel_loop3A_399 = arith.index_cast %parallel_loop3A_358 : i32 to index
        %parallel_loop3A_400 = arith.constant 32 : index
        %parallel_loop3A_401 = tpu.vector_load %parallel_loop3A_398[%parallel_loop3A_399, %parallel_loop3A_400] {strides = array<i32>} : memref<80x64xi32, #tpu.memory_space<vmem>>, vector<16xi32>,
        %parallel_loop3A_402 = vector.bitcast %parallel_loop3A_401 : vector<16xi32> to vector<32xbf16>
        %parallel_loop3A_403 = arith.constant 0 : i32
        %parallel_loop3A_404 = arith.constant 0 : i32
        %parallel_loop3A_405 = tpu.memref_slice %arg9[%parallel_loop3A_302, %parallel_loop3A_403, %parallel_loop3A_404] : memref<4x80x64xi32, #tpu.memory_space<vmem>> -> memref<1x80x64xi32, #tpu.memory_space<vmem>>
        %parallel_loop3A_406 = tpu.memref_squeeze %parallel_loop3A_405 : memref<1x80x64xi32, #tpu.memory_space<vmem>> -> memref<80x64xi32, #tpu.memory_space<vmem>>
        %parallel_loop3A_407 = arith.index_cast %parallel_loop3A_358 : i32 to index
        %parallel_loop3A_408 = arith.constant 32 : index
        %parallel_loop3A_409 = tpu.vector_load %parallel_loop3A_406[%parallel_loop3A_407, %parallel_loop3A_408] {strides = array<i32>} : memref<80x64xi32, #tpu.memory_space<vmem>>, vector<16xi32>,
        %parallel_loop3A_410 = vector.bitcast %parallel_loop3A_409 : vector<16xi32> to vector<32xbf16>
        %parallel_loop3A_411 = arith.subf %parallel_loop3A_402, %parallel_loop3A_410 : vector<32xbf16>
        %parallel_loop3A_412 = arith.mulf %parallel_loop3A_411, %parallel_loop3A_411 : vector<32xbf16>
        %parallel_loop3A_413 = arith.constant 0 : i32
        %parallel_loop3A_414 = arith.constant 0 : i32
        %parallel_loop3A_415 = tpu.memref_slice %arg8[%parallel_loop3A_301, %parallel_loop3A_413, %parallel_loop3A_414] : memref<4x80x64xi32, #tpu.memory_space<vmem>> -> memref<1x80x64xi32, #tpu.memory_space<vmem>>
        %parallel_loop3A_416 = tpu.memref_squeeze %parallel_loop3A_415 : memref<1x80x64xi32, #tpu.memory_space<vmem>> -> memref<80x64xi32, #tpu.memory_space<vmem>>
        %parallel_loop3A_417 = arith.index_cast %parallel_loop3A_358 : i32 to index
        %parallel_loop3A_418 = arith.constant 48 : index
        %parallel_loop3A_419 = tpu.vector_load %parallel_loop3A_416[%parallel_loop3A_417, %parallel_loop3A_418] {strides = array<i32>} : memref<80x64xi32, #tpu.memory_space<vmem>>, vector<16xi32>,
        %parallel_loop3A_420 = vector.bitcast %parallel_loop3A_419 : vector<16xi32> to vector<32xbf16>
        %parallel_loop3A_421 = arith.constant 0 : i32
        %parallel_loop3A_422 = arith.constant 0 : i32
        %parallel_loop3A_423 = tpu.memref_slice %arg9[%parallel_loop3A_302, %parallel_loop3A_421, %parallel_loop3A_422] : memref<4x80x64xi32, #tpu.memory_space<vmem>> -> memref<1x80x64xi32, #tpu.memory_space<vmem>>
        %parallel_loop3A_424 = tpu.memref_squeeze %parallel_loop3A_423 : memref<1x80x64xi32, #tpu.memory_space<vmem>> -> memref<80x64xi32, #tpu.memory_space<vmem>>
        %parallel_loop3A_425 = arith.index_cast %parallel_loop3A_358 : i32 to index
        %parallel_loop3A_426 = arith.constant 48 : index
        %parallel_loop3A_427 = tpu.vector_load %parallel_loop3A_424[%parallel_loop3A_425, %parallel_loop3A_426] {strides = array<i32>} : memref<80x64xi32, #tpu.memory_space<vmem>>, vector<16xi32>,
        %parallel_loop3A_428 = vector.bitcast %parallel_loop3A_427 : vector<16xi32> to vector<32xbf16>
        %parallel_loop3A_429 = arith.subf %parallel_loop3A_420, %parallel_loop3A_428 : vector<32xbf16>
        %parallel_loop3A_430 = arith.mulf %parallel_loop3A_429, %parallel_loop3A_429 : vector<32xbf16>
        %parallel_loop3A_431 = arith.addf %parallel_loop3A_376, %parallel_loop3A_394 : vector<32xbf16>
        %parallel_loop3A_432 = arith.addf %parallel_loop3A_412, %parallel_loop3A_430 : vector<32xbf16>
        %parallel_loop3A_433 = arith.addf %parallel_loop3A_431, %parallel_loop3A_432 : vector<32xbf16>
        %parallel_loop3A_434 = tpu.unpack_subelements %parallel_loop3A_433, 0 {pack_format = #tpu.pack_format<interleaved>} : vector<32xbf16> -> vector<16xf32>
        %parallel_loop3A_435 = tpu.unpack_subelements %parallel_loop3A_433, 1 {pack_format = #tpu.pack_format<interleaved>} : vector<32xbf16> -> vector<16xf32>
        %parallel_loop3A_436 = vector.broadcast %parallel_loop3A_358 : i32 to vector<16xi32>
        %parallel_loop3A_437 = arith.addi %mul3A_50, %parallel_loop3A_436 : vector<16xi32>
        %parallel_loop3A_438 = arith.addf %parallel_loop3A_434, %parallel_loop3A_435 : vector<16xf32>
        tpu.vector_store_idx %arg11[%parallel_loop3A_437], %parallel_loop3A_438 : memref<1296xf32, #tpu.memory_space<vmem>>[vector<16xi32>], vector<16xf32>,
      } {sc.loop_unroll_factor = 8 : i64, sc.parallel_access}
      %parallel_loop3A_303 = arith.constant 0 : i32
      %parallel_loop3A_304 = arith.constant 5 : i32
      %parallel_loop3A_305 = arith.constant 1 : i32
      scf.for %parallel_loop3A_358 = %parallel_loop3A_303 to %parallel_loop3A_304 step %parallel_loop3A_305  : i32 {
        %parallel_loop3A_359 = arith.constant 16 : i32
        %parallel_loop3A_360 = arith.muli %parallel_loop3A_359, %parallel_loop3A_358 : i32
        %parallel_loop3A_361 = arith.constant 0 : i32
        %parallel_loop3A_362 = arith.addi %parallel_loop3A_361, %parallel_loop3A_360 : i32
        %parallel_loop3A_363 = arith.index_cast %parallel_loop3A_362 : i32 to index
        %parallel_loop3A_364 = tpu.vector_load %arg11[%parallel_loop3A_363] {strides = array<i32>} : memref<1296xf32, #tpu.memory_space<vmem>>, vector<16xf32>,
        %parallel_loop3A_365 = arith.constant 16 : i32
        %parallel_loop3A_366 = arith.muli %parallel_loop3A_365, %parallel_loop3A_358 : i32
        %parallel_loop3A_367 = arith.constant 81 : i32
        %parallel_loop3A_368 = arith.addi %parallel_loop3A_367, %parallel_loop3A_366 : i32
        %parallel_loop3A_369 = arith.index_cast %parallel_loop3A_368 : i32 to index
        %parallel_loop3A_370 = tpu.vector_load %arg11[%parallel_loop3A_369] {strides = array<i32>} : memref<1296xf32, #tpu.memory_space<vmem>>, vector<16xf32>,
        %parallel_loop3A_371 = arith.constant 16 : i32
        %parallel_loop3A_372 = arith.muli %parallel_loop3A_371, %parallel_loop3A_358 : i32
        %parallel_loop3A_373 = arith.constant 162 : i32
        %parallel_loop3A_374 = arith.addi %parallel_loop3A_373, %parallel_loop3A_372 : i32
        %parallel_loop3A_375 = arith.index_cast %parallel_loop3A_374 : i32 to index
        %parallel_loop3A_376 = tpu.vector_load %arg11[%parallel_loop3A_375] {strides = array<i32>} : memref<1296xf32, #tpu.memory_space<vmem>>, vector<16xf32>,
        %parallel_loop3A_377 = arith.constant 16 : i32
        %parallel_loop3A_378 = arith.muli %parallel_loop3A_377, %parallel_loop3A_358 : i32
        %parallel_loop3A_379 = arith.constant 243 : i32
        %parallel_loop3A_380 = arith.addi %parallel_loop3A_379, %parallel_loop3A_378 : i32
        %parallel_loop3A_381 = arith.index_cast %parallel_loop3A_380 : i32 to index
        %parallel_loop3A_382 = tpu.vector_load %arg11[%parallel_loop3A_381] {strides = array<i32>} : memref<1296xf32, #tpu.memory_space<vmem>>, vector<16xf32>,
        %parallel_loop3A_383 = arith.constant 16 : i32
        %parallel_loop3A_384 = arith.muli %parallel_loop3A_383, %parallel_loop3A_358 : i32
        %parallel_loop3A_385 = arith.constant 324 : i32
        %parallel_loop3A_386 = arith.addi %parallel_loop3A_385, %parallel_loop3A_384 : i32
        %parallel_loop3A_387 = arith.index_cast %parallel_loop3A_386 : i32 to index
        %parallel_loop3A_388 = tpu.vector_load %arg11[%parallel_loop3A_387] {strides = array<i32>} : memref<1296xf32, #tpu.memory_space<vmem>>, vector<16xf32>,
        %parallel_loop3A_389 = arith.constant 16 : i32
        %parallel_loop3A_390 = arith.muli %parallel_loop3A_389, %parallel_loop3A_358 : i32
        %parallel_loop3A_391 = arith.constant 405 : i32
        %parallel_loop3A_392 = arith.addi %parallel_loop3A_391, %parallel_loop3A_390 : i32
        %parallel_loop3A_393 = arith.index_cast %parallel_loop3A_392 : i32 to index
        %parallel_loop3A_394 = tpu.vector_load %arg11[%parallel_loop3A_393] {strides = array<i32>} : memref<1296xf32, #tpu.memory_space<vmem>>, vector<16xf32>,
        %parallel_loop3A_395 = arith.constant 16 : i32
        %parallel_loop3A_396 = arith.muli %parallel_loop3A_395, %parallel_loop3A_358 : i32
        %parallel_loop3A_397 = arith.constant 486 : i32
        %parallel_loop3A_398 = arith.addi %parallel_loop3A_397, %parallel_loop3A_396 : i32
        %parallel_loop3A_399 = arith.index_cast %parallel_loop3A_398 : i32 to index
        %parallel_loop3A_400 = tpu.vector_load %arg11[%parallel_loop3A_399] {strides = array<i32>} : memref<1296xf32, #tpu.memory_space<vmem>>, vector<16xf32>,
        %parallel_loop3A_401 = arith.constant 16 : i32
        %parallel_loop3A_402 = arith.muli %parallel_loop3A_401, %parallel_loop3A_358 : i32
        %parallel_loop3A_403 = arith.constant 567 : i32
        %parallel_loop3A_404 = arith.addi %parallel_loop3A_403, %parallel_loop3A_402 : i32
        %parallel_loop3A_405 = arith.index_cast %parallel_loop3A_404 : i32 to index
        %parallel_loop3A_406 = tpu.vector_load %arg11[%parallel_loop3A_405] {strides = array<i32>} : memref<1296xf32, #tpu.memory_space<vmem>>, vector<16xf32>,
        %parallel_loop3A_407 = arith.constant 16 : i32
        %parallel_loop3A_408 = arith.muli %parallel_loop3A_407, %parallel_loop3A_358 : i32
        %parallel_loop3A_409 = arith.constant 648 : i32
        %parallel_loop3A_410 = arith.addi %parallel_loop3A_409, %parallel_loop3A_408 : i32
        %parallel_loop3A_411 = arith.index_cast %parallel_loop3A_410 : i32 to index
        %parallel_loop3A_412 = tpu.vector_load %arg11[%parallel_loop3A_411] {strides = array<i32>} : memref<1296xf32, #tpu.memory_space<vmem>>, vector<16xf32>,
        %parallel_loop3A_413 = arith.constant 16 : i32
        %parallel_loop3A_414 = arith.muli %parallel_loop3A_413, %parallel_loop3A_358 : i32
        %parallel_loop3A_415 = arith.constant 729 : i32
        %parallel_loop3A_416 = arith.addi %parallel_loop3A_415, %parallel_loop3A_414 : i32
        %parallel_loop3A_417 = arith.index_cast %parallel_loop3A_416 : i32 to index
        %parallel_loop3A_418 = tpu.vector_load %arg11[%parallel_loop3A_417] {strides = array<i32>} : memref<1296xf32, #tpu.memory_space<vmem>>, vector<16xf32>,
        %parallel_loop3A_419 = arith.constant 16 : i32
        %parallel_loop3A_420 = arith.muli %parallel_loop3A_419, %parallel_loop3A_358 : i32
        %parallel_loop3A_421 = arith.constant 810 : i32
        %parallel_loop3A_422 = arith.addi %parallel_loop3A_421, %parallel_loop3A_420 : i32
        %parallel_loop3A_423 = arith.index_cast %parallel_loop3A_422 : i32 to index
        %parallel_loop3A_424 = tpu.vector_load %arg11[%parallel_loop3A_423] {strides = array<i32>} : memref<1296xf32, #tpu.memory_space<vmem>>, vector<16xf32>,
        %parallel_loop3A_425 = arith.constant 16 : i32
        %parallel_loop3A_426 = arith.muli %parallel_loop3A_425, %parallel_loop3A_358 : i32
        %parallel_loop3A_427 = arith.constant 891 : i32
        %parallel_loop3A_428 = arith.addi %parallel_loop3A_427, %parallel_loop3A_426 : i32
        %parallel_loop3A_429 = arith.index_cast %parallel_loop3A_428 : i32 to index
        %parallel_loop3A_430 = tpu.vector_load %arg11[%parallel_loop3A_429] {strides = array<i32>} : memref<1296xf32, #tpu.memory_space<vmem>>, vector<16xf32>,
        %parallel_loop3A_431 = arith.constant 16 : i32
        %parallel_loop3A_432 = arith.muli %parallel_loop3A_431, %parallel_loop3A_358 : i32
        %parallel_loop3A_433 = arith.constant 972 : i32
        %parallel_loop3A_434 = arith.addi %parallel_loop3A_433, %parallel_loop3A_432 : i32
        %parallel_loop3A_435 = arith.index_cast %parallel_loop3A_434 : i32 to index
        %parallel_loop3A_436 = tpu.vector_load %arg11[%parallel_loop3A_435] {strides = array<i32>} : memref<1296xf32, #tpu.memory_space<vmem>>, vector<16xf32>,
        %parallel_loop3A_437 = arith.constant 16 : i32
        %parallel_loop3A_438 = arith.muli %parallel_loop3A_437, %parallel_loop3A_358 : i32
        %parallel_loop3A_439 = arith.constant 1053 : i32
        %parallel_loop3A_440 = arith.addi %parallel_loop3A_439, %parallel_loop3A_438 : i32
        %parallel_loop3A_441 = arith.index_cast %parallel_loop3A_440 : i32 to index
        %parallel_loop3A_442 = tpu.vector_load %arg11[%parallel_loop3A_441] {strides = array<i32>} : memref<1296xf32, #tpu.memory_space<vmem>>, vector<16xf32>,
        %parallel_loop3A_443 = arith.constant 16 : i32
        %parallel_loop3A_444 = arith.muli %parallel_loop3A_443, %parallel_loop3A_358 : i32
        %parallel_loop3A_445 = arith.constant 1134 : i32
        %parallel_loop3A_446 = arith.addi %parallel_loop3A_445, %parallel_loop3A_444 : i32
        %parallel_loop3A_447 = arith.index_cast %parallel_loop3A_446 : i32 to index
        %parallel_loop3A_448 = tpu.vector_load %arg11[%parallel_loop3A_447] {strides = array<i32>} : memref<1296xf32, #tpu.memory_space<vmem>>, vector<16xf32>,
        %parallel_loop3A_449 = arith.constant 16 : i32
        %parallel_loop3A_450 = arith.muli %parallel_loop3A_449, %parallel_loop3A_358 : i32
        %parallel_loop3A_451 = arith.constant 1215 : i32
        %parallel_loop3A_452 = arith.addi %parallel_loop3A_451, %parallel_loop3A_450 : i32
        %parallel_loop3A_453 = arith.index_cast %parallel_loop3A_452 : i32 to index
        %parallel_loop3A_454 = tpu.vector_load %arg11[%parallel_loop3A_453] {strides = array<i32>} : memref<1296xf32, #tpu.memory_space<vmem>>, vector<16xf32>,
        %parallel_loop3A_455 = arith.addf %parallel_loop3A_364, %parallel_loop3A_370 : vector<16xf32>
        %parallel_loop3A_456 = arith.addf %parallel_loop3A_376, %parallel_loop3A_382 : vector<16xf32>
        %parallel_loop3A_457 = arith.addf %parallel_loop3A_388, %parallel_loop3A_394 : vector<16xf32>
        %parallel_loop3A_458 = arith.addf %parallel_loop3A_400, %parallel_loop3A_406 : vector<16xf32>
        %parallel_loop3A_459 = arith.addf %parallel_loop3A_412, %parallel_loop3A_418 : vector<16xf32>
        %parallel_loop3A_460 = arith.addf %parallel_loop3A_424, %parallel_loop3A_430 : vector<16xf32>
        %parallel_loop3A_461 = arith.addf %parallel_loop3A_436, %parallel_loop3A_442 : vector<16xf32>
        %parallel_loop3A_462 = arith.addf %parallel_loop3A_448, %parallel_loop3A_454 : vector<16xf32>
        %parallel_loop3A_463 = arith.addf %parallel_loop3A_455, %parallel_loop3A_456 : vector<16xf32>
        %parallel_loop3A_464 = arith.addf %parallel_loop3A_457, %parallel_loop3A_458 : vector<16xf32>
        %parallel_loop3A_465 = arith.addf %parallel_loop3A_459, %parallel_loop3A_460 : vector<16xf32>
        %parallel_loop3A_466 = arith.addf %parallel_loop3A_461, %parallel_loop3A_462 : vector<16xf32>
        %parallel_loop3A_467 = arith.addf %parallel_loop3A_463, %parallel_loop3A_464 : vector<16xf32>
        %parallel_loop3A_468 = arith.addf %parallel_loop3A_465, %parallel_loop3A_466 : vector<16xf32>
        %parallel_loop3A_469 = arith.addf %parallel_loop3A_467, %parallel_loop3A_468 : vector<16xf32>
        %parallel_loop3A_470 = arith.constant 80 : i32
        %parallel_loop3A_471 = arith.muli %add3A_297, %parallel_loop3A_470 : i32
        %parallel_loop3A_472 = arith.constant 16 : i32
        %parallel_loop3A_473 = arith.muli %parallel_loop3A_472, %parallel_loop3A_358 : i32
        %parallel_loop3A_474 = arith.addi %parallel_loop3A_471, %parallel_loop3A_473 : i32
        %parallel_loop3A_475 = arith.index_cast %parallel_loop3A_474 : i32 to index
        %parallel_loop3A_476 = tpu.vector_load %arg10[%parallel_loop3A_475] {strides = array<i32>} : memref<10000xf32, #tpu.memory_space<vmem>>, vector<16xf32>,
        tpu.vector_store %arg10[%parallel_loop3A_475], %parallel_loop3A_469 {strides = array<i32>} : memref<10000xf32, #tpu.memory_space<vmem>>, vector<16xf32>,
      } {sc.loop_unroll_factor = 5 : i64, sc.parallel_access}
      %add3A_306 = arith.constant 2 : i32
      %add3A_307 = arith.addi %mul3A_188, %add3A_306 : i32
      %add3A_308 = arith.constant 4 : i32
      %add3A_309 = arith.addi %add3A_307, %add3A_308 : i32
      %lt3A_310 = arith.constant 125 : i32
      %lt3A_311 = arith.cmpi slt, %add3A_309, %lt3A_310 : i32
      %convert_element_type3A_312 = arith.extui %lt3A_311 : i1 to i32
      %cond3A_313 = arith.constant 0 : i32
      %cond3A_314 = arith.cmpi ne, %convert_element_type3A_312, %cond3A_313 : i32
      scf.if %cond3A_314 {
        %add3A_358 = arith.constant 2 : i32
        %add3A_359 = arith.addi %mul3A_188, %add3A_358 : i32
        %add3A_360 = arith.constant 4 : i32
        %add3A_361 = arith.addi %add3A_359, %add3A_360 : i32
        %dma_start3A_362 = arith.constant 2 : i32
        %dma_start3A_363 = arith.constant 0 : i32
        %dma_start3A_364 = arith.constant 0 : i32
        %dma_start3A_365 = tpu.memref_slice %arg8[%dma_start3A_362, %dma_start3A_363, %dma_start3A_364] : memref<4x80x64xi32, #tpu.memory_space<vmem>> -> memref<1x80x64xi32, #tpu.memory_space<vmem>>
        %dma_start3A_366 = tpu.memref_squeeze %dma_start3A_365 : memref<1x80x64xi32, #tpu.memory_space<vmem>> -> memref<80x64xi32, #tpu.memory_space<vmem>>
        %dma_start3A_367 = arith.constant 0 : i32
        %dma_start3A_368 = tpu.memref_slice %arg6[%add3A_361, %dma_start3A_367] : memref<125x80xi32, #tpu.memory_space<vmem>> -> memref<1x80xi32, #tpu.memory_space<vmem>>
        %dma_start3A_369 = tpu.memref_squeeze %dma_start3A_368 : memref<1x80xi32, #tpu.memory_space<vmem>> -> memref<80xi32, #tpu.memory_space<vmem>>
        %dma_start3A_370 = arith.constant 0 : i32
        %dma_start3A_371 = arith.constant 0 : i32
        %dma_start3A_372 = tpu.memref_slice %arg13[%dma_start3A_370, %dma_start3A_371] : memref<10000x64xi32, #tpu.memory_space<vmem_shared>> -> memref<10000x64xi32, #tpu.memory_space<vmem_shared>>
        tpu.enqueue_indirect_dma source(%dma_start3A_372 : memref<10000x64xi32, #tpu.memory_space<vmem_shared>>) target(%dma_start3A_366 : memref<80x64xi32, #tpu.memory_space<vmem>>) offsets(%dma_start3A_369 : memref<80xi32, #tpu.memory_space<vmem>>) semaphore(%arg18 : memref<!tpu.dma_semaphore, #tpu.memory_space<semaphore_mem>>)
        %dma_start3A_373 = arith.constant 2 : i32
        %dma_start3A_374 = arith.constant 0 : i32
        %dma_start3A_375 = arith.constant 0 : i32
        %dma_start3A_376 = tpu.memref_slice %arg9[%dma_start3A_373, %dma_start3A_374, %dma_start3A_375] : memref<4x80x64xi32, #tpu.memory_space<vmem>> -> memref<1x80x64xi32, #tpu.memory_space<vmem>>
        %dma_start3A_377 = tpu.memref_squeeze %dma_start3A_376 : memref<1x80x64xi32, #tpu.memory_space<vmem>> -> memref<80x64xi32, #tpu.memory_space<vmem>>
        %dma_start3A_378 = arith.constant 0 : i32
        %dma_start3A_379 = tpu.memref_slice %arg7[%add3A_361, %dma_start3A_378] : memref<125x80xi32, #tpu.memory_space<vmem>> -> memref<1x80xi32, #tpu.memory_space<vmem>>
        %dma_start3A_380 = tpu.memref_squeeze %dma_start3A_379 : memref<1x80xi32, #tpu.memory_space<vmem>> -> memref<80xi32, #tpu.memory_space<vmem>>
        %dma_start3A_381 = arith.constant 0 : i32
        %dma_start3A_382 = arith.constant 0 : i32
        %dma_start3A_383 = tpu.memref_slice %arg13[%dma_start3A_381, %dma_start3A_382] : memref<10000x64xi32, #tpu.memory_space<vmem_shared>> -> memref<10000x64xi32, #tpu.memory_space<vmem_shared>>
        tpu.enqueue_indirect_dma source(%dma_start3A_383 : memref<10000x64xi32, #tpu.memory_space<vmem_shared>>) target(%dma_start3A_377 : memref<80x64xi32, #tpu.memory_space<vmem>>) offsets(%dma_start3A_380 : memref<80xi32, #tpu.memory_space<vmem>>) semaphore(%arg19 : memref<!tpu.dma_semaphore, #tpu.memory_space<semaphore_mem>>)
      } else {
      }
      %add3A_315 = arith.constant 3 : i32
      %add3A_316 = arith.addi %mul3A_188, %add3A_315 : i32
      %dma_wait3A_317 = arith.constant 3 : i32
      %dma_wait3A_318 = arith.constant 0 : i32
      %dma_wait3A_319 = arith.constant 0 : i32
      %dma_wait3A_320 = tpu.memref_slice %arg8[%dma_wait3A_317, %dma_wait3A_318, %dma_wait3A_319] : memref<4x80x64xi32, #tpu.memory_space<vmem>> -> memref<1x80x64xi32, #tpu.memory_space<vmem>>
      %dma_wait3A_321 = tpu.memref_squeeze %dma_wait3A_320 : memref<1x80x64xi32, #tpu.memory_space<vmem>> -> memref<80x64xi32, #tpu.memory_space<vmem>>
      %dma_wait3A_322 = arith.constant 0 : i32
      %dma_wait3A_323 = tpu.memref_slice %arg6[%add3A_316, %dma_wait3A_322] : memref<125x80xi32, #tpu.memory_space<vmem>> -> memref<1x80xi32, #tpu.memory_space<vmem>>
      %dma_wait3A_324 = tpu.memref_squeeze %dma_wait3A_323 : memref<1x80xi32, #tpu.memory_space<vmem>> -> memref<80xi32, #tpu.memory_space<vmem>>
      %dma_wait3A_325 = arith.constant 0 : i32
      %dma_wait3A_326 = arith.constant 0 : i32
      %dma_wait3A_327 = tpu.memref_slice %arg13[%dma_wait3A_325, %dma_wait3A_326] : memref<10000x64xi32, #tpu.memory_space<vmem_shared>> -> memref<10000x64xi32, #tpu.memory_space<vmem_shared>>
      tpu.wait_indirect_dma semaphore(%arg20 : memref<!tpu.dma_semaphore, #tpu.memory_space<semaphore_mem>>) src(%dma_wait3A_327 : memref<10000x64xi32, #tpu.memory_space<vmem_shared>>) dst(%dma_wait3A_321 : memref<80x64xi32, #tpu.memory_space<vmem>>)
      %dma_wait3A_328 = arith.constant 3 : i32
      %dma_wait3A_329 = arith.constant 0 : i32
      %dma_wait3A_330 = arith.constant 0 : i32
      %dma_wait3A_331 = tpu.memref_slice %arg9[%dma_wait3A_328, %dma_wait3A_329, %dma_wait3A_330] : memref<4x80x64xi32, #tpu.memory_space<vmem>> -> memref<1x80x64xi32, #tpu.memory_space<vmem>>
      %dma_wait3A_332 = tpu.memref_squeeze %dma_wait3A_331 : memref<1x80x64xi32, #tpu.memory_space<vmem>> -> memref<80x64xi32, #tpu.memory_space<vmem>>
      %dma_wait3A_333 = arith.constant 0 : i32
      %dma_wait3A_334 = tpu.memref_slice %arg7[%add3A_316, %dma_wait3A_333] : memref<125x80xi32, #tpu.memory_space<vmem>> -> memref<1x80xi32, #tpu.memory_space<vmem>>
      %dma_wait3A_335 = tpu.memref_squeeze %dma_wait3A_334 : memref<1x80xi32, #tpu.memory_space<vmem>> -> memref<80xi32, #tpu.memory_space<vmem>>
      %dma_wait3A_336 = arith.constant 0 : i32
      %dma_wait3A_337 = arith.constant 0 : i32
      %dma_wait3A_338 = tpu.memref_slice %arg13[%dma_wait3A_336, %dma_wait3A_337] : memref<10000x64xi32, #tpu.memory_space<vmem_shared>> -> memref<10000x64xi32, #tpu.memory_space<vmem_shared>>
      tpu.wait_indirect_dma semaphore(%arg21 : memref<!tpu.dma_semaphore, #tpu.memory_space<semaphore_mem>>) src(%dma_wait3A_338 : memref<10000x64xi32, #tpu.memory_space<vmem_shared>>) dst(%dma_wait3A_332 : memref<80x64xi32, #tpu.memory_space<vmem>>)
      %add3A_339 = arith.constant 3 : i32
      %add3A_340 = arith.addi %mul3A_188, %add3A_339 : i32
      %parallel_loop3A_341 = arith.constant 0 : i32
      %parallel_loop3A_342 = arith.constant 80 : i32
      %parallel_loop3A_343 = arith.constant 1 : i32
      %parallel_loop3A_344 = arith.constant 3 : i32
      %parallel_loop3A_345 = arith.constant 3 : i32
      scf.for %parallel_loop3A_358 = %parallel_loop3A_341 to %parallel_loop3A_342 step %parallel_loop3A_343  : i32 {
        %parallel_loop3A_359 = arith.constant 0 : i32
        %parallel_loop3A_360 = arith.constant 0 : i32
        %parallel_loop3A_361 = tpu.memref_slice %arg8[%parallel_loop3A_344, %parallel_loop3A_359, %parallel_loop3A_360] : memref<4x80x64xi32, #tpu.memory_space<vmem>> -> memref<1x80x64xi32, #tpu.memory_space<vmem>>
        %parallel_loop3A_362 = tpu.memref_squeeze %parallel_loop3A_361 : memref<1x80x64xi32, #tpu.memory_space<vmem>> -> memref<80x64xi32, #tpu.memory_space<vmem>>
        %parallel_loop3A_363 = arith.index_cast %parallel_loop3A_358 : i32 to index
        %parallel_loop3A_364 = arith.constant 0 : index
        %parallel_loop3A_365 = tpu.vector_load %parallel_loop3A_362[%parallel_loop3A_363, %parallel_loop3A_364] {strides = array<i32>} : memref<80x64xi32, #tpu.memory_space<vmem>>, vector<16xi32>,
        %parallel_loop3A_366 = vector.bitcast %parallel_loop3A_365 : vector<16xi32> to vector<32xbf16>
        %parallel_loop3A_367 = arith.constant 0 : i32
        %parallel_loop3A_368 = arith.constant 0 : i32
        %parallel_loop3A_369 = tpu.memref_slice %arg9[%parallel_loop3A_345, %parallel_loop3A_367, %parallel_loop3A_368] : memref<4x80x64xi32, #tpu.memory_space<vmem>> -> memref<1x80x64xi32, #tpu.memory_space<vmem>>
        %parallel_loop3A_370 = tpu.memref_squeeze %parallel_loop3A_369 : memref<1x80x64xi32, #tpu.memory_space<vmem>> -> memref<80x64xi32, #tpu.memory_space<vmem>>
        %parallel_loop3A_371 = arith.index_cast %parallel_loop3A_358 : i32 to index
        %parallel_loop3A_372 = arith.constant 0 : index
        %parallel_loop3A_373 = tpu.vector_load %parallel_loop3A_370[%parallel_loop3A_371, %parallel_loop3A_372] {strides = array<i32>} : memref<80x64xi32, #tpu.memory_space<vmem>>, vector<16xi32>,
        %parallel_loop3A_374 = vector.bitcast %parallel_loop3A_373 : vector<16xi32> to vector<32xbf16>
        %parallel_loop3A_375 = arith.subf %parallel_loop3A_366, %parallel_loop3A_374 : vector<32xbf16>
        %parallel_loop3A_376 = arith.mulf %parallel_loop3A_375, %parallel_loop3A_375 : vector<32xbf16>
        %parallel_loop3A_377 = arith.constant 0 : i32
        %parallel_loop3A_378 = arith.constant 0 : i32
        %parallel_loop3A_379 = tpu.memref_slice %arg8[%parallel_loop3A_344, %parallel_loop3A_377, %parallel_loop3A_378] : memref<4x80x64xi32, #tpu.memory_space<vmem>> -> memref<1x80x64xi32, #tpu.memory_space<vmem>>
        %parallel_loop3A_380 = tpu.memref_squeeze %parallel_loop3A_379 : memref<1x80x64xi32, #tpu.memory_space<vmem>> -> memref<80x64xi32, #tpu.memory_space<vmem>>
        %parallel_loop3A_381 = arith.index_cast %parallel_loop3A_358 : i32 to index
        %parallel_loop3A_382 = arith.constant 16 : index
        %parallel_loop3A_383 = tpu.vector_load %parallel_loop3A_380[%parallel_loop3A_381, %parallel_loop3A_382] {strides = array<i32>} : memref<80x64xi32, #tpu.memory_space<vmem>>, vector<16xi32>,
        %parallel_loop3A_384 = vector.bitcast %parallel_loop3A_383 : vector<16xi32> to vector<32xbf16>
        %parallel_loop3A_385 = arith.constant 0 : i32
        %parallel_loop3A_386 = arith.constant 0 : i32
        %parallel_loop3A_387 = tpu.memref_slice %arg9[%parallel_loop3A_345, %parallel_loop3A_385, %parallel_loop3A_386] : memref<4x80x64xi32, #tpu.memory_space<vmem>> -> memref<1x80x64xi32, #tpu.memory_space<vmem>>
        %parallel_loop3A_388 = tpu.memref_squeeze %parallel_loop3A_387 : memref<1x80x64xi32, #tpu.memory_space<vmem>> -> memref<80x64xi32, #tpu.memory_space<vmem>>
        %parallel_loop3A_389 = arith.index_cast %parallel_loop3A_358 : i32 to index
        %parallel_loop3A_390 = arith.constant 16 : index
        %parallel_loop3A_391 = tpu.vector_load %parallel_loop3A_388[%parallel_loop3A_389, %parallel_loop3A_390] {strides = array<i32>} : memref<80x64xi32, #tpu.memory_space<vmem>>, vector<16xi32>,
        %parallel_loop3A_392 = vector.bitcast %parallel_loop3A_391 : vector<16xi32> to vector<32xbf16>
        %parallel_loop3A_393 = arith.subf %parallel_loop3A_384, %parallel_loop3A_392 : vector<32xbf16>
        %parallel_loop3A_394 = arith.mulf %parallel_loop3A_393, %parallel_loop3A_393 : vector<32xbf16>
        %parallel_loop3A_395 = arith.constant 0 : i32
        %parallel_loop3A_396 = arith.constant 0 : i32
        %parallel_loop3A_397 = tpu.memref_slice %arg8[%parallel_loop3A_344, %parallel_loop3A_395, %parallel_loop3A_396] : memref<4x80x64xi32, #tpu.memory_space<vmem>> -> memref<1x80x64xi32, #tpu.memory_space<vmem>>
        %parallel_loop3A_398 = tpu.memref_squeeze %parallel_loop3A_397 : memref<1x80x64xi32, #tpu.memory_space<vmem>> -> memref<80x64xi32, #tpu.memory_space<vmem>>
        %parallel_loop3A_399 = arith.index_cast %parallel_loop3A_358 : i32 to index
        %parallel_loop3A_400 = arith.constant 32 : index
        %parallel_loop3A_401 = tpu.vector_load %parallel_loop3A_398[%parallel_loop3A_399, %parallel_loop3A_400] {strides = array<i32>} : memref<80x64xi32, #tpu.memory_space<vmem>>, vector<16xi32>,
        %parallel_loop3A_402 = vector.bitcast %parallel_loop3A_401 : vector<16xi32> to vector<32xbf16>
        %parallel_loop3A_403 = arith.constant 0 : i32
        %parallel_loop3A_404 = arith.constant 0 : i32
        %parallel_loop3A_405 = tpu.memref_slice %arg9[%parallel_loop3A_345, %parallel_loop3A_403, %parallel_loop3A_404] : memref<4x80x64xi32, #tpu.memory_space<vmem>> -> memref<1x80x64xi32, #tpu.memory_space<vmem>>
        %parallel_loop3A_406 = tpu.memref_squeeze %parallel_loop3A_405 : memref<1x80x64xi32, #tpu.memory_space<vmem>> -> memref<80x64xi32, #tpu.memory_space<vmem>>
        %parallel_loop3A_407 = arith.index_cast %parallel_loop3A_358 : i32 to index
        %parallel_loop3A_408 = arith.constant 32 : index
        %parallel_loop3A_409 = tpu.vector_load %parallel_loop3A_406[%parallel_loop3A_407, %parallel_loop3A_408] {strides = array<i32>} : memref<80x64xi32, #tpu.memory_space<vmem>>, vector<16xi32>,
        %parallel_loop3A_410 = vector.bitcast %parallel_loop3A_409 : vector<16xi32> to vector<32xbf16>
        %parallel_loop3A_411 = arith.subf %parallel_loop3A_402, %parallel_loop3A_410 : vector<32xbf16>
        %parallel_loop3A_412 = arith.mulf %parallel_loop3A_411, %parallel_loop3A_411 : vector<32xbf16>
        %parallel_loop3A_413 = arith.constant 0 : i32
        %parallel_loop3A_414 = arith.constant 0 : i32
        %parallel_loop3A_415 = tpu.memref_slice %arg8[%parallel_loop3A_344, %parallel_loop3A_413, %parallel_loop3A_414] : memref<4x80x64xi32, #tpu.memory_space<vmem>> -> memref<1x80x64xi32, #tpu.memory_space<vmem>>
        %parallel_loop3A_416 = tpu.memref_squeeze %parallel_loop3A_415 : memref<1x80x64xi32, #tpu.memory_space<vmem>> -> memref<80x64xi32, #tpu.memory_space<vmem>>
        %parallel_loop3A_417 = arith.index_cast %parallel_loop3A_358 : i32 to index
        %parallel_loop3A_418 = arith.constant 48 : index
        %parallel_loop3A_419 = tpu.vector_load %parallel_loop3A_416[%parallel_loop3A_417, %parallel_loop3A_418] {strides = array<i32>} : memref<80x64xi32, #tpu.memory_space<vmem>>, vector<16xi32>,
        %parallel_loop3A_420 = vector.bitcast %parallel_loop3A_419 : vector<16xi32> to vector<32xbf16>
        %parallel_loop3A_421 = arith.constant 0 : i32
        %parallel_loop3A_422 = arith.constant 0 : i32
        %parallel_loop3A_423 = tpu.memref_slice %arg9[%parallel_loop3A_345, %parallel_loop3A_421, %parallel_loop3A_422] : memref<4x80x64xi32, #tpu.memory_space<vmem>> -> memref<1x80x64xi32, #tpu.memory_space<vmem>>
        %parallel_loop3A_424 = tpu.memref_squeeze %parallel_loop3A_423 : memref<1x80x64xi32, #tpu.memory_space<vmem>> -> memref<80x64xi32, #tpu.memory_space<vmem>>
        %parallel_loop3A_425 = arith.index_cast %parallel_loop3A_358 : i32 to index
        %parallel_loop3A_426 = arith.constant 48 : index
        %parallel_loop3A_427 = tpu.vector_load %parallel_loop3A_424[%parallel_loop3A_425, %parallel_loop3A_426] {strides = array<i32>} : memref<80x64xi32, #tpu.memory_space<vmem>>, vector<16xi32>,
        %parallel_loop3A_428 = vector.bitcast %parallel_loop3A_427 : vector<16xi32> to vector<32xbf16>
        %parallel_loop3A_429 = arith.subf %parallel_loop3A_420, %parallel_loop3A_428 : vector<32xbf16>
        %parallel_loop3A_430 = arith.mulf %parallel_loop3A_429, %parallel_loop3A_429 : vector<32xbf16>
        %parallel_loop3A_431 = arith.addf %parallel_loop3A_376, %parallel_loop3A_394 : vector<32xbf16>
        %parallel_loop3A_432 = arith.addf %parallel_loop3A_412, %parallel_loop3A_430 : vector<32xbf16>
        %parallel_loop3A_433 = arith.addf %parallel_loop3A_431, %parallel_loop3A_432 : vector<32xbf16>
        %parallel_loop3A_434 = tpu.unpack_subelements %parallel_loop3A_433, 0 {pack_format = #tpu.pack_format<interleaved>} : vector<32xbf16> -> vector<16xf32>
        %parallel_loop3A_435 = tpu.unpack_subelements %parallel_loop3A_433, 1 {pack_format = #tpu.pack_format<interleaved>} : vector<32xbf16> -> vector<16xf32>
        %parallel_loop3A_436 = vector.broadcast %parallel_loop3A_358 : i32 to vector<16xi32>
        %parallel_loop3A_437 = arith.addi %mul3A_50, %parallel_loop3A_436 : vector<16xi32>
        %parallel_loop3A_438 = arith.addf %parallel_loop3A_434, %parallel_loop3A_435 : vector<16xf32>
        tpu.vector_store_idx %arg11[%parallel_loop3A_437], %parallel_loop3A_438 : memref<1296xf32, #tpu.memory_space<vmem>>[vector<16xi32>], vector<16xf32>,
      } {sc.loop_unroll_factor = 8 : i64, sc.parallel_access}
      %parallel_loop3A_346 = arith.constant 0 : i32
      %parallel_loop3A_347 = arith.constant 5 : i32
      %parallel_loop3A_348 = arith.constant 1 : i32
      scf.for %parallel_loop3A_358 = %parallel_loop3A_346 to %parallel_loop3A_347 step %parallel_loop3A_348  : i32 {
        %parallel_loop3A_359 = arith.constant 16 : i32
        %parallel_loop3A_360 = arith.muli %parallel_loop3A_359, %parallel_loop3A_358 : i32
        %parallel_loop3A_361 = arith.constant 0 : i32
        %parallel_loop3A_362 = arith.addi %parallel_loop3A_361, %parallel_loop3A_360 : i32
        %parallel_loop3A_363 = arith.index_cast %parallel_loop3A_362 : i32 to index
        %parallel_loop3A_364 = tpu.vector_load %arg11[%parallel_loop3A_363] {strides = array<i32>} : memref<1296xf32, #tpu.memory_space<vmem>>, vector<16xf32>,
        %parallel_loop3A_365 = arith.constant 16 : i32
        %parallel_loop3A_366 = arith.muli %parallel_loop3A_365, %parallel_loop3A_358 : i32
        %parallel_loop3A_367 = arith.constant 81 : i32
        %parallel_loop3A_368 = arith.addi %parallel_loop3A_367, %parallel_loop3A_366 : i32
        %parallel_loop3A_369 = arith.index_cast %parallel_loop3A_368 : i32 to index
        %parallel_loop3A_370 = tpu.vector_load %arg11[%parallel_loop3A_369] {strides = array<i32>} : memref<1296xf32, #tpu.memory_space<vmem>>, vector<16xf32>,
        %parallel_loop3A_371 = arith.constant 16 : i32
        %parallel_loop3A_372 = arith.muli %parallel_loop3A_371, %parallel_loop3A_358 : i32
        %parallel_loop3A_373 = arith.constant 162 : i32
        %parallel_loop3A_374 = arith.addi %parallel_loop3A_373, %parallel_loop3A_372 : i32
        %parallel_loop3A_375 = arith.index_cast %parallel_loop3A_374 : i32 to index
        %parallel_loop3A_376 = tpu.vector_load %arg11[%parallel_loop3A_375] {strides = array<i32>} : memref<1296xf32, #tpu.memory_space<vmem>>, vector<16xf32>,
        %parallel_loop3A_377 = arith.constant 16 : i32
        %parallel_loop3A_378 = arith.muli %parallel_loop3A_377, %parallel_loop3A_358 : i32
        %parallel_loop3A_379 = arith.constant 243 : i32
        %parallel_loop3A_380 = arith.addi %parallel_loop3A_379, %parallel_loop3A_378 : i32
        %parallel_loop3A_381 = arith.index_cast %parallel_loop3A_380 : i32 to index
        %parallel_loop3A_382 = tpu.vector_load %arg11[%parallel_loop3A_381] {strides = array<i32>} : memref<1296xf32, #tpu.memory_space<vmem>>, vector<16xf32>,
        %parallel_loop3A_383 = arith.constant 16 : i32
        %parallel_loop3A_384 = arith.muli %parallel_loop3A_383, %parallel_loop3A_358 : i32
        %parallel_loop3A_385 = arith.constant 324 : i32
        %parallel_loop3A_386 = arith.addi %parallel_loop3A_385, %parallel_loop3A_384 : i32
        %parallel_loop3A_387 = arith.index_cast %parallel_loop3A_386 : i32 to index
        %parallel_loop3A_388 = tpu.vector_load %arg11[%parallel_loop3A_387] {strides = array<i32>} : memref<1296xf32, #tpu.memory_space<vmem>>, vector<16xf32>,
        %parallel_loop3A_389 = arith.constant 16 : i32
        %parallel_loop3A_390 = arith.muli %parallel_loop3A_389, %parallel_loop3A_358 : i32
        %parallel_loop3A_391 = arith.constant 405 : i32
        %parallel_loop3A_392 = arith.addi %parallel_loop3A_391, %parallel_loop3A_390 : i32
        %parallel_loop3A_393 = arith.index_cast %parallel_loop3A_392 : i32 to index
        %parallel_loop3A_394 = tpu.vector_load %arg11[%parallel_loop3A_393] {strides = array<i32>} : memref<1296xf32, #tpu.memory_space<vmem>>, vector<16xf32>,
        %parallel_loop3A_395 = arith.constant 16 : i32
        %parallel_loop3A_396 = arith.muli %parallel_loop3A_395, %parallel_loop3A_358 : i32
        %parallel_loop3A_397 = arith.constant 486 : i32
        %parallel_loop3A_398 = arith.addi %parallel_loop3A_397, %parallel_loop3A_396 : i32
        %parallel_loop3A_399 = arith.index_cast %parallel_loop3A_398 : i32 to index
        %parallel_loop3A_400 = tpu.vector_load %arg11[%parallel_loop3A_399] {strides = array<i32>} : memref<1296xf32, #tpu.memory_space<vmem>>, vector<16xf32>,
        %parallel_loop3A_401 = arith.constant 16 : i32
        %parallel_loop3A_402 = arith.muli %parallel_loop3A_401, %parallel_loop3A_358 : i32
        %parallel_loop3A_403 = arith.constant 567 : i32
        %parallel_loop3A_404 = arith.addi %parallel_loop3A_403, %parallel_loop3A_402 : i32
        %parallel_loop3A_405 = arith.index_cast %parallel_loop3A_404 : i32 to index
        %parallel_loop3A_406 = tpu.vector_load %arg11[%parallel_loop3A_405] {strides = array<i32>} : memref<1296xf32, #tpu.memory_space<vmem>>, vector<16xf32>,
        %parallel_loop3A_407 = arith.constant 16 : i32
        %parallel_loop3A_408 = arith.muli %parallel_loop3A_407, %parallel_loop3A_358 : i32
        %parallel_loop3A_409 = arith.constant 648 : i32
        %parallel_loop3A_410 = arith.addi %parallel_loop3A_409, %parallel_loop3A_408 : i32
        %parallel_loop3A_411 = arith.index_cast %parallel_loop3A_410 : i32 to index
        %parallel_loop3A_412 = tpu.vector_load %arg11[%parallel_loop3A_411] {strides = array<i32>} : memref<1296xf32, #tpu.memory_space<vmem>>, vector<16xf32>,
        %parallel_loop3A_413 = arith.constant 16 : i32
        %parallel_loop3A_414 = arith.muli %parallel_loop3A_413, %parallel_loop3A_358 : i32
        %parallel_loop3A_415 = arith.constant 729 : i32
        %parallel_loop3A_416 = arith.addi %parallel_loop3A_415, %parallel_loop3A_414 : i32
        %parallel_loop3A_417 = arith.index_cast %parallel_loop3A_416 : i32 to index
        %parallel_loop3A_418 = tpu.vector_load %arg11[%parallel_loop3A_417] {strides = array<i32>} : memref<1296xf32, #tpu.memory_space<vmem>>, vector<16xf32>,
        %parallel_loop3A_419 = arith.constant 16 : i32
        %parallel_loop3A_420 = arith.muli %parallel_loop3A_419, %parallel_loop3A_358 : i32
        %parallel_loop3A_421 = arith.constant 810 : i32
        %parallel_loop3A_422 = arith.addi %parallel_loop3A_421, %parallel_loop3A_420 : i32
        %parallel_loop3A_423 = arith.index_cast %parallel_loop3A_422 : i32 to index
        %parallel_loop3A_424 = tpu.vector_load %arg11[%parallel_loop3A_423] {strides = array<i32>} : memref<1296xf32, #tpu.memory_space<vmem>>, vector<16xf32>,
        %parallel_loop3A_425 = arith.constant 16 : i32
        %parallel_loop3A_426 = arith.muli %parallel_loop3A_425, %parallel_loop3A_358 : i32
        %parallel_loop3A_427 = arith.constant 891 : i32
        %parallel_loop3A_428 = arith.addi %parallel_loop3A_427, %parallel_loop3A_426 : i32
        %parallel_loop3A_429 = arith.index_cast %parallel_loop3A_428 : i32 to index
        %parallel_loop3A_430 = tpu.vector_load %arg11[%parallel_loop3A_429] {strides = array<i32>} : memref<1296xf32, #tpu.memory_space<vmem>>, vector<16xf32>,
        %parallel_loop3A_431 = arith.constant 16 : i32
        %parallel_loop3A_432 = arith.muli %parallel_loop3A_431, %parallel_loop3A_358 : i32
        %parallel_loop3A_433 = arith.constant 972 : i32
        %parallel_loop3A_434 = arith.addi %parallel_loop3A_433, %parallel_loop3A_432 : i32
        %parallel_loop3A_435 = arith.index_cast %parallel_loop3A_434 : i32 to index
        %parallel_loop3A_436 = tpu.vector_load %arg11[%parallel_loop3A_435] {strides = array<i32>} : memref<1296xf32, #tpu.memory_space<vmem>>, vector<16xf32>,
        %parallel_loop3A_437 = arith.constant 16 : i32
        %parallel_loop3A_438 = arith.muli %parallel_loop3A_437, %parallel_loop3A_358 : i32
        %parallel_loop3A_439 = arith.constant 1053 : i32
        %parallel_loop3A_440 = arith.addi %parallel_loop3A_439, %parallel_loop3A_438 : i32
        %parallel_loop3A_441 = arith.index_cast %parallel_loop3A_440 : i32 to index
        %parallel_loop3A_442 = tpu.vector_load %arg11[%parallel_loop3A_441] {strides = array<i32>} : memref<1296xf32, #tpu.memory_space<vmem>>, vector<16xf32>,
        %parallel_loop3A_443 = arith.constant 16 : i32
        %parallel_loop3A_444 = arith.muli %parallel_loop3A_443, %parallel_loop3A_358 : i32
        %parallel_loop3A_445 = arith.constant 1134 : i32
        %parallel_loop3A_446 = arith.addi %parallel_loop3A_445, %parallel_loop3A_444 : i32
        %parallel_loop3A_447 = arith.index_cast %parallel_loop3A_446 : i32 to index
        %parallel_loop3A_448 = tpu.vector_load %arg11[%parallel_loop3A_447] {strides = array<i32>} : memref<1296xf32, #tpu.memory_space<vmem>>, vector<16xf32>,
        %parallel_loop3A_449 = arith.constant 16 : i32
        %parallel_loop3A_450 = arith.muli %parallel_loop3A_449, %parallel_loop3A_358 : i32
        %parallel_loop3A_451 = arith.constant 1215 : i32
        %parallel_loop3A_452 = arith.addi %parallel_loop3A_451, %parallel_loop3A_450 : i32
        %parallel_loop3A_453 = arith.index_cast %parallel_loop3A_452 : i32 to index
        %parallel_loop3A_454 = tpu.vector_load %arg11[%parallel_loop3A_453] {strides = array<i32>} : memref<1296xf32, #tpu.memory_space<vmem>>, vector<16xf32>,
        %parallel_loop3A_455 = arith.addf %parallel_loop3A_364, %parallel_loop3A_370 : vector<16xf32>
        %parallel_loop3A_456 = arith.addf %parallel_loop3A_376, %parallel_loop3A_382 : vector<16xf32>
        %parallel_loop3A_457 = arith.addf %parallel_loop3A_388, %parallel_loop3A_394 : vector<16xf32>
        %parallel_loop3A_458 = arith.addf %parallel_loop3A_400, %parallel_loop3A_406 : vector<16xf32>
        %parallel_loop3A_459 = arith.addf %parallel_loop3A_412, %parallel_loop3A_418 : vector<16xf32>
        %parallel_loop3A_460 = arith.addf %parallel_loop3A_424, %parallel_loop3A_430 : vector<16xf32>
        %parallel_loop3A_461 = arith.addf %parallel_loop3A_436, %parallel_loop3A_442 : vector<16xf32>
        %parallel_loop3A_462 = arith.addf %parallel_loop3A_448, %parallel_loop3A_454 : vector<16xf32>
        %parallel_loop3A_463 = arith.addf %parallel_loop3A_455, %parallel_loop3A_456 : vector<16xf32>
        %parallel_loop3A_464 = arith.addf %parallel_loop3A_457, %parallel_loop3A_458 : vector<16xf32>
        %parallel_loop3A_465 = arith.addf %parallel_loop3A_459, %parallel_loop3A_460 : vector<16xf32>
        %parallel_loop3A_466 = arith.addf %parallel_loop3A_461, %parallel_loop3A_462 : vector<16xf32>
        %parallel_loop3A_467 = arith.addf %parallel_loop3A_463, %parallel_loop3A_464 : vector<16xf32>
        %parallel_loop3A_468 = arith.addf %parallel_loop3A_465, %parallel_loop3A_466 : vector<16xf32>
        %parallel_loop3A_469 = arith.addf %parallel_loop3A_467, %parallel_loop3A_468 : vector<16xf32>
        %parallel_loop3A_470 = arith.constant 80 : i32
        %parallel_loop3A_471 = arith.muli %add3A_340, %parallel_loop3A_470 : i32
        %parallel_loop3A_472 = arith.constant 16 : i32
        %parallel_loop3A_473 = arith.muli %parallel_loop3A_472, %parallel_loop3A_358 : i32
        %parallel_loop3A_474 = arith.addi %parallel_loop3A_471, %parallel_loop3A_473 : i32
        %parallel_loop3A_475 = arith.index_cast %parallel_loop3A_474 : i32 to index
        %parallel_loop3A_476 = tpu.vector_load %arg10[%parallel_loop3A_475] {strides = array<i32>} : memref<10000xf32, #tpu.memory_space<vmem>>, vector<16xf32>,
        tpu.vector_store %arg10[%parallel_loop3A_475], %parallel_loop3A_469 {strides = array<i32>} : memref<10000xf32, #tpu.memory_space<vmem>>, vector<16xf32>,
      } {sc.loop_unroll_factor = 5 : i64, sc.parallel_access}
      %add3A_349 = arith.constant 3 : i32
      %add3A_350 = arith.addi %mul3A_188, %add3A_349 : i32
      %add3A_351 = arith.constant 4 : i32
      %add3A_352 = arith.addi %add3A_350, %add3A_351 : i32
      %lt3A_353 = arith.constant 125 : i32
      %lt3A_354 = arith.cmpi slt, %add3A_352, %lt3A_353 : i32
      %convert_element_type3A_355 = arith.extui %lt3A_354 : i1 to i32
      %cond3A_356 = arith.constant 0 : i32
      %cond3A_357 = arith.cmpi ne, %convert_element_type3A_355, %cond3A_356 : i32
      scf.if %cond3A_357 {
        %add3A_358 = arith.constant 3 : i32
        %add3A_359 = arith.addi %mul3A_188, %add3A_358 : i32
        %add3A_360 = arith.constant 4 : i32
        %add3A_361 = arith.addi %add3A_359, %add3A_360 : i32
        %dma_start3A_362 = arith.constant 3 : i32
        %dma_start3A_363 = arith.constant 0 : i32
        %dma_start3A_364 = arith.constant 0 : i32
        %dma_start3A_365 = tpu.memref_slice %arg8[%dma_start3A_362, %dma_start3A_363, %dma_start3A_364] : memref<4x80x64xi32, #tpu.memory_space<vmem>> -> memref<1x80x64xi32, #tpu.memory_space<vmem>>
        %dma_start3A_366 = tpu.memref_squeeze %dma_start3A_365 : memref<1x80x64xi32, #tpu.memory_space<vmem>> -> memref<80x64xi32, #tpu.memory_space<vmem>>
        %dma_start3A_367 = arith.constant 0 : i32
        %dma_start3A_368 = tpu.memref_slice %arg6[%add3A_361, %dma_start3A_367] : memref<125x80xi32, #tpu.memory_space<vmem>> -> memref<1x80xi32, #tpu.memory_space<vmem>>
        %dma_start3A_369 = tpu.memref_squeeze %dma_start3A_368 : memref<1x80xi32, #tpu.memory_space<vmem>> -> memref<80xi32, #tpu.memory_space<vmem>>
        %dma_start3A_370 = arith.constant 0 : i32
        %dma_start3A_371 = arith.constant 0 : i32
        %dma_start3A_372 = tpu.memref_slice %arg13[%dma_start3A_370, %dma_start3A_371] : memref<10000x64xi32, #tpu.memory_space<vmem_shared>> -> memref<10000x64xi32, #tpu.memory_space<vmem_shared>>
        tpu.enqueue_indirect_dma source(%dma_start3A_372 : memref<10000x64xi32, #tpu.memory_space<vmem_shared>>) target(%dma_start3A_366 : memref<80x64xi32, #tpu.memory_space<vmem>>) offsets(%dma_start3A_369 : memref<80xi32, #tpu.memory_space<vmem>>) semaphore(%arg20 : memref<!tpu.dma_semaphore, #tpu.memory_space<semaphore_mem>>)
        %dma_start3A_373 = arith.constant 3 : i32
        %dma_start3A_374 = arith.constant 0 : i32
        %dma_start3A_375 = arith.constant 0 : i32
        %dma_start3A_376 = tpu.memref_slice %arg9[%dma_start3A_373, %dma_start3A_374, %dma_start3A_375] : memref<4x80x64xi32, #tpu.memory_space<vmem>> -> memref<1x80x64xi32, #tpu.memory_space<vmem>>
        %dma_start3A_377 = tpu.memref_squeeze %dma_start3A_376 : memref<1x80x64xi32, #tpu.memory_space<vmem>> -> memref<80x64xi32, #tpu.memory_space<vmem>>
        %dma_start3A_378 = arith.constant 0 : i32
        %dma_start3A_379 = tpu.memref_slice %arg7[%add3A_361, %dma_start3A_378] : memref<125x80xi32, #tpu.memory_space<vmem>> -> memref<1x80xi32, #tpu.memory_space<vmem>>
        %dma_start3A_380 = tpu.memref_squeeze %dma_start3A_379 : memref<1x80xi32, #tpu.memory_space<vmem>> -> memref<80xi32, #tpu.memory_space<vmem>>
        %dma_start3A_381 = arith.constant 0 : i32
        %dma_start3A_382 = arith.constant 0 : i32
        %dma_start3A_383 = tpu.memref_slice %arg13[%dma_start3A_381, %dma_start3A_382] : memref<10000x64xi32, #tpu.memory_space<vmem_shared>> -> memref<10000x64xi32, #tpu.memory_space<vmem_shared>>
        tpu.enqueue_indirect_dma source(%dma_start3A_383 : memref<10000x64xi32, #tpu.memory_space<vmem_shared>>) target(%dma_start3A_377 : memref<80x64xi32, #tpu.memory_space<vmem>>) offsets(%dma_start3A_380 : memref<80xi32, #tpu.memory_space<vmem>>) semaphore(%arg21 : memref<!tpu.dma_semaphore, #tpu.memory_space<semaphore_mem>>)
      } else {
      }
    }
    %scan3A_151 = arith.constant 31 : i32
    %dma_wait3A_152 = arith.constant 124 : i32
    %dma_wait3A_153 = arith.constant 0 : i32
    %dma_wait3A_154 = arith.constant 0 : i32
    %dma_wait3A_155 = arith.constant 0 : i32
    %dma_wait3A_156 = tpu.memref_slice %arg8[%dma_wait3A_153, %dma_wait3A_154, %dma_wait3A_155] : memref<4x80x64xi32, #tpu.memory_space<vmem>> -> memref<1x80x64xi32, #tpu.memory_space<vmem>>
    %dma_wait3A_157 = tpu.memref_squeeze %dma_wait3A_156 : memref<1x80x64xi32, #tpu.memory_space<vmem>> -> memref<80x64xi32, #tpu.memory_space<vmem>>
    %dma_wait3A_158 = arith.constant 0 : i32
    %dma_wait3A_159 = tpu.memref_slice %arg6[%dma_wait3A_152, %dma_wait3A_158] : memref<125x80xi32, #tpu.memory_space<vmem>> -> memref<1x80xi32, #tpu.memory_space<vmem>>
    %dma_wait3A_160 = tpu.memref_squeeze %dma_wait3A_159 : memref<1x80xi32, #tpu.memory_space<vmem>> -> memref<80xi32, #tpu.memory_space<vmem>>
    %dma_wait3A_161 = arith.constant 0 : i32
    %dma_wait3A_162 = arith.constant 0 : i32
    %dma_wait3A_163 = tpu.memref_slice %arg13[%dma_wait3A_161, %dma_wait3A_162] : memref<10000x64xi32, #tpu.memory_space<vmem_shared>> -> memref<10000x64xi32, #tpu.memory_space<vmem_shared>>
    tpu.wait_indirect_dma semaphore(%arg14 : memref<!tpu.dma_semaphore, #tpu.memory_space<semaphore_mem>>) src(%dma_wait3A_163 : memref<10000x64xi32, #tpu.memory_space<vmem_shared>>) dst(%dma_wait3A_157 : memref<80x64xi32, #tpu.memory_space<vmem>>)
    %dma_wait3A_164 = arith.constant 124 : i32
    %dma_wait3A_165 = arith.constant 0 : i32
    %dma_wait3A_166 = arith.constant 0 : i32
    %dma_wait3A_167 = arith.constant 0 : i32
    %dma_wait3A_168 = tpu.memref_slice %arg9[%dma_wait3A_165, %dma_wait3A_166, %dma_wait3A_167] : memref<4x80x64xi32, #tpu.memory_space<vmem>> -> memref<1x80x64xi32, #tpu.memory_space<vmem>>
    %dma_wait3A_169 = tpu.memref_squeeze %dma_wait3A_168 : memref<1x80x64xi32, #tpu.memory_space<vmem>> -> memref<80x64xi32, #tpu.memory_space<vmem>>
    %dma_wait3A_170 = arith.constant 0 : i32
    %dma_wait3A_171 = tpu.memref_slice %arg7[%dma_wait3A_164, %dma_wait3A_170] : memref<125x80xi32, #tpu.memory_space<vmem>> -> memref<1x80xi32, #tpu.memory_space<vmem>>
    %dma_wait3A_172 = tpu.memref_squeeze %dma_wait3A_171 : memref<1x80xi32, #tpu.memory_space<vmem>> -> memref<80xi32, #tpu.memory_space<vmem>>
    %dma_wait3A_173 = arith.constant 0 : i32
    %dma_wait3A_174 = arith.constant 0 : i32
    %dma_wait3A_175 = tpu.memref_slice %arg13[%dma_wait3A_173, %dma_wait3A_174] : memref<10000x64xi32, #tpu.memory_space<vmem_shared>> -> memref<10000x64xi32, #tpu.memory_space<vmem_shared>>
    tpu.wait_indirect_dma semaphore(%arg15 : memref<!tpu.dma_semaphore, #tpu.memory_space<semaphore_mem>>) src(%dma_wait3A_175 : memref<10000x64xi32, #tpu.memory_space<vmem_shared>>) dst(%dma_wait3A_169 : memref<80x64xi32, #tpu.memory_space<vmem>>)
    %parallel_loop3A = arith.constant 0 : i32
    %parallel_loop3A_176 = arith.constant 80 : i32
    %parallel_loop3A_177 = arith.constant 1 : i32
    %parallel_loop3A_178 = arith.constant 0 : i32
    %parallel_loop3A_179 = arith.constant 0 : i32
    scf.for %parallel_loop3A_186 = %parallel_loop3A to %parallel_loop3A_176 step %parallel_loop3A_177  : i32 {
      %parallel_loop3A_187 = arith.constant 0 : i32
      %parallel_loop3A_188 = arith.constant 0 : i32
      %parallel_loop3A_189 = tpu.memref_slice %arg8[%parallel_loop3A_178, %parallel_loop3A_187, %parallel_loop3A_188] : memref<4x80x64xi32, #tpu.memory_space<vmem>> -> memref<1x80x64xi32, #tpu.memory_space<vmem>>
      %parallel_loop3A_190 = tpu.memref_squeeze %parallel_loop3A_189 : memref<1x80x64xi32, #tpu.memory_space<vmem>> -> memref<80x64xi32, #tpu.memory_space<vmem>>
      %parallel_loop3A_191 = arith.index_cast %parallel_loop3A_186 : i32 to index
      %parallel_loop3A_192 = arith.constant 0 : index
      %parallel_loop3A_193 = tpu.vector_load %parallel_loop3A_190[%parallel_loop3A_191, %parallel_loop3A_192] {strides = array<i32>} : memref<80x64xi32, #tpu.memory_space<vmem>>, vector<16xi32>,
      %parallel_loop3A_194 = vector.bitcast %parallel_loop3A_193 : vector<16xi32> to vector<32xbf16>
      %parallel_loop3A_195 = arith.constant 0 : i32
      %parallel_loop3A_196 = arith.constant 0 : i32
      %parallel_loop3A_197 = tpu.memref_slice %arg9[%parallel_loop3A_179, %parallel_loop3A_195, %parallel_loop3A_196] : memref<4x80x64xi32, #tpu.memory_space<vmem>> -> memref<1x80x64xi32, #tpu.memory_space<vmem>>
      %parallel_loop3A_198 = tpu.memref_squeeze %parallel_loop3A_197 : memref<1x80x64xi32, #tpu.memory_space<vmem>> -> memref<80x64xi32, #tpu.memory_space<vmem>>
      %parallel_loop3A_199 = arith.index_cast %parallel_loop3A_186 : i32 to index
      %parallel_loop3A_200 = arith.constant 0 : index
      %parallel_loop3A_201 = tpu.vector_load %parallel_loop3A_198[%parallel_loop3A_199, %parallel_loop3A_200] {strides = array<i32>} : memref<80x64xi32, #tpu.memory_space<vmem>>, vector<16xi32>,
      %parallel_loop3A_202 = vector.bitcast %parallel_loop3A_201 : vector<16xi32> to vector<32xbf16>
      %parallel_loop3A_203 = arith.subf %parallel_loop3A_194, %parallel_loop3A_202 : vector<32xbf16>
      %parallel_loop3A_204 = arith.mulf %parallel_loop3A_203, %parallel_loop3A_203 : vector<32xbf16>
      %parallel_loop3A_205 = arith.constant 0 : i32
      %parallel_loop3A_206 = arith.constant 0 : i32
      %parallel_loop3A_207 = tpu.memref_slice %arg8[%parallel_loop3A_178, %parallel_loop3A_205, %parallel_loop3A_206] : memref<4x80x64xi32, #tpu.memory_space<vmem>> -> memref<1x80x64xi32, #tpu.memory_space<vmem>>
      %parallel_loop3A_208 = tpu.memref_squeeze %parallel_loop3A_207 : memref<1x80x64xi32, #tpu.memory_space<vmem>> -> memref<80x64xi32, #tpu.memory_space<vmem>>
      %parallel_loop3A_209 = arith.index_cast %parallel_loop3A_186 : i32 to index
      %parallel_loop3A_210 = arith.constant 16 : index
      %parallel_loop3A_211 = tpu.vector_load %parallel_loop3A_208[%parallel_loop3A_209, %parallel_loop3A_210] {strides = array<i32>} : memref<80x64xi32, #tpu.memory_space<vmem>>, vector<16xi32>,
      %parallel_loop3A_212 = vector.bitcast %parallel_loop3A_211 : vector<16xi32> to vector<32xbf16>
      %parallel_loop3A_213 = arith.constant 0 : i32
      %parallel_loop3A_214 = arith.constant 0 : i32
      %parallel_loop3A_215 = tpu.memref_slice %arg9[%parallel_loop3A_179, %parallel_loop3A_213, %parallel_loop3A_214] : memref<4x80x64xi32, #tpu.memory_space<vmem>> -> memref<1x80x64xi32, #tpu.memory_space<vmem>>
      %parallel_loop3A_216 = tpu.memref_squeeze %parallel_loop3A_215 : memref<1x80x64xi32, #tpu.memory_space<vmem>> -> memref<80x64xi32, #tpu.memory_space<vmem>>
      %parallel_loop3A_217 = arith.index_cast %parallel_loop3A_186 : i32 to index
      %parallel_loop3A_218 = arith.constant 16 : index
      %parallel_loop3A_219 = tpu.vector_load %parallel_loop3A_216[%parallel_loop3A_217, %parallel_loop3A_218] {strides = array<i32>} : memref<80x64xi32, #tpu.memory_space<vmem>>, vector<16xi32>,
      %parallel_loop3A_220 = vector.bitcast %parallel_loop3A_219 : vector<16xi32> to vector<32xbf16>
      %parallel_loop3A_221 = arith.subf %parallel_loop3A_212, %parallel_loop3A_220 : vector<32xbf16>
      %parallel_loop3A_222 = arith.mulf %parallel_loop3A_221, %parallel_loop3A_221 : vector<32xbf16>
      %parallel_loop3A_223 = arith.constant 0 : i32
      %parallel_loop3A_224 = arith.constant 0 : i32
      %parallel_loop3A_225 = tpu.memref_slice %arg8[%parallel_loop3A_178, %parallel_loop3A_223, %parallel_loop3A_224] : memref<4x80x64xi32, #tpu.memory_space<vmem>> -> memref<1x80x64xi32, #tpu.memory_space<vmem>>
      %parallel_loop3A_226 = tpu.memref_squeeze %parallel_loop3A_225 : memref<1x80x64xi32, #tpu.memory_space<vmem>> -> memref<80x64xi32, #tpu.memory_space<vmem>>
      %parallel_loop3A_227 = arith.index_cast %parallel_loop3A_186 : i32 to index
      %parallel_loop3A_228 = arith.constant 32 : index
      %parallel_loop3A_229 = tpu.vector_load %parallel_loop3A_226[%parallel_loop3A_227, %parallel_loop3A_228] {strides = array<i32>} : memref<80x64xi32, #tpu.memory_space<vmem>>, vector<16xi32>,
      %parallel_loop3A_230 = vector.bitcast %parallel_loop3A_229 : vector<16xi32> to vector<32xbf16>
      %parallel_loop3A_231 = arith.constant 0 : i32
      %parallel_loop3A_232 = arith.constant 0 : i32
      %parallel_loop3A_233 = tpu.memref_slice %arg9[%parallel_loop3A_179, %parallel_loop3A_231, %parallel_loop3A_232] : memref<4x80x64xi32, #tpu.memory_space<vmem>> -> memref<1x80x64xi32, #tpu.memory_space<vmem>>
      %parallel_loop3A_234 = tpu.memref_squeeze %parallel_loop3A_233 : memref<1x80x64xi32, #tpu.memory_space<vmem>> -> memref<80x64xi32, #tpu.memory_space<vmem>>
      %parallel_loop3A_235 = arith.index_cast %parallel_loop3A_186 : i32 to index
      %parallel_loop3A_236 = arith.constant 32 : index
      %parallel_loop3A_237 = tpu.vector_load %parallel_loop3A_234[%parallel_loop3A_235, %parallel_loop3A_236] {strides = array<i32>} : memref<80x64xi32, #tpu.memory_space<vmem>>, vector<16xi32>,
      %parallel_loop3A_238 = vector.bitcast %parallel_loop3A_237 : vector<16xi32> to vector<32xbf16>
      %parallel_loop3A_239 = arith.subf %parallel_loop3A_230, %parallel_loop3A_238 : vector<32xbf16>
      %parallel_loop3A_240 = arith.mulf %parallel_loop3A_239, %parallel_loop3A_239 : vector<32xbf16>
      %parallel_loop3A_241 = arith.constant 0 : i32
      %parallel_loop3A_242 = arith.constant 0 : i32
      %parallel_loop3A_243 = tpu.memref_slice %arg8[%parallel_loop3A_178, %parallel_loop3A_241, %parallel_loop3A_242] : memref<4x80x64xi32, #tpu.memory_space<vmem>> -> memref<1x80x64xi32, #tpu.memory_space<vmem>>
      %parallel_loop3A_244 = tpu.memref_squeeze %parallel_loop3A_243 : memref<1x80x64xi32, #tpu.memory_space<vmem>> -> memref<80x64xi32, #tpu.memory_space<vmem>>
      %parallel_loop3A_245 = arith.index_cast %parallel_loop3A_186 : i32 to index
      %parallel_loop3A_246 = arith.constant 48 : index
      %parallel_loop3A_247 = tpu.vector_load %parallel_loop3A_244[%parallel_loop3A_245, %parallel_loop3A_246] {strides = array<i32>} : memref<80x64xi32, #tpu.memory_space<vmem>>, vector<16xi32>,
      %parallel_loop3A_248 = vector.bitcast %parallel_loop3A_247 : vector<16xi32> to vector<32xbf16>
      %parallel_loop3A_249 = arith.constant 0 : i32
      %parallel_loop3A_250 = arith.constant 0 : i32
      %parallel_loop3A_251 = tpu.memref_slice %arg9[%parallel_loop3A_179, %parallel_loop3A_249, %parallel_loop3A_250] : memref<4x80x64xi32, #tpu.memory_space<vmem>> -> memref<1x80x64xi32, #tpu.memory_space<vmem>>
      %parallel_loop3A_252 = tpu.memref_squeeze %parallel_loop3A_251 : memref<1x80x64xi32, #tpu.memory_space<vmem>> -> memref<80x64xi32, #tpu.memory_space<vmem>>
      %parallel_loop3A_253 = arith.index_cast %parallel_loop3A_186 : i32 to index
      %parallel_loop3A_254 = arith.constant 48 : index
      %parallel_loop3A_255 = tpu.vector_load %parallel_loop3A_252[%parallel_loop3A_253, %parallel_loop3A_254] {strides = array<i32>} : memref<80x64xi32, #tpu.memory_space<vmem>>, vector<16xi32>,
      %parallel_loop3A_256 = vector.bitcast %parallel_loop3A_255 : vector<16xi32> to vector<32xbf16>
      %parallel_loop3A_257 = arith.subf %parallel_loop3A_248, %parallel_loop3A_256 : vector<32xbf16>
      %parallel_loop3A_258 = arith.mulf %parallel_loop3A_257, %parallel_loop3A_257 : vector<32xbf16>
      %parallel_loop3A_259 = arith.addf %parallel_loop3A_204, %parallel_loop3A_222 : vector<32xbf16>
      %parallel_loop3A_260 = arith.addf %parallel_loop3A_240, %parallel_loop3A_258 : vector<32xbf16>
      %parallel_loop3A_261 = arith.addf %parallel_loop3A_259, %parallel_loop3A_260 : vector<32xbf16>
      %parallel_loop3A_262 = tpu.unpack_subelements %parallel_loop3A_261, 0 {pack_format = #tpu.pack_format<interleaved>} : vector<32xbf16> -> vector<16xf32>
      %parallel_loop3A_263 = tpu.unpack_subelements %parallel_loop3A_261, 1 {pack_format = #tpu.pack_format<interleaved>} : vector<32xbf16> -> vector<16xf32>
      %parallel_loop3A_264 = vector.broadcast %parallel_loop3A_186 : i32 to vector<16xi32>
      %parallel_loop3A_265 = arith.addi %mul3A_50, %parallel_loop3A_264 : vector<16xi32>
      %parallel_loop3A_266 = arith.addf %parallel_loop3A_262, %parallel_loop3A_263 : vector<16xf32>
      tpu.vector_store_idx %arg11[%parallel_loop3A_265], %parallel_loop3A_266 : memref<1296xf32, #tpu.memory_space<vmem>>[vector<16xi32>], vector<16xf32>,
    } {sc.loop_unroll_factor = 8 : i64, sc.parallel_access}
    %parallel_loop3A_180 = arith.constant 0 : i32
    %parallel_loop3A_181 = arith.constant 5 : i32
    %parallel_loop3A_182 = arith.constant 1 : i32
    scf.for %parallel_loop3A_186 = %parallel_loop3A_180 to %parallel_loop3A_181 step %parallel_loop3A_182  : i32 {
      %parallel_loop3A_187 = arith.constant 16 : i32
      %parallel_loop3A_188 = arith.muli %parallel_loop3A_187, %parallel_loop3A_186 : i32
      %parallel_loop3A_189 = arith.constant 0 : i32
      %parallel_loop3A_190 = arith.addi %parallel_loop3A_189, %parallel_loop3A_188 : i32
      %parallel_loop3A_191 = arith.index_cast %parallel_loop3A_190 : i32 to index
      %parallel_loop3A_192 = tpu.vector_load %arg11[%parallel_loop3A_191] {strides = array<i32>} : memref<1296xf32, #tpu.memory_space<vmem>>, vector<16xf32>,
      %parallel_loop3A_193 = arith.constant 16 : i32
      %parallel_loop3A_194 = arith.muli %parallel_loop3A_193, %parallel_loop3A_186 : i32
      %parallel_loop3A_195 = arith.constant 81 : i32
      %parallel_loop3A_196 = arith.addi %parallel_loop3A_195, %parallel_loop3A_194 : i32
      %parallel_loop3A_197 = arith.index_cast %parallel_loop3A_196 : i32 to index
      %parallel_loop3A_198 = tpu.vector_load %arg11[%parallel_loop3A_197] {strides = array<i32>} : memref<1296xf32, #tpu.memory_space<vmem>>, vector<16xf32>,
      %parallel_loop3A_199 = arith.constant 16 : i32
      %parallel_loop3A_200 = arith.muli %parallel_loop3A_199, %parallel_loop3A_186 : i32
      %parallel_loop3A_201 = arith.constant 162 : i32
      %parallel_loop3A_202 = arith.addi %parallel_loop3A_201, %parallel_loop3A_200 : i32
      %parallel_loop3A_203 = arith.index_cast %parallel_loop3A_202 : i32 to index
      %parallel_loop3A_204 = tpu.vector_load %arg11[%parallel_loop3A_203] {strides = array<i32>} : memref<1296xf32, #tpu.memory_space<vmem>>, vector<16xf32>,
      %parallel_loop3A_205 = arith.constant 16 : i32
      %parallel_loop3A_206 = arith.muli %parallel_loop3A_205, %parallel_loop3A_186 : i32
      %parallel_loop3A_207 = arith.constant 243 : i32
      %parallel_loop3A_208 = arith.addi %parallel_loop3A_207, %parallel_loop3A_206 : i32
      %parallel_loop3A_209 = arith.index_cast %parallel_loop3A_208 : i32 to index
      %parallel_loop3A_210 = tpu.vector_load %arg11[%parallel_loop3A_209] {strides = array<i32>} : memref<1296xf32, #tpu.memory_space<vmem>>, vector<16xf32>,
      %parallel_loop3A_211 = arith.constant 16 : i32
      %parallel_loop3A_212 = arith.muli %parallel_loop3A_211, %parallel_loop3A_186 : i32
      %parallel_loop3A_213 = arith.constant 324 : i32
      %parallel_loop3A_214 = arith.addi %parallel_loop3A_213, %parallel_loop3A_212 : i32
      %parallel_loop3A_215 = arith.index_cast %parallel_loop3A_214 : i32 to index
      %parallel_loop3A_216 = tpu.vector_load %arg11[%parallel_loop3A_215] {strides = array<i32>} : memref<1296xf32, #tpu.memory_space<vmem>>, vector<16xf32>,
      %parallel_loop3A_217 = arith.constant 16 : i32
      %parallel_loop3A_218 = arith.muli %parallel_loop3A_217, %parallel_loop3A_186 : i32
      %parallel_loop3A_219 = arith.constant 405 : i32
      %parallel_loop3A_220 = arith.addi %parallel_loop3A_219, %parallel_loop3A_218 : i32
      %parallel_loop3A_221 = arith.index_cast %parallel_loop3A_220 : i32 to index
      %parallel_loop3A_222 = tpu.vector_load %arg11[%parallel_loop3A_221] {strides = array<i32>} : memref<1296xf32, #tpu.memory_space<vmem>>, vector<16xf32>,
      %parallel_loop3A_223 = arith.constant 16 : i32
      %parallel_loop3A_224 = arith.muli %parallel_loop3A_223, %parallel_loop3A_186 : i32
      %parallel_loop3A_225 = arith.constant 486 : i32
      %parallel_loop3A_226 = arith.addi %parallel_loop3A_225, %parallel_loop3A_224 : i32
      %parallel_loop3A_227 = arith.index_cast %parallel_loop3A_226 : i32 to index
      %parallel_loop3A_228 = tpu.vector_load %arg11[%parallel_loop3A_227] {strides = array<i32>} : memref<1296xf32, #tpu.memory_space<vmem>>, vector<16xf32>,
      %parallel_loop3A_229 = arith.constant 16 : i32
      %parallel_loop3A_230 = arith.muli %parallel_loop3A_229, %parallel_loop3A_186 : i32
      %parallel_loop3A_231 = arith.constant 567 : i32
      %parallel_loop3A_232 = arith.addi %parallel_loop3A_231, %parallel_loop3A_230 : i32
      %parallel_loop3A_233 = arith.index_cast %parallel_loop3A_232 : i32 to index
      %parallel_loop3A_234 = tpu.vector_load %arg11[%parallel_loop3A_233] {strides = array<i32>} : memref<1296xf32, #tpu.memory_space<vmem>>, vector<16xf32>,
      %parallel_loop3A_235 = arith.constant 16 : i32
      %parallel_loop3A_236 = arith.muli %parallel_loop3A_235, %parallel_loop3A_186 : i32
      %parallel_loop3A_237 = arith.constant 648 : i32
      %parallel_loop3A_238 = arith.addi %parallel_loop3A_237, %parallel_loop3A_236 : i32
      %parallel_loop3A_239 = arith.index_cast %parallel_loop3A_238 : i32 to index
      %parallel_loop3A_240 = tpu.vector_load %arg11[%parallel_loop3A_239] {strides = array<i32>} : memref<1296xf32, #tpu.memory_space<vmem>>, vector<16xf32>,
      %parallel_loop3A_241 = arith.constant 16 : i32
      %parallel_loop3A_242 = arith.muli %parallel_loop3A_241, %parallel_loop3A_186 : i32
      %parallel_loop3A_243 = arith.constant 729 : i32
      %parallel_loop3A_244 = arith.addi %parallel_loop3A_243, %parallel_loop3A_242 : i32
      %parallel_loop3A_245 = arith.index_cast %parallel_loop3A_244 : i32 to index
      %parallel_loop3A_246 = tpu.vector_load %arg11[%parallel_loop3A_245] {strides = array<i32>} : memref<1296xf32, #tpu.memory_space<vmem>>, vector<16xf32>,
      %parallel_loop3A_247 = arith.constant 16 : i32
      %parallel_loop3A_248 = arith.muli %parallel_loop3A_247, %parallel_loop3A_186 : i32
      %parallel_loop3A_249 = arith.constant 810 : i32
      %parallel_loop3A_250 = arith.addi %parallel_loop3A_249, %parallel_loop3A_248 : i32
      %parallel_loop3A_251 = arith.index_cast %parallel_loop3A_250 : i32 to index
      %parallel_loop3A_252 = tpu.vector_load %arg11[%parallel_loop3A_251] {strides = array<i32>} : memref<1296xf32, #tpu.memory_space<vmem>>, vector<16xf32>,
      %parallel_loop3A_253 = arith.constant 16 : i32
      %parallel_loop3A_254 = arith.muli %parallel_loop3A_253, %parallel_loop3A_186 : i32
      %parallel_loop3A_255 = arith.constant 891 : i32
      %parallel_loop3A_256 = arith.addi %parallel_loop3A_255, %parallel_loop3A_254 : i32
      %parallel_loop3A_257 = arith.index_cast %parallel_loop3A_256 : i32 to index
      %parallel_loop3A_258 = tpu.vector_load %arg11[%parallel_loop3A_257] {strides = array<i32>} : memref<1296xf32, #tpu.memory_space<vmem>>, vector<16xf32>,
      %parallel_loop3A_259 = arith.constant 16 : i32
      %parallel_loop3A_260 = arith.muli %parallel_loop3A_259, %parallel_loop3A_186 : i32
      %parallel_loop3A_261 = arith.constant 972 : i32
      %parallel_loop3A_262 = arith.addi %parallel_loop3A_261, %parallel_loop3A_260 : i32
      %parallel_loop3A_263 = arith.index_cast %parallel_loop3A_262 : i32 to index
      %parallel_loop3A_264 = tpu.vector_load %arg11[%parallel_loop3A_263] {strides = array<i32>} : memref<1296xf32, #tpu.memory_space<vmem>>, vector<16xf32>,
      %parallel_loop3A_265 = arith.constant 16 : i32
      %parallel_loop3A_266 = arith.muli %parallel_loop3A_265, %parallel_loop3A_186 : i32
      %parallel_loop3A_267 = arith.constant 1053 : i32
      %parallel_loop3A_268 = arith.addi %parallel_loop3A_267, %parallel_loop3A_266 : i32
      %parallel_loop3A_269 = arith.index_cast %parallel_loop3A_268 : i32 to index
      %parallel_loop3A_270 = tpu.vector_load %arg11[%parallel_loop3A_269] {strides = array<i32>} : memref<1296xf32, #tpu.memory_space<vmem>>, vector<16xf32>,
      %parallel_loop3A_271 = arith.constant 16 : i32
      %parallel_loop3A_272 = arith.muli %parallel_loop3A_271, %parallel_loop3A_186 : i32
      %parallel_loop3A_273 = arith.constant 1134 : i32
      %parallel_loop3A_274 = arith.addi %parallel_loop3A_273, %parallel_loop3A_272 : i32
      %parallel_loop3A_275 = arith.index_cast %parallel_loop3A_274 : i32 to index
      %parallel_loop3A_276 = tpu.vector_load %arg11[%parallel_loop3A_275] {strides = array<i32>} : memref<1296xf32, #tpu.memory_space<vmem>>, vector<16xf32>,
      %parallel_loop3A_277 = arith.constant 16 : i32
      %parallel_loop3A_278 = arith.muli %parallel_loop3A_277, %parallel_loop3A_186 : i32
      %parallel_loop3A_279 = arith.constant 1215 : i32
      %parallel_loop3A_280 = arith.addi %parallel_loop3A_279, %parallel_loop3A_278 : i32
      %parallel_loop3A_281 = arith.index_cast %parallel_loop3A_280 : i32 to index
      %parallel_loop3A_282 = tpu.vector_load %arg11[%parallel_loop3A_281] {strides = array<i32>} : memref<1296xf32, #tpu.memory_space<vmem>>, vector<16xf32>,
      %parallel_loop3A_283 = arith.addf %parallel_loop3A_192, %parallel_loop3A_198 : vector<16xf32>
      %parallel_loop3A_284 = arith.addf %parallel_loop3A_204, %parallel_loop3A_210 : vector<16xf32>
      %parallel_loop3A_285 = arith.addf %parallel_loop3A_216, %parallel_loop3A_222 : vector<16xf32>
      %parallel_loop3A_286 = arith.addf %parallel_loop3A_228, %parallel_loop3A_234 : vector<16xf32>
      %parallel_loop3A_287 = arith.addf %parallel_loop3A_240, %parallel_loop3A_246 : vector<16xf32>
      %parallel_loop3A_288 = arith.addf %parallel_loop3A_252, %parallel_loop3A_258 : vector<16xf32>
      %parallel_loop3A_289 = arith.addf %parallel_loop3A_264, %parallel_loop3A_270 : vector<16xf32>
      %parallel_loop3A_290 = arith.addf %parallel_loop3A_276, %parallel_loop3A_282 : vector<16xf32>
      %parallel_loop3A_291 = arith.addf %parallel_loop3A_283, %parallel_loop3A_284 : vector<16xf32>
      %parallel_loop3A_292 = arith.addf %parallel_loop3A_285, %parallel_loop3A_286 : vector<16xf32>
      %parallel_loop3A_293 = arith.addf %parallel_loop3A_287, %parallel_loop3A_288 : vector<16xf32>
      %parallel_loop3A_294 = arith.addf %parallel_loop3A_289, %parallel_loop3A_290 : vector<16xf32>
      %parallel_loop3A_295 = arith.addf %parallel_loop3A_291, %parallel_loop3A_292 : vector<16xf32>
      %parallel_loop3A_296 = arith.addf %parallel_loop3A_293, %parallel_loop3A_294 : vector<16xf32>
      %parallel_loop3A_297 = arith.addf %parallel_loop3A_295, %parallel_loop3A_296 : vector<16xf32>
      %parallel_loop3A_298 = arith.constant 16 : i32
      %parallel_loop3A_299 = arith.muli %parallel_loop3A_298, %parallel_loop3A_186 : i32
      %parallel_loop3A_300 = arith.constant 9920 : i32
      %parallel_loop3A_301 = arith.addi %parallel_loop3A_300, %parallel_loop3A_299 : i32
      %parallel_loop3A_302 = arith.index_cast %parallel_loop3A_301 : i32 to index
      %parallel_loop3A_303 = tpu.vector_load %arg10[%parallel_loop3A_302] {strides = array<i32>} : memref<10000xf32, #tpu.memory_space<vmem>>, vector<16xf32>,
      tpu.vector_store %arg10[%parallel_loop3A_302], %parallel_loop3A_297 {strides = array<i32>} : memref<10000xf32, #tpu.memory_space<vmem>>, vector<16xf32>,
    } {sc.loop_unroll_factor = 5 : i64, sc.parallel_access}
    %parallel_loop3A_183 = arith.constant 0 : i32
    %parallel_loop3A_184 = arith.constant 625 : i32
    %parallel_loop3A_185 = arith.constant 1 : i32
    scf.for %parallel_loop3A_186 = %parallel_loop3A_183 to %parallel_loop3A_184 step %parallel_loop3A_185  : i32 {
      %parallel_loop3A_187 = arith.constant 16 : i32
      %parallel_loop3A_188 = arith.muli %parallel_loop3A_187, %parallel_loop3A_186 : i32
      %parallel_loop3A_189 = arith.index_cast %parallel_loop3A_188 : i32 to index
      %parallel_loop3A_190 = tpu.vector_load %arg10[%parallel_loop3A_189] {strides = array<i32>} : memref<10000xf32, #tpu.memory_space<vmem>>, vector<16xf32>,
      %parallel_loop3A_191 = arith.mulf %get3A_47, %parallel_loop3A_190 : vector<16xf32>
      %parallel_loop3A_192 = math.exp %parallel_loop3A_191 : vector<16xf32>
      %parallel_loop3A_193 = arith.constant 16 : i32
      %parallel_loop3A_194 = arith.muli %parallel_loop3A_193, %parallel_loop3A_186 : i32
      %parallel_loop3A_195 = arith.index_cast %parallel_loop3A_194 : i32 to index
      %parallel_loop3A_196 = tpu.vector_load %arg10[%parallel_loop3A_195] {strides = array<i32>} : memref<10000xf32, #tpu.memory_space<vmem>>, vector<16xf32>,
      tpu.vector_store %arg10[%parallel_loop3A_195], %parallel_loop3A_192 {strides = array<i32>} : memref<10000xf32, #tpu.memory_space<vmem>>, vector<16xf32>,
    } {sc.loop_unroll_factor = 4 : i64, sc.parallel_access}
    "tpu.region"() ({
      %run_scoped3A = tpu.sem_alloc : memref<!tpu.dma_semaphore, #tpu.memory_space<semaphore_mem>>
      %dma_start3A_186 = arith.constant 0 : i32
      %dma_start3A_187 = tpu.memref_slice %arg5[%add3A, %dma_start3A_186] : memref<32x10000xf32, #tpu.memory_space<hbm>> -> memref<1x10000xf32, #tpu.memory_space<hbm>>
      %dma_start3A_188 = tpu.memref_squeeze %dma_start3A_187 : memref<1x10000xf32, #tpu.memory_space<hbm>> -> memref<10000xf32, #tpu.memory_space<hbm>>
      %dma_start3A_189 = arith.constant 0 : i32
      %dma_start3A_190 = tpu.memref_slice %arg5[%add3A, %dma_start3A_189] : memref<32x10000xf32, #tpu.memory_space<hbm>> -> memref<1x10000xf32, #tpu.memory_space<hbm>>
      %dma_start3A_191 = tpu.memref_squeeze %dma_start3A_190 : memref<1x10000xf32, #tpu.memory_space<hbm>> -> memref<10000xf32, #tpu.memory_space<hbm>>
      tpu.enqueue_dma source(%arg10 : memref<10000xf32, #tpu.memory_space<vmem>>) target(%dma_start3A_191 : memref<10000xf32, #tpu.memory_space<hbm>>) target_semaphore(%run_scoped3A : memref<!tpu.dma_semaphore, #tpu.memory_space<semaphore_mem>>)
      %dma_wait3A_192 = arith.constant 0 : i32
      %dma_wait3A_193 = tpu.memref_slice %arg5[%add3A, %dma_wait3A_192] : memref<32x10000xf32, #tpu.memory_space<hbm>> -> memref<1x10000xf32, #tpu.memory_space<hbm>>
      %dma_wait3A_194 = tpu.memref_squeeze %dma_wait3A_193 : memref<1x10000xf32, #tpu.memory_space<hbm>> -> memref<10000xf32, #tpu.memory_space<hbm>>
      %dma_wait3A_195 = arith.constant 0 : i32
      %dma_wait3A_196 = tpu.memref_slice %arg5[%add3A, %dma_wait3A_195] : memref<32x10000xf32, #tpu.memory_space<hbm>> -> memref<1x10000xf32, #tpu.memory_space<hbm>>
      %dma_wait3A_197 = tpu.memref_squeeze %dma_wait3A_196 : memref<1x10000xf32, #tpu.memory_space<hbm>> -> memref<10000xf32, #tpu.memory_space<hbm>>
      tpu.wait_dma2 semaphore(%run_scoped3A : memref<!tpu.dma_semaphore, #tpu.memory_space<semaphore_mem>>) src(%arg10 : memref<10000xf32, #tpu.memory_space<vmem>>) dst(%dma_wait3A_197 : memref<10000xf32, #tpu.memory_space<hbm>>)
      tpu.yield
    }) : () -> ()
    return
  }
}

</mosaic_0001>

<sc_bundles>
// kernel: kernel.3.cloned.1.call-start
scs
__scs_entry_jumppad:
0x0: {  	(pc) =	sbr.rel $0x88, $3  }
0x1: {  	(tag) =	ssettag $0x0;
	lr =	simm.s32 $0x1  }
0x2: {  	[smem:$0x3F9E] =	sst lr;
	_ =	strace $0xD0000000  }
0x3: {  	_ = 	snop  }
0x4: {  	_ = 	snop  }
0x5: {  	_ = 	snop  }
0x6: {  	_ = 	snop  }
0x7: {  	_ = 	snop  }
__scs_overlays_trampoline_lowered:
0x8: {  	[smem:$0x3FAD] =	sst s0  }
0x9: {  	[smem:$0x3FAE] =	sst s1  }
0xa: {  	[smem:$0x3FAF] =	sst s2  }
0xb: {  	[smem:$0x3FB0] =	sst s3  }
0xc: {  	[smem:$0x3FB1] =	sst s4  }
0xd: {  	[smem:$0x3FB2] =	sst s5  }
0xe: {  	[smem:$0x3FB3] =	sst s6  }
0xf: {  	[smem:$0x3FB4] =	sst s7  }
0x10: {  	[smem:$0x3FB5] =	sst s8  }
0x11: {  	[smem:$0x3FB6] =	sst s9;
	s0 =	simm.s32 @!p0 $0x0  }
0x12: {  	s1 =	sld [smem:$0x3F9C];
	s0 =	simm.s32 @p0 $0x1  }
0x13: {  	[smem:$0x3FB7] =	sst s0;
	s0 =	simm.s32 @!p1 $0x0  }
0x14: {  	s2 =	sld [smem:$0x3F9B];
	s0 =	simm.s32 @p1 $0x1  }
0x15: {  	[smem:$0x3FB8] =	sst s0;
	s0 =	simm.s32 @!p2 $0x0  }
0x16: {  	s3 =	sld [smem:$0x3FDB];
	s0 =	simm.s32 @p2 $0x1  }
0x17: {  	s4 =	simm.s32 $0x1BF5;
	[smem:$0x3FBA] =	sst s0  }
0x18: {  	s0 =	sld [smem:$0x3F9D];
	_ =	swait.ge [sflag:s4], $0x0  }
0x19: {  	s7 =	sld [smem:$0x3F9E]  }
0x1a: {  	s8 =	sadd.s32 $0xFFFFE003, lr  }
0x1b: {  	s9 =	sadd.s32 $0xFFFFFEF7, lr;
	s5 =	simm.s32 $0xFFFFFFFF;
	p2 =	slt.u32 s8, $0xFFFFF086  }
0x1c: {  	p1 =	slt.u32 s9, $0xF7A;
	s5 =	simm.s32 @!p2 $0x0  }
0x1d: {  	s5 =	simm.s32 @p1 $0x1;
	p0 =	seq.s32 s7, s2  }
0x1e: {  	s7 =	smul.u32 @!p0 $0xF7A, s2;
	p2 =	seq.s32 @!p0 s5, $0x0  }
0x1f: {  	s9 =	smul.u32 $0xF7A, s1;
	s8 =	simm.s32 @!p0 $0x1BF5;
	p2 =	por !p2, p0  }
0x20: {  	[sflag:s8] =	ssyncset.s32 @!p0 $0xFFFFF086;
	s6 =	sadd.s32 @!p0 s3, s7;
	s7 =	simm.s32 @!p0 $0x108  }
0x21: {  	s3 =	sadd.s32 s3, s9;
	s6 =	sadd.s32 @!p0 $0x88, s6;
	s7 =	simm.s32 @p2 $0x1082  }
0x22: {  	[simem:s7], [sflag:s8] =	dma.local @!p0 [hbm:s6], $0xF7A  }
0x23: {  	s9 =	sor.u32 $0xD0000000, s2;
	s6 =	simm.s32 $0x108;
	_ =	swait.ge @!p0 [sflag:s8], $0x0  }
0x24: {  	s3 =	sadd.s32 $0x88, s3;
	s6 =	simm.s32 @!p1 $0x1082;
	[sflag:s4] =	ssyncset.s32 $0xFFFFF086  }
0x25: {  	[simem:s6], [sflag:s4] =	dma.local [hbm:s3], $0xF7A  }
0x26: {  	[smem:$0x3F9E] =	sst s1;
	(tag) =	ssettag s2;
	_ =	strace s9  }
0x27: {  	s1 =	sld [smem:$0x3FAE]  }
0x28: {  	s2 =	sld [smem:$0x3FAF]  }
0x29: {  	s4 =	sld [smem:$0x3FB1]  }
0x2a: {  	p0 =	seq.s32 s5, $0x0;
	s5 =	sld [smem:$0x3FB2]  }
0x2b: {  	s6 =	sld [smem:$0x3FB3]  }
0x2c: {  	s7 =	sld [smem:$0x3FB4]  }
0x2d: {  	s3 =	simm.s32 $0x108;
	s8 =	sld [smem:$0x3FB5]  }
0x2e: {  	s3 =	simm.s32 @!p0 $0x1082;
	s9 =	sld [smem:$0x3FB6]  }
0x2f: {  	lr =	sadd.s32 s0, s3;
	s0 =	sld [smem:$0x3FAD]  }
0x30: {  	s3 =	sld [smem:$0x3FB0]  }
0x31: {  	[smem:$0x3FB9] =	sst s10  }
0x32: {  	s10 =	sld [smem:$0x3FB7];
	_ =	sdelay $0x3  }
0x33: {  	p0 =	seq.s32 s10, $0x1;
	s10 =	sld [smem:$0x3FB9];
	_ =	sdelay $0x3  }
0x34: {  	[smem:$0x3FB9] =	sst s10  }
0x35: {  	s10 =	sld [smem:$0x3FB8];
	_ =	sdelay $0x3  }
0x36: {  	p1 =	seq.s32 s10, $0x1;
	s10 =	sld [smem:$0x3FB9];
	_ =	sdelay $0x3  }
0x37: {  	[smem:$0x3FB9] =	sst s10  }
0x38: {  	s10 =	sld [smem:$0x3FBA]  }
0x39: {  	_ = 	snop;
	(pc) =	sbr.ind lr, $3  }
0x3a: {  	_ = 	snop  }
0x3b: {  	_ = 	snop  }
0x3c: {  	p2 =	seq.s32 s10, $0x1;
	s10 =	sld [smem:$0x3FB9]  }
0x3d: {  	_ =	shalt  }
0x3e: {  	_ =	shalt  }
0x3f: {  	_ =	shalt  }
0x40: {  	_ =	shalt  }
0x41: {  	_ =	shalt  }
0x42: {  	_ =	shalt  }
0x43: {  	_ =	shalt  }
0x44: {  	_ =	shalt  }
0x45: {  	_ =	shalt  }
0x46: {  	_ =	shalt  }
0x47: {  	_ =	shalt  }
0x48: {  	_ =	shalt  }
0x49: {  	_ =	shalt  }
0x4a: {  	_ =	shalt  }
0x4b: {  	_ =	shalt  }
0x4c: {  	_ =	shalt  }
0x4d: {  	_ =	shalt  }
0x4e: {  	_ =	shalt  }
0x4f: {  	_ =	shalt  }
0x50: {  	_ =	shalt  }
0x51: {  	_ =	shalt  }
0x52: {  	_ =	shalt  }
0x53: {  	_ =	shalt  }
0x54: {  	_ =	shalt  }
0x55: {  	_ =	shalt  }
0x56: {  	_ =	shalt  }
0x57: {  	_ =	shalt  }
0x58: {  	_ =	shalt  }
0x59: {  	_ =	shalt  }
0x5a: {  	_ =	shalt  }
0x5b: {  	_ =	shalt  }
0x5c: {  	_ =	shalt  }
0x5d: {  	_ =	shalt  }
0x5e: {  	_ =	shalt  }
0x5f: {  	_ =	shalt  }
0x60: {  	_ =	shalt  }
0x61: {  	_ =	shalt  }
0x62: {  	_ =	shalt  }
0x63: {  	_ =	shalt  }
0x64: {  	_ =	shalt  }
0x65: {  	_ =	shalt  }
0x66: {  	_ =	shalt  }
0x67: {  	_ =	shalt  }
0x68: {  	_ =	shalt  }
0x69: {  	_ =	shalt  }
0x6a: {  	_ =	shalt  }
0x6b: {  	_ =	shalt  }
0x6c: {  	_ =	shalt  }
0x6d: {  	_ =	shalt  }
0x6e: {  	_ =	shalt  }
0x6f: {  	_ =	shalt  }
0x70: {  	_ =	shalt  }
0x71: {  	_ =	shalt  }
0x72: {  	_ =	shalt  }
0x73: {  	_ =	shalt  }
0x74: {  	_ =	shalt  }
0x75: {  	_ =	shalt  }
0x76: {  	_ =	shalt  }
0x77: {  	_ =	shalt  }
0x78: {  	_ =	shalt  }
0x79: {  	_ =	shalt  }
0x7a: {  	_ =	shalt  }
0x7b: {  	_ =	shalt  }
0x7c: {  	_ =	shalt  }
0x7d: {  	_ =	shalt  }
0x7e: {  	_ =	shalt  }
0x7f: {  	_ =	shalt  }
0x80: {  	_ =	shalt  }
0x81: {  	_ =	shalt  }
0x82: {  	_ =	shalt  }
0x83: {  	_ =	shalt  }
0x84: {  	_ =	shalt  }
0x85: {  	_ =	shalt  }
0x86: {  	_ =	shalt  }
0x87: {  	_ =	shalt  }
.Lfunc_end0:
.L_simem_size_0:
called_computation_lowered:
.L_overlay_start_0:
0x88: {  	s2 =	sld [smem:$0x3FD9]  }
0x89: {  	s3 =	sld [smem:$0x3FFE];
	_ =	sdelay $0x1  }
0x8a: {  	s1 =	srdreg.scid  }
0x8b: {  	s0 =	sand.u32 $0x1, s1  }
0x8c: {  	s17 =	sshll.u32 s0, $0xA;
	s2 =	sadd.s32 s3, s2  }
0x8d: {  	s2 =	sadd.s32 s2, s17  }
0x8e: {  	[smem:$0x3FC5] =	sst s2  }
0x8f: {  	_ = 	snop  }
0x90: {  	s2 =	sld [smem:$0x3FD0];
	(tm) =	ssettm $0x1  }
0x91: {  	s18 =	sld [smem:$0x3FFB];
	_ =	sdelay $0x3  }
0x92: {  	_ =	strace s18  }
0x93: {  	s3 =	sld [smem:$0x3FFC];
	_ =	sdelay $0x3  }
0x94: {  	_ =	strace s3  }
0x95: {  	s3 =	sld [smem:$0x3FFD];
	_ =	sdelay $0x3  }
0x96: {  	_ =	strace s3  }
0x97: {  	_ =	strace $0x8FFFFFFF  }
0x98: {  	s19 =	sld [smem:$0x3FDB];
	_ =	sdelay $0x1  }
0x99: {  	s4 =	simm.s32 $_scs_section_size  }
0x9a: {  	s5 =	simm.s32 $_size__tile_overlayer_lowered;
	s6 =	simm.s32 $_tile_overlayer_lowered  }
0x9b: {  	s22 =	simm.s32 $0x1BFF;
	s21 =	sshll.u32 s6, $0x1;
	s3 =	sadd.s32 s4, s19  }
0x9c: {  	s7 =	simm.s32 $0x0;
	s20 =	sshll.u32 s5, $0x1;
	s5 =	sadd.s32 s21, s3  }
0x9d: {  	[timem:s7], [sflag:s22] =	dma.local [hbm:s5], s20  }
0x9e: {  	_ =	swait.ge [sflag:s22], s20  }
0x9f: {  	s4 =	ssub.s32 $0x0, s20;
	[sflag:s22] =	ssyncset.done $0x0  }
0xa0: {  	[sflag:s22] =	ssyncadd.s32 s4;
	_ =	sdelay $0x1  }
0xa1: {  	s23 =	simm.s32 $0x1B8B  }
0xa2: {  	_ =	swait.ge [sflag:s23], $0x1  }
0xa3: {  	[sflag:s23] =	ssyncset.done $0x0  }
0xa4: {  	s25 =	simm.s32 $0x1B8E;
	s24 =	sld [smem:$0x3FFE];
	[sflag:s23] =	ssyncadd.s32 $0xFFFFFFFF  }
0xa5: {  	s26 =	simm.s32 $execute0_lowered;
	[smem:$0x3FD2] =	sst s25  }
0xa6: {  	s5 =	sshll.u32 s26, $0x1;
	_ =	strace $0x80000046;
	[dreg:$0x1] =	wrdreg $0xFFFFFFFF  }
0xa7: {  	s28 =	simm.s32 $_size_execute0_lowered;
	s3 =	sadd.s32 s3, s5;
	[dreg:$0x0] =	wrdreg $0x0  }
0xa8: {  	s5 =	sshll.u32 s28, $0x1;
	[dreg:$0x2] =	wrdreg s3  }
0xa9: {  	[dreg:$0x3] =	wrdreg s5  }
0xaa: {  	[dreg:$0x4] =	wrdreg $0xC0  }
0xab: {  	_ =	task [dreg:s7], $0x5FFFF  }
0xac: {  	[dreg:$0x1] =	wrdreg $0xFFFFFFFF  }
0xad: {  	[dreg:$0x0] =	wrdreg $0x60  }
0xae: {  	[dreg:$0x2] =	wrdreg s24  }
0xaf: {  	[dreg:$0x3] =	wrdreg s2  }
0xb0: {  	[dreg:$0x4] =	wrdreg $0x11A500  }
0xb1: {  	[dreg:$0x5] =	wrdreg $0x9  }
0xb2: {  	_ =	task.clear_ibuf [dreg:s7], $0x6FFFF;
	_ =	strace $0x90000046  }
0xb3: {  	s29 =	simm.s32 $0x9;
	_ =	strace $0x80000048  }
0xb4: {  	_ =	swait.ge [sflag:s29], $0x1  }
0xb5: {  	[sflag:s29] =	ssyncadd.s32 $0xFFFFFFFF  }
0xb6: {  	_ =	strace $0x90000048  }
0xb7: {  	_ =	sfence  }
0xb8: {  	s30 =	sld [smem:$0x0];
	_ =	sdelay $0x2  }
0xb9: {  	s31 =	sshll.u32 s1, $0xD;
	s1 =	sshrl.u32 s1, $0x2  }
0xba: {  	s3 =	sand.u32 $0x4000, s31;
	s1 =	sadd.s32 s1, s30  }
0xbb: {  	s0 =	sor.u32 s3, s0;
	s1 =	sshll.u32 s1, $0x11  }
0xbc: {  	s0 =	sor.u32 s1, s0  }
0xbd: {  	s0 =	sadd.s32 $0x8F2B, s0  }
0xbe: {  	[sflag:s0] =	ssyncadd.remote.s32 $0x1  }
0xbf: {  	_ =	sfence.sel $0xFFFF  }
0xc0: {  	[dreg:$0x0] =	wrdreg $0xFFFFFFFF;
	(pc) =	sbr.abs _section_cstart, $3  }
0xc1: {  	[dreg:$0x1] =	wrdreg $0xFFFFFFFF  }
0xc2: {  	_ =	task.clear_ibuf [dreg:s7], $0x2FFFF;
	_ =	strace $0x9FFFFFFF  }
0xc3: {  	(tm) =	ssettm $0x7FFFFFFF  }
tec
execute0_lowered:
.L_overlay_start_1:
0x0: {  	(tag) =	ssettag $0x1  }
0x1: {  	s0 =	rddreg [dreg:$0x0];
	s1 =	srdreg.scid  }
0x2: {  	s10 =	stileid.u32;
	s4 =	rddreg [dreg:$0x1]  }
0x3: {  	s2 =	rddreg [dreg:$0x2];
	s14 =	simm.s32 $0x9;
	s15 =	simm.s32 $0x1  }
0x4: {  	s16 =	simm.s32 $0x2;
	s17 =	simm.s32 $0x3;
	s18 =	simm.s32 $0x50  }
0x5: {  	s19 =	simm.s32 $0x4E20;
	s20 =	simm.s32 $0x9E20;
	s30 =	simm.s32 $0x8A20  }
0x6: {  	s13 =	simm.s32 $0x4;
	s21 =	simm.s32 $0x5;
	s22 =	simm.s32 $0x6  }
0x7: {  	s23 =	simm.s32 $0x7;
	s24 =	simm.s32 $0x8;
	s26 =	simm.s32 $0x0  }
0x8: {  	s1 =	sand.u32 $0x1, s1;
	s3 =	sshll.u32 s10, $0x1;
	s6 =	smul.u32 $0x9C40, s10  }
0x9: {  	s29 =	sshll.u32 s10, $0x6;
	s5 =	sor.u32 s1, s3;
	s3 =	simm.s32 $0x0  }
0xa: {  	s1 =	ssub.s32 $0x2, s1;
	s5 =	smul.u32 $0x2710, s5;
	[smem:$0x7FF] =	sst s3  }
0xb: {  	s7 =	sshrl.u32 s6, $0x3;
	s9 =	sshrl.u32 s1, $0x1;
	s11 =	sadd.s32 s6, s2  }
0xc: {  	_ =	strace $0x80000047;
	s7 =	sadd.s32 s7, s0;
	s28 =	ssub.s32 s1, s9  }
0xd: {  	s1 =	sor.u32 $0x1C01, s29;
	s11 =	sshrl.u32 s11, $0x3;
	s5 =	sshrl.u32 s5, $0x3  }
0xe: {  	s31 =	sadd.s32 $0x200, s7;
	[dreg:$0x6] =	wrdreg s1;
	s10 =	smax.u32 s28, $0x1  }
0xf: {  	v1 =	vlaneseq.u32;
	s8 =	sadd.s32 s5, s0;
	s0 =	sadd.s32 $0x27600, s0;
	[dreg:$0x5] =	wrdreg s31  }
0x10: {  	v0 =	vmul.u32 $0x51, v1;
	s1 =	simm.s32 $0xDA20;
	s9 =	sadd.s32 s4, s5;
	[dreg:$0x4] =	wrdreg s0  }
0x11: {  	v1 =	vand.u32 $0x7, v1;
	s7 =	sadd.s32 $0x13C00, s8;
	s8 =	sadd.s32 $0x1D840, s8;
	s0 =	simm.s32 $0x11530  }
.LBB2_1:
0x12: {  	s4 =	rddreg [dreg:$0x5]  }
0x13: {  	s5 =	rddreg [dreg:$0x6]  }
0x14: {  	[spmem:s11], [sflag:s5] =	dma.local [hbm:s4], $0x1388  }
0x15: {  	[tilespmem:s3], [sflag:$0x2] =	stream.linear.gather [hbm4b:s7+s3], $0x2710, $0x38;
	[tilespmem:$0x1B690] =	vst v63  }
0x16: {  	s12 =	simm.s32 $0x2710  }
0x17: {  	[tilespmem:s12], [sflag:$0x3] =	stream.linear.gather [hbm4b:s8+s3], $0x2710, $0x38;
	[tilespmem:$0x1B690] =	vst v63  }
0x18: {  	s6 =	simm.s32 $0x11A40;
	s4 =	rddreg [dreg:$0x4]  }
0x19: {  	[tilespmem:s6], [sflag:$0x9] =	stream.linear.gather [hbm4b:s4+s3], $0x10, $0x38;
	[tilespmem:$0x1B690] =	vst v63  }
0x1a: {  	_ =	swait.ge [sflag:s14], $0x10  }
0x1b: {  	[sflag:s14] =	ssyncset.done $0x0  }
0x1c: {  	[sflag:s14] =	ssyncadd.s32 $0xFFFFFFF0  }
0x1d: {  	_ =	swait.ge [sflag:s15], $0x1388  }
0x1e: {  	[sflag:s15] =	ssyncset.done $0x0  }
0x1f: {  	[sflag:s15] =	ssyncadd.s32 $0xFFFFEC78  }
0x20: {  	_ =	swait.ge [sflag:s16], $0x2710  }
0x21: {  	[sflag:s16] =	ssyncset.done $0x0  }
0x22: {  	[sflag:s16] =	ssyncadd.s32 $0xFFFFD8F0  }
0x23: {  	_ =	swait.ge [sflag:s17], $0x2710  }
0x24: {  	[sflag:s17] =	ssyncset.done $0x0  }
0x25: {  	[sflag:s17] =	ssyncadd.s32 $0xFFFFD8F0  }
0x26: {  	[bflag:$0x0] =	sbarrier.arrive $0xFFFF  }
0x27: {  	v2 =	vld [tilespmem:$0x11A40];
	[tilespmem:s19], [sflag:$0x1] =	stream.indirect.gather [spmem:s2], $0x40, s3, s18, $0xb8  }
0x28: {  	_ = 	snop  }
0x29: {  	[tilespmem:s20], [sflag:$0x2] =	stream.indirect.gather [spmem:s2], $0x40, s12, s18, $0xb8;
	[tilespmem:$0x1B690] =	vst v63  }
0x2a: {  	s25 =	simm.s32 $0x6220  }
0x2b: {  	[tilespmem:s25], [sflag:$0x3] =	stream.indirect.gather [spmem:s2], $0x40, s18, s18, $0xb8;
	[tilespmem:$0x1B690] =	vst v63  }
0x2c: {  	s29 =	simm.s32 $0x2760;
	s31 =	simm.s32 $0xB220  }
0x2d: {  	[tilespmem:s31], [sflag:$0x4] =	stream.indirect.gather [spmem:s2], $0x40, s29, s18, $0xb8;
	[tilespmem:$0x1B690] =	vst v63  }
0x2e: {  	s5 =	simm.s32 $0xA0;
	s6 =	simm.s32 $0x7620  }
0x2f: {  	[tilespmem:s6], [sflag:$0x5] =	stream.indirect.gather [spmem:s2], $0x40, s5, s18, $0xb8;
	[tilespmem:$0x1B690] =	vst v63  }
0x30: {  	s12 =	simm.s32 $0x27B0;
	s25 =	simm.s32 $0xC620  }
0x31: {  	[tilespmem:s25], [sflag:$0x6] =	stream.indirect.gather [spmem:s2], $0x40, s12, s18, $0xb8;
	[tilespmem:$0x1B690] =	vst v63  }
0x32: {  	s29 =	simm.s32 $0xF0  }
0x33: {  	[tilespmem:s30], [sflag:$0x7] =	stream.indirect.gather [spmem:s2], $0x40, s29, s18, $0xb8;
	[tilespmem:$0x1B690] =	vst v63  }
0x34: {  	s28 =	simm.s32 $0x0;
	s31 =	simm.s32 $0x2800  }
0x35: {  	[tilespmem:s1], [sflag:$0x8] =	stream.indirect.gather [spmem:s2], $0x40, s31, s18, $0xb8;
	[tilespmem:$0x1B690] =	vst v63  }
.LBB2_2:
0x36: {  	_ =	swait.ge [sflag:s15], $0x1400  }
0x37: {  	[sflag:s15] =	ssyncset.done $0x0  }
0x38: {  	[sflag:s15] =	ssyncadd.s32 $0xFFFFEC00  }
0x39: {  	_ =	swait.ge [sflag:s16], $0x1400  }
0x3a: {  	[sflag:s16] =	ssyncset.done $0x0  }
0x3b: {  	s4 =	simm.s32 $0x4F20;
	[sflag:s16] =	ssyncadd.s32 $0xFFFFEC00  }
0x3c: {  	s5 =	simm.s32 $0x9F20;
	v4 =	vld [tilespmem:s4+$0xC0]  }
0x3d: {  	v5 =	vld [tilespmem:s5+$0xC0]  }
0x3e: {  	v6 =	vld [tilespmem:s4+$0xD0]  }
0x3f: {  	v7 =	vld [tilespmem:s5+$0xD0]  }
0x40: {  	v8 =	vld [tilespmem:s4+$0xE0]  }
0x41: {  	v9 =	vld [tilespmem:s5+$0xE0]  }
0x42: {  	v10 =	vld [tilespmem:s4+$0xF0]  }
0x43: {  	v11 =	vld [tilespmem:s5+$0xF0]  }
0x44: {  	v3 =	vld [tilespmem:s5+$0xFFFFFF00]  }
0x45: {  	v12 =	vld [tilespmem:s4+$0xFFFFFF10]  }
0x46: {  	v13 =	vld [tilespmem:s5+$0xFFFFFF10]  }
0x47: {  	v14 =	vld [tilespmem:s4+$0xFFFFFF20]  }
0x48: {  	v15 =	vld [tilespmem:s5+$0xFFFFFF20]  }
0x49: {  	v16 =	vld [tilespmem:s4+$0xFFFFFF30]  }
0x4a: {  	v17 =	vld [tilespmem:s5+$0xFFFFFF30]  }
0x4b: {  	v18 =	vld [tilespmem:s4+$0xFFFFFF40]  }
0x4c: {  	v19 =	vld [tilespmem:s5+$0xFFFFFF40]  }
0x4d: {  	v20 =	vld [tilespmem:s4+$0xFFFFFF50]  }
0x4e: {  	v21 =	vld [tilespmem:s5+$0xFFFFFF50]  }
0x4f: {  	v22 =	vld [tilespmem:s4+$0xFFFFFF60]  }
0x50: {  	v23 =	vld [tilespmem:s5+$0xFFFFFF60]  }
0x51: {  	v24 =	vld [tilespmem:s4+$0xFFFFFF70]  }
0x52: {  	v25 =	vld [tilespmem:s5+$0xFFFFFF70]  }
0x53: {  	v26 =	vld [tilespmem:s4+$0xFFFFFF80]  }
0x54: {  	v27 =	vld [tilespmem:s5+$0xFFFFFF80]  }
0x55: {  	v28 =	vld [tilespmem:s4+$0xFFFFFF90]  }
0x56: {  	v29 =	vld [tilespmem:s5+$0xFFFFFF90]  }
0x57: {  	v30 =	vld [tilespmem:s4+$0xFFFFFFA0]  }
0x58: {  	v31 =	vld [tilespmem:s5+$0xFFFFFFA0]  }
0x59: {  	v32 =	vld [tilespmem:s4+$0xFFFFFFB0]  }
0x5a: {  	v33 =	vld [tilespmem:s5+$0xFFFFFFB0]  }
0x5b: {  	v34 =	vld [tilespmem:s5+$0xFFFFFFD0]  }
0x5c: {  	v36 =	vld [tilespmem:s5+$0xFFFFFFF0]  }
0x5d: {  	v41 =	vld [tilespmem:s4+$0x20]  }
0x5e: {  	v43 =	vld [tilespmem:s5+$0x20]  }
0x5f: {  	v37 =	vld [tilespmem:s4+$0x10];
	v4 =	vsub.bf16 v4, v5  }
0x60: {  	s12 =	simm.s32 $0x7;
	v38 =	vld [tilespmem:s5+$0x10];
	v5 =	vsub.bf16 v6, v7;
	v7 =	vsub.bf16 v8, v9  }
0x61: {  	v47 =	vadd.s32 s12, v0;
	v6 =	vld [tilespmem:s4+$0xFFFFFFC0];
	v8 =	vsub.bf16 v10, v11;
	v16 =	vsub.bf16 v16, v17  }
0x62: {  	v9 =	vld [tilespmem:s5+$0xFFFFFFC0];
	v40 =	vsub.bf16 v30, v31;
	v42 =	vsub.bf16 v32, v33;
	v10 =	vmul.bf16 v4, v4  }
0x63: {  	v11 =	vld [tilespmem:s4+$0xFFFFFFD0];
	v50 =	vsub.bf16 v41, v43;
	v5 =	vmul.bf16 v5, v5;
	v7 =	vmul.bf16 v7, v7  }
0x64: {  	s6 =	simm.s32 $0x1;
	v44 =	vld [tilespmem:s4+$0x30];
	v8 =	vmul.bf16 v8, v8;
	v4 =	vsub.bf16 v12, v13;
	v13 =	vsub.bf16 v18, v19  }
0x65: {  	v53 =	vadd.s32 s6, v0;
	s6 =	simm.s32 $0x3;
	v12 =	vld [tilespmem:s5+$0xFFFFFFE0];
	v18 =	vsub.bf16 v22, v23;
	v19 =	vsub.bf16 v24, v25  }
0x66: {  	v55 =	vadd.s32 s6, v0;
	v5 =	vadd.bf16 v5, v10;
	v10 =	vld [tilespmem:s4+$0xFFFFFFE0];
	v7 =	vadd.bf16 v8, v7  }
0x67: {  	v8 =	vsub.bf16 v14, v15;
	v14 =	vsub.bf16 v20, v21;
	v15 =	vld [tilespmem:s4+$0xFFFFFFF0];
	v17 =	vmul.bf16 v18, v18  }
0x68: {  	v18 =	vmul.bf16 v19, v19;
	v19 =	vld [tilespmem:s5+$0x0];
	v6 =	vsub.bf16 v6, v9;
	v11 =	vsub.bf16 v11, v34  }
0x69: {  	v9 =	vld [tilespmem:s5+$0x30];
	v5 =	vadd.bf16 v7, v5;
	v7 =	vmul.bf16 v13, v13;
	v13 =	vmul.bf16 v14, v14  }
0x6a: {  	v14 =	vld [tilespmem:s4+$0x0];
	v17 =	vadd.bf16 v18, v17;
	v18 =	vsub.bf16 v28, v29;
	v6 =	vmul.bf16 v6, v6  }
0x6b: {  	v46 =	vld [tilespmem:s4+$0x40];
	v11 =	vmul.bf16 v11, v11;
	v7 =	vadd.bf16 v13, v7;
	v13 =	vsub.bf16 v26, v27  }
0x6c: {  	v48 =	vld [tilespmem:s5+$0x60];
	v24 =	vmul.bf16 v50, v50;
	v18 =	vmul.bf16 v18, v18;
	v10 =	vsub.bf16 v10, v12  }
0x6d: {  	v51 =	vld [tilespmem:s4+$0x70];
	v15 =	vsub.bf16 v15, v36;
	v6 =	vadd.bf16 v11, v6;
	v13 =	vmul.bf16 v13, v13  }
0x6e: {  	v52 =	vld [tilespmem:s4+$0x80];
	v7 =	vadd.bf16 v17, v7;
	v17 =	vmul.bf16 v40, v40;
	v9 =	vsub.bf16 v44, v9  }
0x6f: {  	v11 =	vld [tilespmem:s4+$0x60];
	v10 =	vmul.bf16 v10, v10;
	v15 =	vmul.bf16 v15, v15;
	v14 =	vsub.bf16 v14, v19  }
0x70: {  	v54 =	vld [tilespmem:s4+$0x90];
	v19 =	vsub.bf16 v37, v38;
	v13 =	vadd.bf16 v18, v13;
	v18 =	vmul.bf16 v42, v42  }
0x71: {  	v39 =	vunpack.i.u.bf16.f32 v5;
	v5 =	vunpack.i.l.bf16.f32 v5;
	v12 =	vld [tilespmem:s4+$0x50];
	v9 =	vmul.bf16 v9, v9  }
0x72: {  	v10 =	vadd.bf16 v15, v10;
	v15 =	vmul.bf16 v19, v19;
	v19 =	vld [tilespmem:s5+$0x70];
	v17 =	vadd.bf16 v18, v17  }
0x73: {  	v5 =	vadd.f32 v5, v39;
	v14 =	vmul.bf16 v14, v14;
	v18 =	vld [tilespmem:s5+$0x40];
	v9 =	vadd.bf16 v9, v24  }
0x74: {  	v45 =	vunpack.i.u.bf16.f32 v7;
	v11 =	vsub.bf16 v11, v48;
	v13 =	vadd.bf16 v17, v13;
	v17 =	vld [tilespmem:s5+$0x50]  }
0x75: {  	s25 =	simm.s32 $0x2;
	v56 =	vld [tilespmem:s4+$0xA0];
	v7 =	vunpack.i.l.bf16.f32 v7;
	v6 =	vadd.bf16 v10, v6;
	v14 =	vadd.bf16 v15, v14  }
0x76: {  	v57 =	vld [tilespmem:s5+$0xA0];
	v7 =	vadd.f32 v7, v45;
	v15 =	vadd.s32 s25, v0;
	v11 =	vmul.bf16 v11, v11  }
0x77: {  	v10 =	vld [tilespmem:s5+$0x80];
	v9 =	vadd.bf16 v9, v14;
	v14 =	vunpack.i.u.bf16.f32 v6;
	v6 =	vunpack.i.l.bf16.f32 v6  }
0x78: {  	v58 =	vld [tilespmem:s5+$0xB0];
	v49 =	vunpack.i.u.bf16.f32 v13;
	v19 =	vsub.bf16 v51, v19;
	v14 =	vadd.f32 v6, v14  }
0x79: {  	v60 =	vld [tilespmem:s4+$0xFFFFFF00];
	v13 =	vunpack.i.l.bf16.f32 v13;
	v18 =	vsub.bf16 v46, v18;
	v12 =	vsub.bf16 v12, v17  }
0x7a: {  	[tilespmem:v47+s0+$0x0] =	vst.idx.msk $0xffff, v5;
	v13 =	vadd.f32 v13, v49;
	v5 =	vunpack.i.u.bf16.f32 v9;
	v19 =	vmul.bf16 v19, v19;
	v17 =	vld [tilespmem:s5+$0x90]  }
0x7b: {  	s25 =	simm.s32 $0x4;
	v9 =	vunpack.i.l.bf16.f32 v9;
	v18 =	vmul.bf16 v18, v18;
	v6 =	vmul.bf16 v12, v12;
	v12 =	vld [tilespmem:s4+$0xB0]  }
0x7c: {  	s12 =	simm.s32 $0xA120;
	[tilespmem:v53+s0+$0x0] =	vst.idx.msk $0xffff, v7;
	v59 =	vadd.s32 s25, v0;
	v5 =	vadd.f32 v9, v5;
	v9 =	vsub.bf16 v52, v10  }
0x7d: {  	v7 =	vld [tilespmem:s12+$0xC0];
	s25 =	simm.s32 $0x5120;
	[tilespmem:v15+s0+$0x0] =	vst.idx.msk $0xffff, v13;
	v10 =	vadd.bf16 v19, v11;
	v18 =	vadd.bf16 v6, v18  }
0x7e: {  	s6 =	simm.s32 $0x5;
	v13 =	vmul.bf16 v8, v8;
	v15 =	vmul.bf16 v16, v16;
	v16 =	vsub.bf16 v56, v57;
	v8 =	vld [tilespmem:s25+$0xD0]  }
0x7f: {  	[tilespmem:v55+s0+$0x0] =	vst.idx.msk $0xffff, v14;
	v6 =	vld [tilespmem:s25+$0xC0];
	v11 =	vsub.bf16 v54, v17;
	v17 =	vadd.s32 s6, v0;
	v14 =	vadd.bf16 v10, v18  }
0x80: {  	v61 =	vsub.bf16 v60, v3;
	v18 =	vmul.bf16 v9, v9;
	v9 =	vld [tilespmem:s12+$0xD0];
	v12 =	vsub.bf16 v12, v58  }
0x81: {  	[tilespmem:v59+s0+$0x0] =	vst.idx.msk $0xffff, v5;
	v16 =	vmul.bf16 v16, v16;
	v10 =	vld [tilespmem:s25+$0xE0];
	v3 =	vunpack.i.u.bf16.f32 v14;
	v5 =	vunpack.i.l.bf16.f32 v14  }
0x82: {  	v19 =	vmul.bf16 v11, v11;
	v11 =	vld [tilespmem:s12+$0xE0];
	v62 =	vadd.f32 v5, v3;
	v63 =	vmul.bf16 v12, v12  }
0x83: {  	v3 =	vmul.bf16 v4, v4;
	v5 =	vadd.bf16 v15, v13;
	v12 =	vld [tilespmem:s25+$0xF0];
	v15 =	vmul.bf16 v61, v61  }
0x84: {  	s31 =	simm.s32 $0x0;
	s29 =	simm.s32 $0x8;
	s4 =	simm.s32 $0x10;
	v14 =	vadd.bf16 v19, v18;
	v13 =	vld [tilespmem:s12+$0xF0];
	[tilespmem:v17+s0+$0x0] =	vst.idx.msk $0xffff, v62;
	v16 =	vadd.bf16 v63, v16  }
.LBB2_3:
0x85: {  	p0 =	slt.u32 s4, $0x48;
	v4 =	vld [tilespmem:s12+$0xFFFFFF00];
	v3 =	vadd.bf16 v3, v15;
	v15 =	vadd.s32 s31, v0  }
0x86: {  	s5 =	sadd.s32 $0x6, s31;
	s31 =	smov.u32 s29;
	s29 =	smov.u32 s4;
	v17 =	vld [tilespmem:s25+$0xFFFFFF10];
	v15 =	vand.u32 $0xFF8, v15;
	v14 =	vadd.bf16 v16, v14  }
0x87: {  	v16 =	vld [tilespmem:s12+$0xFFFFFF10];
	v3 =	vadd.bf16 v5, v3;
	v5 =	vor.u32 v1, v15;
	v15 =	vadd.s32 s5, v0  }
0x88: {  	v6 =	vsub.bf16 v6, v7;
	v7 =	vsub.bf16 v8, v9;
	v18 =	vld [tilespmem:s25+$0xFFFFFF20];
	v8 =	vunpack.i.u.bf16.f32 v14  }
0x89: {  	v10 =	vsub.bf16 v10, v11;
	v9 =	vld [tilespmem:s12+$0xFFFFFF20];
	v11 =	vsub.bf16 v12, v13;
	v12 =	vunpack.i.u.bf16.f32 v3  }
0x8a: {  	v6 =	vmul.bf16 v6, v6;
	v7 =	vmul.bf16 v7, v7;
	v3 =	vunpack.i.l.bf16.f32 v3;
	v13 =	vld [tilespmem:s25+$0xFFFFFF30]  }
0x8b: {  	v14 =	vunpack.i.l.bf16.f32 v14;
	v10 =	vmul.bf16 v10, v10;
	v19 =	vld [tilespmem:s12+$0xFFFFFF30];
	v11 =	vmul.bf16 v11, v11  }
0x8c: {  	v12 =	vadd.f32 v3, v12;
	v16 =	vsub.bf16 v17, v16;
	v17 =	vld [tilespmem:s25+$0xFFFFFF40]  }
0x8d: {  	v6 =	vadd.bf16 v7, v6;
	v20 =	vld [tilespmem:s12+$0xFFFFFF40];
	v7 =	vadd.bf16 v11, v10  }
0x8e: {  	s5 =	sadd.s32 $0x7, s31;
	v8 =	vadd.f32 v14, v8;
	v3 =	vmul.bf16 v16, v16;
	v9 =	vsub.bf16 v18, v9;
	v10 =	vld [tilespmem:s25+$0xFFFFFF50]  }
0x8f: {  	v11 =	vld [tilespmem:s12+$0xFFFFFF50];
	v6 =	vadd.bf16 v7, v6;
	v7 =	vadd.s32 s5, v0;
	[tilespmem:v5+s0+$0x0] =	vst.idx.msk $0xffff, v12  }
0x90: {  	v5 =	vmul.bf16 v9, v9;
	v9 =	vsub.bf16 v13, v19;
	v12 =	vld [tilespmem:s25+$0xFFFFFF60];
	[tilespmem:v15+s0+$0x0] =	vst.idx.msk $0xffff, v8  }
0x91: {  	v8 =	vld [tilespmem:s12+$0xFFFFFF60];
	v13 =	vunpack.i.u.bf16.f32 v6;
	v6 =	vunpack.i.l.bf16.f32 v6  }
0x92: {  	v9 =	vmul.bf16 v9, v9;
	v14 =	vsub.bf16 v17, v20;
	v15 =	vld [tilespmem:s25+$0xFFFFFF70];
	v6 =	vadd.f32 v6, v13  }
0x93: {  	v13 =	vld [tilespmem:s12+$0xFFFFFF70]  }
0x94: {  	v14 =	vmul.bf16 v14, v14;
	v10 =	vsub.bf16 v10, v11;
	v11 =	vld [tilespmem:s25+$0xFFFFFF80];
	[tilespmem:v7+s0+$0x0] =	vst.idx.msk $0xffff, v6  }
0x95: {  	v5 =	vadd.bf16 v9, v5;
	v6 =	vld [tilespmem:s12+$0xFFFFFF80]  }
0x96: {  	v7 =	vmul.bf16 v10, v10;
	v8 =	vsub.bf16 v12, v8;
	v9 =	vld [tilespmem:s25+$0xFFFFFF90]  }
0x97: {  	v10 =	vld [tilespmem:s12+$0xFFFFFF90]  }
0x98: {  	v8 =	vmul.bf16 v8, v8;
	v12 =	vsub.bf16 v15, v13;
	v7 =	vadd.bf16 v7, v14;
	v13 =	vld [tilespmem:s25+$0xFFFFFFA0]  }
0x99: {  	v14 =	vld [tilespmem:s12+$0xFFFFFFA0]  }
0x9a: {  	v12 =	vmul.bf16 v12, v12;
	v6 =	vsub.bf16 v11, v6;
	v11 =	vld [tilespmem:s25+$0xFFFFFFB0]  }
0x9b: {  	v15 =	vld [tilespmem:s12+$0xFFFFFFB0]  }
0x9c: {  	v8 =	vadd.bf16 v12, v8;
	v6 =	vmul.bf16 v6, v6;
	v9 =	vsub.bf16 v9, v10;
	v10 =	vld [tilespmem:s25+$0xFFFFFFC0]  }
0x9d: {  	v12 =	vld [tilespmem:s12+$0xFFFFFFC0]  }
0x9e: {  	s5 =	sadd.s32 $0x1, s31;
	v7 =	vadd.bf16 v8, v7;
	v8 =	vmul.bf16 v9, v9;
	v9 =	vsub.bf16 v13, v14;
	v13 =	vld [tilespmem:s25+$0xFFFFFFD0]  }
0x9f: {  	v14 =	vadd.s32 s5, v0;
	v16 =	vld [tilespmem:s12+$0xFFFFFFD0]  }
0xa0: {  	v9 =	vmul.bf16 v9, v9;
	v11 =	vsub.bf16 v11, v15;
	v6 =	vadd.bf16 v8, v6;
	v8 =	vld [tilespmem:s25+$0xFFFFFFE0]  }
0xa1: {  	v15 =	vunpack.i.u.bf16.f32 v7;
	v7 =	vunpack.i.l.bf16.f32 v7;
	v17 =	vld [tilespmem:s12+$0xFFFFFFE0]  }
0xa2: {  	v7 =	vadd.f32 v7, v15;
	v11 =	vmul.bf16 v11, v11;
	v10 =	vsub.bf16 v10, v12;
	v12 =	vld [tilespmem:s25+$0xFFFFFFF0]  }
0xa3: {  	v15 =	vld [tilespmem:s12+$0xFFFFFFF0]  }
0xa4: {  	v9 =	vadd.bf16 v11, v9;
	v10 =	vmul.bf16 v10, v10;
	v11 =	vsub.bf16 v13, v16;
	v13 =	vld [tilespmem:s25+$0x0]  }
0xa5: {  	[tilespmem:v14+s0+$0x0] =	vst.idx.msk $0xffff, v7;
	v7 =	vld [tilespmem:s12+$0x0]  }
0xa6: {  	s5 =	sadd.s32 $0x2, s31;
	v6 =	vadd.bf16 v9, v6;
	v9 =	vmul.bf16 v11, v11;
	v8 =	vsub.bf16 v8, v17;
	v11 =	vld [tilespmem:s25+$0x10]  }
0xa7: {  	v14 =	vadd.s32 s5, v0;
	v16 =	vld [tilespmem:s12+$0x10]  }
0xa8: {  	v8 =	vmul.bf16 v8, v8;
	v12 =	vsub.bf16 v12, v15;
	v9 =	vadd.bf16 v9, v10;
	v10 =	vld [tilespmem:s25+$0x20]  }
0xa9: {  	v15 =	vunpack.i.u.bf16.f32 v6;
	v6 =	vunpack.i.l.bf16.f32 v6;
	v17 =	vld [tilespmem:s12+$0x20]  }
0xaa: {  	v6 =	vadd.f32 v6, v15;
	v12 =	vmul.bf16 v12, v12;
	v7 =	vsub.bf16 v13, v7;
	v13 =	vld [tilespmem:s25+$0x30]  }
0xab: {  	v15 =	vld [tilespmem:s12+$0x30]  }
0xac: {  	v8 =	vadd.bf16 v12, v8;
	v7 =	vmul.bf16 v7, v7;
	v11 =	vsub.bf16 v11, v16;
	v12 =	vld [tilespmem:s25+$0x40]  }
0xad: {  	[tilespmem:v14+s0+$0x0] =	vst.idx.msk $0xffff, v6;
	v6 =	vld [tilespmem:s12+$0x40]  }
0xae: {  	s5 =	sadd.s32 $0x3, s31;
	v8 =	vadd.bf16 v8, v9;
	v9 =	vmul.bf16 v11, v11;
	v10 =	vsub.bf16 v10, v17;
	v11 =	vld [tilespmem:s25+$0x50]  }
0xaf: {  	v14 =	vadd.s32 s5, v0;
	v16 =	vld [tilespmem:s12+$0x50]  }
0xb0: {  	v10 =	vmul.bf16 v10, v10;
	v13 =	vsub.bf16 v13, v15;
	v7 =	vadd.bf16 v9, v7;
	v9 =	vld [tilespmem:s25+$0x60]  }
0xb1: {  	v15 =	vunpack.i.u.bf16.f32 v8;
	v8 =	vunpack.i.l.bf16.f32 v8;
	v17 =	vld [tilespmem:s12+$0x60]  }
0xb2: {  	v8 =	vadd.f32 v8, v15;
	v13 =	vmul.bf16 v13, v13;
	v6 =	vsub.bf16 v12, v6;
	v12 =	vld [tilespmem:s25+$0x70]  }
0xb3: {  	v15 =	vld [tilespmem:s12+$0x70]  }
0xb4: {  	v10 =	vadd.bf16 v13, v10;
	v6 =	vmul.bf16 v6, v6;
	v11 =	vsub.bf16 v11, v16;
	v13 =	vld [tilespmem:s25+$0x80]  }
0xb5: {  	[tilespmem:v14+s0+$0x0] =	vst.idx.msk $0xffff, v8;
	v8 =	vld [tilespmem:s12+$0x80]  }
0xb6: {  	s5 =	sadd.s32 $0x4, s31;
	v7 =	vadd.bf16 v10, v7;
	v10 =	vmul.bf16 v11, v11;
	v9 =	vsub.bf16 v9, v17;
	v11 =	vld [tilespmem:s25+$0x90]  }
0xb7: {  	v14 =	vadd.s32 s5, v0;
	v16 =	vld [tilespmem:s12+$0x90]  }
0xb8: {  	v9 =	vmul.bf16 v9, v9;
	v12 =	vsub.bf16 v12, v15;
	v10 =	vadd.bf16 v10, v6;
	v15 =	vld [tilespmem:s25+$0xA0]  }
0xb9: {  	v6 =	vunpack.i.u.bf16.f32 v7;
	v7 =	vunpack.i.l.bf16.f32 v7;
	v17 =	vld [tilespmem:s12+$0xA0]  }
0xba: {  	v7 =	vadd.f32 v7, v6;
	v6 =	vmul.bf16 v12, v12;
	v8 =	vsub.bf16 v13, v8;
	v12 =	vld [tilespmem:s25+$0xB0]  }
0xbb: {  	v13 =	vld [tilespmem:s12+$0xB0]  }
0xbc: {  	v18 =	vld [tilespmem:s25+$0xFFFFFF00];
	v9 =	vadd.bf16 v6, v9;
	v19 =	vmul.bf16 v8, v8;
	v8 =	vsub.bf16 v11, v16;
	s25 =	sadd.s32 $0x200, s25  }
0xbd: {  	s12 =	sadd.s32 $0x200, s12;
	v6 =	vld [tilespmem:s25+$0xC0];
	[tilespmem:v14+s0+$0x0] =	vst.idx.msk $0xffff, v7  }
0xbe: {  	s5 =	sadd.s32 $0x5, s31;
	v7 =	vld [tilespmem:s12+$0xC0];
	v11 =	vadd.bf16 v9, v10;
	v10 =	vmul.bf16 v8, v8;
	v14 =	vsub.bf16 v15, v17  }
0xbf: {  	v16 =	vadd.s32 s5, v0;
	v8 =	vld [tilespmem:s25+$0xD0]  }
.Ltmp0:
0xc0: {  	v9 =	vld [tilespmem:s12+$0xD0];
	v17 =	vmul.bf16 v14, v14;
	v12 =	vsub.bf16 v12, v13;
	v14 =	vadd.bf16 v10, v19;
	(pc) =	sbr.rel @p0 .LBB2_3-.Ltmp0, $4  }
0xc1: {  	v13 =	vunpack.i.u.bf16.f32 v11;
	v15 =	vunpack.i.l.bf16.f32 v11;
	v10 =	vld [tilespmem:s25+$0xE0];
	v4 =	vsub.bf16 v18, v4  }
0xc2: {  	v18 =	vadd.f32 v15, v13;
	v11 =	vld [tilespmem:s12+$0xE0];
	v19 =	vmul.bf16 v12, v12  }
0xc3: {  	v12 =	vld [tilespmem:s25+$0xF0];
	v15 =	vmul.bf16 v4, v4  }
0xc4: {  	s4 =	sadd.s32 $0x8, s4;
	v13 =	vld [tilespmem:s12+$0xF0];
	[tilespmem:v16+s0+$0x0] =	vst.idx.msk $0xffff, v18;
	v16 =	vadd.bf16 v19, v17  }
0xc5: {  	v4 =	vld [tilespmem:s12+$0xFFFFFF00]  }
0xc6: {  	v17 =	vld [tilespmem:s25+$0xFFFFFF10]  }
0xc7: {  	v18 =	vld [tilespmem:s12+$0xFFFFFF10]  }
0xc8: {  	v19 =	vld [tilespmem:s25+$0xFFFFFF20]  }
0xc9: {  	v20 =	vld [tilespmem:s12+$0xFFFFFF20]  }
0xca: {  	v21 =	vld [tilespmem:s25+$0xFFFFFF30]  }
0xcb: {  	v22 =	vld [tilespmem:s12+$0xFFFFFF30]  }
0xcc: {  	v23 =	vld [tilespmem:s25+$0xFFFFFF40]  }
0xcd: {  	v24 =	vld [tilespmem:s12+$0xFFFFFF40]  }
0xce: {  	v25 =	vld [tilespmem:s25+$0xFFFFFF50]  }
0xcf: {  	v26 =	vld [tilespmem:s12+$0xFFFFFF50]  }
0xd0: {  	v27 =	vld [tilespmem:s25+$0xFFFFFF60]  }
0xd1: {  	v28 =	vld [tilespmem:s12+$0xFFFFFF60]  }
0xd2: {  	v29 =	vld [tilespmem:s25+$0xFFFFFF70]  }
0xd3: {  	v30 =	vld [tilespmem:s12+$0xFFFFFF70]  }
0xd4: {  	v31 =	vld [tilespmem:s25+$0xFFFFFF80]  }
0xd5: {  	v32 =	vld [tilespmem:s12+$0xFFFFFF80]  }
0xd6: {  	v33 =	vld [tilespmem:s25+$0xFFFFFF90]  }
0xd7: {  	v34 =	vld [tilespmem:s12+$0xFFFFFF90]  }
0xd8: {  	v35 =	vld [tilespmem:s25+$0xFFFFFFA0]  }
0xd9: {  	v36 =	vld [tilespmem:s12+$0xFFFFFFA0]  }
0xda: {  	v37 =	vld [tilespmem:s25+$0xFFFFFFB0]  }
0xdb: {  	v3 =	vadd.bf16 v3, v15;
	v15 =	vld [tilespmem:s12+$0xFFFFFFB0]  }
0xdc: {  	v38 =	vld [tilespmem:s25+$0xFFFFFFC0]  }
0xdd: {  	v6 =	vsub.bf16 v6, v7;
	v7 =	vsub.bf16 v8, v9;
	v8 =	vld [tilespmem:s25+$0xFFFFFFD0]  }
0xde: {  	v9 =	vadd.s32 s31, v0;
	v39 =	vld [tilespmem:s12+$0xFFFFFFE0];
	v14 =	vadd.bf16 v16, v14  }
0xdf: {  	v46 =	vld [tilespmem:s25+$0x10];
	v3 =	vadd.bf16 v5, v3;
	v6 =	vmul.bf16 v6, v6;
	v7 =	vmul.bf16 v7, v7  }
0xe0: {  	v50 =	vld [tilespmem:s12+$0x10];
	v10 =	vsub.bf16 v10, v11;
	v40 =	vunpack.i.u.bf16.f32 v14;
	v14 =	vunpack.i.l.bf16.f32 v14  }
0xe1: {  	v51 =	vld [tilespmem:s25+$0x20];
	v11 =	vsub.bf16 v12, v13;
	v13 =	vunpack.i.u.bf16.f32 v3;
	v6 =	vadd.bf16 v7, v6  }
0xe2: {  	v54 =	vld [tilespmem:s12+$0x20];
	v3 =	vunpack.i.l.bf16.f32 v3;
	v14 =	vadd.f32 v14, v40;
	v17 =	vsub.bf16 v17, v18  }
0xe3: {  	v56 =	vld [tilespmem:s25+$0x30];
	s6 =	sadd.s32 $0x1, s29;
	v9 =	vand.u32 $0xFF8, v9;
	v3 =	vadd.f32 v3, v13;
	v44 =	vsub.bf16 v23, v24  }
0xe4: {  	v16 =	vld [tilespmem:s25+$0xFFFFFFE0];
	v43 =	vadd.s32 s6, v0;
	v45 =	vsub.bf16 v25, v26;
	v48 =	vsub.bf16 v27, v28  }
0xe5: {  	v5 =	vld [tilespmem:s12+$0xFFFFFFC0];
	v9 =	vor.u32 v1, v9;
	v49 =	vsub.bf16 v29, v30;
	v55 =	vsub.bf16 v31, v32  }
0xe6: {  	v58 =	vld [tilespmem:s12+$0x30];
	s5 =	sadd.s32 $0x7, s29;
	v10 =	vmul.bf16 v10, v10;
	v57 =	vsub.bf16 v33, v34;
	v59 =	vsub.bf16 v35, v36  }
0xe7: {  	v60 =	vld [tilespmem:s25+$0x40];
	s6 =	sadd.s32 $0x3, s29;
	v15 =	vsub.bf16 v37, v15;
	v37 =	vadd.s32 s5, v0;
	v26 =	vsub.bf16 v51, v54  }
0xe8: {  	v62 =	vld [tilespmem:s12+$0x40];
	v51 =	vadd.s32 s6, v0;
	v11 =	vmul.bf16 v11, v11;
	v52 =	vmul.bf16 v48, v48  }
0xe9: {  	v12 =	vld [tilespmem:s12+$0xFFFFFFD0];
	v16 =	vsub.bf16 v16, v39;
	v53 =	vmul.bf16 v49, v49;
	v61 =	vmul.bf16 v57, v57  }
0xea: {  	v40 =	vld [tilespmem:s12+$0x50];
	v63 =	vmul.bf16 v59, v59;
	v5 =	vsub.bf16 v38, v5;
	v7 =	vadd.bf16 v11, v10  }
0xeb: {  	v13 =	vld [tilespmem:s25+$0xFFFFFFF0];
	v15 =	vmul.bf16 v15, v15;
	v11 =	vsub.bf16 v19, v20;
	v24 =	vadd.bf16 v53, v52  }
0xec: {  	v36 =	vld [tilespmem:s25+$0x50];
	v5 =	vmul.bf16 v5, v5;
	v6 =	vadd.bf16 v7, v6;
	v7 =	vsub.bf16 v21, v22  }
0xed: {  	v10 =	vld [tilespmem:s12+$0xFFFFFFF0];
	v15 =	vadd.bf16 v15, v63;
	v21 =	vmul.bf16 v44, v44;
	v22 =	vmul.bf16 v45, v45  }
0xee: {  	v42 =	vld [tilespmem:s25+$0x70];
	v8 =	vsub.bf16 v8, v12;
	v11 =	vmul.bf16 v11, v11;
	v7 =	vmul.bf16 v7, v7  }
0xef: {  	v18 =	vld [tilespmem:s25+$0x0];
	v45 =	vsub.bf16 v56, v58;
	v47 =	vunpack.i.u.bf16.f32 v6;
	v6 =	vunpack.i.l.bf16.f32 v6  }
0xf0: {  	v19 =	vld [tilespmem:s12+$0x0];
	v21 =	vadd.bf16 v22, v21;
	v7 =	vadd.bf16 v7, v11;
	v11 =	vmul.bf16 v55, v55  }
0xf1: {  	v12 =	vld [tilespmem:s25+$0x60];
	v8 =	vmul.bf16 v8, v8;
	v22 =	vsub.bf16 v36, v40;
	v6 =	vadd.f32 v6, v47  }
0xf2: {  	s4 =	sadd.s32 $0x6, s31;
	v17 =	vmul.bf16 v17, v17;
	v10 =	vsub.bf16 v13, v10;
	v13 =	vld [tilespmem:s12+$0x60];
	v11 =	vadd.bf16 v61, v11  }
0xf3: {  	v54 =	vld [tilespmem:s12+$0xB0];
	v20 =	vadd.s32 s4, v0;
	v5 =	vadd.bf16 v8, v5;
	v21 =	vadd.bf16 v24, v21  }
0xf4: {  	v48 =	vld [tilespmem:s25+$0xA0];
	v10 =	vmul.bf16 v10, v10;
	v11 =	vadd.bf16 v15, v11;
	v15 =	vmul.bf16 v16, v16  }
0xf5: {  	v52 =	vld [tilespmem:s25+$0xB0];
	v8 =	vsub.bf16 v18, v19;
	v47 =	vmul.bf16 v45, v45;
	v41 =	vunpack.i.u.bf16.f32 v21  }
0xf6: {  	v21 =	vunpack.i.l.bf16.f32 v21;
	v16 =	vld [tilespmem:s12+$0x70];
	v10 =	vadd.bf16 v10, v15;
	v15 =	vsub.bf16 v46, v50  }
0xf7: {  	v44 =	vld [tilespmem:s12+$0x80];
	v8 =	vmul.bf16 v8, v8;
	v21 =	vadd.f32 v21, v41;
	v12 =	vsub.bf16 v12, v13  }
0xf8: {  	v18 =	vld [tilespmem:s25+$0x80];
	v19 =	vunpack.i.u.bf16.f32 v11;
	v11 =	vunpack.i.l.bf16.f32 v11;
	v15 =	vmul.bf16 v15, v15  }
0xf9: {  	s5 =	sadd.s32 $0x2, s29;
	v46 =	vld [tilespmem:s25+$0x90];
	v11 =	vadd.f32 v11, v19;
	v5 =	vadd.bf16 v10, v5;
	v10 =	vmul.bf16 v26, v26  }
0xfa: {  	v49 =	vadd.s32 s5, v0;
	v19 =	vld [tilespmem:s12+$0x90];
	v8 =	vadd.bf16 v15, v8;
	v15 =	vsub.bf16 v60, v62  }
0xfb: {  	v22 =	vmul.bf16 v22, v22;
	v13 =	vsub.bf16 v42, v16;
	v16 =	vld [tilespmem:s25+$0xFFFFFF00];
	v10 =	vadd.bf16 v47, v10  }
0xfc: {  	v50 =	vld [tilespmem:s12+$0xA0];
	v53 =	vunpack.i.u.bf16.f32 v5;
	v5 =	vunpack.i.l.bf16.f32 v5;
	v15 =	vmul.bf16 v15, v15  }
0xfd: {  	s6 =	sadd.s32 $0x5, s29;
	v8 =	vadd.bf16 v10, v8;
	v10 =	vmul.bf16 v12, v12;
	v12 =	vmul.bf16 v13, v13  }
0xfe: {  	[tilespmem:v20+s0+$0x0] =	vst.idx.msk $0xffff, v14;
	v14 =	vadd.s32 s6, v0;
	v18 =	vsub.bf16 v18, v44;
	v5 =	vadd.f32 v5, v53  }
0xff: {  	v15 =	vadd.bf16 v22, v15;
	v55 =	vunpack.i.u.bf16.f32 v8;
	v10 =	vadd.bf16 v12, v10  }
0x100: {  	[tilespmem:v9+s0+$0x0] =	vst.idx.msk $0xffff, v3;
	v3 =	vunpack.i.l.bf16.f32 v8;
	v8 =	vsub.bf16 v46, v19;
	v4 =	vsub.bf16 v16, v4  }
0x101: {  	s5 =	sadd.s32 $0x4, s29;
	v9 =	vmul.bf16 v18, v18;
	v12 =	vsub.bf16 v48, v50;
	v16 =	vsub.bf16 v52, v54  }
0x102: {  	v13 =	vadd.s32 s5, v0;
	v8 =	vmul.bf16 v8, v8;
	v4 =	vmul.bf16 v4, v4  }
0x103: {  	v10 =	vadd.bf16 v10, v15;
	v12 =	vmul.bf16 v12, v12;
	v15 =	vmul.bf16 v16, v16  }
0x104: {  	v3 =	vadd.f32 v3, v55;
	v16 =	vadd.s32 s29, v0;
	v4 =	vadd.bf16 v17, v4  }
0x105: {  	[tilespmem:v37+s0+$0x0] =	vst.idx.msk $0xffff, v6;
	v6 =	vadd.bf16 v8, v9;
	v8 =	vadd.bf16 v15, v12;
	v9 =	vand.u32 $0xFF8, v16  }
0x106: {  	[tilespmem:v43+s0+$0x0] =	vst.idx.msk $0xffff, v21;
	s12 =	sadd.s32 $0x6, s29;
	v12 =	vunpack.i.u.bf16.f32 v10;
	v4 =	vadd.bf16 v7, v4;
	v7 =	vor.u32 v1, v9  }
0x107: {  	[tilespmem:v49+s0+$0x0] =	vst.idx.msk $0xffff, v11;
	v9 =	vunpack.i.l.bf16.f32 v10;
	v6 =	vadd.bf16 v8, v6;
	v8 =	vadd.s32 s12, v0  }
0x108: {  	[tilespmem:v51+s0+$0x0] =	vst.idx.msk $0xffff, v5;
	v5 =	vadd.f32 v9, v12;
	v9 =	vunpack.i.u.bf16.f32 v4;
	v4 =	vunpack.i.l.bf16.f32 v4  }
0x109: {  	[tilespmem:v13+s0+$0x0] =	vst.idx.msk $0xffff, v3;
	v3 =	vunpack.i.u.bf16.f32 v6;
	v6 =	vunpack.i.l.bf16.f32 v6;
	v4 =	vadd.f32 v4, v9  }
0x10a: {  	[tilespmem:v14+s0+$0x0] =	vst.idx.msk $0xffff, v5;
	v3 =	vadd.f32 v6, v3  }
0x10b: {  	[tilespmem:v7+s0+$0x0] =	vst.idx.msk $0xffff, v4  }
0x10c: {  	[tilespmem:v8+s0+$0x0] =	vst.idx.msk $0xffff, v3  }
0x10d: {  	v3 =	vld [tilespmem:$0x11530]  }
0x10e: {  	v4 =	vld [tilespmem:$0x11581]  }
0x10f: {  	v5 =	vld [tilespmem:$0x115D2]  }
0x110: {  	v6 =	vld [tilespmem:$0x11623]  }
0x111: {  	v7 =	vld [tilespmem:$0x11674]  }
0x112: {  	v8 =	vld [tilespmem:$0x116C5]  }
0x113: {  	v9 =	vld [tilespmem:$0x11716]  }
0x114: {  	v10 =	vld [tilespmem:$0x11767]  }
0x115: {  	v11 =	vld [tilespmem:$0x117B8]  }
0x116: {  	v12 =	vld [tilespmem:$0x11809]  }
0x117: {  	v13 =	vld [tilespmem:$0x1185A]  }
0x118: {  	v14 =	vld [tilespmem:$0x118AB]  }
0x119: {  	v15 =	vld [tilespmem:$0x118FC]  }
0x11a: {  	v16 =	vld [tilespmem:$0x1194D]  }
0x11b: {  	v17 =	vld [tilespmem:$0x1199E]  }
0x11c: {  	v18 =	vld [tilespmem:$0x119EF]  }
0x11d: {  	v19 =	vld [tilespmem:$0x11540]  }
0x11e: {  	v20 =	vld [tilespmem:$0x11591]  }
0x11f: {  	v21 =	vld [tilespmem:$0x115E2]  }
0x120: {  	v22 =	vld [tilespmem:$0x11633]  }
0x121: {  	v23 =	vld [tilespmem:$0x11684]  }
0x122: {  	v24 =	vld [tilespmem:$0x116D5]  }
0x123: {  	v25 =	vld [tilespmem:$0x11726]  }
0x124: {  	v26 =	vld [tilespmem:$0x11777]  }
0x125: {  	v56 =	vld [tilespmem:$0x117C8]  }
0x126: {  	v57 =	vld [tilespmem:$0x11819]  }
0x127: {  	v29 =	vld [tilespmem:$0x1186A]  }
0x128: {  	v30 =	vld [tilespmem:$0x118BB]  }
0x129: {  	v58 =	vld [tilespmem:$0x1190C]  }
0x12a: {  	v59 =	vld [tilespmem:$0x1195D]  }
0x12b: {  	v33 =	vld [tilespmem:$0x119AE]  }
0x12c: {  	v34 =	vld [tilespmem:$0x119FF]  }
0x12d: {  	v35 =	vld [tilespmem:$0x11550]  }
0x12e: {  	v60 =	vld [tilespmem:$0x115A1]  }
0x12f: {  	v61 =	vld [tilespmem:$0x115F2]  }
0x130: {  	v62 =	vld [tilespmem:$0x11643]  }
0x131: {  	v39 =	vld [tilespmem:$0x11694]  }
0x132: {  	v63 =	vld [tilespmem:$0x116E5]  }
0x133: {  	v41 =	vld [tilespmem:$0x11736]  }
0x134: {  	v42 =	vld [tilespmem:$0x11787]  }
0x135: {  	v43 =	vld [tilespmem:$0x117D8]  }
0x136: {  	v44 =	vld [tilespmem:$0x11829]  }
0x137: {  	v45 =	vld [tilespmem:$0x1187A]  }
0x138: {  	v46 =	vld [tilespmem:$0x118CB]  }
0x139: {  	v47 =	vld [tilespmem:$0x1191C]  }
0x13a: {  	v48 =	vld [tilespmem:$0x1196D]  }
0x13b: {  	v49 =	vld [tilespmem:$0x119BE]  }
0x13c: {  	v50 =	vld [tilespmem:$0x11A0F]  }
0x13d: {  	v51 =	vld [tilespmem:$0x11560]  }
0x13e: {  	v52 =	vld [tilespmem:$0x115B1]  }
0x13f: {  	v53 =	vld [tilespmem:$0x11602]  }
0x140: {  	v55 =	vld [tilespmem:$0x1197D]  }
0x141: {  	v37 =	vld [tilespmem:$0x11612];
	v3 =	vadd.f32 v4, v3  }
0x142: {  	v40 =	vld [tilespmem:$0x11663];
	v4 =	vadd.f32 v6, v5;
	v6 =	vadd.f32 v8, v7  }
0x143: {  	v5 =	vld [tilespmem:$0x11653];
	v7 =	vadd.f32 v10, v9;
	v9 =	vadd.f32 v12, v11  }
0x144: {  	v8 =	vld [tilespmem:$0x116A4];
	v10 =	vadd.f32 v14, v13;
	v12 =	vadd.f32 v16, v15  }
0x145: {  	v11 =	vld [tilespmem:$0x116F5];
	v13 =	vadd.f32 v18, v17;
	v16 =	vadd.f32 v24, v23  }
0x146: {  	v14 =	vld [tilespmem:$0x11746];
	v17 =	vadd.f32 v26, v25;
	v54 =	vadd.f32 v30, v29  }
0x147: {  	v15 =	vld [tilespmem:$0x118DB];
	v60 =	vadd.f32 v60, v35;
	v61 =	vadd.f32 v62, v61  }
0x148: {  	v18 =	vld [tilespmem:$0x1192C];
	v63 =	vadd.f32 v63, v39;
	v36 =	vadd.f32 v42, v41  }
0x149: {  	v62 =	vld [tilespmem:$0x115C1];
	v38 =	vadd.f32 v44, v43;
	v39 =	vadd.f32 v46, v45  }
0x14a: {  	v41 =	vadd.f32 v48, v47;
	v42 =	vadd.f32 v50, v49;
	v43 =	vld [tilespmem:$0x116B4]  }
0x14b: {  	v45 =	vld [tilespmem:$0x11705];
	v52 =	vadd.f32 v52, v51;
	v3 =	vadd.f32 v4, v3  }
0x14c: {  	v48 =	vld [tilespmem:$0x11756];
	v4 =	vadd.f32 v7, v6;
	v7 =	vadd.f32 v10, v9  }
0x14d: {  	v50 =	vld [tilespmem:$0x117F8];
	v9 =	vadd.f32 v13, v12;
	v13 =	vadd.f32 v22, v21  }
0x14e: {  	v6 =	vld [tilespmem:$0x11797];
	v22 =	vadd.f32 v61, v60;
	v44 =	vadd.f32 v36, v63  }
0x14f: {  	v10 =	vld [tilespmem:$0x117E8];
	v46 =	vadd.f32 v39, v38;
	v47 =	vadd.f32 v42, v41  }
0x150: {  	v12 =	vld [tilespmem:$0x11839];
	v3 =	vadd.f32 v4, v3;
	v4 =	vadd.f32 v9, v7  }
0x151: {  	v7 =	vld [tilespmem:$0x1188A];
	v9 =	vadd.f32 v20, v19;
	v19 =	vadd.f32 v57, v56  }
0x152: {  	v56 =	vadd.f32 v59, v58;
	v57 =	vadd.f32 v34, v33;
	v58 =	vld [tilespmem:$0x119CE]  }
0x153: {  	v59 =	vld [tilespmem:$0x11570];
	v49 =	vadd.f32 v47, v46;
	v5 =	vadd.f32 v5, v53  }
0x154: {  	v53 =	vld [tilespmem:$0x118EB];
	v8 =	vadd.f32 v11, v8;
	v9 =	vadd.f32 v13, v9  }
0x155: {  	v11 =	vld [tilespmem:$0x1193C];
	v13 =	vadd.f32 v17, v16;
	v17 =	vadd.f32 v54, v19  }
0x156: {  	v16 =	vld [tilespmem:$0x11A1F];
	v19 =	vadd.f32 v57, v56;
	v3 =	vadd.f32 v4, v3  }
0x157: {  	v4 =	vld [tilespmem:$0x11849];
	v6 =	vadd.f32 v6, v14;
	v10 =	vadd.f32 v12, v10  }
0x158: {  	v12 =	vld [tilespmem:$0x1198D];
	v14 =	vadd.f32 v55, v18;
	v9 =	vadd.f32 v13, v9  }
0x159: {  	v13 =	vadd.f32 v19, v17;
	v17 =	vld [tilespmem:$0x117A7];
	v19 =	vadd.f32 v44, v22  }
0x15a: {  	v7 =	vadd.f32 v15, v7;
	v6 =	vadd.f32 v6, v8;
	v8 =	vld [tilespmem:$0x11A2F]  }
0x15b: {  	v9 =	vadd.f32 v13, v9;
	v13 =	vadd.f32 v49, v19;
	v19 =	vld [tilespmem:$0x1189A]  }
0x15c: {  	v5 =	vadd.f32 v5, v52;
	v15 =	vadd.f32 v16, v58;
	v16 =	vld [tilespmem:$0x119DE]  }
0x15d: {  	v18 =	vadd.f32 v45, v43;
	v7 =	vadd.f32 v7, v10  }
0x15e: {  	v4 =	vadd.f32 v4, v50;
	v11 =	vadd.f32 v12, v11  }
0x15f: {  	v10 =	vadd.f32 v15, v14;
	v14 =	vadd.f32 v62, v59  }
0x160: {  	v15 =	vadd.f32 v40, v37;
	v17 =	vadd.f32 v17, v48  }
0x161: {  	v19 =	vadd.f32 v53, v19;
	v8 =	vadd.f32 v8, v16  }
0x162: {  	v12 =	vadd.f32 v15, v14;
	v14 =	vadd.f32 v17, v18  }
0x163: {  	s29 =	smul.u32 $0x140, s28;
	v4 =	vadd.f32 v19, v4;
	v8 =	vadd.f32 v8, v11  }
0x164: {  	v5 =	vadd.f32 v6, v5;
	v6 =	vadd.f32 v10, v7  }
0x165: {  	[tilespmem:s29+$0xEE20] =	vst v3;
	v3 =	vadd.f32 v14, v12;
	v4 =	vadd.f32 v8, v4  }
0x166: {  	[tilespmem:s29+$0xEE30] =	vst v9;
	v5 =	vadd.f32 v6, v5  }
0x167: {  	[tilespmem:s29+$0xEE40] =	vst v13;
	v3 =	vadd.f32 v4, v3  }
0x168: {  	[tilespmem:s29+$0xEE50] =	vst v5  }
0x169: {  	s25 =	sadd.s32 $0x140, s29;
	[tilespmem:s29+$0xEE60] =	vst v3  }
0x16a: {  	[tilespmem:s19], [sflag:$0x1] =	stream.indirect.gather [spmem:s2], $0x40, s25, s18, $0xb8;
	[tilespmem:$0x1B690] =	vst v63  }
0x16b: {  	s5 =	sadd.s32 $0x2850, s29  }
0x16c: {  	[tilespmem:s20], [sflag:$0x2] =	stream.indirect.gather [spmem:s2], $0x40, s5, s18, $0xb8;
	[tilespmem:$0x1B690] =	vst v63  }
0x16d: {  	_ =	swait.ge [sflag:s17], $0x1400  }
0x16e: {  	[sflag:s17] =	ssyncset.done $0x0  }
0x16f: {  	[sflag:s17] =	ssyncadd.s32 $0xFFFFEC00  }
0x170: {  	_ =	swait.ge [sflag:s13], $0x1400  }
0x171: {  	[sflag:s13] =	ssyncset.done $0x0  }
0x172: {  	s4 =	simm.s32 $0x6410;
	[sflag:s13] =	ssyncadd.s32 $0xFFFFEC00  }
0x173: {  	s5 =	simm.s32 $0xB410;
	v3 =	vld [tilespmem:s4+$0xFFFFFFD0]  }
0x174: {  	v5 =	vld [tilespmem:s5+$0xFFFFFFD0]  }
0x175: {  	v6 =	vld [tilespmem:s4+$0xFFFFFFE0]  }
0x176: {  	v7 =	vld [tilespmem:s5+$0xFFFFFFE0]  }
0x177: {  	v8 =	vld [tilespmem:s4+$0xFFFFFFF0]  }
0x178: {  	v9 =	vld [tilespmem:s5+$0xFFFFFFF0]  }
0x179: {  	v10 =	vld [tilespmem:s4+$0x0]  }
0x17a: {  	v11 =	vld [tilespmem:s5+$0x0]  }
0x17b: {  	v4 =	vld [tilespmem:s5+$0xFFFFFE10]  }
0x17c: {  	v12 =	vld [tilespmem:s4+$0xFFFFFE20]  }
0x17d: {  	v13 =	vld [tilespmem:s5+$0xFFFFFE20]  }
0x17e: {  	v14 =	vld [tilespmem:s4+$0xFFFFFE30]  }
0x17f: {  	v15 =	vld [tilespmem:s5+$0xFFFFFE30]  }
0x180: {  	v16 =	vld [tilespmem:s4+$0xFFFFFE40]  }
0x181: {  	v17 =	vld [tilespmem:s5+$0xFFFFFE40]  }
0x182: {  	v18 =	vld [tilespmem:s4+$0xFFFFFE50]  }
0x183: {  	v19 =	vld [tilespmem:s5+$0xFFFFFE50]  }
0x184: {  	v54 =	vld [tilespmem:s4+$0xFFFFFE60]  }
0x185: {  	v55 =	vld [tilespmem:s5+$0xFFFFFE60]  }
0x186: {  	v56 =	vld [tilespmem:s4+$0xFFFFFE70]  }
0x187: {  	v57 =	vld [tilespmem:s5+$0xFFFFFE70]  }
0x188: {  	v58 =	vld [tilespmem:s4+$0xFFFFFE80]  }
0x189: {  	v59 =	vld [tilespmem:s5+$0xFFFFFE80]  }
0x18a: {  	v60 =	vld [tilespmem:s4+$0xFFFFFE90]  }
0x18b: {  	v61 =	vld [tilespmem:s5+$0xFFFFFE90]  }
0x18c: {  	v62 =	vld [tilespmem:s4+$0xFFFFFEA0]  }
0x18d: {  	v63 =	vld [tilespmem:s5+$0xFFFFFEA0]  }
0x18e: {  	v36 =	vld [tilespmem:s4+$0xFFFFFEB0]  }
0x18f: {  	v37 =	vld [tilespmem:s5+$0xFFFFFEB0]  }
0x190: {  	v38 =	vld [tilespmem:s4+$0xFFFFFEC0]  }
0x191: {  	v39 =	vld [tilespmem:s5+$0xFFFFFEE0]  }
0x192: {  	v40 =	vld [tilespmem:s4+$0xFFFFFF10]  }
0x193: {  	v42 =	vld [tilespmem:s5+$0xFFFFFF10]  }
0x194: {  	v43 =	vld [tilespmem:s4+$0xFFFFFF20];
	v3 =	vsub.bf16 v3, v5  }
0x195: {  	v46 =	vld [tilespmem:s4+$0xFFFFFF30];
	v5 =	vsub.bf16 v6, v7;
	v7 =	vsub.bf16 v8, v9  }
0x196: {  	v6 =	vld [tilespmem:s5+$0xFFFFFEC0];
	v8 =	vsub.bf16 v10, v11;
	v14 =	vsub.bf16 v14, v15  }
0x197: {  	v9 =	vld [tilespmem:s4+$0xFFFFFED0];
	v41 =	vsub.bf16 v58, v59;
	v3 =	vmul.bf16 v3, v3;
	v5 =	vmul.bf16 v5, v5  }
0x198: {  	v10 =	vld [tilespmem:s5+$0xFFFFFED0];
	v44 =	vsub.bf16 v60, v61;
	v7 =	vmul.bf16 v7, v7;
	v8 =	vmul.bf16 v8, v8  }
0x199: {  	v11 =	vld [tilespmem:s4+$0xFFFFFEE0];
	v45 =	vsub.bf16 v62, v63;
	v48 =	vsub.bf16 v36, v37  }
0x19a: {  	v49 =	vld [tilespmem:s4+$0xFFFFFF40];
	v3 =	vadd.bf16 v5, v3;
	v7 =	vadd.bf16 v8, v7  }
0x19b: {  	v51 =	vld [tilespmem:s5+$0xFFFFFF50];
	v47 =	vmul.bf16 v45, v45;
	v5 =	vsub.bf16 v12, v13;
	v12 =	vsub.bf16 v16, v17  }
0x19c: {  	v52 =	vld [tilespmem:s4+$0xFFFFFF70];
	v13 =	vmul.bf16 v14, v14;
	v14 =	vsub.bf16 v18, v19;
	v17 =	vsub.bf16 v54, v55  }
0x19d: {  	v15 =	vld [tilespmem:s5+$0xFFFFFEF0];
	v24 =	vmul.bf16 v48, v48;
	v6 =	vsub.bf16 v38, v6;
	v9 =	vsub.bf16 v9, v10  }
0x19e: {  	v8 =	vld [tilespmem:s4+$0xFFFFFEF0];
	v11 =	vsub.bf16 v11, v39;
	v12 =	vmul.bf16 v12, v12;
	v14 =	vmul.bf16 v14, v14  }
0x19f: {  	v58 =	vld [tilespmem:s5+$0xFFFFFF90];
	v3 =	vadd.bf16 v7, v3;
	v17 =	vmul.bf16 v17, v17;
	v6 =	vmul.bf16 v6, v6  }
0x1a0: {  	v16 =	vld [tilespmem:s5+$0xFFFFFF00];
	v19 =	vsub.bf16 v56, v57;
	v9 =	vmul.bf16 v9, v9;
	v11 =	vmul.bf16 v11, v11  }
0x1a1: {  	v7 =	vld [tilespmem:s4+$0xFFFFFF00];
	v18 =	vunpack.i.u.bf16.f32 v3;
	v3 =	vunpack.i.l.bf16.f32 v3;
	v14 =	vadd.bf16 v17, v14  }
0x1a2: {  	v10 =	vld [tilespmem:s4+$0xFFFFFF50];
	v17 =	vmul.bf16 v44, v44;
	v18 =	vadd.f32 v3, v18;
	v3 =	vadd.bf16 v12, v13  }
0x1a3: {  	v12 =	vmul.bf16 v19, v19;
	v13 =	vmul.bf16 v41, v41;
	v19 =	vld [tilespmem:s5+$0xFFFFFF20];
	v8 =	vsub.bf16 v8, v15  }
0x1a4: {  	v15 =	vld [tilespmem:s4+$0xFFFFFF60];
	v6 =	vadd.bf16 v6, v24;
	v9 =	vadd.bf16 v11, v9  }
0x1a5: {  	s6 =	simm.s32 $0x7;
	v11 =	vld [tilespmem:s5+$0xFFFFFF70];
	v17 =	vadd.bf16 v47, v17;
	v12 =	vadd.bf16 v13, v12  }
0x1a6: {  	v53 =	vadd.s32 s6, v0;
	s6 =	simm.s32 $0x2;
	v20 =	vsub.bf16 v40, v42;
	v13 =	vld [tilespmem:s5+$0xFFFFFF30];
	v7 =	vsub.bf16 v7, v16  }
0x1a7: {  	v54 =	vadd.s32 s6, v0;
	v6 =	vadd.bf16 v6, v17;
	v12 =	vadd.bf16 v12, v14;
	v14 =	vld [tilespmem:s5+$0xFFFFFF40]  }
0x1a8: {  	s25 =	simm.s32 $0x1;
	v10 =	vsub.bf16 v10, v51;
	v16 =	vld [tilespmem:s5+$0xFFFFFF60];
	v8 =	vmul.bf16 v8, v8;
	v7 =	vmul.bf16 v7, v7  }
0x1a9: {  	v55 =	vld [tilespmem:s5+$0xFFFFFF80];
	v17 =	vadd.s32 s25, v0;
	v19 =	vsub.bf16 v43, v19;
	v56 =	vunpack.i.u.bf16.f32 v6  }
0x1aa: {  	v6 =	vunpack.i.l.bf16.f32 v6;
	v11 =	vsub.bf16 v52, v11;
	v7 =	vadd.bf16 v7, v8;
	v8 =	vld [tilespmem:s4+$0xFFFFFF80]  }
0x1ab: {  	v59 =	vld [tilespmem:s5+$0xFFFFFFA0];
	v50 =	vunpack.i.u.bf16.f32 v12;
	v12 =	vunpack.i.l.bf16.f32 v12;
	v25 =	vadd.f32 v6, v56  }
0x1ac: {  	v60 =	vld [tilespmem:s5+$0xFFFFFFB0];
	v6 =	vmul.bf16 v20, v20;
	v13 =	vsub.bf16 v46, v13;
	v14 =	vsub.bf16 v49, v14  }
0x1ad: {  	v61 =	vld [tilespmem:s4+$0xFFFFFE10];
	v12 =	vadd.f32 v12, v50;
	v19 =	vmul.bf16 v19, v19;
	v15 =	vsub.bf16 v15, v16  }
0x1ae: {  	s25 =	simm.s32 $0x3;
	v16 =	vld [tilespmem:s4+$0xFFFFFFB0];
	v7 =	vadd.bf16 v7, v9;
	v9 =	vmul.bf16 v13, v13;
	v13 =	vmul.bf16 v14, v14  }
0x1af: {  	v57 =	vld [tilespmem:s4+$0xFFFFFF90];
	v6 =	vadd.bf16 v19, v6;
	v19 =	vadd.s32 s25, v0;
	v8 =	vsub.bf16 v8, v55  }
0x1b0: {  	v14 =	vld [tilespmem:s4+$0xFFFFFFA0];
	v9 =	vadd.bf16 v13, v9;
	v13 =	vunpack.i.u.bf16.f32 v7;
	v7 =	vunpack.i.l.bf16.f32 v7  }
0x1b1: {  	v8 =	vmul.bf16 v8, v8;
	v13 =	vadd.f32 v7, v13;
	v7 =	vmul.bf16 v11, v11;
	v11 =	vld [tilespmem:s5+$0xFFFFFFC0]  }
0x1b2: {  	v10 =	vmul.bf16 v10, v10;
	s5 =	simm.s32 $0x4;
	v6 =	vadd.bf16 v9, v6;
	v9 =	vmul.bf16 v15, v15;
	v15 =	vld [tilespmem:s4+$0xFFFFFFC0]  }
0x1b3: {  	s12 =	simm.s32 $0xB610;
	[tilespmem:v17+s0+$0x0] =	vst.idx.msk $0xffff, v12;
	v16 =	vsub.bf16 v16, v60;
	v12 =	vadd.s32 s5, v0;
	v8 =	vadd.bf16 v8, v7  }
0x1b4: {  	[tilespmem:v53+s0+$0x0] =	vst.idx.msk $0xffff, v18;
	s25 =	simm.s32 $0x6610;
	v7 =	vld [tilespmem:s12+$0xFFFFFFD0];
	v9 =	vadd.bf16 v9, v10;
	v10 =	vunpack.i.u.bf16.f32 v6;
	v6 =	vunpack.i.l.bf16.f32 v6  }
0x1b5: {  	s6 =	simm.s32 $0x5;
	v16 =	vmul.bf16 v16, v16;
	v14 =	vsub.bf16 v14, v59;
	v18 =	vadd.f32 v6, v10;
	v6 =	vld [tilespmem:s25+$0xFFFFFFD0]  }
0x1b6: {  	v62 =	vadd.s32 s6, v0;
	[tilespmem:v19+s0+$0x0] =	vst.idx.msk $0xffff, v13;
	v10 =	vsub.bf16 v57, v58;
	v17 =	vadd.bf16 v8, v9;
	v8 =	vld [tilespmem:s25+$0xFFFFFFE0]  }
0x1b7: {  	v13 =	vsub.bf16 v61, v4;
	v14 =	vmul.bf16 v14, v14;
	v9 =	vld [tilespmem:s12+$0xFFFFFFE0];
	v15 =	vsub.bf16 v15, v11  }
0x1b8: {  	v63 =	vmul.bf16 v10, v10;
	v10 =	vld [tilespmem:s25+$0xFFFFFFF0];
	v4 =	vunpack.i.u.bf16.f32 v17;
	v11 =	vunpack.i.l.bf16.f32 v17  }
0x1b9: {  	[tilespmem:v12+s0+$0x0] =	vst.idx.msk $0xffff, v18;
	v12 =	vld [tilespmem:s25+$0x0];
	v17 =	vadd.f32 v11, v4;
	v19 =	vmul.bf16 v15, v15  }
0x1ba: {  	[tilespmem:v54+s0+$0x0] =	vst.idx.msk $0xffff, v25;
	v11 =	vld [tilespmem:s12+$0xFFFFFFF0];
	v4 =	vmul.bf16 v5, v5;
	v15 =	vmul.bf16 v13, v13  }
0x1bb: {  	s31 =	simm.s32 $0x8;
	s4 =	simm.s32 $0x0;
	s5 =	simm.s32 $0x10;
	v14 =	vadd.bf16 v14, v63;
	v13 =	vld [tilespmem:s12+$0x0];
	[tilespmem:v62+s0+$0x0] =	vst.idx.msk $0xffff, v17;
	v16 =	vadd.bf16 v19, v16  }
.LBB2_5:
0x1bc: {  	p0 =	slt.u32 s5, $0x48;
	v5 =	vld [tilespmem:s12+$0xFFFFFE10];
	v4 =	vadd.bf16 v4, v15;
	v15 =	vadd.s32 s4, v0  }
0x1bd: {  	s6 =	sadd.s32 $0x6, s4;
	s4 =	smov.u32 s31;
	s31 =	smov.u32 s5;
	v17 =	vld [tilespmem:s25+$0xFFFFFE20];
	v15 =	vand.u32 $0xFF8, v15;
	v14 =	vadd.bf16 v16, v14  }
0x1be: {  	v18 =	vadd.s32 s6, v0;
	v16 =	vld [tilespmem:s12+$0xFFFFFE20];
	v3 =	vadd.bf16 v3, v4;
	v15 =	vor.u32 v1, v15  }
0x1bf: {  	v4 =	vsub.bf16 v6, v7;
	v6 =	vsub.bf16 v8, v9;
	v19 =	vld [tilespmem:s25+$0xFFFFFE30];
	v7 =	vunpack.i.u.bf16.f32 v14  }
0x1c0: {  	v9 =	vsub.bf16 v10, v11;
	v8 =	vld [tilespmem:s12+$0xFFFFFE30];
	v10 =	vsub.bf16 v12, v13;
	v11 =	vunpack.i.u.bf16.f32 v3  }
0x1c1: {  	v4 =	vmul.bf16 v4, v4;
	v6 =	vmul.bf16 v6, v6;
	v3 =	vunpack.i.l.bf16.f32 v3;
	v12 =	vld [tilespmem:s25+$0xFFFFFE40]  }
0x1c2: {  	v14 =	vunpack.i.l.bf16.f32 v14;
	v9 =	vmul.bf16 v9, v9;
	v13 =	vld [tilespmem:s12+$0xFFFFFE40];
	v10 =	vmul.bf16 v10, v10  }
0x1c3: {  	v3 =	vadd.f32 v3, v11;
	v16 =	vsub.bf16 v17, v16;
	v17 =	vld [tilespmem:s25+$0xFFFFFE50]  }
0x1c4: {  	v6 =	vadd.bf16 v6, v4;
	v11 =	vld [tilespmem:s12+$0xFFFFFE50];
	v9 =	vadd.bf16 v10, v9  }
0x1c5: {  	s6 =	sadd.s32 $0x7, s4;
	v7 =	vadd.f32 v14, v7;
	v4 =	vmul.bf16 v16, v16;
	v8 =	vsub.bf16 v19, v8;
	v10 =	vld [tilespmem:s25+$0xFFFFFE60]  }
0x1c6: {  	v14 =	vld [tilespmem:s12+$0xFFFFFE60];
	v6 =	vadd.bf16 v9, v6;
	v9 =	vadd.s32 s6, v0;
	[tilespmem:v15+s0+$0x0] =	vst.idx.msk $0xffff, v3  }
0x1c7: {  	v3 =	vmul.bf16 v8, v8;
	v8 =	vsub.bf16 v12, v13;
	v12 =	vld [tilespmem:s25+$0xFFFFFE70];
	[tilespmem:v18+s0+$0x0] =	vst.idx.msk $0xffff, v7  }
0x1c8: {  	v7 =	vld [tilespmem:s12+$0xFFFFFE70];
	v13 =	vunpack.i.u.bf16.f32 v6;
	v6 =	vunpack.i.l.bf16.f32 v6  }
0x1c9: {  	v8 =	vmul.bf16 v8, v8;
	v11 =	vsub.bf16 v17, v11;
	v15 =	vld [tilespmem:s25+$0xFFFFFE80];
	v6 =	vadd.f32 v6, v13  }
0x1ca: {  	v13 =	vld [tilespmem:s12+$0xFFFFFE80]  }
0x1cb: {  	v11 =	vmul.bf16 v11, v11;
	v10 =	vsub.bf16 v10, v14;
	v14 =	vld [tilespmem:s25+$0xFFFFFE90];
	[tilespmem:v9+s0+$0x0] =	vst.idx.msk $0xffff, v6  }
0x1cc: {  	v3 =	vadd.bf16 v8, v3;
	v6 =	vld [tilespmem:s12+$0xFFFFFE90]  }
0x1cd: {  	v8 =	vmul.bf16 v10, v10;
	v7 =	vsub.bf16 v12, v7;
	v9 =	vld [tilespmem:s25+$0xFFFFFEA0]  }
0x1ce: {  	v10 =	vld [tilespmem:s12+$0xFFFFFEA0]  }
0x1cf: {  	v7 =	vmul.bf16 v7, v7;
	v12 =	vsub.bf16 v15, v13;
	v8 =	vadd.bf16 v8, v11;
	v11 =	vld [tilespmem:s25+$0xFFFFFEB0]  }
0x1d0: {  	v13 =	vld [tilespmem:s12+$0xFFFFFEB0]  }
0x1d1: {  	v12 =	vmul.bf16 v12, v12;
	v6 =	vsub.bf16 v14, v6;
	v14 =	vld [tilespmem:s25+$0xFFFFFEC0]  }
0x1d2: {  	v15 =	vld [tilespmem:s12+$0xFFFFFEC0]  }
0x1d3: {  	v7 =	vadd.bf16 v12, v7;
	v6 =	vmul.bf16 v6, v6;
	v9 =	vsub.bf16 v9, v10;
	v10 =	vld [tilespmem:s25+$0xFFFFFED0]  }
0x1d4: {  	v12 =	vld [tilespmem:s12+$0xFFFFFED0]  }
0x1d5: {  	s6 =	sadd.s32 $0x1, s4;
	v7 =	vadd.bf16 v7, v8;
	v8 =	vmul.bf16 v9, v9;
	v9 =	vsub.bf16 v11, v13;
	v11 =	vld [tilespmem:s25+$0xFFFFFEE0]  }
0x1d6: {  	v13 =	vadd.s32 s6, v0;
	v16 =	vld [tilespmem:s12+$0xFFFFFEE0]  }
0x1d7: {  	v9 =	vmul.bf16 v9, v9;
	v14 =	vsub.bf16 v14, v15;
	v6 =	vadd.bf16 v8, v6;
	v8 =	vld [tilespmem:s25+$0xFFFFFEF0]  }
0x1d8: {  	v15 =	vunpack.i.u.bf16.f32 v7;
	v7 =	vunpack.i.l.bf16.f32 v7;
	v17 =	vld [tilespmem:s12+$0xFFFFFEF0]  }
0x1d9: {  	v7 =	vadd.f32 v7, v15;
	v14 =	vmul.bf16 v14, v14;
	v10 =	vsub.bf16 v10, v12;
	v12 =	vld [tilespmem:s25+$0xFFFFFF00]  }
0x1da: {  	v15 =	vld [tilespmem:s12+$0xFFFFFF00]  }
0x1db: {  	v9 =	vadd.bf16 v14, v9;
	v10 =	vmul.bf16 v10, v10;
	v11 =	vsub.bf16 v11, v16;
	v14 =	vld [tilespmem:s25+$0xFFFFFF10]  }
0x1dc: {  	[tilespmem:v13+s0+$0x0] =	vst.idx.msk $0xffff, v7;
	v7 =	vld [tilespmem:s12+$0xFFFFFF10]  }
0x1dd: {  	s6 =	sadd.s32 $0x2, s4;
	v6 =	vadd.bf16 v9, v6;
	v9 =	vmul.bf16 v11, v11;
	v8 =	vsub.bf16 v8, v17;
	v11 =	vld [tilespmem:s25+$0xFFFFFF20]  }
0x1de: {  	v13 =	vadd.s32 s6, v0;
	v16 =	vld [tilespmem:s12+$0xFFFFFF20]  }
0x1df: {  	v8 =	vmul.bf16 v8, v8;
	v12 =	vsub.bf16 v12, v15;
	v9 =	vadd.bf16 v9, v10;
	v10 =	vld [tilespmem:s25+$0xFFFFFF30]  }
0x1e0: {  	v15 =	vunpack.i.u.bf16.f32 v6;
	v6 =	vunpack.i.l.bf16.f32 v6;
	v17 =	vld [tilespmem:s12+$0xFFFFFF30]  }
0x1e1: {  	v6 =	vadd.f32 v6, v15;
	v12 =	vmul.bf16 v12, v12;
	v7 =	vsub.bf16 v14, v7;
	v14 =	vld [tilespmem:s25+$0xFFFFFF40]  }
0x1e2: {  	v15 =	vld [tilespmem:s12+$0xFFFFFF40]  }
0x1e3: {  	v8 =	vadd.bf16 v12, v8;
	v7 =	vmul.bf16 v7, v7;
	v11 =	vsub.bf16 v11, v16;
	v12 =	vld [tilespmem:s25+$0xFFFFFF50]  }
0x1e4: {  	[tilespmem:v13+s0+$0x0] =	vst.idx.msk $0xffff, v6;
	v6 =	vld [tilespmem:s12+$0xFFFFFF50]  }
0x1e5: {  	s6 =	sadd.s32 $0x3, s4;
	v8 =	vadd.bf16 v8, v9;
	v9 =	vmul.bf16 v11, v11;
	v10 =	vsub.bf16 v10, v17;
	v11 =	vld [tilespmem:s25+$0xFFFFFF60]  }
0x1e6: {  	v13 =	vadd.s32 s6, v0;
	v16 =	vld [tilespmem:s12+$0xFFFFFF60]  }
0x1e7: {  	v10 =	vmul.bf16 v10, v10;
	v14 =	vsub.bf16 v14, v15;
	v7 =	vadd.bf16 v9, v7;
	v9 =	vld [tilespmem:s25+$0xFFFFFF70]  }
0x1e8: {  	v15 =	vunpack.i.u.bf16.f32 v8;
	v8 =	vunpack.i.l.bf16.f32 v8;
	v17 =	vld [tilespmem:s12+$0xFFFFFF70]  }
0x1e9: {  	v8 =	vadd.f32 v8, v15;
	v14 =	vmul.bf16 v14, v14;
	v6 =	vsub.bf16 v12, v6;
	v12 =	vld [tilespmem:s25+$0xFFFFFF80]  }
0x1ea: {  	v15 =	vld [tilespmem:s12+$0xFFFFFF80]  }
0x1eb: {  	v10 =	vadd.bf16 v14, v10;
	v6 =	vmul.bf16 v6, v6;
	v11 =	vsub.bf16 v11, v16;
	v14 =	vld [tilespmem:s25+$0xFFFFFF90]  }
0x1ec: {  	[tilespmem:v13+s0+$0x0] =	vst.idx.msk $0xffff, v8;
	v8 =	vld [tilespmem:s12+$0xFFFFFF90]  }
0x1ed: {  	s6 =	sadd.s32 $0x4, s4;
	v7 =	vadd.bf16 v10, v7;
	v10 =	vmul.bf16 v11, v11;
	v9 =	vsub.bf16 v9, v17;
	v11 =	vld [tilespmem:s25+$0xFFFFFFA0]  }
0x1ee: {  	v13 =	vadd.s32 s6, v0;
	v16 =	vld [tilespmem:s12+$0xFFFFFFA0]  }
0x1ef: {  	v9 =	vmul.bf16 v9, v9;
	v12 =	vsub.bf16 v12, v15;
	v10 =	vadd.bf16 v10, v6;
	v15 =	vld [tilespmem:s25+$0xFFFFFFB0]  }
0x1f0: {  	v6 =	vunpack.i.u.bf16.f32 v7;
	v7 =	vunpack.i.l.bf16.f32 v7;
	v17 =	vld [tilespmem:s12+$0xFFFFFFB0]  }
0x1f1: {  	v7 =	vadd.f32 v7, v6;
	v6 =	vmul.bf16 v12, v12;
	v8 =	vsub.bf16 v14, v8;
	v12 =	vld [tilespmem:s25+$0xFFFFFFC0]  }
0x1f2: {  	v14 =	vld [tilespmem:s12+$0xFFFFFFC0]  }
0x1f3: {  	v18 =	vld [tilespmem:s25+$0xFFFFFE10];
	v9 =	vadd.bf16 v6, v9;
	v19 =	vmul.bf16 v8, v8;
	v8 =	vsub.bf16 v11, v16;
	s25 =	sadd.s32 $0x200, s25  }
0x1f4: {  	s12 =	sadd.s32 $0x200, s12;
	v6 =	vld [tilespmem:s25+$0xFFFFFFD0];
	[tilespmem:v13+s0+$0x0] =	vst.idx.msk $0xffff, v7  }
0x1f5: {  	s6 =	sadd.s32 $0x5, s4;
	v7 =	vld [tilespmem:s12+$0xFFFFFFD0];
	v11 =	vadd.bf16 v9, v10;
	v10 =	vmul.bf16 v8, v8;
	v13 =	vsub.bf16 v15, v17  }
0x1f6: {  	v16 =	vadd.s32 s6, v0;
	v8 =	vld [tilespmem:s25+$0xFFFFFFE0]  }
.Ltmp1:
0x1f7: {  	v9 =	vld [tilespmem:s12+$0xFFFFFFE0];
	v17 =	vmul.bf16 v13, v13;
	v12 =	vsub.bf16 v12, v14;
	v14 =	vadd.bf16 v10, v19;
	(pc) =	sbr.rel @p0 .LBB2_5-.Ltmp1, $4  }
0x1f8: {  	v13 =	vunpack.i.u.bf16.f32 v11;
	v15 =	vunpack.i.l.bf16.f32 v11;
	v10 =	vld [tilespmem:s25+$0xFFFFFFF0];
	v5 =	vsub.bf16 v18, v5  }
0x1f9: {  	v18 =	vadd.f32 v15, v13;
	v11 =	vld [tilespmem:s12+$0xFFFFFFF0];
	v19 =	vmul.bf16 v12, v12  }
0x1fa: {  	v12 =	vld [tilespmem:s25+$0x0];
	v15 =	vmul.bf16 v5, v5  }
0x1fb: {  	s5 =	sadd.s32 $0x8, s5;
	v13 =	vld [tilespmem:s12+$0x0];
	[tilespmem:v16+s0+$0x0] =	vst.idx.msk $0xffff, v18;
	v16 =	vadd.bf16 v19, v17  }
0x1fc: {  	v5 =	vld [tilespmem:s12+$0xFFFFFE10]  }
0x1fd: {  	v17 =	vld [tilespmem:s25+$0xFFFFFE20]  }
0x1fe: {  	v18 =	vld [tilespmem:s12+$0xFFFFFE20]  }
0x1ff: {  	v19 =	vld [tilespmem:s25+$0xFFFFFE30]  }
0x200: {  	v20 =	vld [tilespmem:s12+$0xFFFFFE30]  }
0x201: {  	v21 =	vld [tilespmem:s25+$0xFFFFFE40]  }
0x202: {  	v22 =	vld [tilespmem:s12+$0xFFFFFE40]  }
0x203: {  	v23 =	vld [tilespmem:s25+$0xFFFFFE50]  }
0x204: {  	v24 =	vld [tilespmem:s12+$0xFFFFFE50]  }
0x205: {  	v25 =	vld [tilespmem:s25+$0xFFFFFE60]  }
0x206: {  	v26 =	vld [tilespmem:s12+$0xFFFFFE60]  }
0x207: {  	v27 =	vld [tilespmem:s25+$0xFFFFFE70]  }
0x208: {  	v28 =	vld [tilespmem:s12+$0xFFFFFE70]  }
0x209: {  	v29 =	vld [tilespmem:s25+$0xFFFFFE80]  }
0x20a: {  	v30 =	vld [tilespmem:s12+$0xFFFFFE80]  }
0x20b: {  	v31 =	vld [tilespmem:s25+$0xFFFFFE90]  }
0x20c: {  	v32 =	vld [tilespmem:s12+$0xFFFFFE90]  }
0x20d: {  	v33 =	vld [tilespmem:s25+$0xFFFFFEA0]  }
0x20e: {  	v34 =	vld [tilespmem:s12+$0xFFFFFEA0]  }
0x20f: {  	v35 =	vld [tilespmem:s25+$0xFFFFFEB0]  }
0x210: {  	v36 =	vld [tilespmem:s12+$0xFFFFFEB0]  }
0x211: {  	v37 =	vld [tilespmem:s25+$0xFFFFFEC0]  }
0x212: {  	v4 =	vadd.bf16 v4, v15;
	v15 =	vld [tilespmem:s12+$0xFFFFFEC0]  }
0x213: {  	v38 =	vld [tilespmem:s25+$0xFFFFFED0];
	v6 =	vsub.bf16 v6, v7  }
0x214: {  	v7 =	vsub.bf16 v8, v9;
	v8 =	vld [tilespmem:s25+$0xFFFFFEE0];
	v14 =	vadd.bf16 v16, v14  }
0x215: {  	v39 =	vld [tilespmem:s12+$0xFFFFFEF0];
	v3 =	vadd.bf16 v3, v4;
	v10 =	vsub.bf16 v10, v11  }
0x216: {  	v46 =	vld [tilespmem:s25+$0xFFFFFF20];
	v6 =	vmul.bf16 v6, v6;
	v7 =	vmul.bf16 v7, v7;
	v40 =	vunpack.i.u.bf16.f32 v14  }
0x217: {  	v50 =	vld [tilespmem:s12+$0xFFFFFF20];
	v14 =	vunpack.i.l.bf16.f32 v14;
	v11 =	vsub.bf16 v12, v13;
	v13 =	vunpack.i.u.bf16.f32 v3  }
0x218: {  	v51 =	vld [tilespmem:s25+$0xFFFFFF30];
	v3 =	vunpack.i.l.bf16.f32 v3;
	v6 =	vadd.bf16 v7, v6;
	v14 =	vadd.f32 v14, v40  }
0x219: {  	v54 =	vld [tilespmem:s12+$0xFFFFFF30];
	v17 =	vsub.bf16 v17, v18;
	v3 =	vadd.f32 v3, v13  }
0x21a: {  	v9 =	vadd.s32 s4, v0;
	v56 =	vld [tilespmem:s25+$0xFFFFFF40];
	v44 =	vsub.bf16 v23, v24;
	v45 =	vsub.bf16 v25, v26  }
0x21b: {  	v16 =	vld [tilespmem:s25+$0xFFFFFEF0];
	v9 =	vand.u32 $0xFF8, v9;
	v48 =	vsub.bf16 v27, v28;
	v49 =	vsub.bf16 v29, v30  }
0x21c: {  	v4 =	vld [tilespmem:s12+$0xFFFFFED0];
	v9 =	vor.u32 v1, v9;
	v55 =	vsub.bf16 v31, v32;
	v57 =	vsub.bf16 v33, v34  }
0x21d: {  	v58 =	vld [tilespmem:s12+$0xFFFFFF40];
	s5 =	sadd.s32 $0x7, s31;
	v10 =	vmul.bf16 v10, v10;
	v59 =	vsub.bf16 v35, v36;
	v15 =	vsub.bf16 v37, v15  }
0x21e: {  	v60 =	vld [tilespmem:s25+$0xFFFFFF50];
	v37 =	vadd.s32 s5, v0;
	v11 =	vmul.bf16 v11, v11;
	v52 =	vmul.bf16 v48, v48  }
0x21f: {  	v62 =	vld [tilespmem:s12+$0xFFFFFF50];
	v26 =	vsub.bf16 v51, v54;
	v53 =	vmul.bf16 v49, v49;
	v17 =	vmul.bf16 v17, v17  }
0x220: {  	v12 =	vld [tilespmem:s12+$0xFFFFFEE0];
	v16 =	vsub.bf16 v16, v39;
	v61 =	vmul.bf16 v57, v57;
	v63 =	vmul.bf16 v59, v59  }
0x221: {  	v40 =	vld [tilespmem:s12+$0xFFFFFF60];
	s5 =	sadd.s32 $0x2, s31;
	v15 =	vmul.bf16 v15, v15;
	v4 =	vsub.bf16 v38, v4;
	v7 =	vadd.bf16 v11, v10  }
0x222: {  	v13 =	vld [tilespmem:s25+$0xFFFFFF00];
	v49 =	vadd.s32 s5, v0;
	v11 =	vsub.bf16 v19, v20;
	v24 =	vadd.bf16 v53, v52  }
0x223: {  	v36 =	vld [tilespmem:s25+$0xFFFFFF60];
	v4 =	vmul.bf16 v4, v4;
	v6 =	vadd.bf16 v7, v6;
	v7 =	vsub.bf16 v21, v22  }
0x224: {  	v10 =	vld [tilespmem:s12+$0xFFFFFF00];
	v15 =	vadd.bf16 v15, v63;
	v21 =	vmul.bf16 v44, v44;
	v22 =	vmul.bf16 v45, v45  }
0x225: {  	v42 =	vld [tilespmem:s25+$0xFFFFFF80];
	v8 =	vsub.bf16 v8, v12;
	v11 =	vmul.bf16 v11, v11;
	v7 =	vmul.bf16 v7, v7  }
0x226: {  	v18 =	vld [tilespmem:s25+$0xFFFFFF10];
	v45 =	vsub.bf16 v56, v58;
	v47 =	vunpack.i.u.bf16.f32 v6;
	v6 =	vunpack.i.l.bf16.f32 v6  }
0x227: {  	v19 =	vld [tilespmem:s12+$0xFFFFFF10];
	v21 =	vadd.bf16 v22, v21;
	v7 =	vadd.bf16 v7, v11;
	v11 =	vmul.bf16 v55, v55  }
0x228: {  	s6 =	sadd.s32 $0x6, s4;
	v12 =	vld [tilespmem:s25+$0xFFFFFF70];
	v8 =	vmul.bf16 v8, v8;
	v22 =	vsub.bf16 v36, v40;
	v6 =	vadd.f32 v6, v47  }
0x229: {  	v20 =	vadd.s32 s6, v0;
	s6 =	sadd.s32 $0x1, s31;
	v10 =	vsub.bf16 v13, v10;
	v13 =	vld [tilespmem:s12+$0xFFFFFF70];
	v11 =	vadd.bf16 v61, v11  }
0x22a: {  	v54 =	vld [tilespmem:s12+$0xFFFFFFC0];
	v43 =	vadd.s32 s6, v0;
	v4 =	vadd.bf16 v8, v4;
	v21 =	vadd.bf16 v24, v21  }
0x22b: {  	v48 =	vld [tilespmem:s25+$0xFFFFFFB0];
	v10 =	vmul.bf16 v10, v10;
	v11 =	vadd.bf16 v15, v11;
	v15 =	vmul.bf16 v16, v16  }
0x22c: {  	v52 =	vld [tilespmem:s25+$0xFFFFFFC0];
	v8 =	vsub.bf16 v18, v19;
	v47 =	vmul.bf16 v45, v45;
	v41 =	vunpack.i.u.bf16.f32 v21  }
0x22d: {  	v21 =	vunpack.i.l.bf16.f32 v21;
	v16 =	vld [tilespmem:s12+$0xFFFFFF80];
	v10 =	vadd.bf16 v10, v15;
	v15 =	vsub.bf16 v46, v50  }
0x22e: {  	v44 =	vld [tilespmem:s12+$0xFFFFFF90];
	v8 =	vmul.bf16 v8, v8;
	v21 =	vadd.f32 v21, v41;
	v12 =	vsub.bf16 v12, v13  }
0x22f: {  	v18 =	vld [tilespmem:s25+$0xFFFFFF90];
	v19 =	vunpack.i.u.bf16.f32 v11;
	v11 =	vunpack.i.l.bf16.f32 v11;
	v15 =	vmul.bf16 v15, v15  }
0x230: {  	s6 =	sadd.s32 $0x3, s31;
	v46 =	vld [tilespmem:s25+$0xFFFFFFA0];
	v11 =	vadd.f32 v11, v19;
	v4 =	vadd.bf16 v10, v4;
	v10 =	vmul.bf16 v26, v26  }
0x231: {  	v51 =	vadd.s32 s6, v0;
	v19 =	vld [tilespmem:s12+$0xFFFFFFA0];
	v8 =	vadd.bf16 v15, v8;
	v15 =	vsub.bf16 v60, v62  }
0x232: {  	v22 =	vmul.bf16 v22, v22;
	v13 =	vsub.bf16 v42, v16;
	v16 =	vld [tilespmem:s25+$0xFFFFFE10];
	v10 =	vadd.bf16 v47, v10  }
0x233: {  	v50 =	vld [tilespmem:s12+$0xFFFFFFB0];
	v53 =	vunpack.i.u.bf16.f32 v4;
	v4 =	vunpack.i.l.bf16.f32 v4;
	v15 =	vmul.bf16 v15, v15  }
0x234: {  	s5 =	sadd.s32 $0x5, s31;
	v8 =	vadd.bf16 v10, v8;
	v10 =	vmul.bf16 v12, v12;
	v12 =	vmul.bf16 v13, v13  }
0x235: {  	[tilespmem:v20+s0+$0x0] =	vst.idx.msk $0xffff, v14;
	v14 =	vadd.s32 s5, v0;
	v18 =	vsub.bf16 v18, v44;
	v4 =	vadd.f32 v4, v53  }
0x236: {  	v15 =	vadd.bf16 v22, v15;
	v55 =	vunpack.i.u.bf16.f32 v8;
	v10 =	vadd.bf16 v12, v10  }
0x237: {  	[tilespmem:v9+s0+$0x0] =	vst.idx.msk $0xffff, v3;
	v3 =	vunpack.i.l.bf16.f32 v8;
	v8 =	vsub.bf16 v46, v19;
	v5 =	vsub.bf16 v16, v5  }
0x238: {  	v9 =	vmul.bf16 v18, v18;
	s25 =	sadd.s32 $0x4, s31;
	v12 =	vsub.bf16 v48, v50;
	v16 =	vsub.bf16 v52, v54  }
0x239: {  	v13 =	vadd.s32 s25, v0;
	v8 =	vmul.bf16 v8, v8;
	v5 =	vmul.bf16 v5, v5  }
0x23a: {  	v10 =	vadd.bf16 v10, v15;
	v12 =	vmul.bf16 v12, v12;
	v15 =	vmul.bf16 v16, v16  }
0x23b: {  	v3 =	vadd.f32 v3, v55;
	v16 =	vadd.s32 s31, v0;
	v5 =	vadd.bf16 v17, v5  }
0x23c: {  	[tilespmem:v37+s0+$0x0] =	vst.idx.msk $0xffff, v6;
	v6 =	vadd.bf16 v8, v9;
	v8 =	vadd.bf16 v15, v12;
	v9 =	vand.u32 $0xFF8, v16  }
0x23d: {  	s6 =	sadd.s32 $0x6, s31;
	[tilespmem:v43+s0+$0x0] =	vst.idx.msk $0xffff, v21;
	v12 =	vunpack.i.u.bf16.f32 v10;
	v5 =	vadd.bf16 v7, v5;
	v7 =	vor.u32 v1, v9  }
0x23e: {  	[tilespmem:v49+s0+$0x0] =	vst.idx.msk $0xffff, v11;
	v9 =	vunpack.i.l.bf16.f32 v10;
	v6 =	vadd.bf16 v8, v6;
	v8 =	vadd.s32 s6, v0  }
0x23f: {  	[tilespmem:v51+s0+$0x0] =	vst.idx.msk $0xffff, v4;
	v4 =	vadd.f32 v9, v12;
	v9 =	vunpack.i.u.bf16.f32 v5;
	v5 =	vunpack.i.l.bf16.f32 v5  }
0x240: {  	[tilespmem:v13+s0+$0x0] =	vst.idx.msk $0xffff, v3;
	v3 =	vunpack.i.u.bf16.f32 v6;
	v6 =	vunpack.i.l.bf16.f32 v6;
	v5 =	vadd.f32 v5, v9  }
0x241: {  	[tilespmem:v14+s0+$0x0] =	vst.idx.msk $0xffff, v4;
	v3 =	vadd.f32 v6, v3  }
0x242: {  	[tilespmem:v7+s0+$0x0] =	vst.idx.msk $0xffff, v5  }
0x243: {  	[tilespmem:v8+s0+$0x0] =	vst.idx.msk $0xffff, v3  }
0x244: {  	v3 =	vld [tilespmem:$0x11530]  }
0x245: {  	v4 =	vld [tilespmem:$0x11581]  }
0x246: {  	v5 =	vld [tilespmem:$0x115D2]  }
0x247: {  	v6 =	vld [tilespmem:$0x11623]  }
0x248: {  	v7 =	vld [tilespmem:$0x11674]  }
0x249: {  	v8 =	vld [tilespmem:$0x116C5]  }
0x24a: {  	v9 =	vld [tilespmem:$0x11716]  }
0x24b: {  	v10 =	vld [tilespmem:$0x11767]  }
0x24c: {  	v11 =	vld [tilespmem:$0x117B8]  }
0x24d: {  	v12 =	vld [tilespmem:$0x11809]  }
0x24e: {  	v13 =	vld [tilespmem:$0x1185A]  }
0x24f: {  	v14 =	vld [tilespmem:$0x118AB]  }
0x250: {  	v15 =	vld [tilespmem:$0x118FC]  }
0x251: {  	v16 =	vld [tilespmem:$0x1194D]  }
0x252: {  	v17 =	vld [tilespmem:$0x1199E]  }
0x253: {  	v18 =	vld [tilespmem:$0x119EF]  }
0x254: {  	v19 =	vld [tilespmem:$0x11540]  }
0x255: {  	v20 =	vld [tilespmem:$0x11591]  }
0x256: {  	v21 =	vld [tilespmem:$0x115E2]  }
0x257: {  	v22 =	vld [tilespmem:$0x11633]  }
0x258: {  	v23 =	vld [tilespmem:$0x11684]  }
0x259: {  	v24 =	vld [tilespmem:$0x116D5]  }
0x25a: {  	v25 =	vld [tilespmem:$0x11726]  }
0x25b: {  	v26 =	vld [tilespmem:$0x11777]  }
0x25c: {  	v56 =	vld [tilespmem:$0x117C8]  }
0x25d: {  	v57 =	vld [tilespmem:$0x11819]  }
0x25e: {  	v29 =	vld [tilespmem:$0x1186A]  }
0x25f: {  	v30 =	vld [tilespmem:$0x118BB]  }
0x260: {  	v58 =	vld [tilespmem:$0x1190C]  }
0x261: {  	v59 =	vld [tilespmem:$0x1195D]  }
0x262: {  	v33 =	vld [tilespmem:$0x119AE]  }
0x263: {  	v34 =	vld [tilespmem:$0x119FF]  }
0x264: {  	v35 =	vld [tilespmem:$0x11550]  }
0x265: {  	v60 =	vld [tilespmem:$0x115A1]  }
0x266: {  	v61 =	vld [tilespmem:$0x115F2]  }
0x267: {  	v62 =	vld [tilespmem:$0x11643]  }
0x268: {  	v39 =	vld [tilespmem:$0x11694]  }
0x269: {  	v63 =	vld [tilespmem:$0x116E5]  }
0x26a: {  	v41 =	vld [tilespmem:$0x11736]  }
0x26b: {  	v42 =	vld [tilespmem:$0x11787]  }
0x26c: {  	v43 =	vld [tilespmem:$0x117D8]  }
0x26d: {  	v44 =	vld [tilespmem:$0x11829]  }
0x26e: {  	v45 =	vld [tilespmem:$0x1187A]  }
0x26f: {  	v46 =	vld [tilespmem:$0x118CB]  }
0x270: {  	v47 =	vld [tilespmem:$0x1191C]  }
0x271: {  	v48 =	vld [tilespmem:$0x1196D]  }
0x272: {  	v49 =	vld [tilespmem:$0x119BE]  }
0x273: {  	v50 =	vld [tilespmem:$0x11A0F]  }
0x274: {  	v51 =	vld [tilespmem:$0x11560]  }
0x275: {  	v52 =	vld [tilespmem:$0x115B1]  }
0x276: {  	v53 =	vld [tilespmem:$0x11602]  }
0x277: {  	v55 =	vld [tilespmem:$0x1197D]  }
0x278: {  	v37 =	vld [tilespmem:$0x11612];
	v3 =	vadd.f32 v4, v3  }
0x279: {  	v40 =	vld [tilespmem:$0x11663];
	v4 =	vadd.f32 v6, v5;
	v6 =	vadd.f32 v8, v7  }
0x27a: {  	v5 =	vld [tilespmem:$0x11653];
	v7 =	vadd.f32 v10, v9;
	v9 =	vadd.f32 v12, v11  }
0x27b: {  	v8 =	vld [tilespmem:$0x116A4];
	v10 =	vadd.f32 v14, v13;
	v12 =	vadd.f32 v16, v15  }
0x27c: {  	v11 =	vld [tilespmem:$0x116F5];
	v13 =	vadd.f32 v18, v17;
	v16 =	vadd.f32 v24, v23  }
0x27d: {  	v14 =	vld [tilespmem:$0x11746];
	v17 =	vadd.f32 v26, v25;
	v54 =	vadd.f32 v30, v29  }
0x27e: {  	v15 =	vld [tilespmem:$0x118DB];
	v60 =	vadd.f32 v60, v35;
	v61 =	vadd.f32 v62, v61  }
0x27f: {  	v18 =	vld [tilespmem:$0x1192C];
	v63 =	vadd.f32 v63, v39;
	v36 =	vadd.f32 v42, v41  }
0x280: {  	v62 =	vld [tilespmem:$0x115C1];
	v38 =	vadd.f32 v44, v43;
	v39 =	vadd.f32 v46, v45  }
0x281: {  	v41 =	vadd.f32 v48, v47;
	v42 =	vadd.f32 v50, v49;
	v43 =	vld [tilespmem:$0x116B4]  }
0x282: {  	v45 =	vld [tilespmem:$0x11705];
	v52 =	vadd.f32 v52, v51;
	v3 =	vadd.f32 v4, v3  }
0x283: {  	v48 =	vld [tilespmem:$0x11756];
	v4 =	vadd.f32 v7, v6;
	v7 =	vadd.f32 v10, v9  }
0x284: {  	v50 =	vld [tilespmem:$0x117F8];
	v9 =	vadd.f32 v13, v12;
	v13 =	vadd.f32 v22, v21  }
0x285: {  	v6 =	vld [tilespmem:$0x11797];
	v22 =	vadd.f32 v61, v60;
	v44 =	vadd.f32 v36, v63  }
0x286: {  	v10 =	vld [tilespmem:$0x117E8];
	v46 =	vadd.f32 v39, v38;
	v47 =	vadd.f32 v42, v41  }
0x287: {  	v12 =	vld [tilespmem:$0x11839];
	v3 =	vadd.f32 v4, v3;
	v4 =	vadd.f32 v9, v7  }
0x288: {  	v7 =	vld [tilespmem:$0x1188A];
	v9 =	vadd.f32 v20, v19;
	v19 =	vadd.f32 v57, v56  }
0x289: {  	v56 =	vadd.f32 v59, v58;
	v57 =	vadd.f32 v34, v33;
	v58 =	vld [tilespmem:$0x119CE]  }
0x28a: {  	v59 =	vld [tilespmem:$0x11570];
	v49 =	vadd.f32 v47, v46;
	v5 =	vadd.f32 v5, v53  }
0x28b: {  	v53 =	vld [tilespmem:$0x118EB];
	v8 =	vadd.f32 v11, v8;
	v9 =	vadd.f32 v13, v9  }
0x28c: {  	v11 =	vld [tilespmem:$0x1193C];
	v13 =	vadd.f32 v17, v16;
	v17 =	vadd.f32 v54, v19  }
0x28d: {  	v16 =	vld [tilespmem:$0x11A1F];
	v19 =	vadd.f32 v57, v56;
	v3 =	vadd.f32 v4, v3  }
0x28e: {  	v4 =	vld [tilespmem:$0x11849];
	v6 =	vadd.f32 v6, v14;
	v10 =	vadd.f32 v12, v10  }
0x28f: {  	v12 =	vld [tilespmem:$0x1198D];
	v14 =	vadd.f32 v55, v18;
	v9 =	vadd.f32 v13, v9  }
0x290: {  	v13 =	vadd.f32 v19, v17;
	v17 =	vld [tilespmem:$0x117A7];
	v19 =	vadd.f32 v44, v22  }
0x291: {  	v7 =	vadd.f32 v15, v7;
	v6 =	vadd.f32 v6, v8;
	v8 =	vld [tilespmem:$0x11A2F]  }
0x292: {  	v9 =	vadd.f32 v13, v9;
	v13 =	vadd.f32 v49, v19;
	v19 =	vld [tilespmem:$0x1189A]  }
0x293: {  	v5 =	vadd.f32 v5, v52;
	v15 =	vadd.f32 v16, v58;
	v16 =	vld [tilespmem:$0x119DE]  }
0x294: {  	v18 =	vadd.f32 v45, v43;
	v7 =	vadd.f32 v7, v10  }
0x295: {  	v4 =	vadd.f32 v4, v50;
	v11 =	vadd.f32 v12, v11  }
0x296: {  	v10 =	vadd.f32 v15, v14;
	v14 =	vadd.f32 v62, v59  }
0x297: {  	v15 =	vadd.f32 v40, v37;
	v17 =	vadd.f32 v17, v48  }
0x298: {  	v19 =	vadd.f32 v53, v19;
	v8 =	vadd.f32 v8, v16  }
0x299: {  	v12 =	vadd.f32 v15, v14;
	v14 =	vadd.f32 v17, v18  }
0x29a: {  	v4 =	vadd.f32 v19, v4;
	v8 =	vadd.f32 v8, v11  }
0x29b: {  	v5 =	vadd.f32 v6, v5;
	v6 =	vadd.f32 v10, v7  }
0x29c: {  	[tilespmem:s29+$0xEE70] =	vst v3;
	v3 =	vadd.f32 v14, v12;
	v4 =	vadd.f32 v8, v4  }
0x29d: {  	[tilespmem:s29+$0xEE80] =	vst v9;
	v5 =	vadd.f32 v6, v5  }
0x29e: {  	[tilespmem:s29+$0xEE90] =	vst v13;
	v3 =	vadd.f32 v4, v3  }
0x29f: {  	p0 =	seq.s32 s28, $0x1E;
	[tilespmem:s29+$0xEEA0] =	vst v5  }
0x2a0: {  	s4 =	sadd.s32 @!p0 $0x190, s29;
	s5 =	simm.s32 @!p0 $0x50;
	s6 =	simm.s32 @!p0 $0x6220;
	[tilespmem:s29+$0xEEB0] =	vst v3  }
0x2a1: {  	[tilespmem:s6], [sflag:$0x3] =	stream.indirect.gather @!p0 [spmem:s2], $0x40, s4, s5, $0xb8;
	[tilespmem:$0x1B690] =	vst v63  }
0x2a2: {  	s4 =	sadd.s32 @!p0 $0x28A0, s29;
	s6 =	simm.s32 @!p0 $0xB220  }
0x2a3: {  	[tilespmem:s6], [sflag:$0x4] =	stream.indirect.gather @!p0 [spmem:s2], $0x40, s4, s5, $0xb8;
	[tilespmem:$0x1B690] =	vst v63  }
0x2a4: {  	_ =	swait.ge [sflag:s21], $0x1400  }
0x2a5: {  	[sflag:s21] =	ssyncset.done $0x0  }
0x2a6: {  	[sflag:s21] =	ssyncadd.s32 $0xFFFFEC00  }
0x2a7: {  	_ =	swait.ge [sflag:s22], $0x1400  }
0x2a8: {  	[sflag:s22] =	ssyncset.done $0x0  }
0x2a9: {  	s4 =	simm.s32 $0x7810;
	[sflag:s22] =	ssyncadd.s32 $0xFFFFEC00  }
0x2aa: {  	s5 =	simm.s32 $0xC810;
	v3 =	vld [tilespmem:s4+$0xFFFFFFD0]  }
0x2ab: {  	v5 =	vld [tilespmem:s5+$0xFFFFFFD0]  }
0x2ac: {  	v6 =	vld [tilespmem:s4+$0xFFFFFFE0]  }
0x2ad: {  	v7 =	vld [tilespmem:s5+$0xFFFFFFE0]  }
0x2ae: {  	v8 =	vld [tilespmem:s4+$0xFFFFFFF0]  }
0x2af: {  	v9 =	vld [tilespmem:s5+$0xFFFFFFF0]  }
0x2b0: {  	v10 =	vld [tilespmem:s4+$0x0]  }
0x2b1: {  	v11 =	vld [tilespmem:s5+$0x0]  }
0x2b2: {  	v4 =	vld [tilespmem:s5+$0xFFFFFE10]  }
0x2b3: {  	v12 =	vld [tilespmem:s4+$0xFFFFFE20]  }
0x2b4: {  	v13 =	vld [tilespmem:s5+$0xFFFFFE20]  }
0x2b5: {  	v14 =	vld [tilespmem:s4+$0xFFFFFE30]  }
0x2b6: {  	v15 =	vld [tilespmem:s5+$0xFFFFFE30]  }
0x2b7: {  	v16 =	vld [tilespmem:s4+$0xFFFFFE40]  }
0x2b8: {  	v17 =	vld [tilespmem:s5+$0xFFFFFE40]  }
0x2b9: {  	v18 =	vld [tilespmem:s4+$0xFFFFFE50]  }
0x2ba: {  	v19 =	vld [tilespmem:s5+$0xFFFFFE50]  }
0x2bb: {  	v54 =	vld [tilespmem:s4+$0xFFFFFE60]  }
0x2bc: {  	v55 =	vld [tilespmem:s5+$0xFFFFFE60]  }
0x2bd: {  	v56 =	vld [tilespmem:s4+$0xFFFFFE70]  }
0x2be: {  	v57 =	vld [tilespmem:s5+$0xFFFFFE70]  }
0x2bf: {  	v58 =	vld [tilespmem:s4+$0xFFFFFE80]  }
0x2c0: {  	v59 =	vld [tilespmem:s5+$0xFFFFFE80]  }
0x2c1: {  	v60 =	vld [tilespmem:s4+$0xFFFFFE90]  }
0x2c2: {  	v61 =	vld [tilespmem:s5+$0xFFFFFE90]  }
0x2c3: {  	v62 =	vld [tilespmem:s4+$0xFFFFFEA0]  }
0x2c4: {  	v63 =	vld [tilespmem:s5+$0xFFFFFEA0]  }
0x2c5: {  	v36 =	vld [tilespmem:s4+$0xFFFFFEB0]  }
0x2c6: {  	v37 =	vld [tilespmem:s5+$0xFFFFFEB0]  }
0x2c7: {  	v38 =	vld [tilespmem:s4+$0xFFFFFEC0]  }
0x2c8: {  	v39 =	vld [tilespmem:s5+$0xFFFFFEE0]  }
0x2c9: {  	v40 =	vld [tilespmem:s4+$0xFFFFFF10]  }
0x2ca: {  	v42 =	vld [tilespmem:s5+$0xFFFFFF10]  }
0x2cb: {  	v43 =	vld [tilespmem:s4+$0xFFFFFF20];
	v3 =	vsub.bf16 v3, v5  }
0x2cc: {  	v46 =	vld [tilespmem:s4+$0xFFFFFF30];
	v5 =	vsub.bf16 v6, v7;
	v7 =	vsub.bf16 v8, v9  }
0x2cd: {  	v6 =	vld [tilespmem:s5+$0xFFFFFEC0];
	v8 =	vsub.bf16 v10, v11;
	v14 =	vsub.bf16 v14, v15  }
0x2ce: {  	v9 =	vld [tilespmem:s4+$0xFFFFFED0];
	v41 =	vsub.bf16 v58, v59;
	v3 =	vmul.bf16 v3, v3;
	v5 =	vmul.bf16 v5, v5  }
0x2cf: {  	v10 =	vld [tilespmem:s5+$0xFFFFFED0];
	v44 =	vsub.bf16 v60, v61;
	v7 =	vmul.bf16 v7, v7;
	v8 =	vmul.bf16 v8, v8  }
0x2d0: {  	v11 =	vld [tilespmem:s4+$0xFFFFFEE0];
	v45 =	vsub.bf16 v62, v63;
	v48 =	vsub.bf16 v36, v37  }
0x2d1: {  	v49 =	vld [tilespmem:s4+$0xFFFFFF40];
	v3 =	vadd.bf16 v5, v3;
	v7 =	vadd.bf16 v8, v7  }
0x2d2: {  	v51 =	vld [tilespmem:s5+$0xFFFFFF50];
	v47 =	vmul.bf16 v45, v45;
	v5 =	vsub.bf16 v12, v13;
	v12 =	vsub.bf16 v16, v17  }
0x2d3: {  	v52 =	vld [tilespmem:s4+$0xFFFFFF70];
	v13 =	vmul.bf16 v14, v14;
	v14 =	vsub.bf16 v18, v19;
	v17 =	vsub.bf16 v54, v55  }
0x2d4: {  	v15 =	vld [tilespmem:s5+$0xFFFFFEF0];
	v24 =	vmul.bf16 v48, v48;
	v6 =	vsub.bf16 v38, v6;
	v9 =	vsub.bf16 v9, v10  }
0x2d5: {  	v8 =	vld [tilespmem:s4+$0xFFFFFEF0];
	v11 =	vsub.bf16 v11, v39;
	v12 =	vmul.bf16 v12, v12;
	v14 =	vmul.bf16 v14, v14  }
0x2d6: {  	v58 =	vld [tilespmem:s5+$0xFFFFFF90];
	v3 =	vadd.bf16 v7, v3;
	v17 =	vmul.bf16 v17, v17;
	v6 =	vmul.bf16 v6, v6  }
0x2d7: {  	v16 =	vld [tilespmem:s5+$0xFFFFFF00];
	v19 =	vsub.bf16 v56, v57;
	v9 =	vmul.bf16 v9, v9;
	v11 =	vmul.bf16 v11, v11  }
0x2d8: {  	v7 =	vld [tilespmem:s4+$0xFFFFFF00];
	v18 =	vunpack.i.u.bf16.f32 v3;
	v3 =	vunpack.i.l.bf16.f32 v3;
	v14 =	vadd.bf16 v17, v14  }
0x2d9: {  	v10 =	vld [tilespmem:s4+$0xFFFFFF50];
	v17 =	vmul.bf16 v44, v44;
	v18 =	vadd.f32 v3, v18;
	v3 =	vadd.bf16 v12, v13  }
0x2da: {  	v12 =	vmul.bf16 v19, v19;
	v13 =	vmul.bf16 v41, v41;
	v19 =	vld [tilespmem:s5+$0xFFFFFF20];
	v8 =	vsub.bf16 v8, v15  }
0x2db: {  	v15 =	vld [tilespmem:s4+$0xFFFFFF60];
	v6 =	vadd.bf16 v6, v24;
	v9 =	vadd.bf16 v11, v9  }
0x2dc: {  	s12 =	simm.s32 $0x7;
	v11 =	vld [tilespmem:s5+$0xFFFFFF70];
	v17 =	vadd.bf16 v47, v17;
	v12 =	vadd.bf16 v13, v12  }
0x2dd: {  	v53 =	vadd.s32 s12, v0;
	s12 =	simm.s32 $0x2;
	v20 =	vsub.bf16 v40, v42;
	v13 =	vld [tilespmem:s5+$0xFFFFFF30];
	v7 =	vsub.bf16 v7, v16  }
0x2de: {  	v54 =	vadd.s32 s12, v0;
	v6 =	vadd.bf16 v6, v17;
	v12 =	vadd.bf16 v12, v14;
	v14 =	vld [tilespmem:s5+$0xFFFFFF40]  }
0x2df: {  	s25 =	simm.s32 $0x1;
	v10 =	vsub.bf16 v10, v51;
	v16 =	vld [tilespmem:s5+$0xFFFFFF60];
	v8 =	vmul.bf16 v8, v8;
	v7 =	vmul.bf16 v7, v7  }
0x2e0: {  	v55 =	vld [tilespmem:s5+$0xFFFFFF80];
	v17 =	vadd.s32 s25, v0;
	v19 =	vsub.bf16 v43, v19;
	v56 =	vunpack.i.u.bf16.f32 v6  }
0x2e1: {  	v6 =	vunpack.i.l.bf16.f32 v6;
	v11 =	vsub.bf16 v52, v11;
	v7 =	vadd.bf16 v7, v8;
	v8 =	vld [tilespmem:s4+$0xFFFFFF80]  }
0x2e2: {  	v59 =	vld [tilespmem:s5+$0xFFFFFFA0];
	v50 =	vunpack.i.u.bf16.f32 v12;
	v12 =	vunpack.i.l.bf16.f32 v12;
	v25 =	vadd.f32 v6, v56  }
0x2e3: {  	v60 =	vld [tilespmem:s5+$0xFFFFFFB0];
	v6 =	vmul.bf16 v20, v20;
	v13 =	vsub.bf16 v46, v13;
	v14 =	vsub.bf16 v49, v14  }
0x2e4: {  	v61 =	vld [tilespmem:s4+$0xFFFFFE10];
	v12 =	vadd.f32 v12, v50;
	v19 =	vmul.bf16 v19, v19;
	v15 =	vsub.bf16 v15, v16  }
0x2e5: {  	s25 =	simm.s32 $0x3;
	v16 =	vld [tilespmem:s4+$0xFFFFFFB0];
	v7 =	vadd.bf16 v7, v9;
	v9 =	vmul.bf16 v13, v13;
	v13 =	vmul.bf16 v14, v14  }
0x2e6: {  	v57 =	vld [tilespmem:s4+$0xFFFFFF90];
	v6 =	vadd.bf16 v19, v6;
	v19 =	vadd.s32 s25, v0;
	v8 =	vsub.bf16 v8, v55  }
0x2e7: {  	v14 =	vld [tilespmem:s4+$0xFFFFFFA0];
	v9 =	vadd.bf16 v13, v9;
	v13 =	vunpack.i.u.bf16.f32 v7;
	v7 =	vunpack.i.l.bf16.f32 v7  }
0x2e8: {  	v8 =	vmul.bf16 v8, v8;
	v13 =	vadd.f32 v7, v13;
	v7 =	vmul.bf16 v11, v11;
	v11 =	vld [tilespmem:s5+$0xFFFFFFC0]  }
0x2e9: {  	v10 =	vmul.bf16 v10, v10;
	s5 =	simm.s32 $0x4;
	v6 =	vadd.bf16 v9, v6;
	v9 =	vmul.bf16 v15, v15;
	v15 =	vld [tilespmem:s4+$0xFFFFFFC0]  }
0x2ea: {  	s12 =	simm.s32 $0xCA10;
	[tilespmem:v17+s0+$0x0] =	vst.idx.msk $0xffff, v12;
	v16 =	vsub.bf16 v16, v60;
	v12 =	vadd.s32 s5, v0;
	v8 =	vadd.bf16 v8, v7  }
0x2eb: {  	[tilespmem:v53+s0+$0x0] =	vst.idx.msk $0xffff, v18;
	s25 =	simm.s32 $0x7A10;
	v7 =	vld [tilespmem:s12+$0xFFFFFFD0];
	v9 =	vadd.bf16 v9, v10;
	v10 =	vunpack.i.u.bf16.f32 v6;
	v6 =	vunpack.i.l.bf16.f32 v6  }
0x2ec: {  	s6 =	simm.s32 $0x5;
	v16 =	vmul.bf16 v16, v16;
	v14 =	vsub.bf16 v14, v59;
	v18 =	vadd.f32 v6, v10;
	v6 =	vld [tilespmem:s25+$0xFFFFFFD0]  }
0x2ed: {  	v62 =	vadd.s32 s6, v0;
	[tilespmem:v19+s0+$0x0] =	vst.idx.msk $0xffff, v13;
	v10 =	vsub.bf16 v57, v58;
	v17 =	vadd.bf16 v8, v9;
	v8 =	vld [tilespmem:s25+$0xFFFFFFE0]  }
0x2ee: {  	v13 =	vsub.bf16 v61, v4;
	v14 =	vmul.bf16 v14, v14;
	v9 =	vld [tilespmem:s12+$0xFFFFFFE0];
	v15 =	vsub.bf16 v15, v11  }
0x2ef: {  	v63 =	vmul.bf16 v10, v10;
	v10 =	vld [tilespmem:s25+$0xFFFFFFF0];
	v4 =	vunpack.i.u.bf16.f32 v17;
	v11 =	vunpack.i.l.bf16.f32 v17  }
0x2f0: {  	[tilespmem:v12+s0+$0x0] =	vst.idx.msk $0xffff, v18;
	v12 =	vld [tilespmem:s25+$0x0];
	v17 =	vadd.f32 v11, v4;
	v19 =	vmul.bf16 v15, v15  }
0x2f1: {  	[tilespmem:v54+s0+$0x0] =	vst.idx.msk $0xffff, v25;
	v11 =	vld [tilespmem:s12+$0xFFFFFFF0];
	v4 =	vmul.bf16 v5, v5;
	v15 =	vmul.bf16 v13, v13  }
0x2f2: {  	s31 =	simm.s32 $0x8;
	s4 =	simm.s32 $0x0;
	s5 =	simm.s32 $0x10;
	v14 =	vadd.bf16 v14, v63;
	v13 =	vld [tilespmem:s12+$0x0];
	[tilespmem:v62+s0+$0x0] =	vst.idx.msk $0xffff, v17;
	v16 =	vadd.bf16 v19, v16  }
.LBB2_7:
0x2f3: {  	p1 =	slt.u32 s5, $0x48;
	v5 =	vld [tilespmem:s12+$0xFFFFFE10];
	v4 =	vadd.bf16 v4, v15;
	v15 =	vadd.s32 s4, v0  }
0x2f4: {  	s6 =	sadd.s32 $0x6, s4;
	s4 =	smov.u32 s31;
	s31 =	smov.u32 s5;
	v17 =	vld [tilespmem:s25+$0xFFFFFE20];
	v15 =	vand.u32 $0xFF8, v15;
	v14 =	vadd.bf16 v16, v14  }
0x2f5: {  	v18 =	vadd.s32 s6, v0;
	v16 =	vld [tilespmem:s12+$0xFFFFFE20];
	v3 =	vadd.bf16 v3, v4;
	v15 =	vor.u32 v1, v15  }
0x2f6: {  	v4 =	vsub.bf16 v6, v7;
	v6 =	vsub.bf16 v8, v9;
	v19 =	vld [tilespmem:s25+$0xFFFFFE30];
	v7 =	vunpack.i.u.bf16.f32 v14  }
0x2f7: {  	v9 =	vsub.bf16 v10, v11;
	v8 =	vld [tilespmem:s12+$0xFFFFFE30];
	v10 =	vsub.bf16 v12, v13;
	v11 =	vunpack.i.u.bf16.f32 v3  }
0x2f8: {  	v4 =	vmul.bf16 v4, v4;
	v6 =	vmul.bf16 v6, v6;
	v3 =	vunpack.i.l.bf16.f32 v3;
	v12 =	vld [tilespmem:s25+$0xFFFFFE40]  }
0x2f9: {  	v14 =	vunpack.i.l.bf16.f32 v14;
	v9 =	vmul.bf16 v9, v9;
	v13 =	vld [tilespmem:s12+$0xFFFFFE40];
	v10 =	vmul.bf16 v10, v10  }
0x2fa: {  	v3 =	vadd.f32 v3, v11;
	v16 =	vsub.bf16 v17, v16;
	v17 =	vld [tilespmem:s25+$0xFFFFFE50]  }
0x2fb: {  	v6 =	vadd.bf16 v6, v4;
	v11 =	vld [tilespmem:s12+$0xFFFFFE50];
	v9 =	vadd.bf16 v10, v9  }
0x2fc: {  	s6 =	sadd.s32 $0x7, s4;
	v7 =	vadd.f32 v14, v7;
	v4 =	vmul.bf16 v16, v16;
	v8 =	vsub.bf16 v19, v8;
	v10 =	vld [tilespmem:s25+$0xFFFFFE60]  }
0x2fd: {  	v14 =	vld [tilespmem:s12+$0xFFFFFE60];
	v6 =	vadd.bf16 v9, v6;
	v9 =	vadd.s32 s6, v0;
	[tilespmem:v15+s0+$0x0] =	vst.idx.msk $0xffff, v3  }
0x2fe: {  	v3 =	vmul.bf16 v8, v8;
	v8 =	vsub.bf16 v12, v13;
	v12 =	vld [tilespmem:s25+$0xFFFFFE70];
	[tilespmem:v18+s0+$0x0] =	vst.idx.msk $0xffff, v7  }
0x2ff: {  	v7 =	vld [tilespmem:s12+$0xFFFFFE70];
	v13 =	vunpack.i.u.bf16.f32 v6;
	v6 =	vunpack.i.l.bf16.f32 v6  }
0x300: {  	v8 =	vmul.bf16 v8, v8;
	v11 =	vsub.bf16 v17, v11;
	v15 =	vld [tilespmem:s25+$0xFFFFFE80];
	v6 =	vadd.f32 v6, v13  }
0x301: {  	v13 =	vld [tilespmem:s12+$0xFFFFFE80]  }
0x302: {  	v11 =	vmul.bf16 v11, v11;
	v10 =	vsub.bf16 v10, v14;
	v14 =	vld [tilespmem:s25+$0xFFFFFE90];
	[tilespmem:v9+s0+$0x0] =	vst.idx.msk $0xffff, v6  }
0x303: {  	v3 =	vadd.bf16 v8, v3;
	v6 =	vld [tilespmem:s12+$0xFFFFFE90]  }
0x304: {  	v8 =	vmul.bf16 v10, v10;
	v7 =	vsub.bf16 v12, v7;
	v9 =	vld [tilespmem:s25+$0xFFFFFEA0]  }
0x305: {  	v10 =	vld [tilespmem:s12+$0xFFFFFEA0]  }
0x306: {  	v7 =	vmul.bf16 v7, v7;
	v12 =	vsub.bf16 v15, v13;
	v8 =	vadd.bf16 v8, v11;
	v11 =	vld [tilespmem:s25+$0xFFFFFEB0]  }
0x307: {  	v13 =	vld [tilespmem:s12+$0xFFFFFEB0]  }
0x308: {  	v12 =	vmul.bf16 v12, v12;
	v6 =	vsub.bf16 v14, v6;
	v14 =	vld [tilespmem:s25+$0xFFFFFEC0]  }
0x309: {  	v15 =	vld [tilespmem:s12+$0xFFFFFEC0]  }
0x30a: {  	v7 =	vadd.bf16 v12, v7;
	v6 =	vmul.bf16 v6, v6;
	v9 =	vsub.bf16 v9, v10;
	v10 =	vld [tilespmem:s25+$0xFFFFFED0]  }
0x30b: {  	v12 =	vld [tilespmem:s12+$0xFFFFFED0]  }
0x30c: {  	s6 =	sadd.s32 $0x1, s4;
	v7 =	vadd.bf16 v7, v8;
	v8 =	vmul.bf16 v9, v9;
	v9 =	vsub.bf16 v11, v13;
	v11 =	vld [tilespmem:s25+$0xFFFFFEE0]  }
0x30d: {  	v13 =	vadd.s32 s6, v0;
	v16 =	vld [tilespmem:s12+$0xFFFFFEE0]  }
0x30e: {  	v9 =	vmul.bf16 v9, v9;
	v14 =	vsub.bf16 v14, v15;
	v6 =	vadd.bf16 v8, v6;
	v8 =	vld [tilespmem:s25+$0xFFFFFEF0]  }
0x30f: {  	v15 =	vunpack.i.u.bf16.f32 v7;
	v7 =	vunpack.i.l.bf16.f32 v7;
	v17 =	vld [tilespmem:s12+$0xFFFFFEF0]  }
0x310: {  	v7 =	vadd.f32 v7, v15;
	v14 =	vmul.bf16 v14, v14;
	v10 =	vsub.bf16 v10, v12;
	v12 =	vld [tilespmem:s25+$0xFFFFFF00]  }
0x311: {  	v15 =	vld [tilespmem:s12+$0xFFFFFF00]  }
0x312: {  	v9 =	vadd.bf16 v14, v9;
	v10 =	vmul.bf16 v10, v10;
	v11 =	vsub.bf16 v11, v16;
	v14 =	vld [tilespmem:s25+$0xFFFFFF10]  }
0x313: {  	[tilespmem:v13+s0+$0x0] =	vst.idx.msk $0xffff, v7;
	v7 =	vld [tilespmem:s12+$0xFFFFFF10]  }
0x314: {  	s6 =	sadd.s32 $0x2, s4;
	v6 =	vadd.bf16 v9, v6;
	v9 =	vmul.bf16 v11, v11;
	v8 =	vsub.bf16 v8, v17;
	v11 =	vld [tilespmem:s25+$0xFFFFFF20]  }
0x315: {  	v13 =	vadd.s32 s6, v0;
	v16 =	vld [tilespmem:s12+$0xFFFFFF20]  }
0x316: {  	v8 =	vmul.bf16 v8, v8;
	v12 =	vsub.bf16 v12, v15;
	v9 =	vadd.bf16 v9, v10;
	v10 =	vld [tilespmem:s25+$0xFFFFFF30]  }
0x317: {  	v15 =	vunpack.i.u.bf16.f32 v6;
	v6 =	vunpack.i.l.bf16.f32 v6;
	v17 =	vld [tilespmem:s12+$0xFFFFFF30]  }
0x318: {  	v6 =	vadd.f32 v6, v15;
	v12 =	vmul.bf16 v12, v12;
	v7 =	vsub.bf16 v14, v7;
	v14 =	vld [tilespmem:s25+$0xFFFFFF40]  }
0x319: {  	v15 =	vld [tilespmem:s12+$0xFFFFFF40]  }
0x31a: {  	v8 =	vadd.bf16 v12, v8;
	v7 =	vmul.bf16 v7, v7;
	v11 =	vsub.bf16 v11, v16;
	v12 =	vld [tilespmem:s25+$0xFFFFFF50]  }
0x31b: {  	[tilespmem:v13+s0+$0x0] =	vst.idx.msk $0xffff, v6;
	v6 =	vld [tilespmem:s12+$0xFFFFFF50]  }
0x31c: {  	s6 =	sadd.s32 $0x3, s4;
	v8 =	vadd.bf16 v8, v9;
	v9 =	vmul.bf16 v11, v11;
	v10 =	vsub.bf16 v10, v17;
	v11 =	vld [tilespmem:s25+$0xFFFFFF60]  }
0x31d: {  	v13 =	vadd.s32 s6, v0;
	v16 =	vld [tilespmem:s12+$0xFFFFFF60]  }
0x31e: {  	v10 =	vmul.bf16 v10, v10;
	v14 =	vsub.bf16 v14, v15;
	v7 =	vadd.bf16 v9, v7;
	v9 =	vld [tilespmem:s25+$0xFFFFFF70]  }
0x31f: {  	v15 =	vunpack.i.u.bf16.f32 v8;
	v8 =	vunpack.i.l.bf16.f32 v8;
	v17 =	vld [tilespmem:s12+$0xFFFFFF70]  }
0x320: {  	v8 =	vadd.f32 v8, v15;
	v14 =	vmul.bf16 v14, v14;
	v6 =	vsub.bf16 v12, v6;
	v12 =	vld [tilespmem:s25+$0xFFFFFF80]  }
0x321: {  	v15 =	vld [tilespmem:s12+$0xFFFFFF80]  }
0x322: {  	v10 =	vadd.bf16 v14, v10;
	v6 =	vmul.bf16 v6, v6;
	v11 =	vsub.bf16 v11, v16;
	v14 =	vld [tilespmem:s25+$0xFFFFFF90]  }
0x323: {  	[tilespmem:v13+s0+$0x0] =	vst.idx.msk $0xffff, v8;
	v8 =	vld [tilespmem:s12+$0xFFFFFF90]  }
0x324: {  	s6 =	sadd.s32 $0x4, s4;
	v7 =	vadd.bf16 v10, v7;
	v10 =	vmul.bf16 v11, v11;
	v9 =	vsub.bf16 v9, v17;
	v11 =	vld [tilespmem:s25+$0xFFFFFFA0]  }
0x325: {  	v13 =	vadd.s32 s6, v0;
	v16 =	vld [tilespmem:s12+$0xFFFFFFA0]  }
0x326: {  	v9 =	vmul.bf16 v9, v9;
	v12 =	vsub.bf16 v12, v15;
	v10 =	vadd.bf16 v10, v6;
	v15 =	vld [tilespmem:s25+$0xFFFFFFB0]  }
0x327: {  	v6 =	vunpack.i.u.bf16.f32 v7;
	v7 =	vunpack.i.l.bf16.f32 v7;
	v17 =	vld [tilespmem:s12+$0xFFFFFFB0]  }
0x328: {  	v7 =	vadd.f32 v7, v6;
	v6 =	vmul.bf16 v12, v12;
	v8 =	vsub.bf16 v14, v8;
	v12 =	vld [tilespmem:s25+$0xFFFFFFC0]  }
0x329: {  	v14 =	vld [tilespmem:s12+$0xFFFFFFC0]  }
0x32a: {  	v18 =	vld [tilespmem:s25+$0xFFFFFE10];
	v9 =	vadd.bf16 v6, v9;
	v19 =	vmul.bf16 v8, v8;
	v8 =	vsub.bf16 v11, v16;
	s25 =	sadd.s32 $0x200, s25  }
0x32b: {  	s12 =	sadd.s32 $0x200, s12;
	v6 =	vld [tilespmem:s25+$0xFFFFFFD0];
	[tilespmem:v13+s0+$0x0] =	vst.idx.msk $0xffff, v7  }
0x32c: {  	s6 =	sadd.s32 $0x5, s4;
	v7 =	vld [tilespmem:s12+$0xFFFFFFD0];
	v11 =	vadd.bf16 v9, v10;
	v10 =	vmul.bf16 v8, v8;
	v13 =	vsub.bf16 v15, v17  }
0x32d: {  	v16 =	vadd.s32 s6, v0;
	v8 =	vld [tilespmem:s25+$0xFFFFFFE0]  }
.Ltmp2:
0x32e: {  	v9 =	vld [tilespmem:s12+$0xFFFFFFE0];
	v17 =	vmul.bf16 v13, v13;
	v12 =	vsub.bf16 v12, v14;
	v14 =	vadd.bf16 v10, v19;
	(pc) =	sbr.rel @p1 .LBB2_7-.Ltmp2, $4  }
0x32f: {  	v13 =	vunpack.i.u.bf16.f32 v11;
	v15 =	vunpack.i.l.bf16.f32 v11;
	v10 =	vld [tilespmem:s25+$0xFFFFFFF0];
	v5 =	vsub.bf16 v18, v5  }
0x330: {  	v18 =	vadd.f32 v15, v13;
	v11 =	vld [tilespmem:s12+$0xFFFFFFF0];
	v19 =	vmul.bf16 v12, v12  }
0x331: {  	v12 =	vld [tilespmem:s25+$0x0];
	v15 =	vmul.bf16 v5, v5  }
0x332: {  	s5 =	sadd.s32 $0x8, s5;
	v13 =	vld [tilespmem:s12+$0x0];
	[tilespmem:v16+s0+$0x0] =	vst.idx.msk $0xffff, v18;
	v16 =	vadd.bf16 v19, v17  }
0x333: {  	v5 =	vld [tilespmem:s12+$0xFFFFFE10]  }
0x334: {  	v17 =	vld [tilespmem:s25+$0xFFFFFE20]  }
0x335: {  	v18 =	vld [tilespmem:s12+$0xFFFFFE20]  }
0x336: {  	v19 =	vld [tilespmem:s25+$0xFFFFFE30]  }
0x337: {  	v20 =	vld [tilespmem:s12+$0xFFFFFE30]  }
0x338: {  	v21 =	vld [tilespmem:s25+$0xFFFFFE40]  }
0x339: {  	v22 =	vld [tilespmem:s12+$0xFFFFFE40]  }
0x33a: {  	v23 =	vld [tilespmem:s25+$0xFFFFFE50]  }
0x33b: {  	v24 =	vld [tilespmem:s12+$0xFFFFFE50]  }
0x33c: {  	v25 =	vld [tilespmem:s25+$0xFFFFFE60]  }
0x33d: {  	v26 =	vld [tilespmem:s12+$0xFFFFFE60]  }
0x33e: {  	v27 =	vld [tilespmem:s25+$0xFFFFFE70]  }
0x33f: {  	v28 =	vld [tilespmem:s12+$0xFFFFFE70]  }
0x340: {  	v29 =	vld [tilespmem:s25+$0xFFFFFE80]  }
0x341: {  	v30 =	vld [tilespmem:s12+$0xFFFFFE80]  }
0x342: {  	v31 =	vld [tilespmem:s25+$0xFFFFFE90]  }
0x343: {  	v32 =	vld [tilespmem:s12+$0xFFFFFE90]  }
0x344: {  	v33 =	vld [tilespmem:s25+$0xFFFFFEA0]  }
0x345: {  	v34 =	vld [tilespmem:s12+$0xFFFFFEA0]  }
0x346: {  	v35 =	vld [tilespmem:s25+$0xFFFFFEB0]  }
0x347: {  	v36 =	vld [tilespmem:s12+$0xFFFFFEB0]  }
0x348: {  	v37 =	vld [tilespmem:s25+$0xFFFFFEC0]  }
0x349: {  	v4 =	vadd.bf16 v4, v15;
	v15 =	vld [tilespmem:s12+$0xFFFFFEC0]  }
0x34a: {  	v38 =	vld [tilespmem:s25+$0xFFFFFED0];
	v6 =	vsub.bf16 v6, v7  }
0x34b: {  	v7 =	vsub.bf16 v8, v9;
	v8 =	vld [tilespmem:s25+$0xFFFFFEE0];
	v14 =	vadd.bf16 v16, v14  }
0x34c: {  	v39 =	vld [tilespmem:s12+$0xFFFFFEF0];
	v3 =	vadd.bf16 v3, v4;
	v10 =	vsub.bf16 v10, v11  }
0x34d: {  	v46 =	vld [tilespmem:s25+$0xFFFFFF20];
	v6 =	vmul.bf16 v6, v6;
	v7 =	vmul.bf16 v7, v7;
	v40 =	vunpack.i.u.bf16.f32 v14  }
0x34e: {  	v50 =	vld [tilespmem:s12+$0xFFFFFF20];
	v14 =	vunpack.i.l.bf16.f32 v14;
	v11 =	vsub.bf16 v12, v13;
	v13 =	vunpack.i.u.bf16.f32 v3  }
0x34f: {  	v51 =	vld [tilespmem:s25+$0xFFFFFF30];
	v3 =	vunpack.i.l.bf16.f32 v3;
	v6 =	vadd.bf16 v7, v6;
	v14 =	vadd.f32 v14, v40  }
0x350: {  	v54 =	vld [tilespmem:s12+$0xFFFFFF30];
	v17 =	vsub.bf16 v17, v18;
	v3 =	vadd.f32 v3, v13  }
0x351: {  	v9 =	vadd.s32 s4, v0;
	v56 =	vld [tilespmem:s25+$0xFFFFFF40];
	v44 =	vsub.bf16 v23, v24;
	v45 =	vsub.bf16 v25, v26  }
0x352: {  	v16 =	vld [tilespmem:s25+$0xFFFFFEF0];
	v9 =	vand.u32 $0xFF8, v9;
	v48 =	vsub.bf16 v27, v28;
	v49 =	vsub.bf16 v29, v30  }
0x353: {  	v4 =	vld [tilespmem:s12+$0xFFFFFED0];
	v9 =	vor.u32 v1, v9;
	v55 =	vsub.bf16 v31, v32;
	v57 =	vsub.bf16 v33, v34  }
0x354: {  	v58 =	vld [tilespmem:s12+$0xFFFFFF40];
	s5 =	sadd.s32 $0x7, s31;
	v10 =	vmul.bf16 v10, v10;
	v59 =	vsub.bf16 v35, v36;
	v15 =	vsub.bf16 v37, v15  }
0x355: {  	v60 =	vld [tilespmem:s25+$0xFFFFFF50];
	v37 =	vadd.s32 s5, v0;
	v11 =	vmul.bf16 v11, v11;
	v52 =	vmul.bf16 v48, v48  }
0x356: {  	v62 =	vld [tilespmem:s12+$0xFFFFFF50];
	v26 =	vsub.bf16 v51, v54;
	v53 =	vmul.bf16 v49, v49;
	v17 =	vmul.bf16 v17, v17  }
0x357: {  	v12 =	vld [tilespmem:s12+$0xFFFFFEE0];
	v16 =	vsub.bf16 v16, v39;
	v61 =	vmul.bf16 v57, v57;
	v63 =	vmul.bf16 v59, v59  }
0x358: {  	v40 =	vld [tilespmem:s12+$0xFFFFFF60];
	s5 =	sadd.s32 $0x2, s31;
	v15 =	vmul.bf16 v15, v15;
	v4 =	vsub.bf16 v38, v4;
	v7 =	vadd.bf16 v11, v10  }
0x359: {  	v13 =	vld [tilespmem:s25+$0xFFFFFF00];
	v49 =	vadd.s32 s5, v0;
	v11 =	vsub.bf16 v19, v20;
	v24 =	vadd.bf16 v53, v52  }
0x35a: {  	v36 =	vld [tilespmem:s25+$0xFFFFFF60];
	v4 =	vmul.bf16 v4, v4;
	v6 =	vadd.bf16 v7, v6;
	v7 =	vsub.bf16 v21, v22  }
0x35b: {  	v10 =	vld [tilespmem:s12+$0xFFFFFF00];
	v15 =	vadd.bf16 v15, v63;
	v21 =	vmul.bf16 v44, v44;
	v22 =	vmul.bf16 v45, v45  }
0x35c: {  	v42 =	vld [tilespmem:s25+$0xFFFFFF80];
	v8 =	vsub.bf16 v8, v12;
	v11 =	vmul.bf16 v11, v11;
	v7 =	vmul.bf16 v7, v7  }
0x35d: {  	v18 =	vld [tilespmem:s25+$0xFFFFFF10];
	v45 =	vsub.bf16 v56, v58;
	v47 =	vunpack.i.u.bf16.f32 v6;
	v6 =	vunpack.i.l.bf16.f32 v6  }
0x35e: {  	v19 =	vld [tilespmem:s12+$0xFFFFFF10];
	v21 =	vadd.bf16 v22, v21;
	v7 =	vadd.bf16 v7, v11;
	v11 =	vmul.bf16 v55, v55  }
0x35f: {  	s6 =	sadd.s32 $0x6, s4;
	v12 =	vld [tilespmem:s25+$0xFFFFFF70];
	v8 =	vmul.bf16 v8, v8;
	v22 =	vsub.bf16 v36, v40;
	v6 =	vadd.f32 v6, v47  }
0x360: {  	v20 =	vadd.s32 s6, v0;
	s6 =	sadd.s32 $0x1, s31;
	v10 =	vsub.bf16 v13, v10;
	v13 =	vld [tilespmem:s12+$0xFFFFFF70];
	v11 =	vadd.bf16 v61, v11  }
0x361: {  	v54 =	vld [tilespmem:s12+$0xFFFFFFC0];
	v43 =	vadd.s32 s6, v0;
	v4 =	vadd.bf16 v8, v4;
	v21 =	vadd.bf16 v24, v21  }
0x362: {  	v48 =	vld [tilespmem:s25+$0xFFFFFFB0];
	v10 =	vmul.bf16 v10, v10;
	v11 =	vadd.bf16 v15, v11;
	v15 =	vmul.bf16 v16, v16  }
0x363: {  	v52 =	vld [tilespmem:s25+$0xFFFFFFC0];
	v8 =	vsub.bf16 v18, v19;
	v47 =	vmul.bf16 v45, v45;
	v41 =	vunpack.i.u.bf16.f32 v21  }
0x364: {  	v21 =	vunpack.i.l.bf16.f32 v21;
	v16 =	vld [tilespmem:s12+$0xFFFFFF80];
	v10 =	vadd.bf16 v10, v15;
	v15 =	vsub.bf16 v46, v50  }
0x365: {  	v44 =	vld [tilespmem:s12+$0xFFFFFF90];
	v8 =	vmul.bf16 v8, v8;
	v21 =	vadd.f32 v21, v41;
	v12 =	vsub.bf16 v12, v13  }
0x366: {  	v18 =	vld [tilespmem:s25+$0xFFFFFF90];
	v19 =	vunpack.i.u.bf16.f32 v11;
	v11 =	vunpack.i.l.bf16.f32 v11;
	v15 =	vmul.bf16 v15, v15  }
0x367: {  	s6 =	sadd.s32 $0x3, s31;
	v46 =	vld [tilespmem:s25+$0xFFFFFFA0];
	v11 =	vadd.f32 v11, v19;
	v4 =	vadd.bf16 v10, v4;
	v10 =	vmul.bf16 v26, v26  }
0x368: {  	v51 =	vadd.s32 s6, v0;
	v19 =	vld [tilespmem:s12+$0xFFFFFFA0];
	v8 =	vadd.bf16 v15, v8;
	v15 =	vsub.bf16 v60, v62  }
0x369: {  	v22 =	vmul.bf16 v22, v22;
	v13 =	vsub.bf16 v42, v16;
	v16 =	vld [tilespmem:s25+$0xFFFFFE10];
	v10 =	vadd.bf16 v47, v10  }
0x36a: {  	v50 =	vld [tilespmem:s12+$0xFFFFFFB0];
	v53 =	vunpack.i.u.bf16.f32 v4;
	v4 =	vunpack.i.l.bf16.f32 v4;
	v15 =	vmul.bf16 v15, v15  }
0x36b: {  	s5 =	sadd.s32 $0x5, s31;
	v8 =	vadd.bf16 v10, v8;
	v10 =	vmul.bf16 v12, v12;
	v12 =	vmul.bf16 v13, v13  }
0x36c: {  	[tilespmem:v20+s0+$0x0] =	vst.idx.msk $0xffff, v14;
	v14 =	vadd.s32 s5, v0;
	v18 =	vsub.bf16 v18, v44;
	v4 =	vadd.f32 v4, v53  }
0x36d: {  	v15 =	vadd.bf16 v22, v15;
	v55 =	vunpack.i.u.bf16.f32 v8;
	v10 =	vadd.bf16 v12, v10  }
0x36e: {  	[tilespmem:v9+s0+$0x0] =	vst.idx.msk $0xffff, v3;
	v3 =	vunpack.i.l.bf16.f32 v8;
	v8 =	vsub.bf16 v46, v19;
	v5 =	vsub.bf16 v16, v5  }
0x36f: {  	v9 =	vmul.bf16 v18, v18;
	s25 =	sadd.s32 $0x4, s31;
	v12 =	vsub.bf16 v48, v50;
	v16 =	vsub.bf16 v52, v54  }
0x370: {  	v13 =	vadd.s32 s25, v0;
	v8 =	vmul.bf16 v8, v8;
	v5 =	vmul.bf16 v5, v5  }
0x371: {  	v10 =	vadd.bf16 v10, v15;
	v12 =	vmul.bf16 v12, v12;
	v15 =	vmul.bf16 v16, v16  }
0x372: {  	v3 =	vadd.f32 v3, v55;
	v16 =	vadd.s32 s31, v0;
	v5 =	vadd.bf16 v17, v5  }
0x373: {  	[tilespmem:v37+s0+$0x0] =	vst.idx.msk $0xffff, v6;
	v6 =	vadd.bf16 v8, v9;
	v8 =	vadd.bf16 v15, v12;
	v9 =	vand.u32 $0xFF8, v16  }
0x374: {  	s6 =	sadd.s32 $0x6, s31;
	[tilespmem:v43+s0+$0x0] =	vst.idx.msk $0xffff, v21;
	v12 =	vunpack.i.u.bf16.f32 v10;
	v5 =	vadd.bf16 v7, v5;
	v7 =	vor.u32 v1, v9  }
0x375: {  	[tilespmem:v49+s0+$0x0] =	vst.idx.msk $0xffff, v11;
	v9 =	vunpack.i.l.bf16.f32 v10;
	v6 =	vadd.bf16 v8, v6;
	v8 =	vadd.s32 s6, v0  }
0x376: {  	[tilespmem:v51+s0+$0x0] =	vst.idx.msk $0xffff, v4;
	v4 =	vadd.f32 v9, v12;
	v9 =	vunpack.i.u.bf16.f32 v5;
	v5 =	vunpack.i.l.bf16.f32 v5  }
0x377: {  	[tilespmem:v13+s0+$0x0] =	vst.idx.msk $0xffff, v3;
	v3 =	vunpack.i.u.bf16.f32 v6;
	v6 =	vunpack.i.l.bf16.f32 v6;
	v5 =	vadd.f32 v5, v9  }
0x378: {  	[tilespmem:v14+s0+$0x0] =	vst.idx.msk $0xffff, v4;
	v3 =	vadd.f32 v6, v3  }
0x379: {  	[tilespmem:v7+s0+$0x0] =	vst.idx.msk $0xffff, v5  }
0x37a: {  	[tilespmem:v8+s0+$0x0] =	vst.idx.msk $0xffff, v3  }
0x37b: {  	v3 =	vld [tilespmem:$0x11530]  }
0x37c: {  	v4 =	vld [tilespmem:$0x11581]  }
0x37d: {  	v5 =	vld [tilespmem:$0x115D2]  }
0x37e: {  	v6 =	vld [tilespmem:$0x11623]  }
0x37f: {  	v7 =	vld [tilespmem:$0x11674]  }
0x380: {  	v8 =	vld [tilespmem:$0x116C5]  }
0x381: {  	v9 =	vld [tilespmem:$0x11716]  }
0x382: {  	v10 =	vld [tilespmem:$0x11767]  }
0x383: {  	v11 =	vld [tilespmem:$0x117B8]  }
0x384: {  	v12 =	vld [tilespmem:$0x11809]  }
0x385: {  	v13 =	vld [tilespmem:$0x1185A]  }
0x386: {  	v14 =	vld [tilespmem:$0x118AB]  }
0x387: {  	v15 =	vld [tilespmem:$0x118FC]  }
0x388: {  	v16 =	vld [tilespmem:$0x1194D]  }
0x389: {  	v17 =	vld [tilespmem:$0x1199E]  }
0x38a: {  	v18 =	vld [tilespmem:$0x119EF]  }
0x38b: {  	v19 =	vld [tilespmem:$0x11540]  }
0x38c: {  	v20 =	vld [tilespmem:$0x11591]  }
0x38d: {  	v21 =	vld [tilespmem:$0x115E2]  }
0x38e: {  	v22 =	vld [tilespmem:$0x11633]  }
0x38f: {  	v23 =	vld [tilespmem:$0x11684]  }
0x390: {  	v24 =	vld [tilespmem:$0x116D5]  }
0x391: {  	v25 =	vld [tilespmem:$0x11726]  }
0x392: {  	v26 =	vld [tilespmem:$0x11777]  }
0x393: {  	v56 =	vld [tilespmem:$0x117C8]  }
0x394: {  	v57 =	vld [tilespmem:$0x11819]  }
0x395: {  	v29 =	vld [tilespmem:$0x1186A]  }
0x396: {  	v30 =	vld [tilespmem:$0x118BB]  }
0x397: {  	v58 =	vld [tilespmem:$0x1190C]  }
0x398: {  	v59 =	vld [tilespmem:$0x1195D]  }
0x399: {  	v33 =	vld [tilespmem:$0x119AE]  }
0x39a: {  	v34 =	vld [tilespmem:$0x119FF]  }
0x39b: {  	v35 =	vld [tilespmem:$0x11550]  }
0x39c: {  	v60 =	vld [tilespmem:$0x115A1]  }
0x39d: {  	v61 =	vld [tilespmem:$0x115F2]  }
0x39e: {  	v62 =	vld [tilespmem:$0x11643]  }
0x39f: {  	v39 =	vld [tilespmem:$0x11694]  }
0x3a0: {  	v63 =	vld [tilespmem:$0x116E5]  }
0x3a1: {  	v41 =	vld [tilespmem:$0x11736]  }
0x3a2: {  	v42 =	vld [tilespmem:$0x11787]  }
0x3a3: {  	v43 =	vld [tilespmem:$0x117D8]  }
0x3a4: {  	v44 =	vld [tilespmem:$0x11829]  }
0x3a5: {  	v45 =	vld [tilespmem:$0x1187A]  }
0x3a6: {  	v46 =	vld [tilespmem:$0x118CB]  }
0x3a7: {  	v47 =	vld [tilespmem:$0x1191C]  }
0x3a8: {  	v48 =	vld [tilespmem:$0x1196D]  }
0x3a9: {  	v49 =	vld [tilespmem:$0x119BE]  }
0x3aa: {  	v50 =	vld [tilespmem:$0x11A0F]  }
0x3ab: {  	v51 =	vld [tilespmem:$0x11560]  }
0x3ac: {  	v52 =	vld [tilespmem:$0x115B1]  }
0x3ad: {  	v53 =	vld [tilespmem:$0x11602]  }
0x3ae: {  	v55 =	vld [tilespmem:$0x1197D]  }
0x3af: {  	v37 =	vld [tilespmem:$0x11612];
	v3 =	vadd.f32 v4, v3  }
0x3b0: {  	v40 =	vld [tilespmem:$0x11663];
	v4 =	vadd.f32 v6, v5;
	v6 =	vadd.f32 v8, v7  }
0x3b1: {  	v5 =	vld [tilespmem:$0x11653];
	v7 =	vadd.f32 v10, v9;
	v9 =	vadd.f32 v12, v11  }
0x3b2: {  	v8 =	vld [tilespmem:$0x116A4];
	v10 =	vadd.f32 v14, v13;
	v12 =	vadd.f32 v16, v15  }
0x3b3: {  	v11 =	vld [tilespmem:$0x116F5];
	v13 =	vadd.f32 v18, v17;
	v16 =	vadd.f32 v24, v23  }
0x3b4: {  	v14 =	vld [tilespmem:$0x11746];
	v17 =	vadd.f32 v26, v25;
	v54 =	vadd.f32 v30, v29  }
0x3b5: {  	v15 =	vld [tilespmem:$0x118DB];
	v60 =	vadd.f32 v60, v35;
	v61 =	vadd.f32 v62, v61  }
0x3b6: {  	v18 =	vld [tilespmem:$0x1192C];
	v63 =	vadd.f32 v63, v39;
	v36 =	vadd.f32 v42, v41  }
0x3b7: {  	v62 =	vld [tilespmem:$0x115C1];
	v38 =	vadd.f32 v44, v43;
	v39 =	vadd.f32 v46, v45  }
0x3b8: {  	v41 =	vadd.f32 v48, v47;
	v42 =	vadd.f32 v50, v49;
	v43 =	vld [tilespmem:$0x116B4]  }
0x3b9: {  	v45 =	vld [tilespmem:$0x11705];
	v52 =	vadd.f32 v52, v51;
	v3 =	vadd.f32 v4, v3  }
0x3ba: {  	v48 =	vld [tilespmem:$0x11756];
	v4 =	vadd.f32 v7, v6;
	v7 =	vadd.f32 v10, v9  }
0x3bb: {  	v50 =	vld [tilespmem:$0x117F8];
	v9 =	vadd.f32 v13, v12;
	v13 =	vadd.f32 v22, v21  }
0x3bc: {  	v6 =	vld [tilespmem:$0x11797];
	v22 =	vadd.f32 v61, v60;
	v44 =	vadd.f32 v36, v63  }
0x3bd: {  	v10 =	vld [tilespmem:$0x117E8];
	v46 =	vadd.f32 v39, v38;
	v47 =	vadd.f32 v42, v41  }
0x3be: {  	v12 =	vld [tilespmem:$0x11839];
	v3 =	vadd.f32 v4, v3;
	v4 =	vadd.f32 v9, v7  }
0x3bf: {  	v7 =	vld [tilespmem:$0x1188A];
	v9 =	vadd.f32 v20, v19;
	v19 =	vadd.f32 v57, v56  }
0x3c0: {  	v56 =	vadd.f32 v59, v58;
	v57 =	vadd.f32 v34, v33;
	v58 =	vld [tilespmem:$0x119CE]  }
0x3c1: {  	v59 =	vld [tilespmem:$0x11570];
	v49 =	vadd.f32 v47, v46;
	v5 =	vadd.f32 v5, v53  }
0x3c2: {  	v53 =	vld [tilespmem:$0x118EB];
	v8 =	vadd.f32 v11, v8;
	v9 =	vadd.f32 v13, v9  }
0x3c3: {  	v11 =	vld [tilespmem:$0x1193C];
	v13 =	vadd.f32 v17, v16;
	v17 =	vadd.f32 v54, v19  }
0x3c4: {  	v16 =	vld [tilespmem:$0x11A1F];
	v19 =	vadd.f32 v57, v56;
	v3 =	vadd.f32 v4, v3  }
0x3c5: {  	v4 =	vld [tilespmem:$0x11849];
	v6 =	vadd.f32 v6, v14;
	v10 =	vadd.f32 v12, v10  }
0x3c6: {  	v12 =	vld [tilespmem:$0x1198D];
	v14 =	vadd.f32 v55, v18;
	v9 =	vadd.f32 v13, v9  }
0x3c7: {  	v13 =	vadd.f32 v19, v17;
	v17 =	vld [tilespmem:$0x117A7];
	v19 =	vadd.f32 v44, v22  }
0x3c8: {  	v7 =	vadd.f32 v15, v7;
	v6 =	vadd.f32 v6, v8;
	v8 =	vld [tilespmem:$0x11A2F]  }
0x3c9: {  	v9 =	vadd.f32 v13, v9;
	v13 =	vadd.f32 v49, v19;
	v19 =	vld [tilespmem:$0x1189A]  }
0x3ca: {  	v5 =	vadd.f32 v5, v52;
	v15 =	vadd.f32 v16, v58;
	v16 =	vld [tilespmem:$0x119DE]  }
0x3cb: {  	v18 =	vadd.f32 v45, v43;
	v7 =	vadd.f32 v7, v10  }
0x3cc: {  	v4 =	vadd.f32 v4, v50;
	v11 =	vadd.f32 v12, v11  }
0x3cd: {  	v10 =	vadd.f32 v15, v14;
	v14 =	vadd.f32 v62, v59  }
0x3ce: {  	v15 =	vadd.f32 v40, v37;
	v17 =	vadd.f32 v17, v48  }
0x3cf: {  	v19 =	vadd.f32 v53, v19;
	v8 =	vadd.f32 v8, v16  }
0x3d0: {  	v12 =	vadd.f32 v15, v14;
	v14 =	vadd.f32 v17, v18  }
0x3d1: {  	v4 =	vadd.f32 v19, v4;
	v8 =	vadd.f32 v8, v11  }
0x3d2: {  	v5 =	vadd.f32 v6, v5;
	v6 =	vadd.f32 v10, v7  }
0x3d3: {  	[tilespmem:s29+$0xEEC0] =	vst v3;
	v3 =	vadd.f32 v14, v12;
	v4 =	vadd.f32 v8, v4  }
0x3d4: {  	[tilespmem:s29+$0xEED0] =	vst v9;
	v5 =	vadd.f32 v6, v5  }
0x3d5: {  	[tilespmem:s29+$0xEEE0] =	vst v13;
	v3 =	vadd.f32 v4, v3  }
0x3d6: {  	[tilespmem:s29+$0xEEF0] =	vst v5  }
0x3d7: {  	s4 =	sadd.s32 @!p0 $0x1E0, s29;
	s5 =	simm.s32 @!p0 $0x50;
	s6 =	simm.s32 @!p0 $0x7620;
	[tilespmem:s29+$0xEF00] =	vst v3  }
0x3d8: {  	[tilespmem:s6], [sflag:$0x5] =	stream.indirect.gather @!p0 [spmem:s2], $0x40, s4, s5, $0xb8;
	[tilespmem:$0x1B690] =	vst v63  }
0x3d9: {  	s4 =	sadd.s32 @!p0 $0x28F0, s29;
	s6 =	simm.s32 @!p0 $0xC620  }
0x3da: {  	[tilespmem:s6], [sflag:$0x6] =	stream.indirect.gather @!p0 [spmem:s2], $0x40, s4, s5, $0xb8;
	[tilespmem:$0x1B690] =	vst v63  }
0x3db: {  	_ =	swait.ge [sflag:s23], $0x1400  }
0x3dc: {  	[sflag:s23] =	ssyncset.done $0x0  }
0x3dd: {  	[sflag:s23] =	ssyncadd.s32 $0xFFFFEC00  }
0x3de: {  	_ =	swait.ge [sflag:s24], $0x1400  }
0x3df: {  	[sflag:s24] =	ssyncset.done $0x0  }
0x3e0: {  	s4 =	simm.s32 $0x8C10;
	[sflag:s24] =	ssyncadd.s32 $0xFFFFEC00  }
0x3e1: {  	s5 =	simm.s32 $0xDC10;
	v3 =	vld [tilespmem:s4+$0xFFFFFFD0]  }
0x3e2: {  	v5 =	vld [tilespmem:s5+$0xFFFFFFD0]  }
0x3e3: {  	v6 =	vld [tilespmem:s4+$0xFFFFFFE0]  }
0x3e4: {  	v7 =	vld [tilespmem:s5+$0xFFFFFFE0]  }
0x3e5: {  	v8 =	vld [tilespmem:s4+$0xFFFFFFF0]  }
0x3e6: {  	v9 =	vld [tilespmem:s5+$0xFFFFFFF0]  }
0x3e7: {  	v10 =	vld [tilespmem:s4+$0x0]  }
0x3e8: {  	v11 =	vld [tilespmem:s5+$0x0]  }
0x3e9: {  	v4 =	vld [tilespmem:s5+$0xFFFFFE10]  }
0x3ea: {  	v12 =	vld [tilespmem:s4+$0xFFFFFE20]  }
0x3eb: {  	v13 =	vld [tilespmem:s5+$0xFFFFFE20]  }
0x3ec: {  	v14 =	vld [tilespmem:s4+$0xFFFFFE30]  }
0x3ed: {  	v15 =	vld [tilespmem:s5+$0xFFFFFE30]  }
0x3ee: {  	v16 =	vld [tilespmem:s4+$0xFFFFFE40]  }
0x3ef: {  	v17 =	vld [tilespmem:s5+$0xFFFFFE40]  }
0x3f0: {  	v18 =	vld [tilespmem:s4+$0xFFFFFE50]  }
0x3f1: {  	v19 =	vld [tilespmem:s5+$0xFFFFFE50]  }
0x3f2: {  	v54 =	vld [tilespmem:s4+$0xFFFFFE60]  }
0x3f3: {  	v55 =	vld [tilespmem:s5+$0xFFFFFE60]  }
0x3f4: {  	v56 =	vld [tilespmem:s4+$0xFFFFFE70]  }
0x3f5: {  	v57 =	vld [tilespmem:s5+$0xFFFFFE70]  }
0x3f6: {  	v58 =	vld [tilespmem:s4+$0xFFFFFE80]  }
0x3f7: {  	v59 =	vld [tilespmem:s5+$0xFFFFFE80]  }
0x3f8: {  	v60 =	vld [tilespmem:s4+$0xFFFFFE90]  }
0x3f9: {  	v61 =	vld [tilespmem:s5+$0xFFFFFE90]  }
0x3fa: {  	v62 =	vld [tilespmem:s4+$0xFFFFFEA0]  }
0x3fb: {  	v63 =	vld [tilespmem:s5+$0xFFFFFEA0]  }
0x3fc: {  	v36 =	vld [tilespmem:s4+$0xFFFFFEB0]  }
0x3fd: {  	v37 =	vld [tilespmem:s5+$0xFFFFFEB0]  }
0x3fe: {  	v38 =	vld [tilespmem:s4+$0xFFFFFEC0]  }
0x3ff: {  	v39 =	vld [tilespmem:s5+$0xFFFFFEE0]  }
0x400: {  	v40 =	vld [tilespmem:s4+$0xFFFFFF10]  }
0x401: {  	v42 =	vld [tilespmem:s5+$0xFFFFFF10]  }
0x402: {  	v43 =	vld [tilespmem:s4+$0xFFFFFF20];
	v3 =	vsub.bf16 v3, v5  }
0x403: {  	v46 =	vld [tilespmem:s4+$0xFFFFFF30];
	v5 =	vsub.bf16 v6, v7;
	v7 =	vsub.bf16 v8, v9  }
0x404: {  	v6 =	vld [tilespmem:s5+$0xFFFFFEC0];
	v8 =	vsub.bf16 v10, v11;
	v14 =	vsub.bf16 v14, v15  }
0x405: {  	v9 =	vld [tilespmem:s4+$0xFFFFFED0];
	v41 =	vsub.bf16 v58, v59;
	v3 =	vmul.bf16 v3, v3;
	v5 =	vmul.bf16 v5, v5  }
0x406: {  	v10 =	vld [tilespmem:s5+$0xFFFFFED0];
	v44 =	vsub.bf16 v60, v61;
	v7 =	vmul.bf16 v7, v7;
	v8 =	vmul.bf16 v8, v8  }
0x407: {  	v11 =	vld [tilespmem:s4+$0xFFFFFEE0];
	v45 =	vsub.bf16 v62, v63;
	v48 =	vsub.bf16 v36, v37  }
0x408: {  	v49 =	vld [tilespmem:s4+$0xFFFFFF40];
	v3 =	vadd.bf16 v5, v3;
	v7 =	vadd.bf16 v8, v7  }
0x409: {  	v51 =	vld [tilespmem:s5+$0xFFFFFF50];
	v47 =	vmul.bf16 v45, v45;
	v5 =	vsub.bf16 v12, v13;
	v12 =	vsub.bf16 v16, v17  }
0x40a: {  	v52 =	vld [tilespmem:s4+$0xFFFFFF70];
	v13 =	vmul.bf16 v14, v14;
	v14 =	vsub.bf16 v18, v19;
	v17 =	vsub.bf16 v54, v55  }
0x40b: {  	v15 =	vld [tilespmem:s5+$0xFFFFFEF0];
	v24 =	vmul.bf16 v48, v48;
	v6 =	vsub.bf16 v38, v6;
	v9 =	vsub.bf16 v9, v10  }
0x40c: {  	v8 =	vld [tilespmem:s4+$0xFFFFFEF0];
	v11 =	vsub.bf16 v11, v39;
	v12 =	vmul.bf16 v12, v12;
	v14 =	vmul.bf16 v14, v14  }
0x40d: {  	v58 =	vld [tilespmem:s5+$0xFFFFFF90];
	v3 =	vadd.bf16 v7, v3;
	v17 =	vmul.bf16 v17, v17;
	v6 =	vmul.bf16 v6, v6  }
0x40e: {  	v16 =	vld [tilespmem:s5+$0xFFFFFF00];
	v19 =	vsub.bf16 v56, v57;
	v9 =	vmul.bf16 v9, v9;
	v11 =	vmul.bf16 v11, v11  }
0x40f: {  	v7 =	vld [tilespmem:s4+$0xFFFFFF00];
	v18 =	vunpack.i.u.bf16.f32 v3;
	v3 =	vunpack.i.l.bf16.f32 v3;
	v14 =	vadd.bf16 v17, v14  }
0x410: {  	v10 =	vld [tilespmem:s4+$0xFFFFFF50];
	v17 =	vmul.bf16 v44, v44;
	v18 =	vadd.f32 v3, v18;
	v3 =	vadd.bf16 v12, v13  }
0x411: {  	v12 =	vmul.bf16 v19, v19;
	v13 =	vmul.bf16 v41, v41;
	v19 =	vld [tilespmem:s5+$0xFFFFFF20];
	v8 =	vsub.bf16 v8, v15  }
0x412: {  	v15 =	vld [tilespmem:s4+$0xFFFFFF60];
	v6 =	vadd.bf16 v6, v24;
	v9 =	vadd.bf16 v11, v9  }
0x413: {  	s12 =	simm.s32 $0x7;
	v11 =	vld [tilespmem:s5+$0xFFFFFF70];
	v17 =	vadd.bf16 v47, v17;
	v12 =	vadd.bf16 v13, v12  }
0x414: {  	v53 =	vadd.s32 s12, v0;
	s12 =	simm.s32 $0x2;
	v20 =	vsub.bf16 v40, v42;
	v13 =	vld [tilespmem:s5+$0xFFFFFF30];
	v7 =	vsub.bf16 v7, v16  }
0x415: {  	v54 =	vadd.s32 s12, v0;
	v6 =	vadd.bf16 v6, v17;
	v12 =	vadd.bf16 v12, v14;
	v14 =	vld [tilespmem:s5+$0xFFFFFF40]  }
0x416: {  	s25 =	simm.s32 $0x1;
	v10 =	vsub.bf16 v10, v51;
	v16 =	vld [tilespmem:s5+$0xFFFFFF60];
	v8 =	vmul.bf16 v8, v8;
	v7 =	vmul.bf16 v7, v7  }
0x417: {  	v55 =	vld [tilespmem:s5+$0xFFFFFF80];
	v17 =	vadd.s32 s25, v0;
	v19 =	vsub.bf16 v43, v19;
	v56 =	vunpack.i.u.bf16.f32 v6  }
0x418: {  	v6 =	vunpack.i.l.bf16.f32 v6;
	v11 =	vsub.bf16 v52, v11;
	v7 =	vadd.bf16 v7, v8;
	v8 =	vld [tilespmem:s4+$0xFFFFFF80]  }
0x419: {  	v59 =	vld [tilespmem:s5+$0xFFFFFFA0];
	v50 =	vunpack.i.u.bf16.f32 v12;
	v12 =	vunpack.i.l.bf16.f32 v12;
	v25 =	vadd.f32 v6, v56  }
0x41a: {  	v60 =	vld [tilespmem:s5+$0xFFFFFFB0];
	v6 =	vmul.bf16 v20, v20;
	v13 =	vsub.bf16 v46, v13;
	v14 =	vsub.bf16 v49, v14  }
0x41b: {  	v61 =	vld [tilespmem:s4+$0xFFFFFE10];
	v12 =	vadd.f32 v12, v50;
	v19 =	vmul.bf16 v19, v19;
	v15 =	vsub.bf16 v15, v16  }
0x41c: {  	s25 =	simm.s32 $0x3;
	v16 =	vld [tilespmem:s4+$0xFFFFFFB0];
	v7 =	vadd.bf16 v7, v9;
	v9 =	vmul.bf16 v13, v13;
	v13 =	vmul.bf16 v14, v14  }
0x41d: {  	v57 =	vld [tilespmem:s4+$0xFFFFFF90];
	v6 =	vadd.bf16 v19, v6;
	v19 =	vadd.s32 s25, v0;
	v8 =	vsub.bf16 v8, v55  }
0x41e: {  	v14 =	vld [tilespmem:s4+$0xFFFFFFA0];
	v9 =	vadd.bf16 v13, v9;
	v13 =	vunpack.i.u.bf16.f32 v7;
	v7 =	vunpack.i.l.bf16.f32 v7  }
0x41f: {  	v8 =	vmul.bf16 v8, v8;
	v13 =	vadd.f32 v7, v13;
	v7 =	vmul.bf16 v11, v11;
	v11 =	vld [tilespmem:s5+$0xFFFFFFC0]  }
0x420: {  	v10 =	vmul.bf16 v10, v10;
	s5 =	simm.s32 $0x4;
	v6 =	vadd.bf16 v9, v6;
	v9 =	vmul.bf16 v15, v15;
	v15 =	vld [tilespmem:s4+$0xFFFFFFC0]  }
0x421: {  	s12 =	simm.s32 $0xDE10;
	[tilespmem:v17+s0+$0x0] =	vst.idx.msk $0xffff, v12;
	v16 =	vsub.bf16 v16, v60;
	v12 =	vadd.s32 s5, v0;
	v8 =	vadd.bf16 v8, v7  }
0x422: {  	[tilespmem:v53+s0+$0x0] =	vst.idx.msk $0xffff, v18;
	s25 =	simm.s32 $0x8E10;
	v7 =	vld [tilespmem:s12+$0xFFFFFFD0];
	v9 =	vadd.bf16 v9, v10;
	v10 =	vunpack.i.u.bf16.f32 v6;
	v6 =	vunpack.i.l.bf16.f32 v6  }
0x423: {  	s6 =	simm.s32 $0x5;
	v16 =	vmul.bf16 v16, v16;
	v14 =	vsub.bf16 v14, v59;
	v18 =	vadd.f32 v6, v10;
	v6 =	vld [tilespmem:s25+$0xFFFFFFD0]  }
0x424: {  	v62 =	vadd.s32 s6, v0;
	[tilespmem:v19+s0+$0x0] =	vst.idx.msk $0xffff, v13;
	v10 =	vsub.bf16 v57, v58;
	v17 =	vadd.bf16 v8, v9;
	v8 =	vld [tilespmem:s25+$0xFFFFFFE0]  }
0x425: {  	v13 =	vsub.bf16 v61, v4;
	v14 =	vmul.bf16 v14, v14;
	v9 =	vld [tilespmem:s12+$0xFFFFFFE0];
	v15 =	vsub.bf16 v15, v11  }
0x426: {  	v63 =	vmul.bf16 v10, v10;
	v10 =	vld [tilespmem:s25+$0xFFFFFFF0];
	v4 =	vunpack.i.u.bf16.f32 v17;
	v11 =	vunpack.i.l.bf16.f32 v17  }
0x427: {  	[tilespmem:v12+s0+$0x0] =	vst.idx.msk $0xffff, v18;
	v12 =	vld [tilespmem:s25+$0x0];
	v17 =	vadd.f32 v11, v4;
	v19 =	vmul.bf16 v15, v15  }
0x428: {  	[tilespmem:v54+s0+$0x0] =	vst.idx.msk $0xffff, v25;
	v11 =	vld [tilespmem:s12+$0xFFFFFFF0];
	v4 =	vmul.bf16 v5, v5;
	v15 =	vmul.bf16 v13, v13  }
0x429: {  	s31 =	simm.s32 $0x8;
	s4 =	simm.s32 $0x0;
	s5 =	simm.s32 $0x10;
	v14 =	vadd.bf16 v14, v63;
	v13 =	vld [tilespmem:s12+$0x0];
	[tilespmem:v62+s0+$0x0] =	vst.idx.msk $0xffff, v17;
	v16 =	vadd.bf16 v19, v16  }
.LBB2_9:
0x42a: {  	p1 =	slt.u32 s5, $0x48;
	v5 =	vld [tilespmem:s12+$0xFFFFFE10];
	v4 =	vadd.bf16 v4, v15;
	v15 =	vadd.s32 s4, v0  }
0x42b: {  	s6 =	sadd.s32 $0x6, s4;
	s4 =	smov.u32 s31;
	s31 =	smov.u32 s5;
	v17 =	vld [tilespmem:s25+$0xFFFFFE20];
	v15 =	vand.u32 $0xFF8, v15;
	v14 =	vadd.bf16 v16, v14  }
0x42c: {  	v18 =	vadd.s32 s6, v0;
	v16 =	vld [tilespmem:s12+$0xFFFFFE20];
	v3 =	vadd.bf16 v3, v4;
	v15 =	vor.u32 v1, v15  }
0x42d: {  	v4 =	vsub.bf16 v6, v7;
	v6 =	vsub.bf16 v8, v9;
	v19 =	vld [tilespmem:s25+$0xFFFFFE30];
	v7 =	vunpack.i.u.bf16.f32 v14  }
0x42e: {  	v9 =	vsub.bf16 v10, v11;
	v8 =	vld [tilespmem:s12+$0xFFFFFE30];
	v10 =	vsub.bf16 v12, v13;
	v11 =	vunpack.i.u.bf16.f32 v3  }
0x42f: {  	v4 =	vmul.bf16 v4, v4;
	v6 =	vmul.bf16 v6, v6;
	v3 =	vunpack.i.l.bf16.f32 v3;
	v12 =	vld [tilespmem:s25+$0xFFFFFE40]  }
0x430: {  	v14 =	vunpack.i.l.bf16.f32 v14;
	v9 =	vmul.bf16 v9, v9;
	v13 =	vld [tilespmem:s12+$0xFFFFFE40];
	v10 =	vmul.bf16 v10, v10  }
0x431: {  	v3 =	vadd.f32 v3, v11;
	v16 =	vsub.bf16 v17, v16;
	v17 =	vld [tilespmem:s25+$0xFFFFFE50]  }
0x432: {  	v6 =	vadd.bf16 v6, v4;
	v11 =	vld [tilespmem:s12+$0xFFFFFE50];
	v9 =	vadd.bf16 v10, v9  }
0x433: {  	s6 =	sadd.s32 $0x7, s4;
	v7 =	vadd.f32 v14, v7;
	v4 =	vmul.bf16 v16, v16;
	v8 =	vsub.bf16 v19, v8;
	v10 =	vld [tilespmem:s25+$0xFFFFFE60]  }
0x434: {  	v14 =	vld [tilespmem:s12+$0xFFFFFE60];
	v6 =	vadd.bf16 v9, v6;
	v9 =	vadd.s32 s6, v0;
	[tilespmem:v15+s0+$0x0] =	vst.idx.msk $0xffff, v3  }
0x435: {  	v3 =	vmul.bf16 v8, v8;
	v8 =	vsub.bf16 v12, v13;
	v12 =	vld [tilespmem:s25+$0xFFFFFE70];
	[tilespmem:v18+s0+$0x0] =	vst.idx.msk $0xffff, v7  }
0x436: {  	v7 =	vld [tilespmem:s12+$0xFFFFFE70];
	v13 =	vunpack.i.u.bf16.f32 v6;
	v6 =	vunpack.i.l.bf16.f32 v6  }
0x437: {  	v8 =	vmul.bf16 v8, v8;
	v11 =	vsub.bf16 v17, v11;
	v15 =	vld [tilespmem:s25+$0xFFFFFE80];
	v6 =	vadd.f32 v6, v13  }
0x438: {  	v13 =	vld [tilespmem:s12+$0xFFFFFE80]  }
0x439: {  	v11 =	vmul.bf16 v11, v11;
	v10 =	vsub.bf16 v10, v14;
	v14 =	vld [tilespmem:s25+$0xFFFFFE90];
	[tilespmem:v9+s0+$0x0] =	vst.idx.msk $0xffff, v6  }
0x43a: {  	v3 =	vadd.bf16 v8, v3;
	v6 =	vld [tilespmem:s12+$0xFFFFFE90]  }
0x43b: {  	v8 =	vmul.bf16 v10, v10;
	v7 =	vsub.bf16 v12, v7;
	v9 =	vld [tilespmem:s25+$0xFFFFFEA0]  }
0x43c: {  	v10 =	vld [tilespmem:s12+$0xFFFFFEA0]  }
0x43d: {  	v7 =	vmul.bf16 v7, v7;
	v12 =	vsub.bf16 v15, v13;
	v8 =	vadd.bf16 v8, v11;
	v11 =	vld [tilespmem:s25+$0xFFFFFEB0]  }
0x43e: {  	v13 =	vld [tilespmem:s12+$0xFFFFFEB0]  }
0x43f: {  	v12 =	vmul.bf16 v12, v12;
	v6 =	vsub.bf16 v14, v6;
	v14 =	vld [tilespmem:s25+$0xFFFFFEC0]  }
0x440: {  	v15 =	vld [tilespmem:s12+$0xFFFFFEC0]  }
0x441: {  	v7 =	vadd.bf16 v12, v7;
	v6 =	vmul.bf16 v6, v6;
	v9 =	vsub.bf16 v9, v10;
	v10 =	vld [tilespmem:s25+$0xFFFFFED0]  }
0x442: {  	v12 =	vld [tilespmem:s12+$0xFFFFFED0]  }
0x443: {  	s6 =	sadd.s32 $0x1, s4;
	v7 =	vadd.bf16 v7, v8;
	v8 =	vmul.bf16 v9, v9;
	v9 =	vsub.bf16 v11, v13;
	v11 =	vld [tilespmem:s25+$0xFFFFFEE0]  }
0x444: {  	v13 =	vadd.s32 s6, v0;
	v16 =	vld [tilespmem:s12+$0xFFFFFEE0]  }
0x445: {  	v9 =	vmul.bf16 v9, v9;
	v14 =	vsub.bf16 v14, v15;
	v6 =	vadd.bf16 v8, v6;
	v8 =	vld [tilespmem:s25+$0xFFFFFEF0]  }
0x446: {  	v15 =	vunpack.i.u.bf16.f32 v7;
	v7 =	vunpack.i.l.bf16.f32 v7;
	v17 =	vld [tilespmem:s12+$0xFFFFFEF0]  }
0x447: {  	v7 =	vadd.f32 v7, v15;
	v14 =	vmul.bf16 v14, v14;
	v10 =	vsub.bf16 v10, v12;
	v12 =	vld [tilespmem:s25+$0xFFFFFF00]  }
0x448: {  	v15 =	vld [tilespmem:s12+$0xFFFFFF00]  }
0x449: {  	v9 =	vadd.bf16 v14, v9;
	v10 =	vmul.bf16 v10, v10;
	v11 =	vsub.bf16 v11, v16;
	v14 =	vld [tilespmem:s25+$0xFFFFFF10]  }
0x44a: {  	[tilespmem:v13+s0+$0x0] =	vst.idx.msk $0xffff, v7;
	v7 =	vld [tilespmem:s12+$0xFFFFFF10]  }
0x44b: {  	s6 =	sadd.s32 $0x2, s4;
	v6 =	vadd.bf16 v9, v6;
	v9 =	vmul.bf16 v11, v11;
	v8 =	vsub.bf16 v8, v17;
	v11 =	vld [tilespmem:s25+$0xFFFFFF20]  }
0x44c: {  	v13 =	vadd.s32 s6, v0;
	v16 =	vld [tilespmem:s12+$0xFFFFFF20]  }
0x44d: {  	v8 =	vmul.bf16 v8, v8;
	v12 =	vsub.bf16 v12, v15;
	v9 =	vadd.bf16 v9, v10;
	v10 =	vld [tilespmem:s25+$0xFFFFFF30]  }
0x44e: {  	v15 =	vunpack.i.u.bf16.f32 v6;
	v6 =	vunpack.i.l.bf16.f32 v6;
	v17 =	vld [tilespmem:s12+$0xFFFFFF30]  }
0x44f: {  	v6 =	vadd.f32 v6, v15;
	v12 =	vmul.bf16 v12, v12;
	v7 =	vsub.bf16 v14, v7;
	v14 =	vld [tilespmem:s25+$0xFFFFFF40]  }
0x450: {  	v15 =	vld [tilespmem:s12+$0xFFFFFF40]  }
0x451: {  	v8 =	vadd.bf16 v12, v8;
	v7 =	vmul.bf16 v7, v7;
	v11 =	vsub.bf16 v11, v16;
	v12 =	vld [tilespmem:s25+$0xFFFFFF50]  }
0x452: {  	[tilespmem:v13+s0+$0x0] =	vst.idx.msk $0xffff, v6;
	v6 =	vld [tilespmem:s12+$0xFFFFFF50]  }
0x453: {  	s6 =	sadd.s32 $0x3, s4;
	v8 =	vadd.bf16 v8, v9;
	v9 =	vmul.bf16 v11, v11;
	v10 =	vsub.bf16 v10, v17;
	v11 =	vld [tilespmem:s25+$0xFFFFFF60]  }
0x454: {  	v13 =	vadd.s32 s6, v0;
	v16 =	vld [tilespmem:s12+$0xFFFFFF60]  }
0x455: {  	v10 =	vmul.bf16 v10, v10;
	v14 =	vsub.bf16 v14, v15;
	v7 =	vadd.bf16 v9, v7;
	v9 =	vld [tilespmem:s25+$0xFFFFFF70]  }
0x456: {  	v15 =	vunpack.i.u.bf16.f32 v8;
	v8 =	vunpack.i.l.bf16.f32 v8;
	v17 =	vld [tilespmem:s12+$0xFFFFFF70]  }
0x457: {  	v8 =	vadd.f32 v8, v15;
	v14 =	vmul.bf16 v14, v14;
	v6 =	vsub.bf16 v12, v6;
	v12 =	vld [tilespmem:s25+$0xFFFFFF80]  }
0x458: {  	v15 =	vld [tilespmem:s12+$0xFFFFFF80]  }
0x459: {  	v10 =	vadd.bf16 v14, v10;
	v6 =	vmul.bf16 v6, v6;
	v11 =	vsub.bf16 v11, v16;
	v14 =	vld [tilespmem:s25+$0xFFFFFF90]  }
0x45a: {  	[tilespmem:v13+s0+$0x0] =	vst.idx.msk $0xffff, v8;
	v8 =	vld [tilespmem:s12+$0xFFFFFF90]  }
0x45b: {  	s6 =	sadd.s32 $0x4, s4;
	v7 =	vadd.bf16 v10, v7;
	v10 =	vmul.bf16 v11, v11;
	v9 =	vsub.bf16 v9, v17;
	v11 =	vld [tilespmem:s25+$0xFFFFFFA0]  }
0x45c: {  	v13 =	vadd.s32 s6, v0;
	v16 =	vld [tilespmem:s12+$0xFFFFFFA0]  }
0x45d: {  	v9 =	vmul.bf16 v9, v9;
	v12 =	vsub.bf16 v12, v15;
	v10 =	vadd.bf16 v10, v6;
	v15 =	vld [tilespmem:s25+$0xFFFFFFB0]  }
0x45e: {  	v6 =	vunpack.i.u.bf16.f32 v7;
	v7 =	vunpack.i.l.bf16.f32 v7;
	v17 =	vld [tilespmem:s12+$0xFFFFFFB0]  }
0x45f: {  	v7 =	vadd.f32 v7, v6;
	v6 =	vmul.bf16 v12, v12;
	v8 =	vsub.bf16 v14, v8;
	v12 =	vld [tilespmem:s25+$0xFFFFFFC0]  }
0x460: {  	v14 =	vld [tilespmem:s12+$0xFFFFFFC0]  }
0x461: {  	v18 =	vld [tilespmem:s25+$0xFFFFFE10];
	v9 =	vadd.bf16 v6, v9;
	v19 =	vmul.bf16 v8, v8;
	v8 =	vsub.bf16 v11, v16;
	s25 =	sadd.s32 $0x200, s25  }
0x462: {  	s12 =	sadd.s32 $0x200, s12;
	v6 =	vld [tilespmem:s25+$0xFFFFFFD0];
	[tilespmem:v13+s0+$0x0] =	vst.idx.msk $0xffff, v7  }
0x463: {  	s6 =	sadd.s32 $0x5, s4;
	v7 =	vld [tilespmem:s12+$0xFFFFFFD0];
	v11 =	vadd.bf16 v9, v10;
	v10 =	vmul.bf16 v8, v8;
	v13 =	vsub.bf16 v15, v17  }
0x464: {  	v16 =	vadd.s32 s6, v0;
	v8 =	vld [tilespmem:s25+$0xFFFFFFE0]  }
.Ltmp3:
0x465: {  	v9 =	vld [tilespmem:s12+$0xFFFFFFE0];
	v17 =	vmul.bf16 v13, v13;
	v12 =	vsub.bf16 v12, v14;
	v14 =	vadd.bf16 v10, v19;
	(pc) =	sbr.rel @p1 .LBB2_9-.Ltmp3, $4  }
0x466: {  	v13 =	vunpack.i.u.bf16.f32 v11;
	v15 =	vunpack.i.l.bf16.f32 v11;
	v10 =	vld [tilespmem:s25+$0xFFFFFFF0];
	v5 =	vsub.bf16 v18, v5  }
0x467: {  	v18 =	vadd.f32 v15, v13;
	v11 =	vld [tilespmem:s12+$0xFFFFFFF0];
	v19 =	vmul.bf16 v12, v12  }
0x468: {  	v12 =	vld [tilespmem:s25+$0x0];
	v15 =	vmul.bf16 v5, v5  }
0x469: {  	s5 =	sadd.s32 $0x8, s5;
	v13 =	vld [tilespmem:s12+$0x0];
	[tilespmem:v16+s0+$0x0] =	vst.idx.msk $0xffff, v18;
	v16 =	vadd.bf16 v19, v17  }
0x46a: {  	v5 =	vld [tilespmem:s12+$0xFFFFFE10]  }
0x46b: {  	v17 =	vld [tilespmem:s25+$0xFFFFFE20]  }
0x46c: {  	v18 =	vld [tilespmem:s12+$0xFFFFFE20]  }
0x46d: {  	v19 =	vld [tilespmem:s25+$0xFFFFFE30]  }
0x46e: {  	v20 =	vld [tilespmem:s12+$0xFFFFFE30]  }
0x46f: {  	v21 =	vld [tilespmem:s25+$0xFFFFFE40]  }
0x470: {  	v22 =	vld [tilespmem:s12+$0xFFFFFE40]  }
0x471: {  	v23 =	vld [tilespmem:s25+$0xFFFFFE50]  }
0x472: {  	v24 =	vld [tilespmem:s12+$0xFFFFFE50]  }
0x473: {  	v25 =	vld [tilespmem:s25+$0xFFFFFE60]  }
0x474: {  	v26 =	vld [tilespmem:s12+$0xFFFFFE60]  }
0x475: {  	v27 =	vld [tilespmem:s25+$0xFFFFFE70]  }
0x476: {  	v28 =	vld [tilespmem:s12+$0xFFFFFE70]  }
0x477: {  	v29 =	vld [tilespmem:s25+$0xFFFFFE80]  }
0x478: {  	v30 =	vld [tilespmem:s12+$0xFFFFFE80]  }
0x479: {  	v31 =	vld [tilespmem:s25+$0xFFFFFE90]  }
0x47a: {  	v32 =	vld [tilespmem:s12+$0xFFFFFE90]  }
0x47b: {  	v33 =	vld [tilespmem:s25+$0xFFFFFEA0]  }
0x47c: {  	v34 =	vld [tilespmem:s12+$0xFFFFFEA0]  }
0x47d: {  	v35 =	vld [tilespmem:s25+$0xFFFFFEB0]  }
0x47e: {  	v36 =	vld [tilespmem:s12+$0xFFFFFEB0]  }
0x47f: {  	v37 =	vld [tilespmem:s25+$0xFFFFFEC0]  }
0x480: {  	v4 =	vadd.bf16 v4, v15;
	v15 =	vld [tilespmem:s12+$0xFFFFFEC0]  }
0x481: {  	v38 =	vld [tilespmem:s25+$0xFFFFFED0]  }
0x482: {  	v62 =	vsub.bf16 v8, v9;
	v8 =	vld [tilespmem:s25+$0xFFFFFEE0]  }
0x483: {  	v39 =	vld [tilespmem:s12+$0xFFFFFEF0]  }
0x484: {  	v46 =	vld [tilespmem:s12+$0xFFFFFF00]  }
0x485: {  	v6 =	vsub.bf16 v6, v7;
	v54 =	vld [tilespmem:s12+$0xFFFFFF20]  }
0x486: {  	v63 =	vadd.s32 s4, v0;
	v57 =	vld [tilespmem:s12+$0xFFFFFF30];
	v14 =	vadd.bf16 v16, v14  }
0x487: {  	v59 =	vld [tilespmem:s25+$0xFFFFFF40];
	v3 =	vadd.bf16 v3, v4;
	v6 =	vmul.bf16 v6, v6;
	v7 =	vmul.bf16 v62, v62  }
0x488: {  	v61 =	vld [tilespmem:s12+$0xFFFFFF40];
	v10 =	vsub.bf16 v10, v11;
	v40 =	vunpack.i.u.bf16.f32 v14;
	v14 =	vunpack.i.l.bf16.f32 v14  }
0x489: {  	v42 =	vld [tilespmem:s25+$0xFFFFFF60];
	v43 =	vsub.bf16 v12, v13;
	v44 =	vunpack.i.u.bf16.f32 v3;
	v6 =	vadd.bf16 v7, v6  }
0x48a: {  	v16 =	vld [tilespmem:s25+$0xFFFFFEF0];
	v3 =	vunpack.i.l.bf16.f32 v3;
	v14 =	vadd.f32 v14, v40;
	v17 =	vsub.bf16 v17, v18  }
0x48b: {  	v9 =	vand.u32 $0xFF8, v63;
	v63 =	vld [tilespmem:s25+$0xFFFFFF50];
	v3 =	vadd.f32 v3, v44;
	v47 =	vsub.bf16 v19, v20  }
0x48c: {  	v4 =	vld [tilespmem:s12+$0xFFFFFED0];
	v9 =	vor.u32 v1, v9;
	v48 =	vsub.bf16 v21, v22;
	v49 =	vsub.bf16 v23, v24  }
0x48d: {  	s6 =	sadd.s32 $0x6, s4;
	v12 =	vld [tilespmem:s12+$0xFFFFFEE0];
	v10 =	vmul.bf16 v10, v10;
	v50 =	vsub.bf16 v25, v26;
	v52 =	vsub.bf16 v27, v28  }
0x48e: {  	v13 =	vld [tilespmem:s25+$0xFFFFFF00];
	v20 =	vadd.s32 s6, v0;
	v53 =	vsub.bf16 v29, v30;
	v58 =	vsub.bf16 v31, v32  }
0x48f: {  	v40 =	vld [tilespmem:s12+$0xFFFFFF50];
	v60 =	vsub.bf16 v33, v34;
	v62 =	vsub.bf16 v35, v36;
	v11 =	vmul.bf16 v43, v43  }
0x490: {  	s5 =	sadd.s32 $0x7, s31;
	v18 =	vld [tilespmem:s25+$0xFFFFFF10];
	v15 =	vsub.bf16 v37, v15;
	v21 =	vmul.bf16 v49, v49;
	v22 =	vmul.bf16 v50, v50  }
0x491: {  	v19 =	vld [tilespmem:s12+$0xFFFFFF10];
	v33 =	vadd.s32 s5, v0;
	v55 =	vmul.bf16 v52, v52;
	v56 =	vmul.bf16 v53, v53  }
0x492: {  	v23 =	vld [tilespmem:s25+$0xFFFFFF20];
	s6 =	sadd.s32 $0x1, s31;
	v16 =	vsub.bf16 v16, v39;
	v7 =	vmul.bf16 v48, v48;
	v17 =	vmul.bf16 v17, v17  }
0x493: {  	v28 =	vld [tilespmem:s25+$0xFFFFFF30];
	v34 =	vadd.s32 s6, v0;
	v36 =	vmul.bf16 v58, v58;
	v41 =	vmul.bf16 v62, v62  }
0x494: {  	v43 =	vld [tilespmem:s12+$0xFFFFFF60];
	v15 =	vmul.bf16 v15, v15;
	v4 =	vsub.bf16 v38, v4;
	v45 =	vadd.bf16 v11, v10  }
0x495: {  	s6 =	sadd.s32 $0x3, s31;
	v39 =	vld [tilespmem:s25+$0xFFFFFE10];
	v37 =	vmul.bf16 v60, v60;
	v21 =	vadd.bf16 v22, v21;
	v24 =	vadd.bf16 v56, v55  }
0x496: {  	v49 =	vld [tilespmem:s12+$0xFFFFFF80];
	v35 =	vadd.s32 s6, v0;
	v15 =	vadd.bf16 v15, v41;
	v8 =	vsub.bf16 v8, v12  }
0x497: {  	v11 =	vmul.bf16 v47, v47;
	v47 =	vld [tilespmem:s25+$0xFFFFFF80];
	v10 =	vsub.bf16 v13, v46;
	v55 =	vsub.bf16 v59, v61  }
0x498: {  	v48 =	vmul.bf16 v16, v16;
	v46 =	vld [tilespmem:s12+$0xFFFFFF70];
	v62 =	vsub.bf16 v63, v40;
	v6 =	vadd.bf16 v45, v6  }
0x499: {  	s5 =	sadd.s32 $0x2, s31;
	v4 =	vmul.bf16 v4, v4;
	v63 =	vld [tilespmem:s12+$0xFFFFFFB0];
	v7 =	vadd.bf16 v7, v11;
	v11 =	vadd.bf16 v37, v36  }
0x49a: {  	v61 =	vadd.s32 s5, v0;
	v40 =	vld [tilespmem:s12+$0xFFFFFFC0];
	v50 =	vsub.bf16 v18, v19;
	v53 =	vsub.bf16 v23, v54  }
0x49b: {  	v54 =	vld [tilespmem:s12+$0xFFFFFF90];
	v26 =	vsub.bf16 v28, v57;
	v21 =	vadd.bf16 v24, v21;
	v8 =	vmul.bf16 v8, v8  }
0x49c: {  	v57 =	vld [tilespmem:s12+$0xFFFFFFA0];
	s12 =	sadd.s32 $0x4, s31;
	v10 =	vmul.bf16 v10, v10;
	v59 =	vmul.bf16 v55, v55;
	v22 =	vsub.bf16 v42, v43  }
0x49d: {  	v43 =	vadd.s32 s12, v0;
	v5 =	vsub.bf16 v39, v5;
	v51 =	vunpack.i.u.bf16.f32 v6  }
0x49e: {  	v60 =	vld [tilespmem:s25+$0xFFFFFFB0];
	v6 =	vunpack.i.l.bf16.f32 v6;
	v11 =	vadd.bf16 v15, v11;
	v15 =	vmul.bf16 v53, v53  }
0x49f: {  	v56 =	vld [tilespmem:s25+$0xFFFFFFA0];
	v58 =	vmul.bf16 v26, v26;
	v6 =	vadd.f32 v6, v51;
	v44 =	vunpack.i.u.bf16.f32 v21  }
0x4a0: {  	v45 =	vld [tilespmem:s25+$0xFFFFFF70];
	v21 =	vunpack.i.l.bf16.f32 v21;
	v4 =	vadd.bf16 v8, v4;
	v10 =	vadd.bf16 v10, v48  }
0x4a1: {  	v36 =	vld [tilespmem:s25+$0xFFFFFFC0];
	v8 =	vmul.bf16 v50, v50;
	v38 =	vsub.bf16 v47, v49;
	v22 =	vmul.bf16 v22, v22  }
0x4a2: {  	v21 =	vadd.f32 v21, v44;
	v52 =	vunpack.i.u.bf16.f32 v11;
	v11 =	vunpack.i.l.bf16.f32 v11  }
0x4a3: {  	v51 =	vld [tilespmem:s25+$0xFFFFFF90];
	v5 =	vmul.bf16 v5, v5;
	s25 =	sadd.s32 $0x5, s31;
	v47 =	vsub.bf16 v60, v63;
	v11 =	vadd.f32 v11, v52  }
0x4a4: {  	v50 =	vadd.s32 s25, v0;
	v4 =	vadd.bf16 v10, v4;
	v8 =	vadd.bf16 v15, v8  }
0x4a5: {  	v10 =	vadd.bf16 v59, v58;
	v12 =	vsub.bf16 v45, v46;
	v15 =	vmul.bf16 v62, v62  }
0x4a6: {  	v42 =	vmul.bf16 v38, v38;
	v45 =	vsub.bf16 v56, v57;
	v48 =	vsub.bf16 v36, v40  }
0x4a7: {  	v5 =	vadd.bf16 v17, v5;
	v37 =	vunpack.i.u.bf16.f32 v4;
	v4 =	vunpack.i.l.bf16.f32 v4  }
0x4a8: {  	v8 =	vadd.bf16 v10, v8;
	v41 =	vmul.bf16 v12, v12;
	v15 =	vadd.bf16 v22, v15  }
0x4a9: {  	v12 =	vmul.bf16 v47, v47;
	v49 =	vmul.bf16 v48, v48;
	v18 =	vsub.bf16 v51, v54  }
0x4aa: {  	[tilespmem:v9+s0+$0x0] =	vst.idx.msk $0xffff, v3;
	v5 =	vadd.bf16 v7, v5;
	v51 =	vadd.s32 s31, v0;
	v44 =	vunpack.i.u.bf16.f32 v8  }
0x4ab: {  	[tilespmem:v20+s0+$0x0] =	vst.idx.msk $0xffff, v14;
	v3 =	vunpack.i.l.bf16.f32 v8;
	v8 =	vmul.bf16 v45, v45;
	v46 =	vmul.bf16 v18, v18  }
0x4ac: {  	[tilespmem:v33+s0+$0x0] =	vst.idx.msk $0xffff, v6;
	v4 =	vadd.f32 v4, v37;
	v10 =	vadd.bf16 v42, v41;
	v54 =	vand.u32 $0xFF8, v51  }
0x4ad: {  	s31 =	sadd.s32 $0x6, s31;
	v53 =	vadd.bf16 v49, v12;
	v56 =	vor.u32 v1, v54;
	v52 =	vadd.bf16 v8, v46  }
0x4ae: {  	[tilespmem:v34+s0+$0x0] =	vst.idx.msk $0xffff, v21;
	v58 =	vadd.s32 s31, v0;
	v60 =	vunpack.i.u.bf16.f32 v5;
	v10 =	vadd.bf16 v10, v15  }
0x4af: {  	[tilespmem:v61+s0+$0x0] =	vst.idx.msk $0xffff, v11;
	v5 =	vunpack.i.l.bf16.f32 v5;
	v3 =	vadd.f32 v3, v44;
	v6 =	vadd.bf16 v53, v52  }
0x4b0: {  	[tilespmem:v35+s0+$0x0] =	vst.idx.msk $0xffff, v4;
	v5 =	vadd.f32 v5, v60;
	v55 =	vunpack.i.u.bf16.f32 v10;
	v57 =	vunpack.i.l.bf16.f32 v10  }
0x4b1: {  	[tilespmem:v43+s0+$0x0] =	vst.idx.msk $0xffff, v3;
	v59 =	vadd.f32 v57, v55;
	v3 =	vunpack.i.u.bf16.f32 v6;
	v6 =	vunpack.i.l.bf16.f32 v6  }
0x4b2: {  	[tilespmem:v56+s0+$0x0] =	vst.idx.msk $0xffff, v5;
	v3 =	vadd.f32 v6, v3  }
0x4b3: {  	[tilespmem:v50+s0+$0x0] =	vst.idx.msk $0xffff, v59  }
0x4b4: {  	[tilespmem:v58+s0+$0x0] =	vst.idx.msk $0xffff, v3  }
0x4b5: {  	v3 =	vld [tilespmem:$0x11530]  }
0x4b6: {  	v4 =	vld [tilespmem:$0x11581]  }
0x4b7: {  	v5 =	vld [tilespmem:$0x115D2]  }
0x4b8: {  	v61 =	vld [tilespmem:$0x11623]  }
0x4b9: {  	v7 =	vld [tilespmem:$0x11674]  }
0x4ba: {  	v8 =	vld [tilespmem:$0x116C5]  }
0x4bb: {  	v9 =	vld [tilespmem:$0x11716]  }
0x4bc: {  	v62 =	vld [tilespmem:$0x11767]  }
0x4bd: {  	v11 =	vld [tilespmem:$0x117B8]  }
0x4be: {  	v63 =	vld [tilespmem:$0x11809]  }
0x4bf: {  	v13 =	vld [tilespmem:$0x1185A]  }
0x4c0: {  	v14 =	vld [tilespmem:$0x118AB]  }
0x4c1: {  	v56 =	vld [tilespmem:$0x118FC]  }
0x4c2: {  	v57 =	vld [tilespmem:$0x1194D]  }
0x4c3: {  	v58 =	vld [tilespmem:$0x1199E]  }
0x4c4: {  	v59 =	vld [tilespmem:$0x119EF]  }
0x4c5: {  	v19 =	vld [tilespmem:$0x11540]  }
0x4c6: {  	v20 =	vld [tilespmem:$0x11591]  }
0x4c7: {  	v21 =	vld [tilespmem:$0x115E2]  }
0x4c8: {  	v22 =	vld [tilespmem:$0x11633]  }
0x4c9: {  	v23 =	vld [tilespmem:$0x11684]  }
0x4ca: {  	v24 =	vld [tilespmem:$0x116D5]  }
0x4cb: {  	v25 =	vld [tilespmem:$0x11726]  }
0x4cc: {  	v26 =	vld [tilespmem:$0x11777]  }
0x4cd: {  	v27 =	vld [tilespmem:$0x117C8]  }
0x4ce: {  	v28 =	vld [tilespmem:$0x11819]  }
0x4cf: {  	v29 =	vld [tilespmem:$0x1186A]  }
0x4d0: {  	v30 =	vld [tilespmem:$0x118BB]  }
0x4d1: {  	v31 =	vld [tilespmem:$0x1190C]  }
0x4d2: {  	v32 =	vld [tilespmem:$0x1195D]  }
0x4d3: {  	v33 =	vld [tilespmem:$0x119AE]  }
0x4d4: {  	v34 =	vld [tilespmem:$0x119FF]  }
0x4d5: {  	v35 =	vld [tilespmem:$0x11550]  }
0x4d6: {  	v36 =	vld [tilespmem:$0x115A1]  }
0x4d7: {  	v37 =	vld [tilespmem:$0x115F2]  }
0x4d8: {  	v38 =	vld [tilespmem:$0x11643]  }
0x4d9: {  	v39 =	vld [tilespmem:$0x11694]  }
0x4da: {  	v40 =	vld [tilespmem:$0x116E5]  }
0x4db: {  	v41 =	vld [tilespmem:$0x11736]  }
0x4dc: {  	v42 =	vld [tilespmem:$0x11787]  }
0x4dd: {  	v43 =	vld [tilespmem:$0x117D8]  }
0x4de: {  	v44 =	vld [tilespmem:$0x11829]  }
0x4df: {  	v45 =	vld [tilespmem:$0x1187A]  }
0x4e0: {  	v46 =	vld [tilespmem:$0x118CB]  }
0x4e1: {  	v47 =	vld [tilespmem:$0x1191C]  }
0x4e2: {  	v48 =	vld [tilespmem:$0x1196D]  }
0x4e3: {  	v49 =	vld [tilespmem:$0x119BE]  }
0x4e4: {  	v50 =	vld [tilespmem:$0x11A0F]  }
0x4e5: {  	v51 =	vld [tilespmem:$0x11560]  }
0x4e6: {  	v52 =	vld [tilespmem:$0x115B1]  }
0x4e7: {  	v53 =	vld [tilespmem:$0x11602]  }
0x4e8: {  	v6 =	vld [tilespmem:$0x11797]  }
0x4e9: {  	v10 =	vld [tilespmem:$0x117E8];
	v3 =	vadd.f32 v4, v3  }
0x4ea: {  	v12 =	vld [tilespmem:$0x11839];
	v60 =	vadd.f32 v61, v5;
	v61 =	vadd.f32 v8, v7  }
0x4eb: {  	v15 =	vld [tilespmem:$0x118DB];
	v62 =	vadd.f32 v62, v9;
	v63 =	vadd.f32 v63, v11  }
0x4ec: {  	v18 =	vld [tilespmem:$0x1192C];
	v54 =	vadd.f32 v14, v13;
	v55 =	vadd.f32 v57, v56  }
0x4ed: {  	v16 =	vld [tilespmem:$0x11A1F];
	v56 =	vadd.f32 v59, v58;
	v28 =	vadd.f32 v28, v27  }
0x4ee: {  	v5 =	vld [tilespmem:$0x11653];
	v30 =	vadd.f32 v30, v29;
	v32 =	vadd.f32 v32, v31  }
0x4ef: {  	v8 =	vld [tilespmem:$0x116A4];
	v34 =	vadd.f32 v34, v33;
	v10 =	vadd.f32 v12, v10  }
0x4f0: {  	v11 =	vld [tilespmem:$0x116F5];
	v3 =	vadd.f32 v60, v3;
	v57 =	vadd.f32 v62, v61  }
0x4f1: {  	v14 =	vld [tilespmem:$0x11746];
	v58 =	vadd.f32 v54, v63;
	v59 =	vadd.f32 v56, v55  }
0x4f2: {  	v7 =	vld [tilespmem:$0x1188A];
	v60 =	vadd.f32 v20, v19;
	v61 =	vadd.f32 v22, v21  }
0x4f3: {  	v62 =	vadd.f32 v24, v23;
	v63 =	vadd.f32 v26, v25;
	v21 =	vld [tilespmem:$0x1197D]  }
0x4f4: {  	v24 =	vld [tilespmem:$0x119CE];
	v17 =	vadd.f32 v30, v28;
	v19 =	vadd.f32 v34, v32  }
0x4f5: {  	v20 =	vld [tilespmem:$0x11570];
	v54 =	vadd.f32 v36, v35;
	v55 =	vadd.f32 v38, v37  }
0x4f6: {  	v25 =	vld [tilespmem:$0x115C1];
	v56 =	vadd.f32 v40, v39;
	v3 =	vadd.f32 v57, v3  }
0x4f7: {  	v28 =	vld [tilespmem:$0x11612];
	v4 =	vadd.f32 v59, v58;
	v9 =	vadd.f32 v61, v60  }
0x4f8: {  	v37 =	vld [tilespmem:$0x11705];
	v13 =	vadd.f32 v63, v62;
	v57 =	vadd.f32 v42, v41  }
0x4f9: {  	v40 =	vld [tilespmem:$0x11756];
	v58 =	vadd.f32 v44, v43;
	v59 =	vadd.f32 v46, v45  }
0x4fa: {  	v60 =	vld [tilespmem:$0x11663];
	v61 =	vadd.f32 v48, v47;
	v62 =	vadd.f32 v50, v49  }
0x4fb: {  	v63 =	vld [tilespmem:$0x116B4];
	v22 =	vadd.f32 v55, v54;
	v41 =	vadd.f32 v19, v17  }
0x4fc: {  	v42 =	vld [tilespmem:$0x117A7];
	v49 =	vadd.f32 v52, v51;
	v5 =	vadd.f32 v5, v53  }
0x4fd: {  	v45 =	vld [tilespmem:$0x117F8];
	v8 =	vadd.f32 v11, v8;
	v6 =	vadd.f32 v6, v14  }
0x4fe: {  	v46 =	vld [tilespmem:$0x11849];
	v7 =	vadd.f32 v15, v7;
	v36 =	vadd.f32 v57, v56  }
0x4ff: {  	v48 =	vld [tilespmem:$0x1189A];
	v38 =	vadd.f32 v59, v58;
	v39 =	vadd.f32 v62, v61  }
0x500: {  	v50 =	vld [tilespmem:$0x118EB];
	v9 =	vadd.f32 v13, v9;
	v3 =	vadd.f32 v4, v3  }
0x501: {  	v51 =	vld [tilespmem:$0x1193C];
	v53 =	vadd.f32 v21, v18;
	v54 =	vadd.f32 v16, v24  }
0x502: {  	v52 =	vld [tilespmem:$0x1198D];
	v5 =	vadd.f32 v5, v49;
	v6 =	vadd.f32 v6, v8  }
0x503: {  	v55 =	vld [tilespmem:$0x119DE];
	v7 =	vadd.f32 v7, v10;
	v58 =	vadd.f32 v25, v20  }
0x504: {  	v56 =	vld [tilespmem:$0x11A2F];
	v43 =	vadd.f32 v36, v22;
	v44 =	vadd.f32 v39, v38  }
0x505: {  	v9 =	vadd.f32 v41, v9;
	v57 =	vadd.f32 v54, v53  }
0x506: {  	v59 =	vadd.f32 v60, v28;
	v60 =	vadd.f32 v37, v63  }
0x507: {  	v17 =	vadd.f32 v42, v40;
	v4 =	vadd.f32 v46, v45  }
0x508: {  	v19 =	vadd.f32 v50, v48;
	v11 =	vadd.f32 v52, v51  }
0x509: {  	v5 =	vadd.f32 v6, v5;
	v8 =	vadd.f32 v56, v55  }
0x50a: {  	v61 =	vadd.f32 v59, v58;
	v62 =	vadd.f32 v17, v60  }
0x50b: {  	v4 =	vadd.f32 v19, v4;
	v8 =	vadd.f32 v8, v11  }
0x50c: {  	v47 =	vadd.f32 v44, v43;
	v63 =	vadd.f32 v57, v7  }
.Ltmp4:
0x50d: {  	[tilespmem:s29+$0xEF10] =	vst v3;
	v3 =	vadd.f32 v62, v61;
	v4 =	vadd.f32 v8, v4;
	(pc) =	sbr.rel @p0 .LBB2_12-.Ltmp4, $4  }
0x50e: {  	[tilespmem:s29+$0xEF20] =	vst v9;
	v5 =	vadd.f32 v63, v5  }
0x50f: {  	[tilespmem:s29+$0xEF30] =	vst v47;
	v3 =	vadd.f32 v4, v3  }
0x510: {  	[tilespmem:s29+$0xEF40] =	vst v5  }
0x511: {  	[tilespmem:s29+$0xEF50] =	vst v3  }
.Ltmp5:
0x512: {  	(pc) =	sbr.rel .LBB2_2-.Ltmp5, $4  }
0x513: {  	s4 =	sadd.s32 $0x230, s29  }
0x514: {  	[tilespmem:s30], [sflag:$0x7] =	stream.indirect.gather [spmem:s2], $0x40, s4, s18, $0xb8;
	[tilespmem:$0x1B690] =	vst v63  }
0x515: {  	s31 =	sadd.s32 $0x2940, s29;
	s28 =	sadd.s32 $0x1, s28  }
0x516: {  	[tilespmem:s1], [sflag:$0x8] =	stream.indirect.gather [spmem:s2], $0x40, s31, s18, $0xb8;
	[tilespmem:$0x1B690] =	vst v63  }
.LBB2_12:
0x517: {  	_ =	swait.ge [sflag:s15], $0x1400  }
0x518: {  	[sflag:s15] =	ssyncset.done $0x0  }
0x519: {  	[sflag:s15] =	ssyncadd.s32 $0xFFFFEC00  }
0x51a: {  	_ =	swait.ge [sflag:s16], $0x1400  }
0x51b: {  	[sflag:s16] =	ssyncset.done $0x0  }
0x51c: {  	s4 =	simm.s32 $0x4F20;
	[sflag:s16] =	ssyncadd.s32 $0xFFFFEC00  }
0x51d: {  	s5 =	simm.s32 $0x9F20;
	v4 =	vld [tilespmem:s4+$0xC0]  }
0x51e: {  	v5 =	vld [tilespmem:s5+$0xC0]  }
0x51f: {  	v6 =	vld [tilespmem:s4+$0xD0]  }
0x520: {  	v7 =	vld [tilespmem:s5+$0xD0]  }
0x521: {  	v8 =	vld [tilespmem:s4+$0xE0]  }
0x522: {  	v9 =	vld [tilespmem:s5+$0xE0]  }
0x523: {  	v10 =	vld [tilespmem:s4+$0xF0]  }
0x524: {  	v11 =	vld [tilespmem:s5+$0xF0]  }
0x525: {  	v3 =	vld [tilespmem:s5+$0xFFFFFF00]  }
0x526: {  	v12 =	vld [tilespmem:s4+$0xFFFFFF10]  }
0x527: {  	v13 =	vld [tilespmem:s5+$0xFFFFFF10]  }
0x528: {  	v14 =	vld [tilespmem:s4+$0xFFFFFF20]  }
0x529: {  	v15 =	vld [tilespmem:s5+$0xFFFFFF20]  }
0x52a: {  	v16 =	vld [tilespmem:s4+$0xFFFFFF30]  }
0x52b: {  	v17 =	vld [tilespmem:s5+$0xFFFFFF30]  }
0x52c: {  	v18 =	vld [tilespmem:s4+$0xFFFFFF40]  }
0x52d: {  	v19 =	vld [tilespmem:s5+$0xFFFFFF40]  }
0x52e: {  	v20 =	vld [tilespmem:s4+$0xFFFFFF50]  }
0x52f: {  	v21 =	vld [tilespmem:s5+$0xFFFFFF50]  }
0x530: {  	v22 =	vld [tilespmem:s4+$0xFFFFFF60]  }
0x531: {  	v23 =	vld [tilespmem:s5+$0xFFFFFF60]  }
0x532: {  	v24 =	vld [tilespmem:s4+$0xFFFFFF70]  }
0x533: {  	v25 =	vld [tilespmem:s5+$0xFFFFFF70]  }
0x534: {  	v26 =	vld [tilespmem:s4+$0xFFFFFF80]  }
0x535: {  	v27 =	vld [tilespmem:s5+$0xFFFFFF80]  }
0x536: {  	v28 =	vld [tilespmem:s4+$0xFFFFFF90]  }
0x537: {  	v29 =	vld [tilespmem:s5+$0xFFFFFF90]  }
0x538: {  	v30 =	vld [tilespmem:s4+$0xFFFFFFA0]  }
0x539: {  	v31 =	vld [tilespmem:s5+$0xFFFFFFA0]  }
0x53a: {  	v32 =	vld [tilespmem:s4+$0xFFFFFFB0]  }
0x53b: {  	v33 =	vld [tilespmem:s5+$0xFFFFFFB0]  }
0x53c: {  	v34 =	vld [tilespmem:s5+$0xFFFFFFD0]  }
0x53d: {  	v36 =	vld [tilespmem:s5+$0xFFFFFFF0]  }
0x53e: {  	v41 =	vld [tilespmem:s4+$0x20]  }
0x53f: {  	v43 =	vld [tilespmem:s5+$0x20]  }
0x540: {  	v37 =	vld [tilespmem:s4+$0x10];
	v4 =	vsub.bf16 v4, v5  }
0x541: {  	s6 =	simm.s32 $0x7;
	v38 =	vld [tilespmem:s5+$0x10];
	v5 =	vsub.bf16 v6, v7;
	v7 =	vsub.bf16 v8, v9  }
0x542: {  	v47 =	vadd.s32 s6, v0;
	v6 =	vld [tilespmem:s4+$0xFFFFFFC0];
	v8 =	vsub.bf16 v10, v11;
	v16 =	vsub.bf16 v16, v17  }
0x543: {  	v9 =	vld [tilespmem:s5+$0xFFFFFFC0];
	v40 =	vsub.bf16 v30, v31;
	v42 =	vsub.bf16 v32, v33;
	v10 =	vmul.bf16 v4, v4  }
0x544: {  	v11 =	vld [tilespmem:s4+$0xFFFFFFD0];
	v50 =	vsub.bf16 v41, v43;
	v5 =	vmul.bf16 v5, v5;
	v7 =	vmul.bf16 v7, v7  }
0x545: {  	s31 =	simm.s32 $0x1;
	v44 =	vld [tilespmem:s4+$0x30];
	v8 =	vmul.bf16 v8, v8;
	v4 =	vsub.bf16 v12, v13;
	v13 =	vsub.bf16 v18, v19  }
0x546: {  	s25 =	simm.s32 $0x3;
	v53 =	vadd.s32 s31, v0;
	v12 =	vld [tilespmem:s5+$0xFFFFFFE0];
	v18 =	vsub.bf16 v22, v23;
	v19 =	vsub.bf16 v24, v25  }
0x547: {  	v55 =	vadd.s32 s25, v0;
	v5 =	vadd.bf16 v5, v10;
	v10 =	vld [tilespmem:s4+$0xFFFFFFE0];
	v7 =	vadd.bf16 v8, v7  }
0x548: {  	v8 =	vsub.bf16 v14, v15;
	v14 =	vsub.bf16 v20, v21;
	v15 =	vld [tilespmem:s4+$0xFFFFFFF0];
	v17 =	vmul.bf16 v18, v18  }
0x549: {  	v18 =	vmul.bf16 v19, v19;
	v19 =	vld [tilespmem:s5+$0x0];
	v6 =	vsub.bf16 v6, v9;
	v11 =	vsub.bf16 v11, v34  }
0x54a: {  	v9 =	vld [tilespmem:s5+$0x30];
	v5 =	vadd.bf16 v7, v5;
	v7 =	vmul.bf16 v13, v13;
	v13 =	vmul.bf16 v14, v14  }
0x54b: {  	v14 =	vld [tilespmem:s4+$0x0];
	v17 =	vadd.bf16 v18, v17;
	v18 =	vsub.bf16 v28, v29;
	v6 =	vmul.bf16 v6, v6  }
0x54c: {  	v46 =	vld [tilespmem:s4+$0x40];
	v11 =	vmul.bf16 v11, v11;
	v7 =	vadd.bf16 v13, v7;
	v13 =	vsub.bf16 v26, v27  }
0x54d: {  	v48 =	vld [tilespmem:s5+$0x60];
	v24 =	vmul.bf16 v50, v50;
	v18 =	vmul.bf16 v18, v18;
	v10 =	vsub.bf16 v10, v12  }
0x54e: {  	v51 =	vld [tilespmem:s4+$0x70];
	v15 =	vsub.bf16 v15, v36;
	v6 =	vadd.bf16 v11, v6;
	v13 =	vmul.bf16 v13, v13  }
0x54f: {  	v52 =	vld [tilespmem:s4+$0x80];
	v7 =	vadd.bf16 v17, v7;
	v17 =	vmul.bf16 v40, v40;
	v9 =	vsub.bf16 v44, v9  }
0x550: {  	v11 =	vld [tilespmem:s4+$0x60];
	v10 =	vmul.bf16 v10, v10;
	v15 =	vmul.bf16 v15, v15;
	v14 =	vsub.bf16 v14, v19  }
0x551: {  	v54 =	vld [tilespmem:s4+$0x90];
	v19 =	vsub.bf16 v37, v38;
	v13 =	vadd.bf16 v18, v13;
	v18 =	vmul.bf16 v42, v42  }
0x552: {  	v39 =	vunpack.i.u.bf16.f32 v5;
	v5 =	vunpack.i.l.bf16.f32 v5;
	v12 =	vld [tilespmem:s4+$0x50];
	v9 =	vmul.bf16 v9, v9  }
0x553: {  	v10 =	vadd.bf16 v15, v10;
	v15 =	vmul.bf16 v19, v19;
	v19 =	vld [tilespmem:s5+$0x70];
	v17 =	vadd.bf16 v18, v17  }
0x554: {  	v5 =	vadd.f32 v5, v39;
	v14 =	vmul.bf16 v14, v14;
	v18 =	vld [tilespmem:s5+$0x40];
	v9 =	vadd.bf16 v9, v24  }
0x555: {  	v45 =	vunpack.i.u.bf16.f32 v7;
	v11 =	vsub.bf16 v11, v48;
	v13 =	vadd.bf16 v17, v13;
	v17 =	vld [tilespmem:s5+$0x50]  }
0x556: {  	s12 =	simm.s32 $0x2;
	v56 =	vld [tilespmem:s4+$0xA0];
	v7 =	vunpack.i.l.bf16.f32 v7;
	v6 =	vadd.bf16 v10, v6;
	v14 =	vadd.bf16 v15, v14  }
0x557: {  	v57 =	vld [tilespmem:s5+$0xA0];
	v7 =	vadd.f32 v7, v45;
	v15 =	vadd.s32 s12, v0;
	v11 =	vmul.bf16 v11, v11  }
0x558: {  	v10 =	vld [tilespmem:s5+$0x80];
	v9 =	vadd.bf16 v9, v14;
	v14 =	vunpack.i.u.bf16.f32 v6;
	v6 =	vunpack.i.l.bf16.f32 v6  }
0x559: {  	v58 =	vld [tilespmem:s5+$0xB0];
	v49 =	vunpack.i.u.bf16.f32 v13;
	v19 =	vsub.bf16 v51, v19;
	v14 =	vadd.f32 v6, v14  }
0x55a: {  	v60 =	vld [tilespmem:s4+$0xFFFFFF00];
	v13 =	vunpack.i.l.bf16.f32 v13;
	v18 =	vsub.bf16 v46, v18;
	v12 =	vsub.bf16 v12, v17  }
0x55b: {  	[tilespmem:v47+s0+$0x0] =	vst.idx.msk $0xffff, v5;
	v13 =	vadd.f32 v13, v49;
	v5 =	vunpack.i.u.bf16.f32 v9;
	v19 =	vmul.bf16 v19, v19;
	v17 =	vld [tilespmem:s5+$0x90]  }
0x55c: {  	s29 =	simm.s32 $0x4;
	v9 =	vunpack.i.l.bf16.f32 v9;
	v18 =	vmul.bf16 v18, v18;
	v6 =	vmul.bf16 v12, v12;
	v12 =	vld [tilespmem:s4+$0xB0]  }
0x55d: {  	v59 =	vadd.s32 s29, v0;
	s25 =	simm.s32 $0xA120;
	[tilespmem:v53+s0+$0x0] =	vst.idx.msk $0xffff, v7;
	v5 =	vadd.f32 v9, v5;
	v9 =	vsub.bf16 v52, v10  }
0x55e: {  	s12 =	simm.s32 $0x5120;
	v7 =	vld [tilespmem:s25+$0xC0];
	[tilespmem:v15+s0+$0x0] =	vst.idx.msk $0xffff, v13;
	v10 =	vadd.bf16 v19, v11;
	v18 =	vadd.bf16 v6, v18  }
0x55f: {  	s31 =	simm.s32 $0x5;
	v13 =	vmul.bf16 v8, v8;
	v15 =	vmul.bf16 v16, v16;
	v16 =	vsub.bf16 v56, v57;
	v8 =	vld [tilespmem:s12+$0xD0]  }
0x560: {  	[tilespmem:v55+s0+$0x0] =	vst.idx.msk $0xffff, v14;
	v6 =	vld [tilespmem:s12+$0xC0];
	v11 =	vsub.bf16 v54, v17;
	v17 =	vadd.s32 s31, v0;
	v14 =	vadd.bf16 v10, v18  }
0x561: {  	v61 =	vsub.bf16 v60, v3;
	v18 =	vmul.bf16 v9, v9;
	v9 =	vld [tilespmem:s25+$0xD0];
	v12 =	vsub.bf16 v12, v58  }
0x562: {  	[tilespmem:v59+s0+$0x0] =	vst.idx.msk $0xffff, v5;
	v16 =	vmul.bf16 v16, v16;
	v10 =	vld [tilespmem:s12+$0xE0];
	v3 =	vunpack.i.u.bf16.f32 v14;
	v5 =	vunpack.i.l.bf16.f32 v14  }
0x563: {  	v19 =	vmul.bf16 v11, v11;
	v11 =	vld [tilespmem:s25+$0xE0];
	v62 =	vadd.f32 v5, v3;
	v63 =	vmul.bf16 v12, v12  }
0x564: {  	v3 =	vmul.bf16 v4, v4;
	v5 =	vadd.bf16 v15, v13;
	v12 =	vld [tilespmem:s12+$0xF0];
	v15 =	vmul.bf16 v61, v61  }
0x565: {  	s28 =	simm.s32 $0x8;
	s5 =	simm.s32 $0x10;
	s4 =	simm.s32 $0x0;
	v14 =	vadd.bf16 v19, v18;
	v13 =	vld [tilespmem:s25+$0xF0];
	[tilespmem:v17+s0+$0x0] =	vst.idx.msk $0xffff, v62;
	v16 =	vadd.bf16 v63, v16  }
.LBB2_13:
0x566: {  	p0 =	slt.u32 s5, $0x48;
	v4 =	vld [tilespmem:s25+$0xFFFFFF00];
	v3 =	vadd.bf16 v3, v15;
	v15 =	vadd.s32 s4, v0  }
0x567: {  	s6 =	sadd.s32 $0x6, s4;
	s4 =	smov.u32 s28;
	s28 =	smov.u32 s5;
	v17 =	vld [tilespmem:s12+$0xFFFFFF10];
	v15 =	vand.u32 $0xFF8, v15;
	v14 =	vadd.bf16 v16, v14  }
0x568: {  	v16 =	vld [tilespmem:s25+$0xFFFFFF10];
	v3 =	vadd.bf16 v5, v3;
	v5 =	vor.u32 v1, v15;
	v15 =	vadd.s32 s6, v0  }
0x569: {  	v6 =	vsub.bf16 v6, v7;
	v7 =	vsub.bf16 v8, v9;
	v18 =	vld [tilespmem:s12+$0xFFFFFF20];
	v8 =	vunpack.i.u.bf16.f32 v14  }
0x56a: {  	v10 =	vsub.bf16 v10, v11;
	v9 =	vld [tilespmem:s25+$0xFFFFFF20];
	v11 =	vsub.bf16 v12, v13;
	v12 =	vunpack.i.u.bf16.f32 v3  }
0x56b: {  	v6 =	vmul.bf16 v6, v6;
	v7 =	vmul.bf16 v7, v7;
	v3 =	vunpack.i.l.bf16.f32 v3;
	v13 =	vld [tilespmem:s12+$0xFFFFFF30]  }
0x56c: {  	v14 =	vunpack.i.l.bf16.f32 v14;
	v10 =	vmul.bf16 v10, v10;
	v19 =	vld [tilespmem:s25+$0xFFFFFF30];
	v11 =	vmul.bf16 v11, v11  }
0x56d: {  	v12 =	vadd.f32 v3, v12;
	v16 =	vsub.bf16 v17, v16;
	v17 =	vld [tilespmem:s12+$0xFFFFFF40]  }
0x56e: {  	v6 =	vadd.bf16 v7, v6;
	v20 =	vld [tilespmem:s25+$0xFFFFFF40];
	v7 =	vadd.bf16 v11, v10  }
0x56f: {  	s6 =	sadd.s32 $0x7, s4;
	v8 =	vadd.f32 v14, v8;
	v3 =	vmul.bf16 v16, v16;
	v9 =	vsub.bf16 v18, v9;
	v10 =	vld [tilespmem:s12+$0xFFFFFF50]  }
0x570: {  	v11 =	vld [tilespmem:s25+$0xFFFFFF50];
	v6 =	vadd.bf16 v7, v6;
	v7 =	vadd.s32 s6, v0;
	[tilespmem:v5+s0+$0x0] =	vst.idx.msk $0xffff, v12  }
0x571: {  	v5 =	vmul.bf16 v9, v9;
	v9 =	vsub.bf16 v13, v19;
	v12 =	vld [tilespmem:s12+$0xFFFFFF60];
	[tilespmem:v15+s0+$0x0] =	vst.idx.msk $0xffff, v8  }
0x572: {  	v8 =	vld [tilespmem:s25+$0xFFFFFF60];
	v13 =	vunpack.i.u.bf16.f32 v6;
	v6 =	vunpack.i.l.bf16.f32 v6  }
0x573: {  	v9 =	vmul.bf16 v9, v9;
	v14 =	vsub.bf16 v17, v20;
	v15 =	vld [tilespmem:s12+$0xFFFFFF70];
	v6 =	vadd.f32 v6, v13  }
0x574: {  	v13 =	vld [tilespmem:s25+$0xFFFFFF70]  }
0x575: {  	v14 =	vmul.bf16 v14, v14;
	v10 =	vsub.bf16 v10, v11;
	v11 =	vld [tilespmem:s12+$0xFFFFFF80];
	[tilespmem:v7+s0+$0x0] =	vst.idx.msk $0xffff, v6  }
0x576: {  	v5 =	vadd.bf16 v9, v5;
	v6 =	vld [tilespmem:s25+$0xFFFFFF80]  }
0x577: {  	v7 =	vmul.bf16 v10, v10;
	v8 =	vsub.bf16 v12, v8;
	v9 =	vld [tilespmem:s12+$0xFFFFFF90]  }
0x578: {  	v10 =	vld [tilespmem:s25+$0xFFFFFF90]  }
0x579: {  	v8 =	vmul.bf16 v8, v8;
	v12 =	vsub.bf16 v15, v13;
	v7 =	vadd.bf16 v7, v14;
	v13 =	vld [tilespmem:s12+$0xFFFFFFA0]  }
0x57a: {  	v14 =	vld [tilespmem:s25+$0xFFFFFFA0]  }
0x57b: {  	v12 =	vmul.bf16 v12, v12;
	v6 =	vsub.bf16 v11, v6;
	v11 =	vld [tilespmem:s12+$0xFFFFFFB0]  }
0x57c: {  	v15 =	vld [tilespmem:s25+$0xFFFFFFB0]  }
0x57d: {  	v8 =	vadd.bf16 v12, v8;
	v6 =	vmul.bf16 v6, v6;
	v9 =	vsub.bf16 v9, v10;
	v10 =	vld [tilespmem:s12+$0xFFFFFFC0]  }
0x57e: {  	v12 =	vld [tilespmem:s25+$0xFFFFFFC0]  }
0x57f: {  	s6 =	sadd.s32 $0x1, s4;
	v7 =	vadd.bf16 v8, v7;
	v8 =	vmul.bf16 v9, v9;
	v9 =	vsub.bf16 v13, v14;
	v13 =	vld [tilespmem:s12+$0xFFFFFFD0]  }
0x580: {  	v14 =	vadd.s32 s6, v0;
	v16 =	vld [tilespmem:s25+$0xFFFFFFD0]  }
0x581: {  	v9 =	vmul.bf16 v9, v9;
	v11 =	vsub.bf16 v11, v15;
	v6 =	vadd.bf16 v8, v6;
	v8 =	vld [tilespmem:s12+$0xFFFFFFE0]  }
0x582: {  	v15 =	vunpack.i.u.bf16.f32 v7;
	v7 =	vunpack.i.l.bf16.f32 v7;
	v17 =	vld [tilespmem:s25+$0xFFFFFFE0]  }
0x583: {  	v7 =	vadd.f32 v7, v15;
	v11 =	vmul.bf16 v11, v11;
	v10 =	vsub.bf16 v10, v12;
	v12 =	vld [tilespmem:s12+$0xFFFFFFF0]  }
0x584: {  	v15 =	vld [tilespmem:s25+$0xFFFFFFF0]  }
0x585: {  	v9 =	vadd.bf16 v11, v9;
	v10 =	vmul.bf16 v10, v10;
	v11 =	vsub.bf16 v13, v16;
	v13 =	vld [tilespmem:s12+$0x0]  }
0x586: {  	[tilespmem:v14+s0+$0x0] =	vst.idx.msk $0xffff, v7;
	v7 =	vld [tilespmem:s25+$0x0]  }
0x587: {  	s6 =	sadd.s32 $0x2, s4;
	v6 =	vadd.bf16 v9, v6;
	v9 =	vmul.bf16 v11, v11;
	v8 =	vsub.bf16 v8, v17;
	v11 =	vld [tilespmem:s12+$0x10]  }
0x588: {  	v14 =	vadd.s32 s6, v0;
	v16 =	vld [tilespmem:s25+$0x10]  }
0x589: {  	v8 =	vmul.bf16 v8, v8;
	v12 =	vsub.bf16 v12, v15;
	v9 =	vadd.bf16 v9, v10;
	v10 =	vld [tilespmem:s12+$0x20]  }
0x58a: {  	v15 =	vunpack.i.u.bf16.f32 v6;
	v6 =	vunpack.i.l.bf16.f32 v6;
	v17 =	vld [tilespmem:s25+$0x20]  }
0x58b: {  	v6 =	vadd.f32 v6, v15;
	v12 =	vmul.bf16 v12, v12;
	v7 =	vsub.bf16 v13, v7;
	v13 =	vld [tilespmem:s12+$0x30]  }
0x58c: {  	v15 =	vld [tilespmem:s25+$0x30]  }
0x58d: {  	v8 =	vadd.bf16 v12, v8;
	v7 =	vmul.bf16 v7, v7;
	v11 =	vsub.bf16 v11, v16;
	v12 =	vld [tilespmem:s12+$0x40]  }
0x58e: {  	[tilespmem:v14+s0+$0x0] =	vst.idx.msk $0xffff, v6;
	v6 =	vld [tilespmem:s25+$0x40]  }
0x58f: {  	s6 =	sadd.s32 $0x3, s4;
	v8 =	vadd.bf16 v8, v9;
	v9 =	vmul.bf16 v11, v11;
	v10 =	vsub.bf16 v10, v17;
	v11 =	vld [tilespmem:s12+$0x50]  }
0x590: {  	v14 =	vadd.s32 s6, v0;
	v16 =	vld [tilespmem:s25+$0x50]  }
0x591: {  	v10 =	vmul.bf16 v10, v10;
	v13 =	vsub.bf16 v13, v15;
	v7 =	vadd.bf16 v9, v7;
	v9 =	vld [tilespmem:s12+$0x60]  }
0x592: {  	v15 =	vunpack.i.u.bf16.f32 v8;
	v8 =	vunpack.i.l.bf16.f32 v8;
	v17 =	vld [tilespmem:s25+$0x60]  }
0x593: {  	v8 =	vadd.f32 v8, v15;
	v13 =	vmul.bf16 v13, v13;
	v6 =	vsub.bf16 v12, v6;
	v12 =	vld [tilespmem:s12+$0x70]  }
0x594: {  	v15 =	vld [tilespmem:s25+$0x70]  }
0x595: {  	v10 =	vadd.bf16 v13, v10;
	v6 =	vmul.bf16 v6, v6;
	v11 =	vsub.bf16 v11, v16;
	v13 =	vld [tilespmem:s12+$0x80]  }
0x596: {  	[tilespmem:v14+s0+$0x0] =	vst.idx.msk $0xffff, v8;
	v8 =	vld [tilespmem:s25+$0x80]  }
0x597: {  	s6 =	sadd.s32 $0x4, s4;
	v7 =	vadd.bf16 v10, v7;
	v10 =	vmul.bf16 v11, v11;
	v9 =	vsub.bf16 v9, v17;
	v11 =	vld [tilespmem:s12+$0x90]  }
0x598: {  	v14 =	vadd.s32 s6, v0;
	v16 =	vld [tilespmem:s25+$0x90]  }
0x599: {  	v9 =	vmul.bf16 v9, v9;
	v12 =	vsub.bf16 v12, v15;
	v10 =	vadd.bf16 v10, v6;
	v15 =	vld [tilespmem:s12+$0xA0]  }
0x59a: {  	v6 =	vunpack.i.u.bf16.f32 v7;
	v7 =	vunpack.i.l.bf16.f32 v7;
	v17 =	vld [tilespmem:s25+$0xA0]  }
0x59b: {  	v7 =	vadd.f32 v7, v6;
	v6 =	vmul.bf16 v12, v12;
	v8 =	vsub.bf16 v13, v8;
	v12 =	vld [tilespmem:s12+$0xB0]  }
0x59c: {  	v13 =	vld [tilespmem:s25+$0xB0]  }
0x59d: {  	v18 =	vld [tilespmem:s12+$0xFFFFFF00];
	v9 =	vadd.bf16 v6, v9;
	v19 =	vmul.bf16 v8, v8;
	v8 =	vsub.bf16 v11, v16;
	s12 =	sadd.s32 $0x200, s12  }
0x59e: {  	s25 =	sadd.s32 $0x200, s25;
	v6 =	vld [tilespmem:s12+$0xC0];
	[tilespmem:v14+s0+$0x0] =	vst.idx.msk $0xffff, v7  }
0x59f: {  	s6 =	sadd.s32 $0x5, s4;
	v7 =	vld [tilespmem:s25+$0xC0];
	v11 =	vadd.bf16 v9, v10;
	v10 =	vmul.bf16 v8, v8;
	v14 =	vsub.bf16 v15, v17  }
0x5a0: {  	v16 =	vadd.s32 s6, v0;
	v8 =	vld [tilespmem:s12+$0xD0]  }
.Ltmp6:
0x5a1: {  	v9 =	vld [tilespmem:s25+$0xD0];
	v17 =	vmul.bf16 v14, v14;
	v12 =	vsub.bf16 v12, v13;
	v14 =	vadd.bf16 v10, v19;
	(pc) =	sbr.rel @p0 .LBB2_13-.Ltmp6, $4  }
0x5a2: {  	v13 =	vunpack.i.u.bf16.f32 v11;
	v15 =	vunpack.i.l.bf16.f32 v11;
	v10 =	vld [tilespmem:s12+$0xE0];
	v4 =	vsub.bf16 v18, v4  }
0x5a3: {  	v18 =	vadd.f32 v15, v13;
	v11 =	vld [tilespmem:s25+$0xE0];
	v19 =	vmul.bf16 v12, v12  }
0x5a4: {  	v12 =	vld [tilespmem:s12+$0xF0];
	v15 =	vmul.bf16 v4, v4  }
0x5a5: {  	s5 =	sadd.s32 $0x8, s5;
	v13 =	vld [tilespmem:s25+$0xF0];
	[tilespmem:v16+s0+$0x0] =	vst.idx.msk $0xffff, v18;
	v16 =	vadd.bf16 v19, v17  }
0x5a6: {  	v17 =	vld [tilespmem:s12+$0xFFFFFF10]  }
0x5a7: {  	v18 =	vld [tilespmem:s25+$0xFFFFFF10]  }
0x5a8: {  	v19 =	vld [tilespmem:s12+$0xFFFFFF20]  }
0x5a9: {  	v20 =	vld [tilespmem:s25+$0xFFFFFF20]  }
0x5aa: {  	v21 =	vld [tilespmem:s12+$0xFFFFFF30]  }
0x5ab: {  	v22 =	vld [tilespmem:s25+$0xFFFFFF30]  }
0x5ac: {  	v23 =	vld [tilespmem:s12+$0xFFFFFF40]  }
0x5ad: {  	v24 =	vld [tilespmem:s25+$0xFFFFFF40]  }
0x5ae: {  	v25 =	vld [tilespmem:s12+$0xFFFFFF50]  }
0x5af: {  	v26 =	vld [tilespmem:s25+$0xFFFFFF50]  }
0x5b0: {  	v27 =	vld [tilespmem:s12+$0xFFFFFF60]  }
0x5b1: {  	v28 =	vld [tilespmem:s25+$0xFFFFFF60]  }
0x5b2: {  	v29 =	vld [tilespmem:s12+$0xFFFFFF70]  }
0x5b3: {  	v30 =	vld [tilespmem:s25+$0xFFFFFF70]  }
0x5b4: {  	v31 =	vld [tilespmem:s12+$0xFFFFFF80]  }
0x5b5: {  	v32 =	vld [tilespmem:s25+$0xFFFFFF80]  }
0x5b6: {  	v33 =	vld [tilespmem:s12+$0xFFFFFF90]  }
0x5b7: {  	v34 =	vld [tilespmem:s25+$0xFFFFFF90]  }
0x5b8: {  	v35 =	vld [tilespmem:s12+$0xFFFFFFA0]  }
0x5b9: {  	v36 =	vld [tilespmem:s25+$0xFFFFFFA0]  }
0x5ba: {  	v37 =	vld [tilespmem:s12+$0xFFFFFFB0]  }
0x5bb: {  	v54 =	vld [tilespmem:s25+$0xFFFFFFB0]  }
0x5bc: {  	v38 =	vld [tilespmem:s12+$0xFFFFFFC0]  }
0x5bd: {  	v6 =	vsub.bf16 v6, v7;
	v7 =	vsub.bf16 v8, v9;
	v8 =	vld [tilespmem:s12+$0xFFFFFFD0]  }
0x5be: {  	v56 =	vld [tilespmem:s12+$0xFFFFFFE0]  }
0x5bf: {  	v3 =	vadd.bf16 v3, v15;
	v39 =	vld [tilespmem:s25+$0xFFFFFFE0]  }
0x5c0: {  	v57 =	vld [tilespmem:s12+$0xFFFFFFF0];
	v14 =	vadd.bf16 v16, v14  }
0x5c1: {  	v63 =	vld [tilespmem:s25+$0x10];
	v3 =	vadd.bf16 v5, v3;
	v10 =	vsub.bf16 v10, v11  }
0x5c2: {  	v42 =	vld [tilespmem:s25+$0x20];
	v6 =	vmul.bf16 v6, v6;
	v7 =	vmul.bf16 v7, v7;
	v40 =	vunpack.i.u.bf16.f32 v14  }
0x5c3: {  	v44 =	vld [tilespmem:s12+$0x30];
	v14 =	vunpack.i.l.bf16.f32 v14;
	v11 =	vsub.bf16 v12, v13;
	v55 =	vunpack.i.u.bf16.f32 v3  }
0x5c4: {  	v46 =	vld [tilespmem:s25+$0x30];
	v3 =	vunpack.i.l.bf16.f32 v3;
	v6 =	vadd.bf16 v7, v6;
	v14 =	vadd.f32 v14, v40  }
0x5c5: {  	v48 =	vld [tilespmem:s12+$0x40];
	v17 =	vsub.bf16 v17, v18;
	v3 =	vadd.f32 v3, v55  }
0x5c6: {  	v9 =	vadd.s32 s4, v0;
	v50 =	vld [tilespmem:s25+$0x40];
	v58 =	vsub.bf16 v23, v24;
	v59 =	vsub.bf16 v25, v26  }
0x5c7: {  	v52 =	vld [tilespmem:s12+$0x50];
	v9 =	vand.u32 $0xFF8, v9;
	v61 =	vsub.bf16 v27, v28;
	v62 =	vsub.bf16 v29, v30  }
0x5c8: {  	v5 =	vld [tilespmem:s25+$0xFFFFFFC0];
	v9 =	vor.u32 v1, v9;
	v43 =	vsub.bf16 v31, v32;
	v45 =	vsub.bf16 v33, v34  }
0x5c9: {  	s29 =	sadd.s32 $0x7, s28;
	v53 =	vld [tilespmem:s25+$0x50];
	v10 =	vmul.bf16 v10, v10;
	v47 =	vsub.bf16 v35, v36;
	v15 =	vsub.bf16 v37, v54  }
0x5ca: {  	v12 =	vld [tilespmem:s25+$0xFFFFFFD0];
	v33 =	vadd.s32 s29, v0;
	v11 =	vmul.bf16 v11, v11;
	v40 =	vmul.bf16 v61, v61  }
0x5cb: {  	v18 =	vld [tilespmem:s12+$0x0];
	v16 =	vsub.bf16 v56, v39;
	v41 =	vmul.bf16 v62, v62;
	v17 =	vmul.bf16 v17, v17  }
0x5cc: {  	v23 =	vld [tilespmem:s12+$0x10];
	v36 =	vsub.bf16 v44, v46;
	v49 =	vmul.bf16 v45, v45;
	v51 =	vmul.bf16 v47, v47  }
0x5cd: {  	v28 =	vld [tilespmem:s12+$0x20];
	v15 =	vmul.bf16 v15, v15;
	v5 =	vsub.bf16 v38, v5;
	v7 =	vadd.bf16 v11, v10  }
0x5ce: {  	s6 =	sadd.s32 $0x6, s4;
	v55 =	vld [tilespmem:s12+$0x60];
	v39 =	vmul.bf16 v36, v36;
	v11 =	vsub.bf16 v19, v20;
	v24 =	vadd.bf16 v41, v40  }
0x5cf: {  	s5 =	sadd.s32 $0x2, s28;
	v56 =	vld [tilespmem:s25+$0x60];
	v20 =	vadd.s32 s6, v0;
	s6 =	sadd.s32 $0x3, s28;
	v15 =	vadd.bf16 v15, v51;
	v8 =	vsub.bf16 v8, v12  }
0x5d0: {  	v35 =	vld [tilespmem:s25+$0x80];
	v5 =	vmul.bf16 v5, v5;
	v41 =	vadd.s32 s5, v0;
	v44 =	vadd.s32 s6, v0  }
0x5d1: {  	v10 =	vld [tilespmem:s25+$0xFFFFFFF0];
	v6 =	vadd.bf16 v7, v6;
	v7 =	vsub.bf16 v21, v22;
	v21 =	vmul.bf16 v58, v58  }
0x5d2: {  	v19 =	vld [tilespmem:s25+$0x0];
	v22 =	vmul.bf16 v59, v59;
	v11 =	vmul.bf16 v11, v11;
	v63 =	vsub.bf16 v23, v63  }
0x5d3: {  	v61 =	vld [tilespmem:s12+$0x80];
	v58 =	vmul.bf16 v16, v16;
	v26 =	vsub.bf16 v28, v42;
	v42 =	vsub.bf16 v48, v50  }
0x5d4: {  	v4 =	vld [tilespmem:s25+$0xFFFFFF00];
	v12 =	vsub.bf16 v55, v56;
	v8 =	vmul.bf16 v8, v8;
	v60 =	vunpack.i.u.bf16.f32 v6  }
0x5d5: {  	v48 =	vld [tilespmem:s12+$0xFFFFFF00];
	v6 =	vunpack.i.l.bf16.f32 v6;
	v21 =	vadd.bf16 v22, v21;
	v22 =	vsub.bf16 v52, v53  }
0x5d6: {  	s29 =	sadd.s32 $0x5, s28;
	v7 =	vmul.bf16 v7, v7;
	v6 =	vadd.f32 v6, v60;
	v10 =	vsub.bf16 v57, v10  }
0x5d7: {  	s31 =	sadd.s32 $0x1, s28;
	v40 =	vld [tilespmem:s12+$0xA0];
	v56 =	vadd.s32 s29, v0;
	v5 =	vadd.bf16 v8, v5;
	v8 =	vsub.bf16 v18, v19  }
0x5d8: {  	v59 =	vld [tilespmem:s25+$0x70];
	v60 =	vadd.s32 s31, v0;
	v18 =	vsub.bf16 v61, v35;
	v7 =	vadd.bf16 v7, v11  }
0x5d9: {  	v57 =	vld [tilespmem:s12+$0x70];
	v11 =	vmul.bf16 v43, v43;
	v21 =	vadd.bf16 v24, v21;
	v22 =	vmul.bf16 v22, v22  }
0x5da: {  	v43 =	vld [tilespmem:s25+$0xA0];
	v10 =	vmul.bf16 v10, v10;
	v8 =	vmul.bf16 v8, v8;
	v4 =	vsub.bf16 v48, v4  }
0x5db: {  	[tilespmem:v9+s0+$0x0] =	vst.idx.msk $0xffff, v3;
	v11 =	vadd.bf16 v49, v11;
	v54 =	vunpack.i.u.bf16.f32 v21;
	v21 =	vunpack.i.l.bf16.f32 v21  }
0x5dc: {  	v38 =	vld [tilespmem:s25+$0x90];
	v9 =	vmul.bf16 v18, v18;
	v21 =	vadd.f32 v21, v54;
	v10 =	vadd.bf16 v10, v58  }
0x5dd: {  	v45 =	vld [tilespmem:s12+$0xB0];
	v4 =	vmul.bf16 v4, v4;
	v11 =	vadd.bf16 v15, v11;
	v15 =	vmul.bf16 v63, v63  }
0x5de: {  	v49 =	vld [tilespmem:s25+$0xB0];
	s25 =	sadd.s32 $0x4, s28;
	v47 =	vsub.bf16 v57, v59;
	v5 =	vadd.bf16 v10, v5;
	v10 =	vmul.bf16 v26, v26  }
0x5df: {  	v37 =	vld [tilespmem:s12+$0x90];
	v51 =	vadd.s32 s25, v0;
	v53 =	vsub.bf16 v40, v43;
	v4 =	vadd.bf16 v17, v4  }
0x5e0: {  	v62 =	vunpack.i.u.bf16.f32 v11;
	v8 =	vadd.bf16 v15, v8;
	v10 =	vadd.bf16 v39, v10  }
0x5e1: {  	v11 =	vunpack.i.l.bf16.f32 v11;
	v15 =	vmul.bf16 v42, v42;
	v50 =	vmul.bf16 v47, v47  }
0x5e2: {  	v11 =	vadd.f32 v11, v62;
	v46 =	vunpack.i.u.bf16.f32 v5;
	v8 =	vadd.bf16 v10, v8  }
0x5e3: {  	v5 =	vunpack.i.l.bf16.f32 v5;
	v54 =	vsub.bf16 v45, v49;
	v10 =	vmul.bf16 v12, v12  }
0x5e4: {  	v52 =	vunpack.i.u.bf16.f32 v8;
	v3 =	vunpack.i.l.bf16.f32 v8;
	v8 =	vsub.bf16 v37, v38  }
0x5e5: {  	v15 =	vadd.bf16 v22, v15;
	v12 =	vmul.bf16 v53, v53;
	v10 =	vadd.bf16 v50, v10  }
0x5e6: {  	v4 =	vadd.bf16 v7, v4;
	v55 =	vmul.bf16 v54, v54;
	v8 =	vmul.bf16 v8, v8  }
0x5e7: {  	[tilespmem:v20+s0+$0x0] =	vst.idx.msk $0xffff, v14;
	v57 =	vadd.s32 s28, v0;
	v5 =	vadd.f32 v5, v46;
	v10 =	vadd.bf16 v10, v15  }
0x5e8: {  	[tilespmem:v33+s0+$0x0] =	vst.idx.msk $0xffff, v6;
	v6 =	vadd.bf16 v8, v9;
	v8 =	vadd.bf16 v55, v12;
	v9 =	vand.u32 $0xFF8, v57  }
0x5e9: {  	s31 =	sadd.s32 $0x6, s28;
	[tilespmem:v60+s0+$0x0] =	vst.idx.msk $0xffff, v21;
	v3 =	vadd.f32 v3, v52;
	v58 =	vunpack.i.u.bf16.f32 v10;
	v7 =	vor.u32 v1, v9  }
0x5ea: {  	[tilespmem:v41+s0+$0x0] =	vst.idx.msk $0xffff, v11;
	v9 =	vunpack.i.l.bf16.f32 v10;
	v6 =	vadd.bf16 v8, v6;
	v8 =	vadd.s32 s31, v0  }
0x5eb: {  	[tilespmem:v44+s0+$0x0] =	vst.idx.msk $0xffff, v5;
	v5 =	vadd.f32 v9, v58;
	v9 =	vunpack.i.u.bf16.f32 v4;
	v4 =	vunpack.i.l.bf16.f32 v4  }
0x5ec: {  	[tilespmem:v51+s0+$0x0] =	vst.idx.msk $0xffff, v3;
	v4 =	vadd.f32 v4, v9;
	v3 =	vunpack.i.u.bf16.f32 v6;
	v6 =	vunpack.i.l.bf16.f32 v6  }
0x5ed: {  	[tilespmem:v56+s0+$0x0] =	vst.idx.msk $0xffff, v5;
	v3 =	vadd.f32 v6, v3  }
0x5ee: {  	[tilespmem:v7+s0+$0x0] =	vst.idx.msk $0xffff, v4  }
0x5ef: {  	[tilespmem:v8+s0+$0x0] =	vst.idx.msk $0xffff, v3  }
0x5f0: {  	v3 =	vld [tilespmem:$0x11530]  }
0x5f1: {  	v4 =	vld [tilespmem:$0x11581]  }
0x5f2: {  	v5 =	vld [tilespmem:$0x115D2]  }
0x5f3: {  	v6 =	vld [tilespmem:$0x11623]  }
0x5f4: {  	v7 =	vld [tilespmem:$0x11674]  }
0x5f5: {  	v8 =	vld [tilespmem:$0x116C5]  }
0x5f6: {  	v9 =	vld [tilespmem:$0x11716]  }
0x5f7: {  	v10 =	vld [tilespmem:$0x11767]  }
0x5f8: {  	v11 =	vld [tilespmem:$0x117B8]  }
0x5f9: {  	v12 =	vld [tilespmem:$0x11809]  }
0x5fa: {  	v13 =	vld [tilespmem:$0x1185A]  }
0x5fb: {  	v14 =	vld [tilespmem:$0x118AB]  }
0x5fc: {  	v15 =	vld [tilespmem:$0x118FC]  }
0x5fd: {  	v59 =	vld [tilespmem:$0x1194D]  }
0x5fe: {  	v17 =	vld [tilespmem:$0x1199E]  }
0x5ff: {  	v60 =	vld [tilespmem:$0x119EF]  }
0x600: {  	v19 =	vld [tilespmem:$0x11540]  }
0x601: {  	v20 =	vld [tilespmem:$0x11591]  }
0x602: {  	v21 =	vld [tilespmem:$0x115E2]  }
0x603: {  	v61 =	vld [tilespmem:$0x11633]  }
0x604: {  	v23 =	vld [tilespmem:$0x11684]  }
0x605: {  	v62 =	vld [tilespmem:$0x116D5]  }
0x606: {  	v25 =	vld [tilespmem:$0x11726]  }
0x607: {  	v63 =	vld [tilespmem:$0x11777]  }
0x608: {  	v27 =	vld [tilespmem:$0x117C8]  }
0x609: {  	v28 =	vld [tilespmem:$0x11819]  }
0x60a: {  	v29 =	vld [tilespmem:$0x1186A]  }
0x60b: {  	v30 =	vld [tilespmem:$0x118BB]  }
0x60c: {  	v31 =	vld [tilespmem:$0x1190C]  }
0x60d: {  	v32 =	vld [tilespmem:$0x1195D]  }
0x60e: {  	v33 =	vld [tilespmem:$0x119AE]  }
0x60f: {  	v34 =	vld [tilespmem:$0x119FF]  }
0x610: {  	v35 =	vld [tilespmem:$0x11550]  }
0x611: {  	v56 =	vld [tilespmem:$0x115A1]  }
0x612: {  	v37 =	vld [tilespmem:$0x115F2]  }
0x613: {  	v57 =	vld [tilespmem:$0x11643]  }
0x614: {  	v39 =	vld [tilespmem:$0x11694]  }
0x615: {  	v58 =	vld [tilespmem:$0x116E5]  }
0x616: {  	v41 =	vld [tilespmem:$0x11736]  }
0x617: {  	v42 =	vld [tilespmem:$0x11787]  }
0x618: {  	v43 =	vld [tilespmem:$0x117D8]  }
0x619: {  	v44 =	vld [tilespmem:$0x11829]  }
0x61a: {  	v45 =	vld [tilespmem:$0x1187A]  }
0x61b: {  	v46 =	vld [tilespmem:$0x118CB]  }
0x61c: {  	v47 =	vld [tilespmem:$0x1191C]  }
0x61d: {  	v48 =	vld [tilespmem:$0x1196D]  }
0x61e: {  	v49 =	vld [tilespmem:$0x119BE]  }
0x61f: {  	v50 =	vld [tilespmem:$0x11A0F]  }
0x620: {  	v51 =	vld [tilespmem:$0x11560]  }
0x621: {  	v52 =	vld [tilespmem:$0x115B1]  }
0x622: {  	v53 =	vld [tilespmem:$0x11602]  }
0x623: {  	v18 =	vld [tilespmem:$0x1192C]  }
0x624: {  	v24 =	vld [tilespmem:$0x119CE];
	v3 =	vadd.f32 v4, v3  }
0x625: {  	v16 =	vld [tilespmem:$0x11A1F];
	v4 =	vadd.f32 v6, v5;
	v6 =	vadd.f32 v8, v7  }
0x626: {  	v38 =	vld [tilespmem:$0x116B4];
	v7 =	vadd.f32 v10, v9;
	v9 =	vadd.f32 v12, v11  }
0x627: {  	v40 =	vld [tilespmem:$0x11705];
	v10 =	vadd.f32 v14, v13;
	v59 =	vadd.f32 v59, v15  }
0x628: {  	v5 =	vld [tilespmem:$0x11653];
	v60 =	vadd.f32 v60, v17;
	v61 =	vadd.f32 v61, v21  }
0x629: {  	v8 =	vld [tilespmem:$0x116A4];
	v62 =	vadd.f32 v62, v23;
	v63 =	vadd.f32 v63, v25  }
0x62a: {  	v11 =	vld [tilespmem:$0x116F5];
	v28 =	vadd.f32 v28, v27;
	v30 =	vadd.f32 v30, v29  }
0x62b: {  	v14 =	vld [tilespmem:$0x11746];
	v32 =	vadd.f32 v32, v31;
	v34 =	vadd.f32 v34, v33  }
0x62c: {  	v12 =	vld [tilespmem:$0x11839];
	v56 =	vadd.f32 v56, v35;
	v57 =	vadd.f32 v57, v37  }
0x62d: {  	v15 =	vld [tilespmem:$0x118DB];
	v58 =	vadd.f32 v58, v39;
	v36 =	vadd.f32 v48, v47  }
0x62e: {  	v21 =	vld [tilespmem:$0x1197D];
	v37 =	vadd.f32 v50, v49;
	v52 =	vadd.f32 v52, v51  }
0x62f: {  	v25 =	vld [tilespmem:$0x115C1];
	v3 =	vadd.f32 v4, v3;
	v4 =	vadd.f32 v7, v6  }
0x630: {  	v48 =	vld [tilespmem:$0x117F8];
	v7 =	vadd.f32 v10, v9;
	v9 =	vadd.f32 v60, v59  }
0x631: {  	v50 =	vld [tilespmem:$0x1189A];
	v13 =	vadd.f32 v63, v62;
	v54 =	vadd.f32 v30, v28  }
0x632: {  	v6 =	vld [tilespmem:$0x11797];
	v55 =	vadd.f32 v34, v32;
	v59 =	vadd.f32 v42, v41  }
0x633: {  	v10 =	vld [tilespmem:$0x117E8];
	v62 =	vadd.f32 v46, v45;
	v22 =	vadd.f32 v57, v56  }
0x634: {  	v60 =	vld [tilespmem:$0x11612];
	v42 =	vadd.f32 v37, v36;
	v57 =	vadd.f32 v16, v24  }
0x635: {  	v63 =	vld [tilespmem:$0x11663];
	v3 =	vadd.f32 v4, v3;
	v4 =	vadd.f32 v9, v7  }
0x636: {  	v45 =	vld [tilespmem:$0x117A7];
	v9 =	vadd.f32 v20, v19;
	v39 =	vadd.f32 v59, v58  }
0x637: {  	v7 =	vld [tilespmem:$0x1188A];
	v5 =	vadd.f32 v5, v53;
	v8 =	vadd.f32 v11, v8  }
0x638: {  	v20 =	vld [tilespmem:$0x11570];
	v56 =	vadd.f32 v21, v18;
	v9 =	vadd.f32 v61, v9  }
0x639: {  	v58 =	vld [tilespmem:$0x119DE];
	v61 =	vadd.f32 v44, v43;
	v44 =	vadd.f32 v55, v54  }
0x63a: {  	v11 =	vld [tilespmem:$0x1193C];
	v46 =	vadd.f32 v39, v22;
	v3 =	vadd.f32 v4, v3  }
0x63b: {  	v43 =	vld [tilespmem:$0x11756];
	v6 =	vadd.f32 v6, v14;
	v10 =	vadd.f32 v12, v10  }
0x63c: {  	v4 =	vld [tilespmem:$0x11849];
	v5 =	vadd.f32 v5, v52;
	v60 =	vadd.f32 v63, v60  }
0x63d: {  	v54 =	vld [tilespmem:$0x118EB];
	v41 =	vadd.f32 v62, v61;
	v9 =	vadd.f32 v13, v9  }
0x63e: {  	v55 =	vld [tilespmem:$0x1198D];
	v61 =	vadd.f32 v40, v38;
	v7 =	vadd.f32 v15, v7  }
0x63f: {  	v6 =	vadd.f32 v6, v8;
	v8 =	vld [tilespmem:$0x11A2F];
	v59 =	vadd.f32 v25, v20  }
0x640: {  	v47 =	vadd.f32 v42, v41;
	v9 =	vadd.f32 v44, v9  }
0x641: {  	v7 =	vadd.f32 v7, v10;
	v10 =	vadd.f32 v57, v56  }
0x642: {  	v17 =	vadd.f32 v45, v43;
	v4 =	vadd.f32 v4, v48  }
0x643: {  	v19 =	vadd.f32 v54, v50;
	v11 =	vadd.f32 v55, v11  }
0x644: {  	v62 =	vadd.f32 v60, v59;
	v8 =	vadd.f32 v8, v58  }
0x645: {  	v5 =	vadd.f32 v6, v5;
	v63 =	vadd.f32 v17, v61  }
0x646: {  	v4 =	vadd.f32 v19, v4;
	v8 =	vadd.f32 v8, v11  }
0x647: {  	v49 =	vadd.f32 v47, v46;
	v6 =	vadd.f32 v10, v7  }
0x648: {  	[tilespmem:$0x114E0] =	vst v3;
	v3 =	vadd.f32 v63, v62;
	v4 =	vadd.f32 v8, v4  }
0x649: {  	[tilespmem:$0x114F0] =	vst v9;
	v5 =	vadd.f32 v6, v5  }
0x64a: {  	[tilespmem:$0x11500] =	vst v49;
	v3 =	vadd.f32 v4, v3  }
0x64b: {  	[tilespmem:$0x11510] =	vst v5  }
0x64c: {  	s5 =	simm.s32 $0xEE40;
	[tilespmem:$0x11520] =	vst v3  }
0x64d: {  	v3 =	vld [tilespmem:s5+$0xFFFFFFF0]  }
0x64e: {  	v4 =	vld [tilespmem:s5+$0x0]  }
0x64f: {  	v5 =	vld [tilespmem:s5+$0xFFFFFFE0]  }
0x650: {  	v6 =	vld [tilespmem:s5+$0x10]  }
0x651: {  	s4 =	simm.s32 $0xEE80  }
0x652: {  	v7 =	vld [tilespmem:s4+$0xFFFFFFF0];
	v3 =	vmul.f32 v3, v2  }
0x653: {  	v8 =	vld [tilespmem:s4+$0x0];
	v4 =	vmul.f32 v4, v2  }
0x654: {  	v5 =	vmul.f32 v5, v2;
	v3 =	vmul.f32 $1.442695020e+00, v3  }
0x655: {  	v6 =	vmul.f32 v6, v2;
	v4 =	vmul.f32 $1.442695020e+00, v4  }
0x656: {  	v9 =	vld [tilespmem:s4+$0xFFFFFFE0];
	v5 =	vmul.f32 $1.442695020e+00, v5;
	(erf) = vpow2.f32 v3  }
0x657: {  	v3 =	vld [tilespmem:s4+$0x10];
	(erf) = vpow2.f32 v4;
	v4 =	vmul.f32 v7, v2  }
0x658: {  	s12 =	simm.s32 $0xEEC0;
	v8 =	vmul.f32 v8, v2;
	v6 =	vmul.f32 $1.442695020e+00, v6  }
0x659: {  	v7 =	vld [tilespmem:s12+$0xFFFFFFF0];
	(erf) = vpow2.f32 v5;
	v4 =	vmul.f32 $1.442695020e+00, v4  }
0x65a: {  	v8 =	vmul.f32 $1.442695020e+00, v8;
	(erf) = vpow2.f32 v6  }
0x65b: {  	v5 =	vld [tilespmem:s12+$0x0];
	v6 =	vmul.f32 v9, v2;
	(erf) = vpow2.f32 v4  }
0x65c: {  	v9 =	vmul.f32 v3, v2;
	(erf) = vpow2.f32 v8  }
0x65d: {  	v3 =	vld [tilespmem:s12+$0xFFFFFFE0];
	v6 =	vmul.f32 $1.442695020e+00, v6  }
0x65e: {  	s25 =	simm.s32 $0x8;
	s28 =	simm.s32 $0xEF00;
	v4 =	vld [tilespmem:s12+$0x10];
	v7 =	vmul.f32 v7, v2;
	v8 =	vmul.f32 $1.442695020e+00, v9  }
.LBB2_15:
0x65f: {  	s25 =	sadd.s32 $0x4, s25  }
0x660: {  	v9 =	vld [tilespmem:s28+$0xFFFFFFF0];
	v10 =	vmul.f32 v5, v2;
	(erf) = vpow2.f32 v6;
	v6 =	vpop (erf);
	s6 =	smov.u32 s12;
	s12 =	smov.u32 s28;
	p0 =	slt.u32 s25, $0x26C  }
.Ltmp7:
0x661: {  	v5 =	vld [tilespmem:s28+$0x0];
	v12 =	vmul.f32 $1.442695020e+00, v7;
	(erf) = vpow2.f32 v8;
	[tilespmem:s5+$0xFFFFFFF0] =	vst v6;
	v6 =	vpop (erf);
	(pc) =	sbr.rel @p0 .LBB2_15-.Ltmp7, $4  }
0x662: {  	v8 =	vmul.f32 v3, v2;
	v3 =	vld [tilespmem:s28+$0xFFFFFFE0];
	v13 =	vmul.f32 $1.442695020e+00, v10;
	[tilespmem:s5+$0x0] =	vst v6  }
0x663: {  	v11 =	vmul.f32 v4, v2;
	v4 =	vld [tilespmem:s28+$0x10];
	(erf) = vpow2.f32 v12;
	v7 =	vpop (erf)  }
0x664: {  	v6 =	vmul.f32 $1.442695020e+00, v8;
	(erf) = vpow2.f32 v13;
	[tilespmem:s5+$0xFFFFFFE0] =	vst v7;
	v10 =	vpop (erf)  }
0x665: {  	s28 =	sadd.s32 $0x40, s28;
	v8 =	vmul.f32 $1.442695020e+00, v11;
	v7 =	vmul.f32 v9, v2;
	[tilespmem:s5+$0x10] =	vst v10;
	s5 =	smov.u32 s4;
	s4 =	smov.u32 s6  }
0x666: {  	v5 =	vmul.f32 v5, v2;
	(erf) = vpow2.f32 v6  }
0x667: {  	v60 =	vmul.f32 $1.442695020e+00, v7;
	v3 =	vmul.f32 v3, v2  }
0x668: {  	(erf) = vpow2.f32 v8;
	v5 =	vmul.f32 $1.442695020e+00, v5  }
0x669: {  	v4 =	vmul.f32 v4, v2;
	v3 =	vmul.f32 $1.442695020e+00, v3  }
0x66a: {  	(erf) = vpow2.f32 v60  }
0x66b: {  	v61 =	vpop (erf);
	(erf) = vpow2.f32 v5;
	v4 =	vmul.f32 $1.442695020e+00, v4  }
0x66c: {  	[tilespmem:s5+$0xFFFFFFF0] =	vst v61;
	v62 =	vpop (erf);
	(erf) = vpow2.f32 v3  }
0x66d: {  	[tilespmem:s5+$0x0] =	vst v62;
	v3 =	vpop (erf);
	(erf) = vpow2.f32 v4  }
0x66e: {  	v63 =	vpop (erf);
	[tilespmem:s5+$0xFFFFFFE0] =	vst v3  }
0x66f: {  	v3 =	vpop (erf);
	[tilespmem:s5+$0x10] =	vst v63  }
0x670: {  	[tilespmem:s4+$0xFFFFFFF0] =	vst v3;
	v3 =	vpop (erf)  }
0x671: {  	[tilespmem:s4+$0x0] =	vst v3;
	v3 =	vpop (erf)  }
0x672: {  	[tilespmem:s4+$0xFFFFFFE0] =	vst v3;
	v3 =	vpop (erf)  }
0x673: {  	[tilespmem:s4+$0x10] =	vst v3;
	v3 =	vpop (erf)  }
0x674: {  	[tilespmem:s12+$0xFFFFFFF0] =	vst v3;
	v3 =	vpop (erf)  }
0x675: {  	[tilespmem:s12+$0x0] =	vst v3;
	v3 =	vpop (erf)  }
0x676: {  	[tilespmem:s12+$0xFFFFFFE0] =	vst v3;
	v3 =	vpop (erf)  }
0x677: {  	[tilespmem:s12+$0x10] =	vst v3  }
0x678: {  	v3 =	vld [tilespmem:$0x11520];
	_ =	sdelay $0x4  }
0x679: {  	v2 =	vmul.f32 v3, v2;
	_ =	sdelay $0x1  }
0x67a: {  	v2 =	vmul.f32 $1.442695020e+00, v2;
	_ =	sdelay $0x1  }
0x67b: {  	(erf) = vpow2.f32 v2;
	_ =	sdelay $0x7  }
0x67c: {  	s26 =	sadd.s32 $0x1, s26  }
0x67d: {  	p0 =	sne.s32 s26, s10;
	v2 =	vpop (erf)  }
.Ltmp8:
0x67e: {  	s31 =	simm.s32 $0xEE20;
	[tilespmem:$0x11520] =	vst v2;
	(pc) =	sbr.rel @p0 .LBB2_1-.Ltmp8, $4  }
0x67f: {  	[hbm4b:s9+s3] =	stream.linear.scatter [tilespmem:s31], [sflag:$0x9], $0x2710, $0x38;
	[tilespmem:$0x1B690] =	vst v63  }
0x680: {  	_ =	swait.ge [sflag:s14], $0x2710  }
0x681: {  	[sflag:s14] =	ssyncset.done $0x0  }
0x682: {  	[sflag:s14] =	ssyncadd.s32 $0xFFFFD8F0  }
0x683: {  	_ =	sfence.sel $0x180000  }
0x684: {  	[bflag:$0x0] =	sbarrier.arrive $0xFFFF  }
0x685: {  	_ =	strace $0x90000047  }
0x686: {  	s0 =	stileid.u32;
	[bflag:$0x2] =	sbarrier.arrive $0xFFFF  }
0x687: {  	p0 =	sne.s32 s0, $0x0;
	s0 =	rddreg [dreg:$0x3]  }
0x688: {  	s0 =	sadd.s32 @!p0 $0x100000, s0  }
0x689: {  	[sflag:s0] =	ssyncadd.tile.s32 @!p0 $0x1;
	_ =	shalt  }
.Lfunc_end2:
_tile_overlayer_lowered:
.L_overlay_start_2:
0x68a: {  	(tag) =	ssettag $0x2  }
0x68b: {  	s0 =	rddreg [dreg:$0x0];
	s2 =	stileid.u32  }
0x68c: {  	s1 =	rddreg [dreg:$0x1];
	p0 =	sne.s32 s2, $0x0  }
0x68d: {  	s3 =	rddreg [dreg:$0x2];
	[bflag:$0x3] =	sbarrier.arrive $0xFFFF;
	s2 =	simm.s32 @!p0 $0x1C09  }
0x68e: {  	[timem:s3], [sflag:s2] =	dma.local @!p0 [hbm:s0], s1  }
0x68f: {  	s0 =	simm.s32 @!p0 $0x9  }
0x690: {  	_ =	swait.ge @!p0 [sflag:s0], s1  }
0x691: {  	s1 =	ssub.s32 @!p0 $0x0, s1;
	[sflag:s0] =	ssyncset.done @!p0 $0x0  }
0x692: {  	[sflag:s0] =	ssyncadd.s32 @!p0 s1  }
0x693: {  	[bflag:$0x3] =	sbarrier.arrive $0xFFFF  }
0x694: {  	_ =	shalt  }

</sc_bundles>
